<compile_context>
chip_gen: v7x
topology: tpu7x:2x2x1
jax: 0.10.2.dev20260603
libtpu: 0.0.44.dev20260713+nightly
codegen_flags: <defaults>
</compile_context>

<pallas_src>
import functools

import jax
import jax.numpy as jnp
from jax import lax
from jax.experimental import pallas as pl
from jax.experimental.pallas import tpu as pltpu
from jax.experimental.pallas import tpu_sc as plsc

_NSUB = 16
_L = 16


def _sc_stage(props_pad, gt_boxes, table, n_rows, n_gt):
    per = props_pad.shape[0] // _NSUB
    chunks = per // _L
    tw = table.shape[1]

    def body(props_hbm, gt_hbm, table_hbm, rows_out, gtind_out,
             prop_v, gt_v, pmax_v, pidx_v, shared_max, shared_idx,
             allmax_v, allidx_v, gtind_v, rows_v, sem):
        sid = lax.axis_index("s")
        base = sid * per
        pltpu.sync_copy(props_hbm.at[pl.ds(base, per)], prop_v)
        pltpu.sync_copy(gt_hbm, gt_v)
        iota = lax.iota(jnp.int32, _L)
        col = [jnp.full((_L,), c, jnp.int32) for c in range(4)]

        gvals = []
        for cc in range((n_gt + _L - 1) // _L):
            rows = cc * _L + iota
            msk = rows < n_gt
            cy = plsc.load_gather(gt_v, [rows, col[0]], mask=msk)
            cx = plsc.load_gather(gt_v, [rows, col[1]], mask=msk)
            hh = plsc.load_gather(gt_v, [rows, col[2]], mask=msk)
            ww = plsc.load_gather(gt_v, [rows, col[3]], mask=msk)
            gy1 = cy - hh * 0.5
            gx1 = cx - ww * 0.5
            gy2 = cy + hh * 0.5
            gx2 = cx + ww * 0.5
            gab = (gy2 - gy1) * (gx2 - gx1)
            gvals.append((gy1, gx1, gy2, gx2, gab))

        pm = [jnp.zeros((_L,), jnp.float32) for _ in range(2)]
        pi = [jnp.zeros((_L,), jnp.int32) for _ in range(2)]
        neg_inf = jnp.float32(-jnp.inf)
        for j in range(n_gt):
            cc, l = divmod(j, _L)
            lane = iota == l

            def bc(v):
                return jnp.full((_L,), jnp.max(jnp.where(lane, v, neg_inf)),
                                jnp.float32)

            gy1b, gx1b, gy2b, gx2b, gabb = [bc(v) for v in gvals[cc]]

            def loop(c, carry):
                m, mi = carry
                rows = c * _L + iota
                py1 = plsc.load_gather(prop_v, [rows, col[0]])
                px1 = plsc.load_gather(prop_v, [rows, col[1]])
                py2 = plsc.load_gather(prop_v, [rows, col[2]])
                px2 = plsc.load_gather(prop_v, [rows, col[3]])
                aa = (py2 - py1) * (px2 - px1)
                iy1 = jnp.maximum(py1, gy1b)
                ix1 = jnp.maximum(px1, gx1b)
                iy2 = jnp.minimum(py2, gy2b)
                ix2 = jnp.minimum(px2, gx2b)
                ih = jnp.maximum(iy2 - iy1, 0.0)
                iw = jnp.maximum(ix2 - ix1, 0.0)
                inter = ih * iw
                iou = inter / (aa + gabb - inter)
                upd = iou > m
                gidx = base + rows
                return jnp.where(upd, iou, m), jnp.where(upd, gidx, mi)

            m, mi = lax.fori_loop(
                0, chunks, loop,
                (jnp.full((_L,), -1.0, jnp.float32),
                 jnp.zeros((_L,), jnp.int32)))
            mm = jnp.max(m)
            cand = jnp.where(m == mm, mi, jnp.int32(2**30))
            bi = jnp.min(cand)
            pm[cc] = jnp.where(lane, mm, pm[cc])
            pi[cc] = jnp.where(lane, bi, pi[cc])

        pmax_v[0, :] = pm[0]
        pmax_v[1, :] = pm[1]
        pidx_v[0, :] = pi[0]
        pidx_v[1, :] = pi[1]
        pltpu.sync_copy(pmax_v, shared_max.at[sid])
        pltpu.sync_copy(pidx_v, shared_idx.at[sid])
        plsc.subcore_barrier()

        @pl.when(sid == 0)
        def _():
            pltpu.sync_copy(shared_max, allmax_v)
            pltpu.sync_copy(shared_idx, allidx_v)
            for cc in range(2):
                cm = jnp.full((_L,), -2.0, jnp.float32)
                ci = jnp.zeros((_L,), jnp.int32)
                for w in range(_NSUB):
                    vm = allmax_v[w, cc, :]
                    vi = allidx_v[w, cc, :]
                    better = (vm > cm) | ((vm == cm) & (vi < ci))
                    cm = jnp.where(better, vm, cm)
                    ci = jnp.where(better, vi, ci)
                gtind_v[pl.ds(cc * _L, _L)] = ci
            pltpu.async_copy(table_hbm.at[gtind_v], rows_v, sem).wait()
            pltpu.sync_copy(rows_v, rows_out)
            pltpu.sync_copy(gtind_v, gtind_out)

    mesh = plsc.VectorSubcoreMesh(core_axis_name="c", subcore_axis_name="s",
                                  num_cores=1, num_subcores=_NSUB)
    f = pl.kernel(
        body, mesh=mesh,
        compiler_params=pltpu.CompilerParams(needs_layout_passes=False,
                                             use_tc_tiling_on_sc=False),
        out_type=(jax.ShapeDtypeStruct((2 * _L, tw), jnp.float32),
                  jax.ShapeDtypeStruct((2 * _L,), jnp.int32)),
        scratch_types=[
            pltpu.VMEM((per, 4), jnp.float32),
            pltpu.VMEM((n_gt, 4), jnp.float32),
            pltpu.VMEM((2, _L), jnp.float32),
            pltpu.VMEM((2, _L), jnp.int32),
            pltpu.VMEM_SHARED((_NSUB, 2, _L), jnp.float32),
            pltpu.VMEM_SHARED((_NSUB, 2, _L), jnp.int32),
            pltpu.VMEM((_NSUB, 2, _L), jnp.float32),
            pltpu.VMEM((_NSUB, 2, _L), jnp.int32),
            pltpu.VMEM((2 * _L,), jnp.int32),
            pltpu.VMEM((2 * _L, tw), jnp.float32),
            pltpu.SemaphoreType.DMA,
        ])
    return f(props_pad, gt_boxes, table)


def _tc_body(rows_ref, gtT_ref, gtind_ref, labels_ref, out_ref, *, n_gt, n_cls):
    rows = rows_ref[...]
    gtT = gtT_ref[...]
    gi = gtind_ref[...]
    lab = labels_ref[...]
    M, C = n_gt, n_cls

    p_y1 = rows[:, 25:26]
    p_x1 = rows[:, 26:27]
    p_y2 = rows[:, 27:28]
    p_x2 = rows[:, 28:29]
    r_cy = (p_y1 + p_y2) * 0.5
    r_cx = (p_x1 + p_x2) * 0.5
    r_h = p_y2 - p_y1
    r_w = p_x2 - p_x1
    gcy = gtT[0:1, :]
    gcx = gtT[1:2, :]
    gh = gtT[2:3, :]
    gw = gtT[3:4, :]
    gy1 = gcy - gh * 0.5
    gx1 = gcx - gw * 0.5
    gy2 = gcy + gh * 0.5
    gx2 = gcx + gw * 0.5
    area_b = (gy2 - gy1) * (gx2 - gx1)
    area_a = (p_y2 - p_y1) * (p_x2 - p_x1)
    iy1 = jnp.maximum(p_y1, gy1)
    ix1 = jnp.maximum(p_x1, gx1)
    iy2 = jnp.minimum(p_y2, gy2)
    ix2 = jnp.minimum(p_x2, gx2)
    ih = jnp.maximum(iy2 - iy1, 0.0)
    iw = jnp.maximum(ix2 - ix1, 0.0)
    inter = ih * iw
    iou = inter / (area_a + area_b - inter)

    iotaC = lax.broadcasted_iota(jnp.int32, (M, M), 1)
    iotaR = lax.broadcasted_iota(jnp.int32, (M, M), 0)
    mrow = jnp.max(iou, axis=1, keepdims=True)
    g = jnp.min(jnp.where(iou == mrow, iotaC, jnp.int32(2**30)),
                axis=1, keepdims=True)
    onehot = (iotaC == g).astype(jnp.float32)
    tcy = jnp.sum(onehot * gcy, axis=1, keepdims=True)
    tcx = jnp.sum(onehot * gcx, axis=1, keepdims=True)
    th = jnp.sum(onehot * gh, axis=1, keepdims=True)
    tw = jnp.sum(onehot * gw, axis=1, keepdims=True)
    ty = (tcy - r_cy) / r_h
    tx = (tcx - r_cx) / r_w
    tlh = jnp.log(th / r_h)
    tlw = jnp.log(tw / r_w)
    labsel = jnp.sum(onehot * lab, axis=1, keepdims=True)

    ident = (iotaR == iotaC).astype(jnp.float32)
    A = jnp.broadcast_to(gi, (M, M))
    gcol = jnp.sum(A * ident, axis=1, keepdims=True)
    dup = (A == gcol) & (iotaC < iotaR)
    isf = jnp.sum(dup.astype(jnp.float32), axis=1, keepdims=True) == 0.0
    cnt = jnp.sum(isf.astype(jnp.float32))

    rb_y = rows[:, 0:1]
    rb_x = rows[:, 1:2]
    rb_h = rows[:, 2:3]
    rb_w = rows[:, 3:4]
    lx = jnp.sum(jnp.where(isf, jnp.abs(rb_x - tx), 0.0)) / cnt
    ly = jnp.sum(jnp.where(isf, jnp.abs(rb_y - ty), 0.0)) / cnt
    lh = jnp.sum(jnp.where(isf, jnp.abs(rb_h - tlh), 0.0)) / cnt
    lw = jnp.sum(jnp.where(isf, jnp.abs(rb_w - tlw), 0.0)) / cnt

    rc = rows[:, 4:4 + C]
    rmax = jnp.max(rc, axis=1, keepdims=True)
    lse = jnp.log(jnp.sum(jnp.exp(rc - rmax), axis=1, keepdims=True)) + rmax
    iotaCls = lax.broadcasted_iota(jnp.int32, (M, C), 1).astype(jnp.float32)
    picked = jnp.sum(jnp.where(iotaCls == labsel, rc, 0.0),
                     axis=1, keepdims=True)
    lc = jnp.sum(jnp.where(isf, lse - picked, 0.0)) / cnt

    il = lax.broadcasted_iota(jnp.int32, (1, 128), 1)
    acc = jnp.where(il == 0, lx, 0.0)
    acc = jnp.where(il == 1, ly, acc)
    acc = jnp.where(il == 2, lh, acc)
    acc = jnp.where(il == 3, lw, acc)
    acc = jnp.where(il == 4, lc, acc)
    out_ref[...] = acc


def _tc_stage(rows, gtT, gtind_f, labels_f, n_gt, n_cls, interpret=False):
    return pl.pallas_call(
        functools.partial(_tc_body, n_gt=n_gt, n_cls=n_cls),
        out_shape=jax.ShapeDtypeStruct((1, 128), jnp.float32),
        interpret=interpret,
    )(rows, gtT, gtind_f, labels_f)


def kernel(proposal_rois, rcnn_boxes, rcnn_class, gt_boxes, gt_labels):
    N = proposal_rois.shape[0]
    M = gt_boxes.shape[0]
    C = rcnn_class.shape[-1]
    per = -(-N // (_NSUB * _L)) * _L
    props_pad = jnp.pad(proposal_rois, ((0, _NSUB * per - N), (0, 0)))
    table = jnp.concatenate(
        [rcnn_boxes[0], rcnn_class[0], proposal_rois,
         jnp.zeros((N, 32 - 8 - C), jnp.float32)], axis=1)
    rows, gtind = _sc_stage(props_pad, gt_boxes, table, N, M)
    gtT = gt_boxes.T
    gtind_f = gtind[:M].astype(jnp.float32).reshape(1, M)
    labels_f = gt_labels[:M].astype(jnp.float32).reshape(1, M)
    out = _tc_stage(rows[:M], gtT, gtind_f, labels_f, M, C)
    return tuple(out[0, k].reshape(()) for k in range(5))

# --- scband reference (transcript-rebuilt; emitter-appended) ---
"""Pipeline reference for scband-faster-rcnn-loss-81922206204094 (READ-ONLY COPY).

The authoritative reference and input builder live on the scoring server;
editing this copy changes nothing except your own understanding.
"""

import jax, jax.numpy as jnp
import numpy as np

N_SAMPLE = 128
POS_RATIO = 0.25


def corners_to_cxcy(b):
    cy = (b[:, 0] + b[:, 2]) / 2.0
    cx = (b[:, 1] + b[:, 3]) / 2.0
    h = b[:, 2] - b[:, 0]
    w = b[:, 3] - b[:, 1]
    return jnp.stack([cy, cx, h, w], axis=1)


def cxcy_to_corners(b):
    y1 = b[:, 0] - b[:, 2] / 2.0
    x1 = b[:, 1] - b[:, 3] / 2.0
    y2 = b[:, 0] + b[:, 2] / 2.0
    x2 = b[:, 1] + b[:, 3] / 2.0
    return jnp.stack([y1, x1, y2, x2], axis=1)


def iou_area(a, b):
    # a: [N,4] corners (y1,x1,y2,x2), b: [M,4] corners -> [N,M] IoU
    area_a = (a[:, 2] - a[:, 0]) * (a[:, 3] - a[:, 1])
    area_b = (b[:, 2] - b[:, 0]) * (b[:, 3] - b[:, 1])
    iy1 = jnp.maximum(a[:, None, 0], b[None, :, 0])
    ix1 = jnp.maximum(a[:, None, 1], b[None, :, 1])
    iy2 = jnp.minimum(a[:, None, 2], b[None, :, 2])
    ix2 = jnp.minimum(a[:, None, 3], b[None, :, 3])
    ih = jnp.maximum(iy2 - iy1, 0.0)
    iw = jnp.maximum(ix2 - ix1, 0.0)
    inter = ih * iw
    return inter / (area_a[:, None] + area_b[None, :] - inter)


def calculate_offsets(targets, rois):
    # targets, rois in (cy, cx, h, w)
    tx = (targets[:, 1] - rois[:, 1]) / rois[:, 3]
    ty = (targets[:, 0] - rois[:, 0]) / rois[:, 2]
    th = jnp.log(targets[:, 2] / rois[:, 2])
    tw = jnp.log(targets[:, 3] / rois[:, 3])
    return jnp.stack([ty, tx, th, tw], axis=1)


def setup_inputs(seed: int = 0):
    key = jax.random.key(seed)
    ks = jax.random.split(key, 11)
    N = 20000
    M = 20
    C = 21
    y1 = jax.random.uniform(ks[0], (N,), minval=0.0, maxval=300.0)
    x1 = jax.random.uniform(ks[1], (N,), minval=0.0, maxval=300.0)
    h = jax.random.uniform(ks[2], (N,), minval=20.0, maxval=200.0)
    w = jax.random.uniform(ks[3], (N,), minval=20.0, maxval=200.0)
    proposal_rois = jnp.stack([y1, x1, y1 + h, x1 + w], axis=1)
    rcnn_boxes = jax.random.normal(ks[4], (1, N, 4)) * 0.1
    rcnn_class = jax.random.normal(ks[5], (1, N, C))
    cy = jax.random.uniform(ks[6], (M,), minval=50.0, maxval=450.0)
    cx = jax.random.uniform(ks[7], (M,), minval=50.0, maxval=450.0)
    gh = jax.random.uniform(ks[8], (M,), minval=20.0, maxval=200.0)
    gw = jax.random.uniform(ks[10], (M,), minval=20.0, maxval=200.0)
    gt_boxes = jnp.stack([cy, cx, gh, gw], axis=1)
    gt_labels = jax.random.randint(ks[9], (M,), 0, C)
    return {"proposal_rois": proposal_rois, "rcnn_boxes": rcnn_boxes, "rcnn_class": rcnn_class, "gt_boxes": gt_boxes, "gt_labels": gt_labels}


def reference(proposal_rois, rcnn_boxes, rcnn_class, gt_boxes, gt_labels):
    corner_rois = proposal_rois
    centre_rois = corners_to_cxcy(proposal_rois)
    corner_gts = cxcy_to_corners(gt_boxes)
    ious = iou_area(corner_rois, corner_gts)  # [N, M]
    gt_ind = jnp.argmax(ious, axis=0)  # [M] best roi per gt
    anchor_gt_ind = jnp.argmax(ious, axis=1)  # [N] best gt per roi
    labels = jnp.full((proposal_rois.shape[0],), -1.0, dtype=jnp.float32)
    # NOTE: the original torch try-blocks reference undefined attributes
    # (self.neg_thres_h / self.neg_thres_l / self.pos_thres) and always raise
    # AttributeError swallowed by `except: pass`, so threshold-based label
    # assignments never execute. Only labels[gt_ind] = 1 takes effect.
    labels = labels.at[gt_ind].set(1.0)
    # Subsampling branches: n_pos = 0.25*128 = 32 >= n_pos_actual (<=20) and
    # n_neg_actual == 0, so no randperm subsampling ever triggers.
    roi_targets_all = gt_boxes[anchor_gt_ind]
    roi_targets_all = calculate_offsets(roi_targets_all, centre_rois)
    roi_labels_all = gt_labels[anchor_gt_ind]
    pos_mask = labels == 1.0
    pos_count = jnp.sum(pos_mask.astype(jnp.float32))
    rb = rcnn_boxes[0]
    rc = rcnn_class[0]
    abs_x = jnp.abs(rb[:, 1] - roi_targets_all[:, 1])
    abs_y = jnp.abs(rb[:, 0] - roi_targets_all[:, 0])
    abs_h = jnp.abs(rb[:, 2] - roi_targets_all[:, 2])
    abs_w = jnp.abs(rb[:, 3] - roi_targets_all[:, 3])
    loss_x = jnp.sum(jnp.where(pos_mask, abs_x, 0.0)) / pos_count
    loss_y = jnp.sum(jnp.where(pos_mask, abs_y, 0.0)) / pos_count
    loss_h = jnp.sum(jnp.where(pos_mask, abs_h, 0.0)) / pos_count
    loss_w = jnp.sum(jnp.where(pos_mask, abs_w, 0.0)) / pos_count
    lse = jax.nn.logsumexp(rc, axis=1)
    picked = jnp.take_along_axis(rc, roi_labels_all[:, None], axis=1)[:, 0]
    loss_class = jnp.sum(jnp.where(pos_mask, lse - picked, 0.0)) / pos_count
    return (loss_x, loss_y, loss_h, loss_w, loss_class)

if __name__ == "__main__":
    import jax
    _d = setup_inputs()
    print(jax.jit(kernel)(*tuple(_d.values())))

</pallas_src>

<mosaic_0001>
#map = affine_map<(d0, d1) -> (0, 0)>
#map1 = affine_map<(d0, d1) -> (0)>
module attributes {stable_mosaic.version = 14 : i64} {
  func.func @body(%arg0: i32, %arg1: i32, %arg2: memref<20224x4xf32, #tpu.memory_space<hbm>>, %arg3: memref<20x4xf32, #tpu.memory_space<hbm>>, %arg4: memref<20000x32xf32, #tpu.memory_space<hbm>>, %arg5: memref<32x32xf32, #tpu.memory_space<hbm>>, %arg6: memref<32xi32, #tpu.memory_space<hbm>>, %arg7: memref<1264x4xf32, #tpu.memory_space<vmem>>, %arg8: memref<20x4xf32, #tpu.memory_space<vmem>>, %arg9: memref<2x16xf32, #tpu.memory_space<vmem>>, %arg10: memref<2x16xi32, #tpu.memory_space<vmem>>, %arg11: memref<16x2x16xf32, #tpu.memory_space<vmem_shared>>, %arg12: memref<16x2x16xi32, #tpu.memory_space<vmem_shared>>, %arg13: memref<16x2x16xf32, #tpu.memory_space<vmem>>, %arg14: memref<16x2x16xi32, #tpu.memory_space<vmem>>, %arg15: memref<32xi32, #tpu.memory_space<vmem>>, %arg16: memref<32x32xf32, #tpu.memory_space<vmem>>, %arg17: memref<!tpu.dma_semaphore, #tpu.memory_space<semaphore_mem>>) attributes {dimension_semantics = [#tpu.dimension_semantics<core_parallel>, #tpu.dimension_semantics<subcore_parallel>], iteration_bounds = array<i64: 1, 16>, scalar_prefetch = 0 : i64, scratch_operands = 11 : i64, tpu.core_type = #tpu.core_type<sc_vector_subcore>, window_params = [{transform_indices = #map}, {transform_indices = #map}, {transform_indices = #map}, {transform_indices = #map}, {transform_indices = #map1}]} {
    %mul3A = arith.constant 1264 : i32
    %mul3A_0 = arith.muli %arg1, %mul3A : i32
    "tpu.region"() ({
      %run_scoped3A = tpu.sem_alloc : memref<!tpu.dma_semaphore, #tpu.memory_space<semaphore_mem>>
      %dma_start3A = arith.constant 0 : i32
      %dma_start3A_1562 = tpu.memref_slice %arg2[%mul3A_0, %dma_start3A] : memref<20224x4xf32, #tpu.memory_space<hbm>> -> memref<1264x4xf32, #tpu.memory_space<hbm>>
      %dma_start3A_1563 = arith.constant 0 : i32
      %dma_start3A_1564 = tpu.memref_slice %arg2[%mul3A_0, %dma_start3A_1563] : memref<20224x4xf32, #tpu.memory_space<hbm>> -> memref<1264x4xf32, #tpu.memory_space<hbm>>
      tpu.enqueue_dma source(%dma_start3A_1564 : memref<1264x4xf32, #tpu.memory_space<hbm>>) target(%arg7 : memref<1264x4xf32, #tpu.memory_space<vmem>>) target_semaphore(%run_scoped3A : memref<!tpu.dma_semaphore, #tpu.memory_space<semaphore_mem>>)
      %dma_wait3A = arith.constant 0 : i32
      %dma_wait3A_1565 = tpu.memref_slice %arg2[%mul3A_0, %dma_wait3A] : memref<20224x4xf32, #tpu.memory_space<hbm>> -> memref<1264x4xf32, #tpu.memory_space<hbm>>
      %dma_wait3A_1566 = arith.constant 0 : i32
      %dma_wait3A_1567 = tpu.memref_slice %arg2[%mul3A_0, %dma_wait3A_1566] : memref<20224x4xf32, #tpu.memory_space<hbm>> -> memref<1264x4xf32, #tpu.memory_space<hbm>>
      tpu.wait_dma2 semaphore(%run_scoped3A : memref<!tpu.dma_semaphore, #tpu.memory_space<semaphore_mem>>) src(%dma_wait3A_1567 : memref<1264x4xf32, #tpu.memory_space<hbm>>) dst(%arg7 : memref<1264x4xf32, #tpu.memory_space<vmem>>)
      tpu.yield
    }) : () -> ()
    "tpu.region"() ({
      %run_scoped3A = tpu.sem_alloc : memref<!tpu.dma_semaphore, #tpu.memory_space<semaphore_mem>>
      tpu.enqueue_dma source(%arg3 : memref<20x4xf32, #tpu.memory_space<hbm>>) target(%arg8 : memref<20x4xf32, #tpu.memory_space<vmem>>) target_semaphore(%run_scoped3A : memref<!tpu.dma_semaphore, #tpu.memory_space<semaphore_mem>>)
      tpu.wait_dma2 semaphore(%run_scoped3A : memref<!tpu.dma_semaphore, #tpu.memory_space<semaphore_mem>>) src(%arg3 : memref<20x4xf32, #tpu.memory_space<hbm>>) dst(%arg8 : memref<20x4xf32, #tpu.memory_space<vmem>>)
      tpu.yield
    }) : () -> ()
    %iota3A = tpu.iota {dimensions = array<i32: 0>} : vector<16xi32>
    %broadcast_in_dim3A = arith.constant 0 : i32
    %broadcast_in_dim3A_1 = vector.broadcast %broadcast_in_dim3A : i32 to vector<16xi32>
    %broadcast_in_dim3A_2 = arith.constant 1 : i32
    %broadcast_in_dim3A_3 = vector.broadcast %broadcast_in_dim3A_2 : i32 to vector<16xi32>
    %broadcast_in_dim3A_4 = arith.constant 2 : i32
    %broadcast_in_dim3A_5 = vector.broadcast %broadcast_in_dim3A_4 : i32 to vector<16xi32>
    %broadcast_in_dim3A_6 = arith.constant 3 : i32
    %broadcast_in_dim3A_7 = vector.broadcast %broadcast_in_dim3A_6 : i32 to vector<16xi32>
    %add3A = arith.constant 0 : i32
    %add3A_8 = vector.broadcast %add3A : i32 to vector<16xi32>
    %add3A_9 = arith.addi %add3A_8, %iota3A : vector<16xi32>
    %lt3A = arith.constant 20 : i32
    %lt3A_10 = vector.broadcast %lt3A : i32 to vector<16xi32>
    %lt3A_11 = arith.cmpi slt, %add3A_9, %lt3A_10 : vector<16xi32>
    %gather3A = tpu.vector_load_idx %arg8[%add3A_9, %broadcast_in_dim3A_1] masked %lt3A_11 : memref<20x4xf32, #tpu.memory_space<vmem>>[vector<16xi32>, vector<16xi32>], vector<16xf32>, vector<16xi1>
    %gather3A_12 = tpu.vector_load_idx %arg8[%add3A_9, %broadcast_in_dim3A_3] masked %lt3A_11 : memref<20x4xf32, #tpu.memory_space<vmem>>[vector<16xi32>, vector<16xi32>], vector<16xf32>, vector<16xi1>
    %gather3A_13 = tpu.vector_load_idx %arg8[%add3A_9, %broadcast_in_dim3A_5] masked %lt3A_11 : memref<20x4xf32, #tpu.memory_space<vmem>>[vector<16xi32>, vector<16xi32>], vector<16xf32>, vector<16xi1>
    %gather3A_14 = tpu.vector_load_idx %arg8[%add3A_9, %broadcast_in_dim3A_7] masked %lt3A_11 : memref<20x4xf32, #tpu.memory_space<vmem>>[vector<16xi32>, vector<16xi32>], vector<16xf32>, vector<16xi1>
    %mul3A_15 = arith.constant 5.000000e-01 : f32
    %mul3A_16 = vector.broadcast %mul3A_15 : f32 to vector<16xf32>
    %mul3A_17 = arith.mulf %gather3A_13, %mul3A_16 : vector<16xf32>
    %sub3A = arith.subf %gather3A, %mul3A_17 : vector<16xf32>
    %mul3A_18 = arith.constant 5.000000e-01 : f32
    %mul3A_19 = vector.broadcast %mul3A_18 : f32 to vector<16xf32>
    %mul3A_20 = arith.mulf %gather3A_14, %mul3A_19 : vector<16xf32>
    %sub3A_21 = arith.subf %gather3A_12, %mul3A_20 : vector<16xf32>
    %mul3A_22 = arith.constant 5.000000e-01 : f32
    %mul3A_23 = vector.broadcast %mul3A_22 : f32 to vector<16xf32>
    %mul3A_24 = arith.mulf %gather3A_13, %mul3A_23 : vector<16xf32>
    %add3A_25 = arith.addf %gather3A, %mul3A_24 : vector<16xf32>
    %mul3A_26 = arith.constant 5.000000e-01 : f32
    %mul3A_27 = vector.broadcast %mul3A_26 : f32 to vector<16xf32>
    %mul3A_28 = arith.mulf %gather3A_14, %mul3A_27 : vector<16xf32>
    %add3A_29 = arith.addf %gather3A_12, %mul3A_28 : vector<16xf32>
    %sub3A_30 = arith.subf %add3A_25, %sub3A : vector<16xf32>
    %sub3A_31 = arith.subf %add3A_29, %sub3A_21 : vector<16xf32>
    %mul3A_32 = arith.mulf %sub3A_30, %sub3A_31 : vector<16xf32>
    %add3A_33 = arith.constant 16 : i32
    %add3A_34 = vector.broadcast %add3A_33 : i32 to vector<16xi32>
    %add3A_35 = arith.addi %add3A_34, %iota3A : vector<16xi32>
    %lt3A_36 = arith.constant 20 : i32
    %lt3A_37 = vector.broadcast %lt3A_36 : i32 to vector<16xi32>
    %lt3A_38 = arith.cmpi slt, %add3A_35, %lt3A_37 : vector<16xi32>
    %gather3A_39 = tpu.vector_load_idx %arg8[%add3A_35, %broadcast_in_dim3A_1] masked %lt3A_38 : memref<20x4xf32, #tpu.memory_space<vmem>>[vector<16xi32>, vector<16xi32>], vector<16xf32>, vector<16xi1>
    %gather3A_40 = tpu.vector_load_idx %arg8[%add3A_35, %broadcast_in_dim3A_3] masked %lt3A_38 : memref<20x4xf32, #tpu.memory_space<vmem>>[vector<16xi32>, vector<16xi32>], vector<16xf32>, vector<16xi1>
    %gather3A_41 = tpu.vector_load_idx %arg8[%add3A_35, %broadcast_in_dim3A_5] masked %lt3A_38 : memref<20x4xf32, #tpu.memory_space<vmem>>[vector<16xi32>, vector<16xi32>], vector<16xf32>, vector<16xi1>
    %gather3A_42 = tpu.vector_load_idx %arg8[%add3A_35, %broadcast_in_dim3A_7] masked %lt3A_38 : memref<20x4xf32, #tpu.memory_space<vmem>>[vector<16xi32>, vector<16xi32>], vector<16xf32>, vector<16xi1>
    %mul3A_43 = arith.constant 5.000000e-01 : f32
    %mul3A_44 = vector.broadcast %mul3A_43 : f32 to vector<16xf32>
    %mul3A_45 = arith.mulf %gather3A_41, %mul3A_44 : vector<16xf32>
    %sub3A_46 = arith.subf %gather3A_39, %mul3A_45 : vector<16xf32>
    %mul3A_47 = arith.constant 5.000000e-01 : f32
    %mul3A_48 = vector.broadcast %mul3A_47 : f32 to vector<16xf32>
    %mul3A_49 = arith.mulf %gather3A_42, %mul3A_48 : vector<16xf32>
    %sub3A_50 = arith.subf %gather3A_40, %mul3A_49 : vector<16xf32>
    %mul3A_51 = arith.constant 5.000000e-01 : f32
    %mul3A_52 = vector.broadcast %mul3A_51 : f32 to vector<16xf32>
    %mul3A_53 = arith.mulf %gather3A_41, %mul3A_52 : vector<16xf32>
    %add3A_54 = arith.addf %gather3A_39, %mul3A_53 : vector<16xf32>
    %mul3A_55 = arith.constant 5.000000e-01 : f32
    %mul3A_56 = vector.broadcast %mul3A_55 : f32 to vector<16xf32>
    %mul3A_57 = arith.mulf %gather3A_42, %mul3A_56 : vector<16xf32>
    %add3A_58 = arith.addf %gather3A_40, %mul3A_57 : vector<16xf32>
    %sub3A_59 = arith.subf %add3A_54, %sub3A_46 : vector<16xf32>
    %sub3A_60 = arith.subf %add3A_58, %sub3A_50 : vector<16xf32>
    %mul3A_61 = arith.mulf %sub3A_59, %sub3A_60 : vector<16xf32>
    %broadcast_in_dim3A_62 = arith.constant 0.000000e+00 : f32
    %broadcast_in_dim3A_63 = vector.broadcast %broadcast_in_dim3A_62 : f32 to vector<16xf32>
    %broadcast_in_dim3A_64 = arith.constant 0.000000e+00 : f32
    %broadcast_in_dim3A_65 = vector.broadcast %broadcast_in_dim3A_64 : f32 to vector<16xf32>
    %broadcast_in_dim3A_66 = arith.constant 0 : i32
    %broadcast_in_dim3A_67 = vector.broadcast %broadcast_in_dim3A_66 : i32 to vector<16xi32>
    %broadcast_in_dim3A_68 = arith.constant 0 : i32
    %broadcast_in_dim3A_69 = vector.broadcast %broadcast_in_dim3A_68 : i32 to vector<16xi32>
    %eq3A = arith.constant 0 : i32
    %eq3A_70 = vector.broadcast %eq3A : i32 to vector<16xi32>
    %eq3A_71 = arith.cmpi eq, %iota3A, %eq3A_70 : vector<16xi32>
    %jit3A = arith.constant 0xFF800000 : f32
    %broadcast_in_dim3A_72 = vector.broadcast %jit3A : f32 to vector<16xf32>
    %select_n3A = arith.select %eq3A_71, %sub3A, %broadcast_in_dim3A_72 : vector<16xi1>, vector<16xf32>
    %reduce_max3A = arith.constant true
    %reduce_max3A_73 = vector.broadcast %reduce_max3A : i1 to vector<16xi1>
    %reduce_max3A_74 = tpu.scan <max>, %select_n3A masked %reduce_max3A_73 : vector<16xf32>, vector<16xi1> -> vector<16xf32>
    %reduce_max3A_75 = vector.extract %reduce_max3A_74[15] : f32 from vector<16xf32>
    %broadcast_in_dim3A_76 = vector.broadcast %reduce_max3A_75 : f32 to vector<16xf32>
    %jit3A_77 = arith.constant 0xFF800000 : f32
    %broadcast_in_dim3A_78 = vector.broadcast %jit3A_77 : f32 to vector<16xf32>
    %select_n3A_79 = arith.select %eq3A_71, %sub3A_21, %broadcast_in_dim3A_78 : vector<16xi1>, vector<16xf32>
    %reduce_max3A_80 = arith.constant true
    %reduce_max3A_81 = vector.broadcast %reduce_max3A_80 : i1 to vector<16xi1>
    %reduce_max3A_82 = tpu.scan <max>, %select_n3A_79 masked %reduce_max3A_81 : vector<16xf32>, vector<16xi1> -> vector<16xf32>
    %reduce_max3A_83 = vector.extract %reduce_max3A_82[15] : f32 from vector<16xf32>
    %broadcast_in_dim3A_84 = vector.broadcast %reduce_max3A_83 : f32 to vector<16xf32>
    %jit3A_85 = arith.constant 0xFF800000 : f32
    %broadcast_in_dim3A_86 = vector.broadcast %jit3A_85 : f32 to vector<16xf32>
    %select_n3A_87 = arith.select %eq3A_71, %add3A_25, %broadcast_in_dim3A_86 : vector<16xi1>, vector<16xf32>
    %reduce_max3A_88 = arith.constant true
    %reduce_max3A_89 = vector.broadcast %reduce_max3A_88 : i1 to vector<16xi1>
    %reduce_max3A_90 = tpu.scan <max>, %select_n3A_87 masked %reduce_max3A_89 : vector<16xf32>, vector<16xi1> -> vector<16xf32>
    %reduce_max3A_91 = vector.extract %reduce_max3A_90[15] : f32 from vector<16xf32>
    %broadcast_in_dim3A_92 = vector.broadcast %reduce_max3A_91 : f32 to vector<16xf32>
    %jit3A_93 = arith.constant 0xFF800000 : f32
    %broadcast_in_dim3A_94 = vector.broadcast %jit3A_93 : f32 to vector<16xf32>
    %select_n3A_95 = arith.select %eq3A_71, %add3A_29, %broadcast_in_dim3A_94 : vector<16xi1>, vector<16xf32>
    %reduce_max3A_96 = arith.constant true
    %reduce_max3A_97 = vector.broadcast %reduce_max3A_96 : i1 to vector<16xi1>
    %reduce_max3A_98 = tpu.scan <max>, %select_n3A_95 masked %reduce_max3A_97 : vector<16xf32>, vector<16xi1> -> vector<16xf32>
    %reduce_max3A_99 = vector.extract %reduce_max3A_98[15] : f32 from vector<16xf32>
    %broadcast_in_dim3A_100 = vector.broadcast %reduce_max3A_99 : f32 to vector<16xf32>
    %jit3A_101 = arith.constant 0xFF800000 : f32
    %broadcast_in_dim3A_102 = vector.broadcast %jit3A_101 : f32 to vector<16xf32>
    %select_n3A_103 = arith.select %eq3A_71, %mul3A_32, %broadcast_in_dim3A_102 : vector<16xi1>, vector<16xf32>
    %reduce_max3A_104 = arith.constant true
    %reduce_max3A_105 = vector.broadcast %reduce_max3A_104 : i1 to vector<16xi1>
    %reduce_max3A_106 = tpu.scan <max>, %select_n3A_103 masked %reduce_max3A_105 : vector<16xf32>, vector<16xi1> -> vector<16xf32>
    %reduce_max3A_107 = vector.extract %reduce_max3A_106[15] : f32 from vector<16xf32>
    %broadcast_in_dim3A_108 = vector.broadcast %reduce_max3A_107 : f32 to vector<16xf32>
    %broadcast_in_dim3A_109 = arith.constant -1.000000e+00 : f32
    %broadcast_in_dim3A_110 = vector.broadcast %broadcast_in_dim3A_109 : f32 to vector<16xf32>
    %broadcast_in_dim3A_111 = arith.constant 0 : i32
    %broadcast_in_dim3A_112 = vector.broadcast %broadcast_in_dim3A_111 : i32 to vector<16xi32>
    %scan3A = arith.constant 0 : i32
    %scan3A_113 = arith.constant 79 : i32
    %scan3A_114 = arith.addi %scan3A, %scan3A_113 : i32
    %scan3A_115 = arith.constant 1 : i32
    %scan3A_116:2 = scf.for %scan3A_1562 = %scan3A to %scan3A_114 step %scan3A_115 iter_args(%scan3A_1563 = %broadcast_in_dim3A_110, %scan3A_1564 = %broadcast_in_dim3A_112) -> (vector<16xf32>, vector<16xi32>)  : i32 {
      %mul3A_1565 = arith.constant 16 : i32
      %mul3A_1566 = arith.muli %scan3A_1562, %mul3A_1565 : i32
      %add3A_1567 = vector.broadcast %mul3A_1566 : i32 to vector<16xi32>
      %add3A_1568 = arith.addi %add3A_1567, %iota3A : vector<16xi32>
      %gather3A_1569 = tpu.vector_load_idx %arg7[%add3A_1568, %broadcast_in_dim3A_1] : memref<1264x4xf32, #tpu.memory_space<vmem>>[vector<16xi32>, vector<16xi32>], vector<16xf32>,
      %gather3A_1570 = tpu.vector_load_idx %arg7[%add3A_1568, %broadcast_in_dim3A_3] : memref<1264x4xf32, #tpu.memory_space<vmem>>[vector<16xi32>, vector<16xi32>], vector<16xf32>,
      %gather3A_1571 = tpu.vector_load_idx %arg7[%add3A_1568, %broadcast_in_dim3A_5] : memref<1264x4xf32, #tpu.memory_space<vmem>>[vector<16xi32>, vector<16xi32>], vector<16xf32>,
      %gather3A_1572 = tpu.vector_load_idx %arg7[%add3A_1568, %broadcast_in_dim3A_7] : memref<1264x4xf32, #tpu.memory_space<vmem>>[vector<16xi32>, vector<16xi32>], vector<16xf32>,
      %sub3A_1573 = arith.subf %gather3A_1571, %gather3A_1569 : vector<16xf32>
      %sub3A_1574 = arith.subf %gather3A_1572, %gather3A_1570 : vector<16xf32>
      %mul3A_1575 = arith.mulf %sub3A_1573, %sub3A_1574 : vector<16xf32>
      %max3A = arith.maximumf %gather3A_1569, %broadcast_in_dim3A_76 : vector<16xf32>
      %max3A_1576 = arith.maximumf %gather3A_1570, %broadcast_in_dim3A_84 : vector<16xf32>
      %min3A = arith.minimumf %gather3A_1571, %broadcast_in_dim3A_92 : vector<16xf32>
      %min3A_1577 = arith.minimumf %gather3A_1572, %broadcast_in_dim3A_100 : vector<16xf32>
      %sub3A_1578 = arith.subf %min3A, %max3A : vector<16xf32>
      %max3A_1579 = arith.constant 0.000000e+00 : f32
      %max3A_1580 = vector.broadcast %max3A_1579 : f32 to vector<16xf32>
      %max3A_1581 = arith.maximumf %sub3A_1578, %max3A_1580 : vector<16xf32>
      %sub3A_1582 = arith.subf %min3A_1577, %max3A_1576 : vector<16xf32>
      %max3A_1583 = arith.constant 0.000000e+00 : f32
      %max3A_1584 = vector.broadcast %max3A_1583 : f32 to vector<16xf32>
      %max3A_1585 = arith.maximumf %sub3A_1582, %max3A_1584 : vector<16xf32>
      %mul3A_1586 = arith.mulf %max3A_1581, %max3A_1585 : vector<16xf32>
      %add3A_1587 = arith.addf %mul3A_1575, %broadcast_in_dim3A_108 : vector<16xf32>
      %sub3A_1588 = arith.subf %add3A_1587, %mul3A_1586 : vector<16xf32>
      %div3A = arith.divf %mul3A_1586, %sub3A_1588 : vector<16xf32>
      %gt3A = arith.cmpf ogt, %div3A, %scan3A_1563 : vector<16xf32>
      %add3A_1589 = vector.broadcast %mul3A_0 : i32 to vector<16xi32>
      %add3A_1590 = arith.addi %add3A_1589, %add3A_1568 : vector<16xi32>
      %select_n3A_1591 = arith.select %gt3A, %div3A, %scan3A_1563 : vector<16xi1>, vector<16xf32>
      %select_n3A_1592 = arith.select %gt3A, %add3A_1590, %scan3A_1564 : vector<16xi1>, vector<16xi32>
      scf.yield %select_n3A_1591, %select_n3A_1592 : vector<16xf32>, vector<16xi32>
    }
    %scan3A_117 = arith.constant 79 : i32
    %reduce_max3A_118 = arith.constant true
    %reduce_max3A_119 = vector.broadcast %reduce_max3A_118 : i1 to vector<16xi1>
    %reduce_max3A_120 = tpu.scan <max>, %scan3A_116#0 masked %reduce_max3A_119 : vector<16xf32>, vector<16xi1> -> vector<16xf32>
    %reduce_max3A_121 = vector.extract %reduce_max3A_120[15] : f32 from vector<16xf32>
    %eq3A_122 = vector.broadcast %reduce_max3A_121 : f32 to vector<16xf32>
    %eq3A_123 = arith.cmpf oeq, %scan3A_116#0, %eq3A_122 : vector<16xf32>
    %jit3A_124 = arith.constant 1073741824 : i32
    %broadcast_in_dim3A_125 = vector.broadcast %jit3A_124 : i32 to vector<16xi32>
    %select_n3A_126 = arith.select %eq3A_123, %scan3A_116#1, %broadcast_in_dim3A_125 : vector<16xi1>, vector<16xi32>
    %reduce_min3A = arith.constant true
    %reduce_min3A_127 = vector.broadcast %reduce_min3A : i1 to vector<16xi1>
    %reduce_min3A_128 = arith.constant -2147483648 : i32
    %reduce_min3A_129 = vector.broadcast %reduce_min3A_128 : i32 to vector<16xi32>
    %reduce_min3A_130 = arith.xori %select_n3A_126, %reduce_min3A_129 : vector<16xi32>
    %reduce_min3A_131 = tpu.scan <min>, %reduce_min3A_130 masked %reduce_min3A_127 : vector<16xi32>, vector<16xi1> -> vector<16xi32>
    %reduce_min3A_132 = arith.xori %reduce_min3A_131, %reduce_min3A_129 : vector<16xi32>
    %reduce_min3A_133 = vector.extract %reduce_min3A_132[15] : i32 from vector<16xi32>
    %broadcast_in_dim3A_134 = vector.broadcast %reduce_max3A_121 : f32 to vector<16xf32>
    %select_n3A_135 = arith.select %eq3A_71, %broadcast_in_dim3A_134, %broadcast_in_dim3A_63 : vector<16xi1>, vector<16xf32>
    %broadcast_in_dim3A_136 = vector.broadcast %reduce_min3A_133 : i32 to vector<16xi32>
    %select_n3A_137 = arith.select %eq3A_71, %broadcast_in_dim3A_136, %broadcast_in_dim3A_67 : vector<16xi1>, vector<16xi32>
    %eq3A_138 = arith.constant 1 : i32
    %eq3A_139 = vector.broadcast %eq3A_138 : i32 to vector<16xi32>
    %eq3A_140 = arith.cmpi eq, %iota3A, %eq3A_139 : vector<16xi32>
    %jit3A_141 = arith.constant 0xFF800000 : f32
    %broadcast_in_dim3A_142 = vector.broadcast %jit3A_141 : f32 to vector<16xf32>
    %select_n3A_143 = arith.select %eq3A_140, %sub3A, %broadcast_in_dim3A_142 : vector<16xi1>, vector<16xf32>
    %reduce_max3A_144 = arith.constant true
    %reduce_max3A_145 = vector.broadcast %reduce_max3A_144 : i1 to vector<16xi1>
    %reduce_max3A_146 = tpu.scan <max>, %select_n3A_143 masked %reduce_max3A_145 : vector<16xf32>, vector<16xi1> -> vector<16xf32>
    %reduce_max3A_147 = vector.extract %reduce_max3A_146[15] : f32 from vector<16xf32>
    %broadcast_in_dim3A_148 = vector.broadcast %reduce_max3A_147 : f32 to vector<16xf32>
    %jit3A_149 = arith.constant 0xFF800000 : f32
    %broadcast_in_dim3A_150 = vector.broadcast %jit3A_149 : f32 to vector<16xf32>
    %select_n3A_151 = arith.select %eq3A_140, %sub3A_21, %broadcast_in_dim3A_150 : vector<16xi1>, vector<16xf32>
    %reduce_max3A_152 = arith.constant true
    %reduce_max3A_153 = vector.broadcast %reduce_max3A_152 : i1 to vector<16xi1>
    %reduce_max3A_154 = tpu.scan <max>, %select_n3A_151 masked %reduce_max3A_153 : vector<16xf32>, vector<16xi1> -> vector<16xf32>
    %reduce_max3A_155 = vector.extract %reduce_max3A_154[15] : f32 from vector<16xf32>
    %broadcast_in_dim3A_156 = vector.broadcast %reduce_max3A_155 : f32 to vector<16xf32>
    %jit3A_157 = arith.constant 0xFF800000 : f32
    %broadcast_in_dim3A_158 = vector.broadcast %jit3A_157 : f32 to vector<16xf32>
    %select_n3A_159 = arith.select %eq3A_140, %add3A_25, %broadcast_in_dim3A_158 : vector<16xi1>, vector<16xf32>
    %reduce_max3A_160 = arith.constant true
    %reduce_max3A_161 = vector.broadcast %reduce_max3A_160 : i1 to vector<16xi1>
    %reduce_max3A_162 = tpu.scan <max>, %select_n3A_159 masked %reduce_max3A_161 : vector<16xf32>, vector<16xi1> -> vector<16xf32>
    %reduce_max3A_163 = vector.extract %reduce_max3A_162[15] : f32 from vector<16xf32>
    %broadcast_in_dim3A_164 = vector.broadcast %reduce_max3A_163 : f32 to vector<16xf32>
    %jit3A_165 = arith.constant 0xFF800000 : f32
    %broadcast_in_dim3A_166 = vector.broadcast %jit3A_165 : f32 to vector<16xf32>
    %select_n3A_167 = arith.select %eq3A_140, %add3A_29, %broadcast_in_dim3A_166 : vector<16xi1>, vector<16xf32>
    %reduce_max3A_168 = arith.constant true
    %reduce_max3A_169 = vector.broadcast %reduce_max3A_168 : i1 to vector<16xi1>
    %reduce_max3A_170 = tpu.scan <max>, %select_n3A_167 masked %reduce_max3A_169 : vector<16xf32>, vector<16xi1> -> vector<16xf32>
    %reduce_max3A_171 = vector.extract %reduce_max3A_170[15] : f32 from vector<16xf32>
    %broadcast_in_dim3A_172 = vector.broadcast %reduce_max3A_171 : f32 to vector<16xf32>
    %jit3A_173 = arith.constant 0xFF800000 : f32
    %broadcast_in_dim3A_174 = vector.broadcast %jit3A_173 : f32 to vector<16xf32>
    %select_n3A_175 = arith.select %eq3A_140, %mul3A_32, %broadcast_in_dim3A_174 : vector<16xi1>, vector<16xf32>
    %reduce_max3A_176 = arith.constant true
    %reduce_max3A_177 = vector.broadcast %reduce_max3A_176 : i1 to vector<16xi1>
    %reduce_max3A_178 = tpu.scan <max>, %select_n3A_175 masked %reduce_max3A_177 : vector<16xf32>, vector<16xi1> -> vector<16xf32>
    %reduce_max3A_179 = vector.extract %reduce_max3A_178[15] : f32 from vector<16xf32>
    %broadcast_in_dim3A_180 = vector.broadcast %reduce_max3A_179 : f32 to vector<16xf32>
    %broadcast_in_dim3A_181 = arith.constant -1.000000e+00 : f32
    %broadcast_in_dim3A_182 = vector.broadcast %broadcast_in_dim3A_181 : f32 to vector<16xf32>
    %broadcast_in_dim3A_183 = arith.constant 0 : i32
    %broadcast_in_dim3A_184 = vector.broadcast %broadcast_in_dim3A_183 : i32 to vector<16xi32>
    %scan3A_185 = arith.constant 0 : i32
    %scan3A_186 = arith.constant 79 : i32
    %scan3A_187 = arith.addi %scan3A_185, %scan3A_186 : i32
    %scan3A_188 = arith.constant 1 : i32
    %scan3A_189:2 = scf.for %scan3A_1562 = %scan3A_185 to %scan3A_187 step %scan3A_188 iter_args(%scan3A_1563 = %broadcast_in_dim3A_182, %scan3A_1564 = %broadcast_in_dim3A_184) -> (vector<16xf32>, vector<16xi32>)  : i32 {
      %mul3A_1565 = arith.constant 16 : i32
      %mul3A_1566 = arith.muli %scan3A_1562, %mul3A_1565 : i32
      %add3A_1567 = vector.broadcast %mul3A_1566 : i32 to vector<16xi32>
      %add3A_1568 = arith.addi %add3A_1567, %iota3A : vector<16xi32>
      %gather3A_1569 = tpu.vector_load_idx %arg7[%add3A_1568, %broadcast_in_dim3A_1] : memref<1264x4xf32, #tpu.memory_space<vmem>>[vector<16xi32>, vector<16xi32>], vector<16xf32>,
      %gather3A_1570 = tpu.vector_load_idx %arg7[%add3A_1568, %broadcast_in_dim3A_3] : memref<1264x4xf32, #tpu.memory_space<vmem>>[vector<16xi32>, vector<16xi32>], vector<16xf32>,
      %gather3A_1571 = tpu.vector_load_idx %arg7[%add3A_1568, %broadcast_in_dim3A_5] : memref<1264x4xf32, #tpu.memory_space<vmem>>[vector<16xi32>, vector<16xi32>], vector<16xf32>,
      %gather3A_1572 = tpu.vector_load_idx %arg7[%add3A_1568, %broadcast_in_dim3A_7] : memref<1264x4xf32, #tpu.memory_space<vmem>>[vector<16xi32>, vector<16xi32>], vector<16xf32>,
      %sub3A_1573 = arith.subf %gather3A_1571, %gather3A_1569 : vector<16xf32>
      %sub3A_1574 = arith.subf %gather3A_1572, %gather3A_1570 : vector<16xf32>
      %mul3A_1575 = arith.mulf %sub3A_1573, %sub3A_1574 : vector<16xf32>
      %max3A = arith.maximumf %gather3A_1569, %broadcast_in_dim3A_148 : vector<16xf32>
      %max3A_1576 = arith.maximumf %gather3A_1570, %broadcast_in_dim3A_156 : vector<16xf32>
      %min3A = arith.minimumf %gather3A_1571, %broadcast_in_dim3A_164 : vector<16xf32>
      %min3A_1577 = arith.minimumf %gather3A_1572, %broadcast_in_dim3A_172 : vector<16xf32>
      %sub3A_1578 = arith.subf %min3A, %max3A : vector<16xf32>
      %max3A_1579 = arith.constant 0.000000e+00 : f32
      %max3A_1580 = vector.broadcast %max3A_1579 : f32 to vector<16xf32>
      %max3A_1581 = arith.maximumf %sub3A_1578, %max3A_1580 : vector<16xf32>
      %sub3A_1582 = arith.subf %min3A_1577, %max3A_1576 : vector<16xf32>
      %max3A_1583 = arith.constant 0.000000e+00 : f32
      %max3A_1584 = vector.broadcast %max3A_1583 : f32 to vector<16xf32>
      %max3A_1585 = arith.maximumf %sub3A_1582, %max3A_1584 : vector<16xf32>
      %mul3A_1586 = arith.mulf %max3A_1581, %max3A_1585 : vector<16xf32>
      %add3A_1587 = arith.addf %mul3A_1575, %broadcast_in_dim3A_180 : vector<16xf32>
      %sub3A_1588 = arith.subf %add3A_1587, %mul3A_1586 : vector<16xf32>
      %div3A = arith.divf %mul3A_1586, %sub3A_1588 : vector<16xf32>
      %gt3A = arith.cmpf ogt, %div3A, %scan3A_1563 : vector<16xf32>
      %add3A_1589 = vector.broadcast %mul3A_0 : i32 to vector<16xi32>
      %add3A_1590 = arith.addi %add3A_1589, %add3A_1568 : vector<16xi32>
      %select_n3A_1591 = arith.select %gt3A, %div3A, %scan3A_1563 : vector<16xi1>, vector<16xf32>
      %select_n3A_1592 = arith.select %gt3A, %add3A_1590, %scan3A_1564 : vector<16xi1>, vector<16xi32>
      scf.yield %select_n3A_1591, %select_n3A_1592 : vector<16xf32>, vector<16xi32>
    }
    %scan3A_190 = arith.constant 79 : i32
    %reduce_max3A_191 = arith.constant true
    %reduce_max3A_192 = vector.broadcast %reduce_max3A_191 : i1 to vector<16xi1>
    %reduce_max3A_193 = tpu.scan <max>, %scan3A_189#0 masked %reduce_max3A_192 : vector<16xf32>, vector<16xi1> -> vector<16xf32>
    %reduce_max3A_194 = vector.extract %reduce_max3A_193[15] : f32 from vector<16xf32>
    %eq3A_195 = vector.broadcast %reduce_max3A_194 : f32 to vector<16xf32>
    %eq3A_196 = arith.cmpf oeq, %scan3A_189#0, %eq3A_195 : vector<16xf32>
    %jit3A_197 = arith.constant 1073741824 : i32
    %broadcast_in_dim3A_198 = vector.broadcast %jit3A_197 : i32 to vector<16xi32>
    %select_n3A_199 = arith.select %eq3A_196, %scan3A_189#1, %broadcast_in_dim3A_198 : vector<16xi1>, vector<16xi32>
    %reduce_min3A_200 = arith.constant true
    %reduce_min3A_201 = vector.broadcast %reduce_min3A_200 : i1 to vector<16xi1>
    %reduce_min3A_202 = arith.constant -2147483648 : i32
    %reduce_min3A_203 = vector.broadcast %reduce_min3A_202 : i32 to vector<16xi32>
    %reduce_min3A_204 = arith.xori %select_n3A_199, %reduce_min3A_203 : vector<16xi32>
    %reduce_min3A_205 = tpu.scan <min>, %reduce_min3A_204 masked %reduce_min3A_201 : vector<16xi32>, vector<16xi1> -> vector<16xi32>
    %reduce_min3A_206 = arith.xori %reduce_min3A_205, %reduce_min3A_203 : vector<16xi32>
    %reduce_min3A_207 = vector.extract %reduce_min3A_206[15] : i32 from vector<16xi32>
    %broadcast_in_dim3A_208 = vector.broadcast %reduce_max3A_194 : f32 to vector<16xf32>
    %select_n3A_209 = arith.select %eq3A_140, %broadcast_in_dim3A_208, %select_n3A_135 : vector<16xi1>, vector<16xf32>
    %broadcast_in_dim3A_210 = vector.broadcast %reduce_min3A_207 : i32 to vector<16xi32>
    %select_n3A_211 = arith.select %eq3A_140, %broadcast_in_dim3A_210, %select_n3A_137 : vector<16xi1>, vector<16xi32>
    %eq3A_212 = arith.constant 2 : i32
    %eq3A_213 = vector.broadcast %eq3A_212 : i32 to vector<16xi32>
    %eq3A_214 = arith.cmpi eq, %iota3A, %eq3A_213 : vector<16xi32>
    %jit3A_215 = arith.constant 0xFF800000 : f32
    %broadcast_in_dim3A_216 = vector.broadcast %jit3A_215 : f32 to vector<16xf32>
    %select_n3A_217 = arith.select %eq3A_214, %sub3A, %broadcast_in_dim3A_216 : vector<16xi1>, vector<16xf32>
    %reduce_max3A_218 = arith.constant true
    %reduce_max3A_219 = vector.broadcast %reduce_max3A_218 : i1 to vector<16xi1>
    %reduce_max3A_220 = tpu.scan <max>, %select_n3A_217 masked %reduce_max3A_219 : vector<16xf32>, vector<16xi1> -> vector<16xf32>
    %reduce_max3A_221 = vector.extract %reduce_max3A_220[15] : f32 from vector<16xf32>
    %broadcast_in_dim3A_222 = vector.broadcast %reduce_max3A_221 : f32 to vector<16xf32>
    %jit3A_223 = arith.constant 0xFF800000 : f32
    %broadcast_in_dim3A_224 = vector.broadcast %jit3A_223 : f32 to vector<16xf32>
    %select_n3A_225 = arith.select %eq3A_214, %sub3A_21, %broadcast_in_dim3A_224 : vector<16xi1>, vector<16xf32>
    %reduce_max3A_226 = arith.constant true
    %reduce_max3A_227 = vector.broadcast %reduce_max3A_226 : i1 to vector<16xi1>
    %reduce_max3A_228 = tpu.scan <max>, %select_n3A_225 masked %reduce_max3A_227 : vector<16xf32>, vector<16xi1> -> vector<16xf32>
    %reduce_max3A_229 = vector.extract %reduce_max3A_228[15] : f32 from vector<16xf32>
    %broadcast_in_dim3A_230 = vector.broadcast %reduce_max3A_229 : f32 to vector<16xf32>
    %jit3A_231 = arith.constant 0xFF800000 : f32
    %broadcast_in_dim3A_232 = vector.broadcast %jit3A_231 : f32 to vector<16xf32>
    %select_n3A_233 = arith.select %eq3A_214, %add3A_25, %broadcast_in_dim3A_232 : vector<16xi1>, vector<16xf32>
    %reduce_max3A_234 = arith.constant true
    %reduce_max3A_235 = vector.broadcast %reduce_max3A_234 : i1 to vector<16xi1>
    %reduce_max3A_236 = tpu.scan <max>, %select_n3A_233 masked %reduce_max3A_235 : vector<16xf32>, vector<16xi1> -> vector<16xf32>
    %reduce_max3A_237 = vector.extract %reduce_max3A_236[15] : f32 from vector<16xf32>
    %broadcast_in_dim3A_238 = vector.broadcast %reduce_max3A_237 : f32 to vector<16xf32>
    %jit3A_239 = arith.constant 0xFF800000 : f32
    %broadcast_in_dim3A_240 = vector.broadcast %jit3A_239 : f32 to vector<16xf32>
    %select_n3A_241 = arith.select %eq3A_214, %add3A_29, %broadcast_in_dim3A_240 : vector<16xi1>, vector<16xf32>
    %reduce_max3A_242 = arith.constant true
    %reduce_max3A_243 = vector.broadcast %reduce_max3A_242 : i1 to vector<16xi1>
    %reduce_max3A_244 = tpu.scan <max>, %select_n3A_241 masked %reduce_max3A_243 : vector<16xf32>, vector<16xi1> -> vector<16xf32>
    %reduce_max3A_245 = vector.extract %reduce_max3A_244[15] : f32 from vector<16xf32>
    %broadcast_in_dim3A_246 = vector.broadcast %reduce_max3A_245 : f32 to vector<16xf32>
    %jit3A_247 = arith.constant 0xFF800000 : f32
    %broadcast_in_dim3A_248 = vector.broadcast %jit3A_247 : f32 to vector<16xf32>
    %select_n3A_249 = arith.select %eq3A_214, %mul3A_32, %broadcast_in_dim3A_248 : vector<16xi1>, vector<16xf32>
    %reduce_max3A_250 = arith.constant true
    %reduce_max3A_251 = vector.broadcast %reduce_max3A_250 : i1 to vector<16xi1>
    %reduce_max3A_252 = tpu.scan <max>, %select_n3A_249 masked %reduce_max3A_251 : vector<16xf32>, vector<16xi1> -> vector<16xf32>
    %reduce_max3A_253 = vector.extract %reduce_max3A_252[15] : f32 from vector<16xf32>
    %broadcast_in_dim3A_254 = vector.broadcast %reduce_max3A_253 : f32 to vector<16xf32>
    %broadcast_in_dim3A_255 = arith.constant -1.000000e+00 : f32
    %broadcast_in_dim3A_256 = vector.broadcast %broadcast_in_dim3A_255 : f32 to vector<16xf32>
    %broadcast_in_dim3A_257 = arith.constant 0 : i32
    %broadcast_in_dim3A_258 = vector.broadcast %broadcast_in_dim3A_257 : i32 to vector<16xi32>
    %scan3A_259 = arith.constant 0 : i32
    %scan3A_260 = arith.constant 79 : i32
    %scan3A_261 = arith.addi %scan3A_259, %scan3A_260 : i32
    %scan3A_262 = arith.constant 1 : i32
    %scan3A_263:2 = scf.for %scan3A_1562 = %scan3A_259 to %scan3A_261 step %scan3A_262 iter_args(%scan3A_1563 = %broadcast_in_dim3A_256, %scan3A_1564 = %broadcast_in_dim3A_258) -> (vector<16xf32>, vector<16xi32>)  : i32 {
      %mul3A_1565 = arith.constant 16 : i32
      %mul3A_1566 = arith.muli %scan3A_1562, %mul3A_1565 : i32
      %add3A_1567 = vector.broadcast %mul3A_1566 : i32 to vector<16xi32>
      %add3A_1568 = arith.addi %add3A_1567, %iota3A : vector<16xi32>
      %gather3A_1569 = tpu.vector_load_idx %arg7[%add3A_1568, %broadcast_in_dim3A_1] : memref<1264x4xf32, #tpu.memory_space<vmem>>[vector<16xi32>, vector<16xi32>], vector<16xf32>,
      %gather3A_1570 = tpu.vector_load_idx %arg7[%add3A_1568, %broadcast_in_dim3A_3] : memref<1264x4xf32, #tpu.memory_space<vmem>>[vector<16xi32>, vector<16xi32>], vector<16xf32>,
      %gather3A_1571 = tpu.vector_load_idx %arg7[%add3A_1568, %broadcast_in_dim3A_5] : memref<1264x4xf32, #tpu.memory_space<vmem>>[vector<16xi32>, vector<16xi32>], vector<16xf32>,
      %gather3A_1572 = tpu.vector_load_idx %arg7[%add3A_1568, %broadcast_in_dim3A_7] : memref<1264x4xf32, #tpu.memory_space<vmem>>[vector<16xi32>, vector<16xi32>], vector<16xf32>,
      %sub3A_1573 = arith.subf %gather3A_1571, %gather3A_1569 : vector<16xf32>
      %sub3A_1574 = arith.subf %gather3A_1572, %gather3A_1570 : vector<16xf32>
      %mul3A_1575 = arith.mulf %sub3A_1573, %sub3A_1574 : vector<16xf32>
      %max3A = arith.maximumf %gather3A_1569, %broadcast_in_dim3A_222 : vector<16xf32>
      %max3A_1576 = arith.maximumf %gather3A_1570, %broadcast_in_dim3A_230 : vector<16xf32>
      %min3A = arith.minimumf %gather3A_1571, %broadcast_in_dim3A_238 : vector<16xf32>
      %min3A_1577 = arith.minimumf %gather3A_1572, %broadcast_in_dim3A_246 : vector<16xf32>
      %sub3A_1578 = arith.subf %min3A, %max3A : vector<16xf32>
      %max3A_1579 = arith.constant 0.000000e+00 : f32
      %max3A_1580 = vector.broadcast %max3A_1579 : f32 to vector<16xf32>
      %max3A_1581 = arith.maximumf %sub3A_1578, %max3A_1580 : vector<16xf32>
      %sub3A_1582 = arith.subf %min3A_1577, %max3A_1576 : vector<16xf32>
      %max3A_1583 = arith.constant 0.000000e+00 : f32
      %max3A_1584 = vector.broadcast %max3A_1583 : f32 to vector<16xf32>
      %max3A_1585 = arith.maximumf %sub3A_1582, %max3A_1584 : vector<16xf32>
      %mul3A_1586 = arith.mulf %max3A_1581, %max3A_1585 : vector<16xf32>
      %add3A_1587 = arith.addf %mul3A_1575, %broadcast_in_dim3A_254 : vector<16xf32>
      %sub3A_1588 = arith.subf %add3A_1587, %mul3A_1586 : vector<16xf32>
      %div3A = arith.divf %mul3A_1586, %sub3A_1588 : vector<16xf32>
      %gt3A = arith.cmpf ogt, %div3A, %scan3A_1563 : vector<16xf32>
      %add3A_1589 = vector.broadcast %mul3A_0 : i32 to vector<16xi32>
      %add3A_1590 = arith.addi %add3A_1589, %add3A_1568 : vector<16xi32>
      %select_n3A_1591 = arith.select %gt3A, %div3A, %scan3A_1563 : vector<16xi1>, vector<16xf32>
      %select_n3A_1592 = arith.select %gt3A, %add3A_1590, %scan3A_1564 : vector<16xi1>, vector<16xi32>
      scf.yield %select_n3A_1591, %select_n3A_1592 : vector<16xf32>, vector<16xi32>
    }
    %scan3A_264 = arith.constant 79 : i32
    %reduce_max3A_265 = arith.constant true
    %reduce_max3A_266 = vector.broadcast %reduce_max3A_265 : i1 to vector<16xi1>
    %reduce_max3A_267 = tpu.scan <max>, %scan3A_263#0 masked %reduce_max3A_266 : vector<16xf32>, vector<16xi1> -> vector<16xf32>
    %reduce_max3A_268 = vector.extract %reduce_max3A_267[15] : f32 from vector<16xf32>
    %eq3A_269 = vector.broadcast %reduce_max3A_268 : f32 to vector<16xf32>
    %eq3A_270 = arith.cmpf oeq, %scan3A_263#0, %eq3A_269 : vector<16xf32>
    %jit3A_271 = arith.constant 1073741824 : i32
    %broadcast_in_dim3A_272 = vector.broadcast %jit3A_271 : i32 to vector<16xi32>
    %select_n3A_273 = arith.select %eq3A_270, %scan3A_263#1, %broadcast_in_dim3A_272 : vector<16xi1>, vector<16xi32>
    %reduce_min3A_274 = arith.constant true
    %reduce_min3A_275 = vector.broadcast %reduce_min3A_274 : i1 to vector<16xi1>
    %reduce_min3A_276 = arith.constant -2147483648 : i32
    %reduce_min3A_277 = vector.broadcast %reduce_min3A_276 : i32 to vector<16xi32>
    %reduce_min3A_278 = arith.xori %select_n3A_273, %reduce_min3A_277 : vector<16xi32>
    %reduce_min3A_279 = tpu.scan <min>, %reduce_min3A_278 masked %reduce_min3A_275 : vector<16xi32>, vector<16xi1> -> vector<16xi32>
    %reduce_min3A_280 = arith.xori %reduce_min3A_279, %reduce_min3A_277 : vector<16xi32>
    %reduce_min3A_281 = vector.extract %reduce_min3A_280[15] : i32 from vector<16xi32>
    %broadcast_in_dim3A_282 = vector.broadcast %reduce_max3A_268 : f32 to vector<16xf32>
    %select_n3A_283 = arith.select %eq3A_214, %broadcast_in_dim3A_282, %select_n3A_209 : vector<16xi1>, vector<16xf32>
    %broadcast_in_dim3A_284 = vector.broadcast %reduce_min3A_281 : i32 to vector<16xi32>
    %select_n3A_285 = arith.select %eq3A_214, %broadcast_in_dim3A_284, %select_n3A_211 : vector<16xi1>, vector<16xi32>
    %eq3A_286 = arith.constant 3 : i32
    %eq3A_287 = vector.broadcast %eq3A_286 : i32 to vector<16xi32>
    %eq3A_288 = arith.cmpi eq, %iota3A, %eq3A_287 : vector<16xi32>
    %jit3A_289 = arith.constant 0xFF800000 : f32
    %broadcast_in_dim3A_290 = vector.broadcast %jit3A_289 : f32 to vector<16xf32>
    %select_n3A_291 = arith.select %eq3A_288, %sub3A, %broadcast_in_dim3A_290 : vector<16xi1>, vector<16xf32>
    %reduce_max3A_292 = arith.constant true
    %reduce_max3A_293 = vector.broadcast %reduce_max3A_292 : i1 to vector<16xi1>
    %reduce_max3A_294 = tpu.scan <max>, %select_n3A_291 masked %reduce_max3A_293 : vector<16xf32>, vector<16xi1> -> vector<16xf32>
    %reduce_max3A_295 = vector.extract %reduce_max3A_294[15] : f32 from vector<16xf32>
    %broadcast_in_dim3A_296 = vector.broadcast %reduce_max3A_295 : f32 to vector<16xf32>
    %jit3A_297 = arith.constant 0xFF800000 : f32
    %broadcast_in_dim3A_298 = vector.broadcast %jit3A_297 : f32 to vector<16xf32>
    %select_n3A_299 = arith.select %eq3A_288, %sub3A_21, %broadcast_in_dim3A_298 : vector<16xi1>, vector<16xf32>
    %reduce_max3A_300 = arith.constant true
    %reduce_max3A_301 = vector.broadcast %reduce_max3A_300 : i1 to vector<16xi1>
    %reduce_max3A_302 = tpu.scan <max>, %select_n3A_299 masked %reduce_max3A_301 : vector<16xf32>, vector<16xi1> -> vector<16xf32>
    %reduce_max3A_303 = vector.extract %reduce_max3A_302[15] : f32 from vector<16xf32>
    %broadcast_in_dim3A_304 = vector.broadcast %reduce_max3A_303 : f32 to vector<16xf32>
    %jit3A_305 = arith.constant 0xFF800000 : f32
    %broadcast_in_dim3A_306 = vector.broadcast %jit3A_305 : f32 to vector<16xf32>
    %select_n3A_307 = arith.select %eq3A_288, %add3A_25, %broadcast_in_dim3A_306 : vector<16xi1>, vector<16xf32>
    %reduce_max3A_308 = arith.constant true
    %reduce_max3A_309 = vector.broadcast %reduce_max3A_308 : i1 to vector<16xi1>
    %reduce_max3A_310 = tpu.scan <max>, %select_n3A_307 masked %reduce_max3A_309 : vector<16xf32>, vector<16xi1> -> vector<16xf32>
    %reduce_max3A_311 = vector.extract %reduce_max3A_310[15] : f32 from vector<16xf32>
    %broadcast_in_dim3A_312 = vector.broadcast %reduce_max3A_311 : f32 to vector<16xf32>
    %jit3A_313 = arith.constant 0xFF800000 : f32
    %broadcast_in_dim3A_314 = vector.broadcast %jit3A_313 : f32 to vector<16xf32>
    %select_n3A_315 = arith.select %eq3A_288, %add3A_29, %broadcast_in_dim3A_314 : vector<16xi1>, vector<16xf32>
    %reduce_max3A_316 = arith.constant true
    %reduce_max3A_317 = vector.broadcast %reduce_max3A_316 : i1 to vector<16xi1>
    %reduce_max3A_318 = tpu.scan <max>, %select_n3A_315 masked %reduce_max3A_317 : vector<16xf32>, vector<16xi1> -> vector<16xf32>
    %reduce_max3A_319 = vector.extract %reduce_max3A_318[15] : f32 from vector<16xf32>
    %broadcast_in_dim3A_320 = vector.broadcast %reduce_max3A_319 : f32 to vector<16xf32>
    %jit3A_321 = arith.constant 0xFF800000 : f32
    %broadcast_in_dim3A_322 = vector.broadcast %jit3A_321 : f32 to vector<16xf32>
    %select_n3A_323 = arith.select %eq3A_288, %mul3A_32, %broadcast_in_dim3A_322 : vector<16xi1>, vector<16xf32>
    %reduce_max3A_324 = arith.constant true
    %reduce_max3A_325 = vector.broadcast %reduce_max3A_324 : i1 to vector<16xi1>
    %reduce_max3A_326 = tpu.scan <max>, %select_n3A_323 masked %reduce_max3A_325 : vector<16xf32>, vector<16xi1> -> vector<16xf32>
    %reduce_max3A_327 = vector.extract %reduce_max3A_326[15] : f32 from vector<16xf32>
    %broadcast_in_dim3A_328 = vector.broadcast %reduce_max3A_327 : f32 to vector<16xf32>
    %broadcast_in_dim3A_329 = arith.constant -1.000000e+00 : f32
    %broadcast_in_dim3A_330 = vector.broadcast %broadcast_in_dim3A_329 : f32 to vector<16xf32>
    %broadcast_in_dim3A_331 = arith.constant 0 : i32
    %broadcast_in_dim3A_332 = vector.broadcast %broadcast_in_dim3A_331 : i32 to vector<16xi32>
    %scan3A_333 = arith.constant 0 : i32
    %scan3A_334 = arith.constant 79 : i32
    %scan3A_335 = arith.addi %scan3A_333, %scan3A_334 : i32
    %scan3A_336 = arith.constant 1 : i32
    %scan3A_337:2 = scf.for %scan3A_1562 = %scan3A_333 to %scan3A_335 step %scan3A_336 iter_args(%scan3A_1563 = %broadcast_in_dim3A_330, %scan3A_1564 = %broadcast_in_dim3A_332) -> (vector<16xf32>, vector<16xi32>)  : i32 {
      %mul3A_1565 = arith.constant 16 : i32
      %mul3A_1566 = arith.muli %scan3A_1562, %mul3A_1565 : i32
      %add3A_1567 = vector.broadcast %mul3A_1566 : i32 to vector<16xi32>
      %add3A_1568 = arith.addi %add3A_1567, %iota3A : vector<16xi32>
      %gather3A_1569 = tpu.vector_load_idx %arg7[%add3A_1568, %broadcast_in_dim3A_1] : memref<1264x4xf32, #tpu.memory_space<vmem>>[vector<16xi32>, vector<16xi32>], vector<16xf32>,
      %gather3A_1570 = tpu.vector_load_idx %arg7[%add3A_1568, %broadcast_in_dim3A_3] : memref<1264x4xf32, #tpu.memory_space<vmem>>[vector<16xi32>, vector<16xi32>], vector<16xf32>,
      %gather3A_1571 = tpu.vector_load_idx %arg7[%add3A_1568, %broadcast_in_dim3A_5] : memref<1264x4xf32, #tpu.memory_space<vmem>>[vector<16xi32>, vector<16xi32>], vector<16xf32>,
      %gather3A_1572 = tpu.vector_load_idx %arg7[%add3A_1568, %broadcast_in_dim3A_7] : memref<1264x4xf32, #tpu.memory_space<vmem>>[vector<16xi32>, vector<16xi32>], vector<16xf32>,
      %sub3A_1573 = arith.subf %gather3A_1571, %gather3A_1569 : vector<16xf32>
      %sub3A_1574 = arith.subf %gather3A_1572, %gather3A_1570 : vector<16xf32>
      %mul3A_1575 = arith.mulf %sub3A_1573, %sub3A_1574 : vector<16xf32>
      %max3A = arith.maximumf %gather3A_1569, %broadcast_in_dim3A_296 : vector<16xf32>
      %max3A_1576 = arith.maximumf %gather3A_1570, %broadcast_in_dim3A_304 : vector<16xf32>
      %min3A = arith.minimumf %gather3A_1571, %broadcast_in_dim3A_312 : vector<16xf32>
      %min3A_1577 = arith.minimumf %gather3A_1572, %broadcast_in_dim3A_320 : vector<16xf32>
      %sub3A_1578 = arith.subf %min3A, %max3A : vector<16xf32>
      %max3A_1579 = arith.constant 0.000000e+00 : f32
      %max3A_1580 = vector.broadcast %max3A_1579 : f32 to vector<16xf32>
      %max3A_1581 = arith.maximumf %sub3A_1578, %max3A_1580 : vector<16xf32>
      %sub3A_1582 = arith.subf %min3A_1577, %max3A_1576 : vector<16xf32>
      %max3A_1583 = arith.constant 0.000000e+00 : f32
      %max3A_1584 = vector.broadcast %max3A_1583 : f32 to vector<16xf32>
      %max3A_1585 = arith.maximumf %sub3A_1582, %max3A_1584 : vector<16xf32>
      %mul3A_1586 = arith.mulf %max3A_1581, %max3A_1585 : vector<16xf32>
      %add3A_1587 = arith.addf %mul3A_1575, %broadcast_in_dim3A_328 : vector<16xf32>
      %sub3A_1588 = arith.subf %add3A_1587, %mul3A_1586 : vector<16xf32>
      %div3A = arith.divf %mul3A_1586, %sub3A_1588 : vector<16xf32>
      %gt3A = arith.cmpf ogt, %div3A, %scan3A_1563 : vector<16xf32>
      %add3A_1589 = vector.broadcast %mul3A_0 : i32 to vector<16xi32>
      %add3A_1590 = arith.addi %add3A_1589, %add3A_1568 : vector<16xi32>
      %select_n3A_1591 = arith.select %gt3A, %div3A, %scan3A_1563 : vector<16xi1>, vector<16xf32>
      %select_n3A_1592 = arith.select %gt3A, %add3A_1590, %scan3A_1564 : vector<16xi1>, vector<16xi32>
      scf.yield %select_n3A_1591, %select_n3A_1592 : vector<16xf32>, vector<16xi32>
    }
    %scan3A_338 = arith.constant 79 : i32
    %reduce_max3A_339 = arith.constant true
    %reduce_max3A_340 = vector.broadcast %reduce_max3A_339 : i1 to vector<16xi1>
    %reduce_max3A_341 = tpu.scan <max>, %scan3A_337#0 masked %reduce_max3A_340 : vector<16xf32>, vector<16xi1> -> vector<16xf32>
    %reduce_max3A_342 = vector.extract %reduce_max3A_341[15] : f32 from vector<16xf32>
    %eq3A_343 = vector.broadcast %reduce_max3A_342 : f32 to vector<16xf32>
    %eq3A_344 = arith.cmpf oeq, %scan3A_337#0, %eq3A_343 : vector<16xf32>
    %jit3A_345 = arith.constant 1073741824 : i32
    %broadcast_in_dim3A_346 = vector.broadcast %jit3A_345 : i32 to vector<16xi32>
    %select_n3A_347 = arith.select %eq3A_344, %scan3A_337#1, %broadcast_in_dim3A_346 : vector<16xi1>, vector<16xi32>
    %reduce_min3A_348 = arith.constant true
    %reduce_min3A_349 = vector.broadcast %reduce_min3A_348 : i1 to vector<16xi1>
    %reduce_min3A_350 = arith.constant -2147483648 : i32
    %reduce_min3A_351 = vector.broadcast %reduce_min3A_350 : i32 to vector<16xi32>
    %reduce_min3A_352 = arith.xori %select_n3A_347, %reduce_min3A_351 : vector<16xi32>
    %reduce_min3A_353 = tpu.scan <min>, %reduce_min3A_352 masked %reduce_min3A_349 : vector<16xi32>, vector<16xi1> -> vector<16xi32>
    %reduce_min3A_354 = arith.xori %reduce_min3A_353, %reduce_min3A_351 : vector<16xi32>
    %reduce_min3A_355 = vector.extract %reduce_min3A_354[15] : i32 from vector<16xi32>
    %broadcast_in_dim3A_356 = vector.broadcast %reduce_max3A_342 : f32 to vector<16xf32>
    %select_n3A_357 = arith.select %eq3A_288, %broadcast_in_dim3A_356, %select_n3A_283 : vector<16xi1>, vector<16xf32>
    %broadcast_in_dim3A_358 = vector.broadcast %reduce_min3A_355 : i32 to vector<16xi32>
    %select_n3A_359 = arith.select %eq3A_288, %broadcast_in_dim3A_358, %select_n3A_285 : vector<16xi1>, vector<16xi32>
    %eq3A_360 = arith.constant 4 : i32
    %eq3A_361 = vector.broadcast %eq3A_360 : i32 to vector<16xi32>
    %eq3A_362 = arith.cmpi eq, %iota3A, %eq3A_361 : vector<16xi32>
    %jit3A_363 = arith.constant 0xFF800000 : f32
    %broadcast_in_dim3A_364 = vector.broadcast %jit3A_363 : f32 to vector<16xf32>
    %select_n3A_365 = arith.select %eq3A_362, %sub3A, %broadcast_in_dim3A_364 : vector<16xi1>, vector<16xf32>
    %reduce_max3A_366 = arith.constant true
    %reduce_max3A_367 = vector.broadcast %reduce_max3A_366 : i1 to vector<16xi1>
    %reduce_max3A_368 = tpu.scan <max>, %select_n3A_365 masked %reduce_max3A_367 : vector<16xf32>, vector<16xi1> -> vector<16xf32>
    %reduce_max3A_369 = vector.extract %reduce_max3A_368[15] : f32 from vector<16xf32>
    %broadcast_in_dim3A_370 = vector.broadcast %reduce_max3A_369 : f32 to vector<16xf32>
    %jit3A_371 = arith.constant 0xFF800000 : f32
    %broadcast_in_dim3A_372 = vector.broadcast %jit3A_371 : f32 to vector<16xf32>
    %select_n3A_373 = arith.select %eq3A_362, %sub3A_21, %broadcast_in_dim3A_372 : vector<16xi1>, vector<16xf32>
    %reduce_max3A_374 = arith.constant true
    %reduce_max3A_375 = vector.broadcast %reduce_max3A_374 : i1 to vector<16xi1>
    %reduce_max3A_376 = tpu.scan <max>, %select_n3A_373 masked %reduce_max3A_375 : vector<16xf32>, vector<16xi1> -> vector<16xf32>
    %reduce_max3A_377 = vector.extract %reduce_max3A_376[15] : f32 from vector<16xf32>
    %broadcast_in_dim3A_378 = vector.broadcast %reduce_max3A_377 : f32 to vector<16xf32>
    %jit3A_379 = arith.constant 0xFF800000 : f32
    %broadcast_in_dim3A_380 = vector.broadcast %jit3A_379 : f32 to vector<16xf32>
    %select_n3A_381 = arith.select %eq3A_362, %add3A_25, %broadcast_in_dim3A_380 : vector<16xi1>, vector<16xf32>
    %reduce_max3A_382 = arith.constant true
    %reduce_max3A_383 = vector.broadcast %reduce_max3A_382 : i1 to vector<16xi1>
    %reduce_max3A_384 = tpu.scan <max>, %select_n3A_381 masked %reduce_max3A_383 : vector<16xf32>, vector<16xi1> -> vector<16xf32>
    %reduce_max3A_385 = vector.extract %reduce_max3A_384[15] : f32 from vector<16xf32>
    %broadcast_in_dim3A_386 = vector.broadcast %reduce_max3A_385 : f32 to vector<16xf32>
    %jit3A_387 = arith.constant 0xFF800000 : f32
    %broadcast_in_dim3A_388 = vector.broadcast %jit3A_387 : f32 to vector<16xf32>
    %select_n3A_389 = arith.select %eq3A_362, %add3A_29, %broadcast_in_dim3A_388 : vector<16xi1>, vector<16xf32>
    %reduce_max3A_390 = arith.constant true
    %reduce_max3A_391 = vector.broadcast %reduce_max3A_390 : i1 to vector<16xi1>
    %reduce_max3A_392 = tpu.scan <max>, %select_n3A_389 masked %reduce_max3A_391 : vector<16xf32>, vector<16xi1> -> vector<16xf32>
    %reduce_max3A_393 = vector.extract %reduce_max3A_392[15] : f32 from vector<16xf32>
    %broadcast_in_dim3A_394 = vector.broadcast %reduce_max3A_393 : f32 to vector<16xf32>
    %jit3A_395 = arith.constant 0xFF800000 : f32
    %broadcast_in_dim3A_396 = vector.broadcast %jit3A_395 : f32 to vector<16xf32>
    %select_n3A_397 = arith.select %eq3A_362, %mul3A_32, %broadcast_in_dim3A_396 : vector<16xi1>, vector<16xf32>
    %reduce_max3A_398 = arith.constant true
    %reduce_max3A_399 = vector.broadcast %reduce_max3A_398 : i1 to vector<16xi1>
    %reduce_max3A_400 = tpu.scan <max>, %select_n3A_397 masked %reduce_max3A_399 : vector<16xf32>, vector<16xi1> -> vector<16xf32>
    %reduce_max3A_401 = vector.extract %reduce_max3A_400[15] : f32 from vector<16xf32>
    %broadcast_in_dim3A_402 = vector.broadcast %reduce_max3A_401 : f32 to vector<16xf32>
    %broadcast_in_dim3A_403 = arith.constant -1.000000e+00 : f32
    %broadcast_in_dim3A_404 = vector.broadcast %broadcast_in_dim3A_403 : f32 to vector<16xf32>
    %broadcast_in_dim3A_405 = arith.constant 0 : i32
    %broadcast_in_dim3A_406 = vector.broadcast %broadcast_in_dim3A_405 : i32 to vector<16xi32>
    %scan3A_407 = arith.constant 0 : i32
    %scan3A_408 = arith.constant 79 : i32
    %scan3A_409 = arith.addi %scan3A_407, %scan3A_408 : i32
    %scan3A_410 = arith.constant 1 : i32
    %scan3A_411:2 = scf.for %scan3A_1562 = %scan3A_407 to %scan3A_409 step %scan3A_410 iter_args(%scan3A_1563 = %broadcast_in_dim3A_404, %scan3A_1564 = %broadcast_in_dim3A_406) -> (vector<16xf32>, vector<16xi32>)  : i32 {
      %mul3A_1565 = arith.constant 16 : i32
      %mul3A_1566 = arith.muli %scan3A_1562, %mul3A_1565 : i32
      %add3A_1567 = vector.broadcast %mul3A_1566 : i32 to vector<16xi32>
      %add3A_1568 = arith.addi %add3A_1567, %iota3A : vector<16xi32>
      %gather3A_1569 = tpu.vector_load_idx %arg7[%add3A_1568, %broadcast_in_dim3A_1] : memref<1264x4xf32, #tpu.memory_space<vmem>>[vector<16xi32>, vector<16xi32>], vector<16xf32>,
      %gather3A_1570 = tpu.vector_load_idx %arg7[%add3A_1568, %broadcast_in_dim3A_3] : memref<1264x4xf32, #tpu.memory_space<vmem>>[vector<16xi32>, vector<16xi32>], vector<16xf32>,
      %gather3A_1571 = tpu.vector_load_idx %arg7[%add3A_1568, %broadcast_in_dim3A_5] : memref<1264x4xf32, #tpu.memory_space<vmem>>[vector<16xi32>, vector<16xi32>], vector<16xf32>,
      %gather3A_1572 = tpu.vector_load_idx %arg7[%add3A_1568, %broadcast_in_dim3A_7] : memref<1264x4xf32, #tpu.memory_space<vmem>>[vector<16xi32>, vector<16xi32>], vector<16xf32>,
      %sub3A_1573 = arith.subf %gather3A_1571, %gather3A_1569 : vector<16xf32>
      %sub3A_1574 = arith.subf %gather3A_1572, %gather3A_1570 : vector<16xf32>
      %mul3A_1575 = arith.mulf %sub3A_1573, %sub3A_1574 : vector<16xf32>
      %max3A = arith.maximumf %gather3A_1569, %broadcast_in_dim3A_370 : vector<16xf32>
      %max3A_1576 = arith.maximumf %gather3A_1570, %broadcast_in_dim3A_378 : vector<16xf32>
      %min3A = arith.minimumf %gather3A_1571, %broadcast_in_dim3A_386 : vector<16xf32>
      %min3A_1577 = arith.minimumf %gather3A_1572, %broadcast_in_dim3A_394 : vector<16xf32>
      %sub3A_1578 = arith.subf %min3A, %max3A : vector<16xf32>
      %max3A_1579 = arith.constant 0.000000e+00 : f32
      %max3A_1580 = vector.broadcast %max3A_1579 : f32 to vector<16xf32>
      %max3A_1581 = arith.maximumf %sub3A_1578, %max3A_1580 : vector<16xf32>
      %sub3A_1582 = arith.subf %min3A_1577, %max3A_1576 : vector<16xf32>
      %max3A_1583 = arith.constant 0.000000e+00 : f32
      %max3A_1584 = vector.broadcast %max3A_1583 : f32 to vector<16xf32>
      %max3A_1585 = arith.maximumf %sub3A_1582, %max3A_1584 : vector<16xf32>
      %mul3A_1586 = arith.mulf %max3A_1581, %max3A_1585 : vector<16xf32>
      %add3A_1587 = arith.addf %mul3A_1575, %broadcast_in_dim3A_402 : vector<16xf32>
      %sub3A_1588 = arith.subf %add3A_1587, %mul3A_1586 : vector<16xf32>
      %div3A = arith.divf %mul3A_1586, %sub3A_1588 : vector<16xf32>
      %gt3A = arith.cmpf ogt, %div3A, %scan3A_1563 : vector<16xf32>
      %add3A_1589 = vector.broadcast %mul3A_0 : i32 to vector<16xi32>
      %add3A_1590 = arith.addi %add3A_1589, %add3A_1568 : vector<16xi32>
      %select_n3A_1591 = arith.select %gt3A, %div3A, %scan3A_1563 : vector<16xi1>, vector<16xf32>
      %select_n3A_1592 = arith.select %gt3A, %add3A_1590, %scan3A_1564 : vector<16xi1>, vector<16xi32>
      scf.yield %select_n3A_1591, %select_n3A_1592 : vector<16xf32>, vector<16xi32>
    }
    %scan3A_412 = arith.constant 79 : i32
    %reduce_max3A_413 = arith.constant true
    %reduce_max3A_414 = vector.broadcast %reduce_max3A_413 : i1 to vector<16xi1>
    %reduce_max3A_415 = tpu.scan <max>, %scan3A_411#0 masked %reduce_max3A_414 : vector<16xf32>, vector<16xi1> -> vector<16xf32>
    %reduce_max3A_416 = vector.extract %reduce_max3A_415[15] : f32 from vector<16xf32>
    %eq3A_417 = vector.broadcast %reduce_max3A_416 : f32 to vector<16xf32>
    %eq3A_418 = arith.cmpf oeq, %scan3A_411#0, %eq3A_417 : vector<16xf32>
    %jit3A_419 = arith.constant 1073741824 : i32
    %broadcast_in_dim3A_420 = vector.broadcast %jit3A_419 : i32 to vector<16xi32>
    %select_n3A_421 = arith.select %eq3A_418, %scan3A_411#1, %broadcast_in_dim3A_420 : vector<16xi1>, vector<16xi32>
    %reduce_min3A_422 = arith.constant true
    %reduce_min3A_423 = vector.broadcast %reduce_min3A_422 : i1 to vector<16xi1>
    %reduce_min3A_424 = arith.constant -2147483648 : i32
    %reduce_min3A_425 = vector.broadcast %reduce_min3A_424 : i32 to vector<16xi32>
    %reduce_min3A_426 = arith.xori %select_n3A_421, %reduce_min3A_425 : vector<16xi32>
    %reduce_min3A_427 = tpu.scan <min>, %reduce_min3A_426 masked %reduce_min3A_423 : vector<16xi32>, vector<16xi1> -> vector<16xi32>
    %reduce_min3A_428 = arith.xori %reduce_min3A_427, %reduce_min3A_425 : vector<16xi32>
    %reduce_min3A_429 = vector.extract %reduce_min3A_428[15] : i32 from vector<16xi32>
    %broadcast_in_dim3A_430 = vector.broadcast %reduce_max3A_416 : f32 to vector<16xf32>
    %select_n3A_431 = arith.select %eq3A_362, %broadcast_in_dim3A_430, %select_n3A_357 : vector<16xi1>, vector<16xf32>
    %broadcast_in_dim3A_432 = vector.broadcast %reduce_min3A_429 : i32 to vector<16xi32>
    %select_n3A_433 = arith.select %eq3A_362, %broadcast_in_dim3A_432, %select_n3A_359 : vector<16xi1>, vector<16xi32>
    %eq3A_434 = arith.constant 5 : i32
    %eq3A_435 = vector.broadcast %eq3A_434 : i32 to vector<16xi32>
    %eq3A_436 = arith.cmpi eq, %iota3A, %eq3A_435 : vector<16xi32>
    %jit3A_437 = arith.constant 0xFF800000 : f32
    %broadcast_in_dim3A_438 = vector.broadcast %jit3A_437 : f32 to vector<16xf32>
    %select_n3A_439 = arith.select %eq3A_436, %sub3A, %broadcast_in_dim3A_438 : vector<16xi1>, vector<16xf32>
    %reduce_max3A_440 = arith.constant true
    %reduce_max3A_441 = vector.broadcast %reduce_max3A_440 : i1 to vector<16xi1>
    %reduce_max3A_442 = tpu.scan <max>, %select_n3A_439 masked %reduce_max3A_441 : vector<16xf32>, vector<16xi1> -> vector<16xf32>
    %reduce_max3A_443 = vector.extract %reduce_max3A_442[15] : f32 from vector<16xf32>
    %broadcast_in_dim3A_444 = vector.broadcast %reduce_max3A_443 : f32 to vector<16xf32>
    %jit3A_445 = arith.constant 0xFF800000 : f32
    %broadcast_in_dim3A_446 = vector.broadcast %jit3A_445 : f32 to vector<16xf32>
    %select_n3A_447 = arith.select %eq3A_436, %sub3A_21, %broadcast_in_dim3A_446 : vector<16xi1>, vector<16xf32>
    %reduce_max3A_448 = arith.constant true
    %reduce_max3A_449 = vector.broadcast %reduce_max3A_448 : i1 to vector<16xi1>
    %reduce_max3A_450 = tpu.scan <max>, %select_n3A_447 masked %reduce_max3A_449 : vector<16xf32>, vector<16xi1> -> vector<16xf32>
    %reduce_max3A_451 = vector.extract %reduce_max3A_450[15] : f32 from vector<16xf32>
    %broadcast_in_dim3A_452 = vector.broadcast %reduce_max3A_451 : f32 to vector<16xf32>
    %jit3A_453 = arith.constant 0xFF800000 : f32
    %broadcast_in_dim3A_454 = vector.broadcast %jit3A_453 : f32 to vector<16xf32>
    %select_n3A_455 = arith.select %eq3A_436, %add3A_25, %broadcast_in_dim3A_454 : vector<16xi1>, vector<16xf32>
    %reduce_max3A_456 = arith.constant true
    %reduce_max3A_457 = vector.broadcast %reduce_max3A_456 : i1 to vector<16xi1>
    %reduce_max3A_458 = tpu.scan <max>, %select_n3A_455 masked %reduce_max3A_457 : vector<16xf32>, vector<16xi1> -> vector<16xf32>
    %reduce_max3A_459 = vector.extract %reduce_max3A_458[15] : f32 from vector<16xf32>
    %broadcast_in_dim3A_460 = vector.broadcast %reduce_max3A_459 : f32 to vector<16xf32>
    %jit3A_461 = arith.constant 0xFF800000 : f32
    %broadcast_in_dim3A_462 = vector.broadcast %jit3A_461 : f32 to vector<16xf32>
    %select_n3A_463 = arith.select %eq3A_436, %add3A_29, %broadcast_in_dim3A_462 : vector<16xi1>, vector<16xf32>
    %reduce_max3A_464 = arith.constant true
    %reduce_max3A_465 = vector.broadcast %reduce_max3A_464 : i1 to vector<16xi1>
    %reduce_max3A_466 = tpu.scan <max>, %select_n3A_463 masked %reduce_max3A_465 : vector<16xf32>, vector<16xi1> -> vector<16xf32>
    %reduce_max3A_467 = vector.extract %reduce_max3A_466[15] : f32 from vector<16xf32>
    %broadcast_in_dim3A_468 = vector.broadcast %reduce_max3A_467 : f32 to vector<16xf32>
    %jit3A_469 = arith.constant 0xFF800000 : f32
    %broadcast_in_dim3A_470 = vector.broadcast %jit3A_469 : f32 to vector<16xf32>
    %select_n3A_471 = arith.select %eq3A_436, %mul3A_32, %broadcast_in_dim3A_470 : vector<16xi1>, vector<16xf32>
    %reduce_max3A_472 = arith.constant true
    %reduce_max3A_473 = vector.broadcast %reduce_max3A_472 : i1 to vector<16xi1>
    %reduce_max3A_474 = tpu.scan <max>, %select_n3A_471 masked %reduce_max3A_473 : vector<16xf32>, vector<16xi1> -> vector<16xf32>
    %reduce_max3A_475 = vector.extract %reduce_max3A_474[15] : f32 from vector<16xf32>
    %broadcast_in_dim3A_476 = vector.broadcast %reduce_max3A_475 : f32 to vector<16xf32>
    %broadcast_in_dim3A_477 = arith.constant -1.000000e+00 : f32
    %broadcast_in_dim3A_478 = vector.broadcast %broadcast_in_dim3A_477 : f32 to vector<16xf32>
    %broadcast_in_dim3A_479 = arith.constant 0 : i32
    %broadcast_in_dim3A_480 = vector.broadcast %broadcast_in_dim3A_479 : i32 to vector<16xi32>
    %scan3A_481 = arith.constant 0 : i32
    %scan3A_482 = arith.constant 79 : i32
    %scan3A_483 = arith.addi %scan3A_481, %scan3A_482 : i32
    %scan3A_484 = arith.constant 1 : i32
    %scan3A_485:2 = scf.for %scan3A_1562 = %scan3A_481 to %scan3A_483 step %scan3A_484 iter_args(%scan3A_1563 = %broadcast_in_dim3A_478, %scan3A_1564 = %broadcast_in_dim3A_480) -> (vector<16xf32>, vector<16xi32>)  : i32 {
      %mul3A_1565 = arith.constant 16 : i32
      %mul3A_1566 = arith.muli %scan3A_1562, %mul3A_1565 : i32
      %add3A_1567 = vector.broadcast %mul3A_1566 : i32 to vector<16xi32>
      %add3A_1568 = arith.addi %add3A_1567, %iota3A : vector<16xi32>
      %gather3A_1569 = tpu.vector_load_idx %arg7[%add3A_1568, %broadcast_in_dim3A_1] : memref<1264x4xf32, #tpu.memory_space<vmem>>[vector<16xi32>, vector<16xi32>], vector<16xf32>,
      %gather3A_1570 = tpu.vector_load_idx %arg7[%add3A_1568, %broadcast_in_dim3A_3] : memref<1264x4xf32, #tpu.memory_space<vmem>>[vector<16xi32>, vector<16xi32>], vector<16xf32>,
      %gather3A_1571 = tpu.vector_load_idx %arg7[%add3A_1568, %broadcast_in_dim3A_5] : memref<1264x4xf32, #tpu.memory_space<vmem>>[vector<16xi32>, vector<16xi32>], vector<16xf32>,
      %gather3A_1572 = tpu.vector_load_idx %arg7[%add3A_1568, %broadcast_in_dim3A_7] : memref<1264x4xf32, #tpu.memory_space<vmem>>[vector<16xi32>, vector<16xi32>], vector<16xf32>,
      %sub3A_1573 = arith.subf %gather3A_1571, %gather3A_1569 : vector<16xf32>
      %sub3A_1574 = arith.subf %gather3A_1572, %gather3A_1570 : vector<16xf32>
      %mul3A_1575 = arith.mulf %sub3A_1573, %sub3A_1574 : vector<16xf32>
      %max3A = arith.maximumf %gather3A_1569, %broadcast_in_dim3A_444 : vector<16xf32>
      %max3A_1576 = arith.maximumf %gather3A_1570, %broadcast_in_dim3A_452 : vector<16xf32>
      %min3A = arith.minimumf %gather3A_1571, %broadcast_in_dim3A_460 : vector<16xf32>
      %min3A_1577 = arith.minimumf %gather3A_1572, %broadcast_in_dim3A_468 : vector<16xf32>
      %sub3A_1578 = arith.subf %min3A, %max3A : vector<16xf32>
      %max3A_1579 = arith.constant 0.000000e+00 : f32
      %max3A_1580 = vector.broadcast %max3A_1579 : f32 to vector<16xf32>
      %max3A_1581 = arith.maximumf %sub3A_1578, %max3A_1580 : vector<16xf32>
      %sub3A_1582 = arith.subf %min3A_1577, %max3A_1576 : vector<16xf32>
      %max3A_1583 = arith.constant 0.000000e+00 : f32
      %max3A_1584 = vector.broadcast %max3A_1583 : f32 to vector<16xf32>
      %max3A_1585 = arith.maximumf %sub3A_1582, %max3A_1584 : vector<16xf32>
      %mul3A_1586 = arith.mulf %max3A_1581, %max3A_1585 : vector<16xf32>
      %add3A_1587 = arith.addf %mul3A_1575, %broadcast_in_dim3A_476 : vector<16xf32>
      %sub3A_1588 = arith.subf %add3A_1587, %mul3A_1586 : vector<16xf32>
      %div3A = arith.divf %mul3A_1586, %sub3A_1588 : vector<16xf32>
      %gt3A = arith.cmpf ogt, %div3A, %scan3A_1563 : vector<16xf32>
      %add3A_1589 = vector.broadcast %mul3A_0 : i32 to vector<16xi32>
      %add3A_1590 = arith.addi %add3A_1589, %add3A_1568 : vector<16xi32>
      %select_n3A_1591 = arith.select %gt3A, %div3A, %scan3A_1563 : vector<16xi1>, vector<16xf32>
      %select_n3A_1592 = arith.select %gt3A, %add3A_1590, %scan3A_1564 : vector<16xi1>, vector<16xi32>
      scf.yield %select_n3A_1591, %select_n3A_1592 : vector<16xf32>, vector<16xi32>
    }
    %scan3A_486 = arith.constant 79 : i32
    %reduce_max3A_487 = arith.constant true
    %reduce_max3A_488 = vector.broadcast %reduce_max3A_487 : i1 to vector<16xi1>
    %reduce_max3A_489 = tpu.scan <max>, %scan3A_485#0 masked %reduce_max3A_488 : vector<16xf32>, vector<16xi1> -> vector<16xf32>
    %reduce_max3A_490 = vector.extract %reduce_max3A_489[15] : f32 from vector<16xf32>
    %eq3A_491 = vector.broadcast %reduce_max3A_490 : f32 to vector<16xf32>
    %eq3A_492 = arith.cmpf oeq, %scan3A_485#0, %eq3A_491 : vector<16xf32>
    %jit3A_493 = arith.constant 1073741824 : i32
    %broadcast_in_dim3A_494 = vector.broadcast %jit3A_493 : i32 to vector<16xi32>
    %select_n3A_495 = arith.select %eq3A_492, %scan3A_485#1, %broadcast_in_dim3A_494 : vector<16xi1>, vector<16xi32>
    %reduce_min3A_496 = arith.constant true
    %reduce_min3A_497 = vector.broadcast %reduce_min3A_496 : i1 to vector<16xi1>
    %reduce_min3A_498 = arith.constant -2147483648 : i32
    %reduce_min3A_499 = vector.broadcast %reduce_min3A_498 : i32 to vector<16xi32>
    %reduce_min3A_500 = arith.xori %select_n3A_495, %reduce_min3A_499 : vector<16xi32>
    %reduce_min3A_501 = tpu.scan <min>, %reduce_min3A_500 masked %reduce_min3A_497 : vector<16xi32>, vector<16xi1> -> vector<16xi32>
    %reduce_min3A_502 = arith.xori %reduce_min3A_501, %reduce_min3A_499 : vector<16xi32>
    %reduce_min3A_503 = vector.extract %reduce_min3A_502[15] : i32 from vector<16xi32>
    %broadcast_in_dim3A_504 = vector.broadcast %reduce_max3A_490 : f32 to vector<16xf32>
    %select_n3A_505 = arith.select %eq3A_436, %broadcast_in_dim3A_504, %select_n3A_431 : vector<16xi1>, vector<16xf32>
    %broadcast_in_dim3A_506 = vector.broadcast %reduce_min3A_503 : i32 to vector<16xi32>
    %select_n3A_507 = arith.select %eq3A_436, %broadcast_in_dim3A_506, %select_n3A_433 : vector<16xi1>, vector<16xi32>
    %eq3A_508 = arith.constant 6 : i32
    %eq3A_509 = vector.broadcast %eq3A_508 : i32 to vector<16xi32>
    %eq3A_510 = arith.cmpi eq, %iota3A, %eq3A_509 : vector<16xi32>
    %jit3A_511 = arith.constant 0xFF800000 : f32
    %broadcast_in_dim3A_512 = vector.broadcast %jit3A_511 : f32 to vector<16xf32>
    %select_n3A_513 = arith.select %eq3A_510, %sub3A, %broadcast_in_dim3A_512 : vector<16xi1>, vector<16xf32>
    %reduce_max3A_514 = arith.constant true
    %reduce_max3A_515 = vector.broadcast %reduce_max3A_514 : i1 to vector<16xi1>
    %reduce_max3A_516 = tpu.scan <max>, %select_n3A_513 masked %reduce_max3A_515 : vector<16xf32>, vector<16xi1> -> vector<16xf32>
    %reduce_max3A_517 = vector.extract %reduce_max3A_516[15] : f32 from vector<16xf32>
    %broadcast_in_dim3A_518 = vector.broadcast %reduce_max3A_517 : f32 to vector<16xf32>
    %jit3A_519 = arith.constant 0xFF800000 : f32
    %broadcast_in_dim3A_520 = vector.broadcast %jit3A_519 : f32 to vector<16xf32>
    %select_n3A_521 = arith.select %eq3A_510, %sub3A_21, %broadcast_in_dim3A_520 : vector<16xi1>, vector<16xf32>
    %reduce_max3A_522 = arith.constant true
    %reduce_max3A_523 = vector.broadcast %reduce_max3A_522 : i1 to vector<16xi1>
    %reduce_max3A_524 = tpu.scan <max>, %select_n3A_521 masked %reduce_max3A_523 : vector<16xf32>, vector<16xi1> -> vector<16xf32>
    %reduce_max3A_525 = vector.extract %reduce_max3A_524[15] : f32 from vector<16xf32>
    %broadcast_in_dim3A_526 = vector.broadcast %reduce_max3A_525 : f32 to vector<16xf32>
    %jit3A_527 = arith.constant 0xFF800000 : f32
    %broadcast_in_dim3A_528 = vector.broadcast %jit3A_527 : f32 to vector<16xf32>
    %select_n3A_529 = arith.select %eq3A_510, %add3A_25, %broadcast_in_dim3A_528 : vector<16xi1>, vector<16xf32>
    %reduce_max3A_530 = arith.constant true
    %reduce_max3A_531 = vector.broadcast %reduce_max3A_530 : i1 to vector<16xi1>
    %reduce_max3A_532 = tpu.scan <max>, %select_n3A_529 masked %reduce_max3A_531 : vector<16xf32>, vector<16xi1> -> vector<16xf32>
    %reduce_max3A_533 = vector.extract %reduce_max3A_532[15] : f32 from vector<16xf32>
    %broadcast_in_dim3A_534 = vector.broadcast %reduce_max3A_533 : f32 to vector<16xf32>
    %jit3A_535 = arith.constant 0xFF800000 : f32
    %broadcast_in_dim3A_536 = vector.broadcast %jit3A_535 : f32 to vector<16xf32>
    %select_n3A_537 = arith.select %eq3A_510, %add3A_29, %broadcast_in_dim3A_536 : vector<16xi1>, vector<16xf32>
    %reduce_max3A_538 = arith.constant true
    %reduce_max3A_539 = vector.broadcast %reduce_max3A_538 : i1 to vector<16xi1>
    %reduce_max3A_540 = tpu.scan <max>, %select_n3A_537 masked %reduce_max3A_539 : vector<16xf32>, vector<16xi1> -> vector<16xf32>
    %reduce_max3A_541 = vector.extract %reduce_max3A_540[15] : f32 from vector<16xf32>
    %broadcast_in_dim3A_542 = vector.broadcast %reduce_max3A_541 : f32 to vector<16xf32>
    %jit3A_543 = arith.constant 0xFF800000 : f32
    %broadcast_in_dim3A_544 = vector.broadcast %jit3A_543 : f32 to vector<16xf32>
    %select_n3A_545 = arith.select %eq3A_510, %mul3A_32, %broadcast_in_dim3A_544 : vector<16xi1>, vector<16xf32>
    %reduce_max3A_546 = arith.constant true
    %reduce_max3A_547 = vector.broadcast %reduce_max3A_546 : i1 to vector<16xi1>
    %reduce_max3A_548 = tpu.scan <max>, %select_n3A_545 masked %reduce_max3A_547 : vector<16xf32>, vector<16xi1> -> vector<16xf32>
    %reduce_max3A_549 = vector.extract %reduce_max3A_548[15] : f32 from vector<16xf32>
    %broadcast_in_dim3A_550 = vector.broadcast %reduce_max3A_549 : f32 to vector<16xf32>
    %broadcast_in_dim3A_551 = arith.constant -1.000000e+00 : f32
    %broadcast_in_dim3A_552 = vector.broadcast %broadcast_in_dim3A_551 : f32 to vector<16xf32>
    %broadcast_in_dim3A_553 = arith.constant 0 : i32
    %broadcast_in_dim3A_554 = vector.broadcast %broadcast_in_dim3A_553 : i32 to vector<16xi32>
    %scan3A_555 = arith.constant 0 : i32
    %scan3A_556 = arith.constant 79 : i32
    %scan3A_557 = arith.addi %scan3A_555, %scan3A_556 : i32
    %scan3A_558 = arith.constant 1 : i32
    %scan3A_559:2 = scf.for %scan3A_1562 = %scan3A_555 to %scan3A_557 step %scan3A_558 iter_args(%scan3A_1563 = %broadcast_in_dim3A_552, %scan3A_1564 = %broadcast_in_dim3A_554) -> (vector<16xf32>, vector<16xi32>)  : i32 {
      %mul3A_1565 = arith.constant 16 : i32
      %mul3A_1566 = arith.muli %scan3A_1562, %mul3A_1565 : i32
      %add3A_1567 = vector.broadcast %mul3A_1566 : i32 to vector<16xi32>
      %add3A_1568 = arith.addi %add3A_1567, %iota3A : vector<16xi32>
      %gather3A_1569 = tpu.vector_load_idx %arg7[%add3A_1568, %broadcast_in_dim3A_1] : memref<1264x4xf32, #tpu.memory_space<vmem>>[vector<16xi32>, vector<16xi32>], vector<16xf32>,
      %gather3A_1570 = tpu.vector_load_idx %arg7[%add3A_1568, %broadcast_in_dim3A_3] : memref<1264x4xf32, #tpu.memory_space<vmem>>[vector<16xi32>, vector<16xi32>], vector<16xf32>,
      %gather3A_1571 = tpu.vector_load_idx %arg7[%add3A_1568, %broadcast_in_dim3A_5] : memref<1264x4xf32, #tpu.memory_space<vmem>>[vector<16xi32>, vector<16xi32>], vector<16xf32>,
      %gather3A_1572 = tpu.vector_load_idx %arg7[%add3A_1568, %broadcast_in_dim3A_7] : memref<1264x4xf32, #tpu.memory_space<vmem>>[vector<16xi32>, vector<16xi32>], vector<16xf32>,
      %sub3A_1573 = arith.subf %gather3A_1571, %gather3A_1569 : vector<16xf32>
      %sub3A_1574 = arith.subf %gather3A_1572, %gather3A_1570 : vector<16xf32>
      %mul3A_1575 = arith.mulf %sub3A_1573, %sub3A_1574 : vector<16xf32>
      %max3A = arith.maximumf %gather3A_1569, %broadcast_in_dim3A_518 : vector<16xf32>
      %max3A_1576 = arith.maximumf %gather3A_1570, %broadcast_in_dim3A_526 : vector<16xf32>
      %min3A = arith.minimumf %gather3A_1571, %broadcast_in_dim3A_534 : vector<16xf32>
      %min3A_1577 = arith.minimumf %gather3A_1572, %broadcast_in_dim3A_542 : vector<16xf32>
      %sub3A_1578 = arith.subf %min3A, %max3A : vector<16xf32>
      %max3A_1579 = arith.constant 0.000000e+00 : f32
      %max3A_1580 = vector.broadcast %max3A_1579 : f32 to vector<16xf32>
      %max3A_1581 = arith.maximumf %sub3A_1578, %max3A_1580 : vector<16xf32>
      %sub3A_1582 = arith.subf %min3A_1577, %max3A_1576 : vector<16xf32>
      %max3A_1583 = arith.constant 0.000000e+00 : f32
      %max3A_1584 = vector.broadcast %max3A_1583 : f32 to vector<16xf32>
      %max3A_1585 = arith.maximumf %sub3A_1582, %max3A_1584 : vector<16xf32>
      %mul3A_1586 = arith.mulf %max3A_1581, %max3A_1585 : vector<16xf32>
      %add3A_1587 = arith.addf %mul3A_1575, %broadcast_in_dim3A_550 : vector<16xf32>
      %sub3A_1588 = arith.subf %add3A_1587, %mul3A_1586 : vector<16xf32>
      %div3A = arith.divf %mul3A_1586, %sub3A_1588 : vector<16xf32>
      %gt3A = arith.cmpf ogt, %div3A, %scan3A_1563 : vector<16xf32>
      %add3A_1589 = vector.broadcast %mul3A_0 : i32 to vector<16xi32>
      %add3A_1590 = arith.addi %add3A_1589, %add3A_1568 : vector<16xi32>
      %select_n3A_1591 = arith.select %gt3A, %div3A, %scan3A_1563 : vector<16xi1>, vector<16xf32>
      %select_n3A_1592 = arith.select %gt3A, %add3A_1590, %scan3A_1564 : vector<16xi1>, vector<16xi32>
      scf.yield %select_n3A_1591, %select_n3A_1592 : vector<16xf32>, vector<16xi32>
    }
    %scan3A_560 = arith.constant 79 : i32
    %reduce_max3A_561 = arith.constant true
    %reduce_max3A_562 = vector.broadcast %reduce_max3A_561 : i1 to vector<16xi1>
    %reduce_max3A_563 = tpu.scan <max>, %scan3A_559#0 masked %reduce_max3A_562 : vector<16xf32>, vector<16xi1> -> vector<16xf32>
    %reduce_max3A_564 = vector.extract %reduce_max3A_563[15] : f32 from vector<16xf32>
    %eq3A_565 = vector.broadcast %reduce_max3A_564 : f32 to vector<16xf32>
    %eq3A_566 = arith.cmpf oeq, %scan3A_559#0, %eq3A_565 : vector<16xf32>
    %jit3A_567 = arith.constant 1073741824 : i32
    %broadcast_in_dim3A_568 = vector.broadcast %jit3A_567 : i32 to vector<16xi32>
    %select_n3A_569 = arith.select %eq3A_566, %scan3A_559#1, %broadcast_in_dim3A_568 : vector<16xi1>, vector<16xi32>
    %reduce_min3A_570 = arith.constant true
    %reduce_min3A_571 = vector.broadcast %reduce_min3A_570 : i1 to vector<16xi1>
    %reduce_min3A_572 = arith.constant -2147483648 : i32
    %reduce_min3A_573 = vector.broadcast %reduce_min3A_572 : i32 to vector<16xi32>
    %reduce_min3A_574 = arith.xori %select_n3A_569, %reduce_min3A_573 : vector<16xi32>
    %reduce_min3A_575 = tpu.scan <min>, %reduce_min3A_574 masked %reduce_min3A_571 : vector<16xi32>, vector<16xi1> -> vector<16xi32>
    %reduce_min3A_576 = arith.xori %reduce_min3A_575, %reduce_min3A_573 : vector<16xi32>
    %reduce_min3A_577 = vector.extract %reduce_min3A_576[15] : i32 from vector<16xi32>
    %broadcast_in_dim3A_578 = vector.broadcast %reduce_max3A_564 : f32 to vector<16xf32>
    %select_n3A_579 = arith.select %eq3A_510, %broadcast_in_dim3A_578, %select_n3A_505 : vector<16xi1>, vector<16xf32>
    %broadcast_in_dim3A_580 = vector.broadcast %reduce_min3A_577 : i32 to vector<16xi32>
    %select_n3A_581 = arith.select %eq3A_510, %broadcast_in_dim3A_580, %select_n3A_507 : vector<16xi1>, vector<16xi32>
    %eq3A_582 = arith.constant 7 : i32
    %eq3A_583 = vector.broadcast %eq3A_582 : i32 to vector<16xi32>
    %eq3A_584 = arith.cmpi eq, %iota3A, %eq3A_583 : vector<16xi32>
    %jit3A_585 = arith.constant 0xFF800000 : f32
    %broadcast_in_dim3A_586 = vector.broadcast %jit3A_585 : f32 to vector<16xf32>
    %select_n3A_587 = arith.select %eq3A_584, %sub3A, %broadcast_in_dim3A_586 : vector<16xi1>, vector<16xf32>
    %reduce_max3A_588 = arith.constant true
    %reduce_max3A_589 = vector.broadcast %reduce_max3A_588 : i1 to vector<16xi1>
    %reduce_max3A_590 = tpu.scan <max>, %select_n3A_587 masked %reduce_max3A_589 : vector<16xf32>, vector<16xi1> -> vector<16xf32>
    %reduce_max3A_591 = vector.extract %reduce_max3A_590[15] : f32 from vector<16xf32>
    %broadcast_in_dim3A_592 = vector.broadcast %reduce_max3A_591 : f32 to vector<16xf32>
    %jit3A_593 = arith.constant 0xFF800000 : f32
    %broadcast_in_dim3A_594 = vector.broadcast %jit3A_593 : f32 to vector<16xf32>
    %select_n3A_595 = arith.select %eq3A_584, %sub3A_21, %broadcast_in_dim3A_594 : vector<16xi1>, vector<16xf32>
    %reduce_max3A_596 = arith.constant true
    %reduce_max3A_597 = vector.broadcast %reduce_max3A_596 : i1 to vector<16xi1>
    %reduce_max3A_598 = tpu.scan <max>, %select_n3A_595 masked %reduce_max3A_597 : vector<16xf32>, vector<16xi1> -> vector<16xf32>
    %reduce_max3A_599 = vector.extract %reduce_max3A_598[15] : f32 from vector<16xf32>
    %broadcast_in_dim3A_600 = vector.broadcast %reduce_max3A_599 : f32 to vector<16xf32>
    %jit3A_601 = arith.constant 0xFF800000 : f32
    %broadcast_in_dim3A_602 = vector.broadcast %jit3A_601 : f32 to vector<16xf32>
    %select_n3A_603 = arith.select %eq3A_584, %add3A_25, %broadcast_in_dim3A_602 : vector<16xi1>, vector<16xf32>
    %reduce_max3A_604 = arith.constant true
    %reduce_max3A_605 = vector.broadcast %reduce_max3A_604 : i1 to vector<16xi1>
    %reduce_max3A_606 = tpu.scan <max>, %select_n3A_603 masked %reduce_max3A_605 : vector<16xf32>, vector<16xi1> -> vector<16xf32>
    %reduce_max3A_607 = vector.extract %reduce_max3A_606[15] : f32 from vector<16xf32>
    %broadcast_in_dim3A_608 = vector.broadcast %reduce_max3A_607 : f32 to vector<16xf32>
    %jit3A_609 = arith.constant 0xFF800000 : f32
    %broadcast_in_dim3A_610 = vector.broadcast %jit3A_609 : f32 to vector<16xf32>
    %select_n3A_611 = arith.select %eq3A_584, %add3A_29, %broadcast_in_dim3A_610 : vector<16xi1>, vector<16xf32>
    %reduce_max3A_612 = arith.constant true
    %reduce_max3A_613 = vector.broadcast %reduce_max3A_612 : i1 to vector<16xi1>
    %reduce_max3A_614 = tpu.scan <max>, %select_n3A_611 masked %reduce_max3A_613 : vector<16xf32>, vector<16xi1> -> vector<16xf32>
    %reduce_max3A_615 = vector.extract %reduce_max3A_614[15] : f32 from vector<16xf32>
    %broadcast_in_dim3A_616 = vector.broadcast %reduce_max3A_615 : f32 to vector<16xf32>
    %jit3A_617 = arith.constant 0xFF800000 : f32
    %broadcast_in_dim3A_618 = vector.broadcast %jit3A_617 : f32 to vector<16xf32>
    %select_n3A_619 = arith.select %eq3A_584, %mul3A_32, %broadcast_in_dim3A_618 : vector<16xi1>, vector<16xf32>
    %reduce_max3A_620 = arith.constant true
    %reduce_max3A_621 = vector.broadcast %reduce_max3A_620 : i1 to vector<16xi1>
    %reduce_max3A_622 = tpu.scan <max>, %select_n3A_619 masked %reduce_max3A_621 : vector<16xf32>, vector<16xi1> -> vector<16xf32>
    %reduce_max3A_623 = vector.extract %reduce_max3A_622[15] : f32 from vector<16xf32>
    %broadcast_in_dim3A_624 = vector.broadcast %reduce_max3A_623 : f32 to vector<16xf32>
    %broadcast_in_dim3A_625 = arith.constant -1.000000e+00 : f32
    %broadcast_in_dim3A_626 = vector.broadcast %broadcast_in_dim3A_625 : f32 to vector<16xf32>
    %broadcast_in_dim3A_627 = arith.constant 0 : i32
    %broadcast_in_dim3A_628 = vector.broadcast %broadcast_in_dim3A_627 : i32 to vector<16xi32>
    %scan3A_629 = arith.constant 0 : i32
    %scan3A_630 = arith.constant 79 : i32
    %scan3A_631 = arith.addi %scan3A_629, %scan3A_630 : i32
    %scan3A_632 = arith.constant 1 : i32
    %scan3A_633:2 = scf.for %scan3A_1562 = %scan3A_629 to %scan3A_631 step %scan3A_632 iter_args(%scan3A_1563 = %broadcast_in_dim3A_626, %scan3A_1564 = %broadcast_in_dim3A_628) -> (vector<16xf32>, vector<16xi32>)  : i32 {
      %mul3A_1565 = arith.constant 16 : i32
      %mul3A_1566 = arith.muli %scan3A_1562, %mul3A_1565 : i32
      %add3A_1567 = vector.broadcast %mul3A_1566 : i32 to vector<16xi32>
      %add3A_1568 = arith.addi %add3A_1567, %iota3A : vector<16xi32>
      %gather3A_1569 = tpu.vector_load_idx %arg7[%add3A_1568, %broadcast_in_dim3A_1] : memref<1264x4xf32, #tpu.memory_space<vmem>>[vector<16xi32>, vector<16xi32>], vector<16xf32>,
      %gather3A_1570 = tpu.vector_load_idx %arg7[%add3A_1568, %broadcast_in_dim3A_3] : memref<1264x4xf32, #tpu.memory_space<vmem>>[vector<16xi32>, vector<16xi32>], vector<16xf32>,
      %gather3A_1571 = tpu.vector_load_idx %arg7[%add3A_1568, %broadcast_in_dim3A_5] : memref<1264x4xf32, #tpu.memory_space<vmem>>[vector<16xi32>, vector<16xi32>], vector<16xf32>,
      %gather3A_1572 = tpu.vector_load_idx %arg7[%add3A_1568, %broadcast_in_dim3A_7] : memref<1264x4xf32, #tpu.memory_space<vmem>>[vector<16xi32>, vector<16xi32>], vector<16xf32>,
      %sub3A_1573 = arith.subf %gather3A_1571, %gather3A_1569 : vector<16xf32>
      %sub3A_1574 = arith.subf %gather3A_1572, %gather3A_1570 : vector<16xf32>
      %mul3A_1575 = arith.mulf %sub3A_1573, %sub3A_1574 : vector<16xf32>
      %max3A = arith.maximumf %gather3A_1569, %broadcast_in_dim3A_592 : vector<16xf32>
      %max3A_1576 = arith.maximumf %gather3A_1570, %broadcast_in_dim3A_600 : vector<16xf32>
      %min3A = arith.minimumf %gather3A_1571, %broadcast_in_dim3A_608 : vector<16xf32>
      %min3A_1577 = arith.minimumf %gather3A_1572, %broadcast_in_dim3A_616 : vector<16xf32>
      %sub3A_1578 = arith.subf %min3A, %max3A : vector<16xf32>
      %max3A_1579 = arith.constant 0.000000e+00 : f32
      %max3A_1580 = vector.broadcast %max3A_1579 : f32 to vector<16xf32>
      %max3A_1581 = arith.maximumf %sub3A_1578, %max3A_1580 : vector<16xf32>
      %sub3A_1582 = arith.subf %min3A_1577, %max3A_1576 : vector<16xf32>
      %max3A_1583 = arith.constant 0.000000e+00 : f32
      %max3A_1584 = vector.broadcast %max3A_1583 : f32 to vector<16xf32>
      %max3A_1585 = arith.maximumf %sub3A_1582, %max3A_1584 : vector<16xf32>
      %mul3A_1586 = arith.mulf %max3A_1581, %max3A_1585 : vector<16xf32>
      %add3A_1587 = arith.addf %mul3A_1575, %broadcast_in_dim3A_624 : vector<16xf32>
      %sub3A_1588 = arith.subf %add3A_1587, %mul3A_1586 : vector<16xf32>
      %div3A = arith.divf %mul3A_1586, %sub3A_1588 : vector<16xf32>
      %gt3A = arith.cmpf ogt, %div3A, %scan3A_1563 : vector<16xf32>
      %add3A_1589 = vector.broadcast %mul3A_0 : i32 to vector<16xi32>
      %add3A_1590 = arith.addi %add3A_1589, %add3A_1568 : vector<16xi32>
      %select_n3A_1591 = arith.select %gt3A, %div3A, %scan3A_1563 : vector<16xi1>, vector<16xf32>
      %select_n3A_1592 = arith.select %gt3A, %add3A_1590, %scan3A_1564 : vector<16xi1>, vector<16xi32>
      scf.yield %select_n3A_1591, %select_n3A_1592 : vector<16xf32>, vector<16xi32>
    }
    %scan3A_634 = arith.constant 79 : i32
    %reduce_max3A_635 = arith.constant true
    %reduce_max3A_636 = vector.broadcast %reduce_max3A_635 : i1 to vector<16xi1>
    %reduce_max3A_637 = tpu.scan <max>, %scan3A_633#0 masked %reduce_max3A_636 : vector<16xf32>, vector<16xi1> -> vector<16xf32>
    %reduce_max3A_638 = vector.extract %reduce_max3A_637[15] : f32 from vector<16xf32>
    %eq3A_639 = vector.broadcast %reduce_max3A_638 : f32 to vector<16xf32>
    %eq3A_640 = arith.cmpf oeq, %scan3A_633#0, %eq3A_639 : vector<16xf32>
    %jit3A_641 = arith.constant 1073741824 : i32
    %broadcast_in_dim3A_642 = vector.broadcast %jit3A_641 : i32 to vector<16xi32>
    %select_n3A_643 = arith.select %eq3A_640, %scan3A_633#1, %broadcast_in_dim3A_642 : vector<16xi1>, vector<16xi32>
    %reduce_min3A_644 = arith.constant true
    %reduce_min3A_645 = vector.broadcast %reduce_min3A_644 : i1 to vector<16xi1>
    %reduce_min3A_646 = arith.constant -2147483648 : i32
    %reduce_min3A_647 = vector.broadcast %reduce_min3A_646 : i32 to vector<16xi32>
    %reduce_min3A_648 = arith.xori %select_n3A_643, %reduce_min3A_647 : vector<16xi32>
    %reduce_min3A_649 = tpu.scan <min>, %reduce_min3A_648 masked %reduce_min3A_645 : vector<16xi32>, vector<16xi1> -> vector<16xi32>
    %reduce_min3A_650 = arith.xori %reduce_min3A_649, %reduce_min3A_647 : vector<16xi32>
    %reduce_min3A_651 = vector.extract %reduce_min3A_650[15] : i32 from vector<16xi32>
    %broadcast_in_dim3A_652 = vector.broadcast %reduce_max3A_638 : f32 to vector<16xf32>
    %select_n3A_653 = arith.select %eq3A_584, %broadcast_in_dim3A_652, %select_n3A_579 : vector<16xi1>, vector<16xf32>
    %broadcast_in_dim3A_654 = vector.broadcast %reduce_min3A_651 : i32 to vector<16xi32>
    %select_n3A_655 = arith.select %eq3A_584, %broadcast_in_dim3A_654, %select_n3A_581 : vector<16xi1>, vector<16xi32>
    %eq3A_656 = arith.constant 8 : i32
    %eq3A_657 = vector.broadcast %eq3A_656 : i32 to vector<16xi32>
    %eq3A_658 = arith.cmpi eq, %iota3A, %eq3A_657 : vector<16xi32>
    %jit3A_659 = arith.constant 0xFF800000 : f32
    %broadcast_in_dim3A_660 = vector.broadcast %jit3A_659 : f32 to vector<16xf32>
    %select_n3A_661 = arith.select %eq3A_658, %sub3A, %broadcast_in_dim3A_660 : vector<16xi1>, vector<16xf32>
    %reduce_max3A_662 = arith.constant true
    %reduce_max3A_663 = vector.broadcast %reduce_max3A_662 : i1 to vector<16xi1>
    %reduce_max3A_664 = tpu.scan <max>, %select_n3A_661 masked %reduce_max3A_663 : vector<16xf32>, vector<16xi1> -> vector<16xf32>
    %reduce_max3A_665 = vector.extract %reduce_max3A_664[15] : f32 from vector<16xf32>
    %broadcast_in_dim3A_666 = vector.broadcast %reduce_max3A_665 : f32 to vector<16xf32>
    %jit3A_667 = arith.constant 0xFF800000 : f32
    %broadcast_in_dim3A_668 = vector.broadcast %jit3A_667 : f32 to vector<16xf32>
    %select_n3A_669 = arith.select %eq3A_658, %sub3A_21, %broadcast_in_dim3A_668 : vector<16xi1>, vector<16xf32>
    %reduce_max3A_670 = arith.constant true
    %reduce_max3A_671 = vector.broadcast %reduce_max3A_670 : i1 to vector<16xi1>
    %reduce_max3A_672 = tpu.scan <max>, %select_n3A_669 masked %reduce_max3A_671 : vector<16xf32>, vector<16xi1> -> vector<16xf32>
    %reduce_max3A_673 = vector.extract %reduce_max3A_672[15] : f32 from vector<16xf32>
    %broadcast_in_dim3A_674 = vector.broadcast %reduce_max3A_673 : f32 to vector<16xf32>
    %jit3A_675 = arith.constant 0xFF800000 : f32
    %broadcast_in_dim3A_676 = vector.broadcast %jit3A_675 : f32 to vector<16xf32>
    %select_n3A_677 = arith.select %eq3A_658, %add3A_25, %broadcast_in_dim3A_676 : vector<16xi1>, vector<16xf32>
    %reduce_max3A_678 = arith.constant true
    %reduce_max3A_679 = vector.broadcast %reduce_max3A_678 : i1 to vector<16xi1>
    %reduce_max3A_680 = tpu.scan <max>, %select_n3A_677 masked %reduce_max3A_679 : vector<16xf32>, vector<16xi1> -> vector<16xf32>
    %reduce_max3A_681 = vector.extract %reduce_max3A_680[15] : f32 from vector<16xf32>
    %broadcast_in_dim3A_682 = vector.broadcast %reduce_max3A_681 : f32 to vector<16xf32>
    %jit3A_683 = arith.constant 0xFF800000 : f32
    %broadcast_in_dim3A_684 = vector.broadcast %jit3A_683 : f32 to vector<16xf32>
    %select_n3A_685 = arith.select %eq3A_658, %add3A_29, %broadcast_in_dim3A_684 : vector<16xi1>, vector<16xf32>
    %reduce_max3A_686 = arith.constant true
    %reduce_max3A_687 = vector.broadcast %reduce_max3A_686 : i1 to vector<16xi1>
    %reduce_max3A_688 = tpu.scan <max>, %select_n3A_685 masked %reduce_max3A_687 : vector<16xf32>, vector<16xi1> -> vector<16xf32>
    %reduce_max3A_689 = vector.extract %reduce_max3A_688[15] : f32 from vector<16xf32>
    %broadcast_in_dim3A_690 = vector.broadcast %reduce_max3A_689 : f32 to vector<16xf32>
    %jit3A_691 = arith.constant 0xFF800000 : f32
    %broadcast_in_dim3A_692 = vector.broadcast %jit3A_691 : f32 to vector<16xf32>
    %select_n3A_693 = arith.select %eq3A_658, %mul3A_32, %broadcast_in_dim3A_692 : vector<16xi1>, vector<16xf32>
    %reduce_max3A_694 = arith.constant true
    %reduce_max3A_695 = vector.broadcast %reduce_max3A_694 : i1 to vector<16xi1>
    %reduce_max3A_696 = tpu.scan <max>, %select_n3A_693 masked %reduce_max3A_695 : vector<16xf32>, vector<16xi1> -> vector<16xf32>
    %reduce_max3A_697 = vector.extract %reduce_max3A_696[15] : f32 from vector<16xf32>
    %broadcast_in_dim3A_698 = vector.broadcast %reduce_max3A_697 : f32 to vector<16xf32>
    %broadcast_in_dim3A_699 = arith.constant -1.000000e+00 : f32
    %broadcast_in_dim3A_700 = vector.broadcast %broadcast_in_dim3A_699 : f32 to vector<16xf32>
    %broadcast_in_dim3A_701 = arith.constant 0 : i32
    %broadcast_in_dim3A_702 = vector.broadcast %broadcast_in_dim3A_701 : i32 to vector<16xi32>
    %scan3A_703 = arith.constant 0 : i32
    %scan3A_704 = arith.constant 79 : i32
    %scan3A_705 = arith.addi %scan3A_703, %scan3A_704 : i32
    %scan3A_706 = arith.constant 1 : i32
    %scan3A_707:2 = scf.for %scan3A_1562 = %scan3A_703 to %scan3A_705 step %scan3A_706 iter_args(%scan3A_1563 = %broadcast_in_dim3A_700, %scan3A_1564 = %broadcast_in_dim3A_702) -> (vector<16xf32>, vector<16xi32>)  : i32 {
      %mul3A_1565 = arith.constant 16 : i32
      %mul3A_1566 = arith.muli %scan3A_1562, %mul3A_1565 : i32
      %add3A_1567 = vector.broadcast %mul3A_1566 : i32 to vector<16xi32>
      %add3A_1568 = arith.addi %add3A_1567, %iota3A : vector<16xi32>
      %gather3A_1569 = tpu.vector_load_idx %arg7[%add3A_1568, %broadcast_in_dim3A_1] : memref<1264x4xf32, #tpu.memory_space<vmem>>[vector<16xi32>, vector<16xi32>], vector<16xf32>,
      %gather3A_1570 = tpu.vector_load_idx %arg7[%add3A_1568, %broadcast_in_dim3A_3] : memref<1264x4xf32, #tpu.memory_space<vmem>>[vector<16xi32>, vector<16xi32>], vector<16xf32>,
      %gather3A_1571 = tpu.vector_load_idx %arg7[%add3A_1568, %broadcast_in_dim3A_5] : memref<1264x4xf32, #tpu.memory_space<vmem>>[vector<16xi32>, vector<16xi32>], vector<16xf32>,
      %gather3A_1572 = tpu.vector_load_idx %arg7[%add3A_1568, %broadcast_in_dim3A_7] : memref<1264x4xf32, #tpu.memory_space<vmem>>[vector<16xi32>, vector<16xi32>], vector<16xf32>,
      %sub3A_1573 = arith.subf %gather3A_1571, %gather3A_1569 : vector<16xf32>
      %sub3A_1574 = arith.subf %gather3A_1572, %gather3A_1570 : vector<16xf32>
      %mul3A_1575 = arith.mulf %sub3A_1573, %sub3A_1574 : vector<16xf32>
      %max3A = arith.maximumf %gather3A_1569, %broadcast_in_dim3A_666 : vector<16xf32>
      %max3A_1576 = arith.maximumf %gather3A_1570, %broadcast_in_dim3A_674 : vector<16xf32>
      %min3A = arith.minimumf %gather3A_1571, %broadcast_in_dim3A_682 : vector<16xf32>
      %min3A_1577 = arith.minimumf %gather3A_1572, %broadcast_in_dim3A_690 : vector<16xf32>
      %sub3A_1578 = arith.subf %min3A, %max3A : vector<16xf32>
      %max3A_1579 = arith.constant 0.000000e+00 : f32
      %max3A_1580 = vector.broadcast %max3A_1579 : f32 to vector<16xf32>
      %max3A_1581 = arith.maximumf %sub3A_1578, %max3A_1580 : vector<16xf32>
      %sub3A_1582 = arith.subf %min3A_1577, %max3A_1576 : vector<16xf32>
      %max3A_1583 = arith.constant 0.000000e+00 : f32
      %max3A_1584 = vector.broadcast %max3A_1583 : f32 to vector<16xf32>
      %max3A_1585 = arith.maximumf %sub3A_1582, %max3A_1584 : vector<16xf32>
      %mul3A_1586 = arith.mulf %max3A_1581, %max3A_1585 : vector<16xf32>
      %add3A_1587 = arith.addf %mul3A_1575, %broadcast_in_dim3A_698 : vector<16xf32>
      %sub3A_1588 = arith.subf %add3A_1587, %mul3A_1586 : vector<16xf32>
      %div3A = arith.divf %mul3A_1586, %sub3A_1588 : vector<16xf32>
      %gt3A = arith.cmpf ogt, %div3A, %scan3A_1563 : vector<16xf32>
      %add3A_1589 = vector.broadcast %mul3A_0 : i32 to vector<16xi32>
      %add3A_1590 = arith.addi %add3A_1589, %add3A_1568 : vector<16xi32>
      %select_n3A_1591 = arith.select %gt3A, %div3A, %scan3A_1563 : vector<16xi1>, vector<16xf32>
      %select_n3A_1592 = arith.select %gt3A, %add3A_1590, %scan3A_1564 : vector<16xi1>, vector<16xi32>
      scf.yield %select_n3A_1591, %select_n3A_1592 : vector<16xf32>, vector<16xi32>
    }
    %scan3A_708 = arith.constant 79 : i32
    %reduce_max3A_709 = arith.constant true
    %reduce_max3A_710 = vector.broadcast %reduce_max3A_709 : i1 to vector<16xi1>
    %reduce_max3A_711 = tpu.scan <max>, %scan3A_707#0 masked %reduce_max3A_710 : vector<16xf32>, vector<16xi1> -> vector<16xf32>
    %reduce_max3A_712 = vector.extract %reduce_max3A_711[15] : f32 from vector<16xf32>
    %eq3A_713 = vector.broadcast %reduce_max3A_712 : f32 to vector<16xf32>
    %eq3A_714 = arith.cmpf oeq, %scan3A_707#0, %eq3A_713 : vector<16xf32>
    %jit3A_715 = arith.constant 1073741824 : i32
    %broadcast_in_dim3A_716 = vector.broadcast %jit3A_715 : i32 to vector<16xi32>
    %select_n3A_717 = arith.select %eq3A_714, %scan3A_707#1, %broadcast_in_dim3A_716 : vector<16xi1>, vector<16xi32>
    %reduce_min3A_718 = arith.constant true
    %reduce_min3A_719 = vector.broadcast %reduce_min3A_718 : i1 to vector<16xi1>
    %reduce_min3A_720 = arith.constant -2147483648 : i32
    %reduce_min3A_721 = vector.broadcast %reduce_min3A_720 : i32 to vector<16xi32>
    %reduce_min3A_722 = arith.xori %select_n3A_717, %reduce_min3A_721 : vector<16xi32>
    %reduce_min3A_723 = tpu.scan <min>, %reduce_min3A_722 masked %reduce_min3A_719 : vector<16xi32>, vector<16xi1> -> vector<16xi32>
    %reduce_min3A_724 = arith.xori %reduce_min3A_723, %reduce_min3A_721 : vector<16xi32>
    %reduce_min3A_725 = vector.extract %reduce_min3A_724[15] : i32 from vector<16xi32>
    %broadcast_in_dim3A_726 = vector.broadcast %reduce_max3A_712 : f32 to vector<16xf32>
    %select_n3A_727 = arith.select %eq3A_658, %broadcast_in_dim3A_726, %select_n3A_653 : vector<16xi1>, vector<16xf32>
    %broadcast_in_dim3A_728 = vector.broadcast %reduce_min3A_725 : i32 to vector<16xi32>
    %select_n3A_729 = arith.select %eq3A_658, %broadcast_in_dim3A_728, %select_n3A_655 : vector<16xi1>, vector<16xi32>
    %eq3A_730 = arith.constant 9 : i32
    %eq3A_731 = vector.broadcast %eq3A_730 : i32 to vector<16xi32>
    %eq3A_732 = arith.cmpi eq, %iota3A, %eq3A_731 : vector<16xi32>
    %jit3A_733 = arith.constant 0xFF800000 : f32
    %broadcast_in_dim3A_734 = vector.broadcast %jit3A_733 : f32 to vector<16xf32>
    %select_n3A_735 = arith.select %eq3A_732, %sub3A, %broadcast_in_dim3A_734 : vector<16xi1>, vector<16xf32>
    %reduce_max3A_736 = arith.constant true
    %reduce_max3A_737 = vector.broadcast %reduce_max3A_736 : i1 to vector<16xi1>
    %reduce_max3A_738 = tpu.scan <max>, %select_n3A_735 masked %reduce_max3A_737 : vector<16xf32>, vector<16xi1> -> vector<16xf32>
    %reduce_max3A_739 = vector.extract %reduce_max3A_738[15] : f32 from vector<16xf32>
    %broadcast_in_dim3A_740 = vector.broadcast %reduce_max3A_739 : f32 to vector<16xf32>
    %jit3A_741 = arith.constant 0xFF800000 : f32
    %broadcast_in_dim3A_742 = vector.broadcast %jit3A_741 : f32 to vector<16xf32>
    %select_n3A_743 = arith.select %eq3A_732, %sub3A_21, %broadcast_in_dim3A_742 : vector<16xi1>, vector<16xf32>
    %reduce_max3A_744 = arith.constant true
    %reduce_max3A_745 = vector.broadcast %reduce_max3A_744 : i1 to vector<16xi1>
    %reduce_max3A_746 = tpu.scan <max>, %select_n3A_743 masked %reduce_max3A_745 : vector<16xf32>, vector<16xi1> -> vector<16xf32>
    %reduce_max3A_747 = vector.extract %reduce_max3A_746[15] : f32 from vector<16xf32>
    %broadcast_in_dim3A_748 = vector.broadcast %reduce_max3A_747 : f32 to vector<16xf32>
    %jit3A_749 = arith.constant 0xFF800000 : f32
    %broadcast_in_dim3A_750 = vector.broadcast %jit3A_749 : f32 to vector<16xf32>
    %select_n3A_751 = arith.select %eq3A_732, %add3A_25, %broadcast_in_dim3A_750 : vector<16xi1>, vector<16xf32>
    %reduce_max3A_752 = arith.constant true
    %reduce_max3A_753 = vector.broadcast %reduce_max3A_752 : i1 to vector<16xi1>
    %reduce_max3A_754 = tpu.scan <max>, %select_n3A_751 masked %reduce_max3A_753 : vector<16xf32>, vector<16xi1> -> vector<16xf32>
    %reduce_max3A_755 = vector.extract %reduce_max3A_754[15] : f32 from vector<16xf32>
    %broadcast_in_dim3A_756 = vector.broadcast %reduce_max3A_755 : f32 to vector<16xf32>
    %jit3A_757 = arith.constant 0xFF800000 : f32
    %broadcast_in_dim3A_758 = vector.broadcast %jit3A_757 : f32 to vector<16xf32>
    %select_n3A_759 = arith.select %eq3A_732, %add3A_29, %broadcast_in_dim3A_758 : vector<16xi1>, vector<16xf32>
    %reduce_max3A_760 = arith.constant true
    %reduce_max3A_761 = vector.broadcast %reduce_max3A_760 : i1 to vector<16xi1>
    %reduce_max3A_762 = tpu.scan <max>, %select_n3A_759 masked %reduce_max3A_761 : vector<16xf32>, vector<16xi1> -> vector<16xf32>
    %reduce_max3A_763 = vector.extract %reduce_max3A_762[15] : f32 from vector<16xf32>
    %broadcast_in_dim3A_764 = vector.broadcast %reduce_max3A_763 : f32 to vector<16xf32>
    %jit3A_765 = arith.constant 0xFF800000 : f32
    %broadcast_in_dim3A_766 = vector.broadcast %jit3A_765 : f32 to vector<16xf32>
    %select_n3A_767 = arith.select %eq3A_732, %mul3A_32, %broadcast_in_dim3A_766 : vector<16xi1>, vector<16xf32>
    %reduce_max3A_768 = arith.constant true
    %reduce_max3A_769 = vector.broadcast %reduce_max3A_768 : i1 to vector<16xi1>
    %reduce_max3A_770 = tpu.scan <max>, %select_n3A_767 masked %reduce_max3A_769 : vector<16xf32>, vector<16xi1> -> vector<16xf32>
    %reduce_max3A_771 = vector.extract %reduce_max3A_770[15] : f32 from vector<16xf32>
    %broadcast_in_dim3A_772 = vector.broadcast %reduce_max3A_771 : f32 to vector<16xf32>
    %broadcast_in_dim3A_773 = arith.constant -1.000000e+00 : f32
    %broadcast_in_dim3A_774 = vector.broadcast %broadcast_in_dim3A_773 : f32 to vector<16xf32>
    %broadcast_in_dim3A_775 = arith.constant 0 : i32
    %broadcast_in_dim3A_776 = vector.broadcast %broadcast_in_dim3A_775 : i32 to vector<16xi32>
    %scan3A_777 = arith.constant 0 : i32
    %scan3A_778 = arith.constant 79 : i32
    %scan3A_779 = arith.addi %scan3A_777, %scan3A_778 : i32
    %scan3A_780 = arith.constant 1 : i32
    %scan3A_781:2 = scf.for %scan3A_1562 = %scan3A_777 to %scan3A_779 step %scan3A_780 iter_args(%scan3A_1563 = %broadcast_in_dim3A_774, %scan3A_1564 = %broadcast_in_dim3A_776) -> (vector<16xf32>, vector<16xi32>)  : i32 {
      %mul3A_1565 = arith.constant 16 : i32
      %mul3A_1566 = arith.muli %scan3A_1562, %mul3A_1565 : i32
      %add3A_1567 = vector.broadcast %mul3A_1566 : i32 to vector<16xi32>
      %add3A_1568 = arith.addi %add3A_1567, %iota3A : vector<16xi32>
      %gather3A_1569 = tpu.vector_load_idx %arg7[%add3A_1568, %broadcast_in_dim3A_1] : memref<1264x4xf32, #tpu.memory_space<vmem>>[vector<16xi32>, vector<16xi32>], vector<16xf32>,
      %gather3A_1570 = tpu.vector_load_idx %arg7[%add3A_1568, %broadcast_in_dim3A_3] : memref<1264x4xf32, #tpu.memory_space<vmem>>[vector<16xi32>, vector<16xi32>], vector<16xf32>,
      %gather3A_1571 = tpu.vector_load_idx %arg7[%add3A_1568, %broadcast_in_dim3A_5] : memref<1264x4xf32, #tpu.memory_space<vmem>>[vector<16xi32>, vector<16xi32>], vector<16xf32>,
      %gather3A_1572 = tpu.vector_load_idx %arg7[%add3A_1568, %broadcast_in_dim3A_7] : memref<1264x4xf32, #tpu.memory_space<vmem>>[vector<16xi32>, vector<16xi32>], vector<16xf32>,
      %sub3A_1573 = arith.subf %gather3A_1571, %gather3A_1569 : vector<16xf32>
      %sub3A_1574 = arith.subf %gather3A_1572, %gather3A_1570 : vector<16xf32>
      %mul3A_1575 = arith.mulf %sub3A_1573, %sub3A_1574 : vector<16xf32>
      %max3A = arith.maximumf %gather3A_1569, %broadcast_in_dim3A_740 : vector<16xf32>
      %max3A_1576 = arith.maximumf %gather3A_1570, %broadcast_in_dim3A_748 : vector<16xf32>
      %min3A = arith.minimumf %gather3A_1571, %broadcast_in_dim3A_756 : vector<16xf32>
      %min3A_1577 = arith.minimumf %gather3A_1572, %broadcast_in_dim3A_764 : vector<16xf32>
      %sub3A_1578 = arith.subf %min3A, %max3A : vector<16xf32>
      %max3A_1579 = arith.constant 0.000000e+00 : f32
      %max3A_1580 = vector.broadcast %max3A_1579 : f32 to vector<16xf32>
      %max3A_1581 = arith.maximumf %sub3A_1578, %max3A_1580 : vector<16xf32>
      %sub3A_1582 = arith.subf %min3A_1577, %max3A_1576 : vector<16xf32>
      %max3A_1583 = arith.constant 0.000000e+00 : f32
      %max3A_1584 = vector.broadcast %max3A_1583 : f32 to vector<16xf32>
      %max3A_1585 = arith.maximumf %sub3A_1582, %max3A_1584 : vector<16xf32>
      %mul3A_1586 = arith.mulf %max3A_1581, %max3A_1585 : vector<16xf32>
      %add3A_1587 = arith.addf %mul3A_1575, %broadcast_in_dim3A_772 : vector<16xf32>
      %sub3A_1588 = arith.subf %add3A_1587, %mul3A_1586 : vector<16xf32>
      %div3A = arith.divf %mul3A_1586, %sub3A_1588 : vector<16xf32>
      %gt3A = arith.cmpf ogt, %div3A, %scan3A_1563 : vector<16xf32>
      %add3A_1589 = vector.broadcast %mul3A_0 : i32 to vector<16xi32>
      %add3A_1590 = arith.addi %add3A_1589, %add3A_1568 : vector<16xi32>
      %select_n3A_1591 = arith.select %gt3A, %div3A, %scan3A_1563 : vector<16xi1>, vector<16xf32>
      %select_n3A_1592 = arith.select %gt3A, %add3A_1590, %scan3A_1564 : vector<16xi1>, vector<16xi32>
      scf.yield %select_n3A_1591, %select_n3A_1592 : vector<16xf32>, vector<16xi32>
    }
    %scan3A_782 = arith.constant 79 : i32
    %reduce_max3A_783 = arith.constant true
    %reduce_max3A_784 = vector.broadcast %reduce_max3A_783 : i1 to vector<16xi1>
    %reduce_max3A_785 = tpu.scan <max>, %scan3A_781#0 masked %reduce_max3A_784 : vector<16xf32>, vector<16xi1> -> vector<16xf32>
    %reduce_max3A_786 = vector.extract %reduce_max3A_785[15] : f32 from vector<16xf32>
    %eq3A_787 = vector.broadcast %reduce_max3A_786 : f32 to vector<16xf32>
    %eq3A_788 = arith.cmpf oeq, %scan3A_781#0, %eq3A_787 : vector<16xf32>
    %jit3A_789 = arith.constant 1073741824 : i32
    %broadcast_in_dim3A_790 = vector.broadcast %jit3A_789 : i32 to vector<16xi32>
    %select_n3A_791 = arith.select %eq3A_788, %scan3A_781#1, %broadcast_in_dim3A_790 : vector<16xi1>, vector<16xi32>
    %reduce_min3A_792 = arith.constant true
    %reduce_min3A_793 = vector.broadcast %reduce_min3A_792 : i1 to vector<16xi1>
    %reduce_min3A_794 = arith.constant -2147483648 : i32
    %reduce_min3A_795 = vector.broadcast %reduce_min3A_794 : i32 to vector<16xi32>
    %reduce_min3A_796 = arith.xori %select_n3A_791, %reduce_min3A_795 : vector<16xi32>
    %reduce_min3A_797 = tpu.scan <min>, %reduce_min3A_796 masked %reduce_min3A_793 : vector<16xi32>, vector<16xi1> -> vector<16xi32>
    %reduce_min3A_798 = arith.xori %reduce_min3A_797, %reduce_min3A_795 : vector<16xi32>
    %reduce_min3A_799 = vector.extract %reduce_min3A_798[15] : i32 from vector<16xi32>
    %broadcast_in_dim3A_800 = vector.broadcast %reduce_max3A_786 : f32 to vector<16xf32>
    %select_n3A_801 = arith.select %eq3A_732, %broadcast_in_dim3A_800, %select_n3A_727 : vector<16xi1>, vector<16xf32>
    %broadcast_in_dim3A_802 = vector.broadcast %reduce_min3A_799 : i32 to vector<16xi32>
    %select_n3A_803 = arith.select %eq3A_732, %broadcast_in_dim3A_802, %select_n3A_729 : vector<16xi1>, vector<16xi32>
    %eq3A_804 = arith.constant 10 : i32
    %eq3A_805 = vector.broadcast %eq3A_804 : i32 to vector<16xi32>
    %eq3A_806 = arith.cmpi eq, %iota3A, %eq3A_805 : vector<16xi32>
    %jit3A_807 = arith.constant 0xFF800000 : f32
    %broadcast_in_dim3A_808 = vector.broadcast %jit3A_807 : f32 to vector<16xf32>
    %select_n3A_809 = arith.select %eq3A_806, %sub3A, %broadcast_in_dim3A_808 : vector<16xi1>, vector<16xf32>
    %reduce_max3A_810 = arith.constant true
    %reduce_max3A_811 = vector.broadcast %reduce_max3A_810 : i1 to vector<16xi1>
    %reduce_max3A_812 = tpu.scan <max>, %select_n3A_809 masked %reduce_max3A_811 : vector<16xf32>, vector<16xi1> -> vector<16xf32>
    %reduce_max3A_813 = vector.extract %reduce_max3A_812[15] : f32 from vector<16xf32>
    %broadcast_in_dim3A_814 = vector.broadcast %reduce_max3A_813 : f32 to vector<16xf32>
    %jit3A_815 = arith.constant 0xFF800000 : f32
    %broadcast_in_dim3A_816 = vector.broadcast %jit3A_815 : f32 to vector<16xf32>
    %select_n3A_817 = arith.select %eq3A_806, %sub3A_21, %broadcast_in_dim3A_816 : vector<16xi1>, vector<16xf32>
    %reduce_max3A_818 = arith.constant true
    %reduce_max3A_819 = vector.broadcast %reduce_max3A_818 : i1 to vector<16xi1>
    %reduce_max3A_820 = tpu.scan <max>, %select_n3A_817 masked %reduce_max3A_819 : vector<16xf32>, vector<16xi1> -> vector<16xf32>
    %reduce_max3A_821 = vector.extract %reduce_max3A_820[15] : f32 from vector<16xf32>
    %broadcast_in_dim3A_822 = vector.broadcast %reduce_max3A_821 : f32 to vector<16xf32>
    %jit3A_823 = arith.constant 0xFF800000 : f32
    %broadcast_in_dim3A_824 = vector.broadcast %jit3A_823 : f32 to vector<16xf32>
    %select_n3A_825 = arith.select %eq3A_806, %add3A_25, %broadcast_in_dim3A_824 : vector<16xi1>, vector<16xf32>
    %reduce_max3A_826 = arith.constant true
    %reduce_max3A_827 = vector.broadcast %reduce_max3A_826 : i1 to vector<16xi1>
    %reduce_max3A_828 = tpu.scan <max>, %select_n3A_825 masked %reduce_max3A_827 : vector<16xf32>, vector<16xi1> -> vector<16xf32>
    %reduce_max3A_829 = vector.extract %reduce_max3A_828[15] : f32 from vector<16xf32>
    %broadcast_in_dim3A_830 = vector.broadcast %reduce_max3A_829 : f32 to vector<16xf32>
    %jit3A_831 = arith.constant 0xFF800000 : f32
    %broadcast_in_dim3A_832 = vector.broadcast %jit3A_831 : f32 to vector<16xf32>
    %select_n3A_833 = arith.select %eq3A_806, %add3A_29, %broadcast_in_dim3A_832 : vector<16xi1>, vector<16xf32>
    %reduce_max3A_834 = arith.constant true
    %reduce_max3A_835 = vector.broadcast %reduce_max3A_834 : i1 to vector<16xi1>
    %reduce_max3A_836 = tpu.scan <max>, %select_n3A_833 masked %reduce_max3A_835 : vector<16xf32>, vector<16xi1> -> vector<16xf32>
    %reduce_max3A_837 = vector.extract %reduce_max3A_836[15] : f32 from vector<16xf32>
    %broadcast_in_dim3A_838 = vector.broadcast %reduce_max3A_837 : f32 to vector<16xf32>
    %jit3A_839 = arith.constant 0xFF800000 : f32
    %broadcast_in_dim3A_840 = vector.broadcast %jit3A_839 : f32 to vector<16xf32>
    %select_n3A_841 = arith.select %eq3A_806, %mul3A_32, %broadcast_in_dim3A_840 : vector<16xi1>, vector<16xf32>
    %reduce_max3A_842 = arith.constant true
    %reduce_max3A_843 = vector.broadcast %reduce_max3A_842 : i1 to vector<16xi1>
    %reduce_max3A_844 = tpu.scan <max>, %select_n3A_841 masked %reduce_max3A_843 : vector<16xf32>, vector<16xi1> -> vector<16xf32>
    %reduce_max3A_845 = vector.extract %reduce_max3A_844[15] : f32 from vector<16xf32>
    %broadcast_in_dim3A_846 = vector.broadcast %reduce_max3A_845 : f32 to vector<16xf32>
    %broadcast_in_dim3A_847 = arith.constant -1.000000e+00 : f32
    %broadcast_in_dim3A_848 = vector.broadcast %broadcast_in_dim3A_847 : f32 to vector<16xf32>
    %broadcast_in_dim3A_849 = arith.constant 0 : i32
    %broadcast_in_dim3A_850 = vector.broadcast %broadcast_in_dim3A_849 : i32 to vector<16xi32>
    %scan3A_851 = arith.constant 0 : i32
    %scan3A_852 = arith.constant 79 : i32
    %scan3A_853 = arith.addi %scan3A_851, %scan3A_852 : i32
    %scan3A_854 = arith.constant 1 : i32
    %scan3A_855:2 = scf.for %scan3A_1562 = %scan3A_851 to %scan3A_853 step %scan3A_854 iter_args(%scan3A_1563 = %broadcast_in_dim3A_848, %scan3A_1564 = %broadcast_in_dim3A_850) -> (vector<16xf32>, vector<16xi32>)  : i32 {
      %mul3A_1565 = arith.constant 16 : i32
      %mul3A_1566 = arith.muli %scan3A_1562, %mul3A_1565 : i32
      %add3A_1567 = vector.broadcast %mul3A_1566 : i32 to vector<16xi32>
      %add3A_1568 = arith.addi %add3A_1567, %iota3A : vector<16xi32>
      %gather3A_1569 = tpu.vector_load_idx %arg7[%add3A_1568, %broadcast_in_dim3A_1] : memref<1264x4xf32, #tpu.memory_space<vmem>>[vector<16xi32>, vector<16xi32>], vector<16xf32>,
      %gather3A_1570 = tpu.vector_load_idx %arg7[%add3A_1568, %broadcast_in_dim3A_3] : memref<1264x4xf32, #tpu.memory_space<vmem>>[vector<16xi32>, vector<16xi32>], vector<16xf32>,
      %gather3A_1571 = tpu.vector_load_idx %arg7[%add3A_1568, %broadcast_in_dim3A_5] : memref<1264x4xf32, #tpu.memory_space<vmem>>[vector<16xi32>, vector<16xi32>], vector<16xf32>,
      %gather3A_1572 = tpu.vector_load_idx %arg7[%add3A_1568, %broadcast_in_dim3A_7] : memref<1264x4xf32, #tpu.memory_space<vmem>>[vector<16xi32>, vector<16xi32>], vector<16xf32>,
      %sub3A_1573 = arith.subf %gather3A_1571, %gather3A_1569 : vector<16xf32>
      %sub3A_1574 = arith.subf %gather3A_1572, %gather3A_1570 : vector<16xf32>
      %mul3A_1575 = arith.mulf %sub3A_1573, %sub3A_1574 : vector<16xf32>
      %max3A = arith.maximumf %gather3A_1569, %broadcast_in_dim3A_814 : vector<16xf32>
      %max3A_1576 = arith.maximumf %gather3A_1570, %broadcast_in_dim3A_822 : vector<16xf32>
      %min3A = arith.minimumf %gather3A_1571, %broadcast_in_dim3A_830 : vector<16xf32>
      %min3A_1577 = arith.minimumf %gather3A_1572, %broadcast_in_dim3A_838 : vector<16xf32>
      %sub3A_1578 = arith.subf %min3A, %max3A : vector<16xf32>
      %max3A_1579 = arith.constant 0.000000e+00 : f32
      %max3A_1580 = vector.broadcast %max3A_1579 : f32 to vector<16xf32>
      %max3A_1581 = arith.maximumf %sub3A_1578, %max3A_1580 : vector<16xf32>
      %sub3A_1582 = arith.subf %min3A_1577, %max3A_1576 : vector<16xf32>
      %max3A_1583 = arith.constant 0.000000e+00 : f32
      %max3A_1584 = vector.broadcast %max3A_1583 : f32 to vector<16xf32>
      %max3A_1585 = arith.maximumf %sub3A_1582, %max3A_1584 : vector<16xf32>
      %mul3A_1586 = arith.mulf %max3A_1581, %max3A_1585 : vector<16xf32>
      %add3A_1587 = arith.addf %mul3A_1575, %broadcast_in_dim3A_846 : vector<16xf32>
      %sub3A_1588 = arith.subf %add3A_1587, %mul3A_1586 : vector<16xf32>
      %div3A = arith.divf %mul3A_1586, %sub3A_1588 : vector<16xf32>
      %gt3A = arith.cmpf ogt, %div3A, %scan3A_1563 : vector<16xf32>
      %add3A_1589 = vector.broadcast %mul3A_0 : i32 to vector<16xi32>
      %add3A_1590 = arith.addi %add3A_1589, %add3A_1568 : vector<16xi32>
      %select_n3A_1591 = arith.select %gt3A, %div3A, %scan3A_1563 : vector<16xi1>, vector<16xf32>
      %select_n3A_1592 = arith.select %gt3A, %add3A_1590, %scan3A_1564 : vector<16xi1>, vector<16xi32>
      scf.yield %select_n3A_1591, %select_n3A_1592 : vector<16xf32>, vector<16xi32>
    }
    %scan3A_856 = arith.constant 79 : i32
    %reduce_max3A_857 = arith.constant true
    %reduce_max3A_858 = vector.broadcast %reduce_max3A_857 : i1 to vector<16xi1>
    %reduce_max3A_859 = tpu.scan <max>, %scan3A_855#0 masked %reduce_max3A_858 : vector<16xf32>, vector<16xi1> -> vector<16xf32>
    %reduce_max3A_860 = vector.extract %reduce_max3A_859[15] : f32 from vector<16xf32>
    %eq3A_861 = vector.broadcast %reduce_max3A_860 : f32 to vector<16xf32>
    %eq3A_862 = arith.cmpf oeq, %scan3A_855#0, %eq3A_861 : vector<16xf32>
    %jit3A_863 = arith.constant 1073741824 : i32
    %broadcast_in_dim3A_864 = vector.broadcast %jit3A_863 : i32 to vector<16xi32>
    %select_n3A_865 = arith.select %eq3A_862, %scan3A_855#1, %broadcast_in_dim3A_864 : vector<16xi1>, vector<16xi32>
    %reduce_min3A_866 = arith.constant true
    %reduce_min3A_867 = vector.broadcast %reduce_min3A_866 : i1 to vector<16xi1>
    %reduce_min3A_868 = arith.constant -2147483648 : i32
    %reduce_min3A_869 = vector.broadcast %reduce_min3A_868 : i32 to vector<16xi32>
    %reduce_min3A_870 = arith.xori %select_n3A_865, %reduce_min3A_869 : vector<16xi32>
    %reduce_min3A_871 = tpu.scan <min>, %reduce_min3A_870 masked %reduce_min3A_867 : vector<16xi32>, vector<16xi1> -> vector<16xi32>
    %reduce_min3A_872 = arith.xori %reduce_min3A_871, %reduce_min3A_869 : vector<16xi32>
    %reduce_min3A_873 = vector.extract %reduce_min3A_872[15] : i32 from vector<16xi32>
    %broadcast_in_dim3A_874 = vector.broadcast %reduce_max3A_860 : f32 to vector<16xf32>
    %select_n3A_875 = arith.select %eq3A_806, %broadcast_in_dim3A_874, %select_n3A_801 : vector<16xi1>, vector<16xf32>
    %broadcast_in_dim3A_876 = vector.broadcast %reduce_min3A_873 : i32 to vector<16xi32>
    %select_n3A_877 = arith.select %eq3A_806, %broadcast_in_dim3A_876, %select_n3A_803 : vector<16xi1>, vector<16xi32>
    %eq3A_878 = arith.constant 11 : i32
    %eq3A_879 = vector.broadcast %eq3A_878 : i32 to vector<16xi32>
    %eq3A_880 = arith.cmpi eq, %iota3A, %eq3A_879 : vector<16xi32>
    %jit3A_881 = arith.constant 0xFF800000 : f32
    %broadcast_in_dim3A_882 = vector.broadcast %jit3A_881 : f32 to vector<16xf32>
    %select_n3A_883 = arith.select %eq3A_880, %sub3A, %broadcast_in_dim3A_882 : vector<16xi1>, vector<16xf32>
    %reduce_max3A_884 = arith.constant true
    %reduce_max3A_885 = vector.broadcast %reduce_max3A_884 : i1 to vector<16xi1>
    %reduce_max3A_886 = tpu.scan <max>, %select_n3A_883 masked %reduce_max3A_885 : vector<16xf32>, vector<16xi1> -> vector<16xf32>
    %reduce_max3A_887 = vector.extract %reduce_max3A_886[15] : f32 from vector<16xf32>
    %broadcast_in_dim3A_888 = vector.broadcast %reduce_max3A_887 : f32 to vector<16xf32>
    %jit3A_889 = arith.constant 0xFF800000 : f32
    %broadcast_in_dim3A_890 = vector.broadcast %jit3A_889 : f32 to vector<16xf32>
    %select_n3A_891 = arith.select %eq3A_880, %sub3A_21, %broadcast_in_dim3A_890 : vector<16xi1>, vector<16xf32>
    %reduce_max3A_892 = arith.constant true
    %reduce_max3A_893 = vector.broadcast %reduce_max3A_892 : i1 to vector<16xi1>
    %reduce_max3A_894 = tpu.scan <max>, %select_n3A_891 masked %reduce_max3A_893 : vector<16xf32>, vector<16xi1> -> vector<16xf32>
    %reduce_max3A_895 = vector.extract %reduce_max3A_894[15] : f32 from vector<16xf32>
    %broadcast_in_dim3A_896 = vector.broadcast %reduce_max3A_895 : f32 to vector<16xf32>
    %jit3A_897 = arith.constant 0xFF800000 : f32
    %broadcast_in_dim3A_898 = vector.broadcast %jit3A_897 : f32 to vector<16xf32>
    %select_n3A_899 = arith.select %eq3A_880, %add3A_25, %broadcast_in_dim3A_898 : vector<16xi1>, vector<16xf32>
    %reduce_max3A_900 = arith.constant true
    %reduce_max3A_901 = vector.broadcast %reduce_max3A_900 : i1 to vector<16xi1>
    %reduce_max3A_902 = tpu.scan <max>, %select_n3A_899 masked %reduce_max3A_901 : vector<16xf32>, vector<16xi1> -> vector<16xf32>
    %reduce_max3A_903 = vector.extract %reduce_max3A_902[15] : f32 from vector<16xf32>
    %broadcast_in_dim3A_904 = vector.broadcast %reduce_max3A_903 : f32 to vector<16xf32>
    %jit3A_905 = arith.constant 0xFF800000 : f32
    %broadcast_in_dim3A_906 = vector.broadcast %jit3A_905 : f32 to vector<16xf32>
    %select_n3A_907 = arith.select %eq3A_880, %add3A_29, %broadcast_in_dim3A_906 : vector<16xi1>, vector<16xf32>
    %reduce_max3A_908 = arith.constant true
    %reduce_max3A_909 = vector.broadcast %reduce_max3A_908 : i1 to vector<16xi1>
    %reduce_max3A_910 = tpu.scan <max>, %select_n3A_907 masked %reduce_max3A_909 : vector<16xf32>, vector<16xi1> -> vector<16xf32>
    %reduce_max3A_911 = vector.extract %reduce_max3A_910[15] : f32 from vector<16xf32>
    %broadcast_in_dim3A_912 = vector.broadcast %reduce_max3A_911 : f32 to vector<16xf32>
    %jit3A_913 = arith.constant 0xFF800000 : f32
    %broadcast_in_dim3A_914 = vector.broadcast %jit3A_913 : f32 to vector<16xf32>
    %select_n3A_915 = arith.select %eq3A_880, %mul3A_32, %broadcast_in_dim3A_914 : vector<16xi1>, vector<16xf32>
    %reduce_max3A_916 = arith.constant true
    %reduce_max3A_917 = vector.broadcast %reduce_max3A_916 : i1 to vector<16xi1>
    %reduce_max3A_918 = tpu.scan <max>, %select_n3A_915 masked %reduce_max3A_917 : vector<16xf32>, vector<16xi1> -> vector<16xf32>
    %reduce_max3A_919 = vector.extract %reduce_max3A_918[15] : f32 from vector<16xf32>
    %broadcast_in_dim3A_920 = vector.broadcast %reduce_max3A_919 : f32 to vector<16xf32>
    %broadcast_in_dim3A_921 = arith.constant -1.000000e+00 : f32
    %broadcast_in_dim3A_922 = vector.broadcast %broadcast_in_dim3A_921 : f32 to vector<16xf32>
    %broadcast_in_dim3A_923 = arith.constant 0 : i32
    %broadcast_in_dim3A_924 = vector.broadcast %broadcast_in_dim3A_923 : i32 to vector<16xi32>
    %scan3A_925 = arith.constant 0 : i32
    %scan3A_926 = arith.constant 79 : i32
    %scan3A_927 = arith.addi %scan3A_925, %scan3A_926 : i32
    %scan3A_928 = arith.constant 1 : i32
    %scan3A_929:2 = scf.for %scan3A_1562 = %scan3A_925 to %scan3A_927 step %scan3A_928 iter_args(%scan3A_1563 = %broadcast_in_dim3A_922, %scan3A_1564 = %broadcast_in_dim3A_924) -> (vector<16xf32>, vector<16xi32>)  : i32 {
      %mul3A_1565 = arith.constant 16 : i32
      %mul3A_1566 = arith.muli %scan3A_1562, %mul3A_1565 : i32
      %add3A_1567 = vector.broadcast %mul3A_1566 : i32 to vector<16xi32>
      %add3A_1568 = arith.addi %add3A_1567, %iota3A : vector<16xi32>
      %gather3A_1569 = tpu.vector_load_idx %arg7[%add3A_1568, %broadcast_in_dim3A_1] : memref<1264x4xf32, #tpu.memory_space<vmem>>[vector<16xi32>, vector<16xi32>], vector<16xf32>,
      %gather3A_1570 = tpu.vector_load_idx %arg7[%add3A_1568, %broadcast_in_dim3A_3] : memref<1264x4xf32, #tpu.memory_space<vmem>>[vector<16xi32>, vector<16xi32>], vector<16xf32>,
      %gather3A_1571 = tpu.vector_load_idx %arg7[%add3A_1568, %broadcast_in_dim3A_5] : memref<1264x4xf32, #tpu.memory_space<vmem>>[vector<16xi32>, vector<16xi32>], vector<16xf32>,
      %gather3A_1572 = tpu.vector_load_idx %arg7[%add3A_1568, %broadcast_in_dim3A_7] : memref<1264x4xf32, #tpu.memory_space<vmem>>[vector<16xi32>, vector<16xi32>], vector<16xf32>,
      %sub3A_1573 = arith.subf %gather3A_1571, %gather3A_1569 : vector<16xf32>
      %sub3A_1574 = arith.subf %gather3A_1572, %gather3A_1570 : vector<16xf32>
      %mul3A_1575 = arith.mulf %sub3A_1573, %sub3A_1574 : vector<16xf32>
      %max3A = arith.maximumf %gather3A_1569, %broadcast_in_dim3A_888 : vector<16xf32>
      %max3A_1576 = arith.maximumf %gather3A_1570, %broadcast_in_dim3A_896 : vector<16xf32>
      %min3A = arith.minimumf %gather3A_1571, %broadcast_in_dim3A_904 : vector<16xf32>
      %min3A_1577 = arith.minimumf %gather3A_1572, %broadcast_in_dim3A_912 : vector<16xf32>
      %sub3A_1578 = arith.subf %min3A, %max3A : vector<16xf32>
      %max3A_1579 = arith.constant 0.000000e+00 : f32
      %max3A_1580 = vector.broadcast %max3A_1579 : f32 to vector<16xf32>
      %max3A_1581 = arith.maximumf %sub3A_1578, %max3A_1580 : vector<16xf32>
      %sub3A_1582 = arith.subf %min3A_1577, %max3A_1576 : vector<16xf32>
      %max3A_1583 = arith.constant 0.000000e+00 : f32
      %max3A_1584 = vector.broadcast %max3A_1583 : f32 to vector<16xf32>
      %max3A_1585 = arith.maximumf %sub3A_1582, %max3A_1584 : vector<16xf32>
      %mul3A_1586 = arith.mulf %max3A_1581, %max3A_1585 : vector<16xf32>
      %add3A_1587 = arith.addf %mul3A_1575, %broadcast_in_dim3A_920 : vector<16xf32>
      %sub3A_1588 = arith.subf %add3A_1587, %mul3A_1586 : vector<16xf32>
      %div3A = arith.divf %mul3A_1586, %sub3A_1588 : vector<16xf32>
      %gt3A = arith.cmpf ogt, %div3A, %scan3A_1563 : vector<16xf32>
      %add3A_1589 = vector.broadcast %mul3A_0 : i32 to vector<16xi32>
      %add3A_1590 = arith.addi %add3A_1589, %add3A_1568 : vector<16xi32>
      %select_n3A_1591 = arith.select %gt3A, %div3A, %scan3A_1563 : vector<16xi1>, vector<16xf32>
      %select_n3A_1592 = arith.select %gt3A, %add3A_1590, %scan3A_1564 : vector<16xi1>, vector<16xi32>
      scf.yield %select_n3A_1591, %select_n3A_1592 : vector<16xf32>, vector<16xi32>
    }
    %scan3A_930 = arith.constant 79 : i32
    %reduce_max3A_931 = arith.constant true
    %reduce_max3A_932 = vector.broadcast %reduce_max3A_931 : i1 to vector<16xi1>
    %reduce_max3A_933 = tpu.scan <max>, %scan3A_929#0 masked %reduce_max3A_932 : vector<16xf32>, vector<16xi1> -> vector<16xf32>
    %reduce_max3A_934 = vector.extract %reduce_max3A_933[15] : f32 from vector<16xf32>
    %eq3A_935 = vector.broadcast %reduce_max3A_934 : f32 to vector<16xf32>
    %eq3A_936 = arith.cmpf oeq, %scan3A_929#0, %eq3A_935 : vector<16xf32>
    %jit3A_937 = arith.constant 1073741824 : i32
    %broadcast_in_dim3A_938 = vector.broadcast %jit3A_937 : i32 to vector<16xi32>
    %select_n3A_939 = arith.select %eq3A_936, %scan3A_929#1, %broadcast_in_dim3A_938 : vector<16xi1>, vector<16xi32>
    %reduce_min3A_940 = arith.constant true
    %reduce_min3A_941 = vector.broadcast %reduce_min3A_940 : i1 to vector<16xi1>
    %reduce_min3A_942 = arith.constant -2147483648 : i32
    %reduce_min3A_943 = vector.broadcast %reduce_min3A_942 : i32 to vector<16xi32>
    %reduce_min3A_944 = arith.xori %select_n3A_939, %reduce_min3A_943 : vector<16xi32>
    %reduce_min3A_945 = tpu.scan <min>, %reduce_min3A_944 masked %reduce_min3A_941 : vector<16xi32>, vector<16xi1> -> vector<16xi32>
    %reduce_min3A_946 = arith.xori %reduce_min3A_945, %reduce_min3A_943 : vector<16xi32>
    %reduce_min3A_947 = vector.extract %reduce_min3A_946[15] : i32 from vector<16xi32>
    %broadcast_in_dim3A_948 = vector.broadcast %reduce_max3A_934 : f32 to vector<16xf32>
    %select_n3A_949 = arith.select %eq3A_880, %broadcast_in_dim3A_948, %select_n3A_875 : vector<16xi1>, vector<16xf32>
    %broadcast_in_dim3A_950 = vector.broadcast %reduce_min3A_947 : i32 to vector<16xi32>
    %select_n3A_951 = arith.select %eq3A_880, %broadcast_in_dim3A_950, %select_n3A_877 : vector<16xi1>, vector<16xi32>
    %eq3A_952 = arith.constant 12 : i32
    %eq3A_953 = vector.broadcast %eq3A_952 : i32 to vector<16xi32>
    %eq3A_954 = arith.cmpi eq, %iota3A, %eq3A_953 : vector<16xi32>
    %jit3A_955 = arith.constant 0xFF800000 : f32
    %broadcast_in_dim3A_956 = vector.broadcast %jit3A_955 : f32 to vector<16xf32>
    %select_n3A_957 = arith.select %eq3A_954, %sub3A, %broadcast_in_dim3A_956 : vector<16xi1>, vector<16xf32>
    %reduce_max3A_958 = arith.constant true
    %reduce_max3A_959 = vector.broadcast %reduce_max3A_958 : i1 to vector<16xi1>
    %reduce_max3A_960 = tpu.scan <max>, %select_n3A_957 masked %reduce_max3A_959 : vector<16xf32>, vector<16xi1> -> vector<16xf32>
    %reduce_max3A_961 = vector.extract %reduce_max3A_960[15] : f32 from vector<16xf32>
    %broadcast_in_dim3A_962 = vector.broadcast %reduce_max3A_961 : f32 to vector<16xf32>
    %jit3A_963 = arith.constant 0xFF800000 : f32
    %broadcast_in_dim3A_964 = vector.broadcast %jit3A_963 : f32 to vector<16xf32>
    %select_n3A_965 = arith.select %eq3A_954, %sub3A_21, %broadcast_in_dim3A_964 : vector<16xi1>, vector<16xf32>
    %reduce_max3A_966 = arith.constant true
    %reduce_max3A_967 = vector.broadcast %reduce_max3A_966 : i1 to vector<16xi1>
    %reduce_max3A_968 = tpu.scan <max>, %select_n3A_965 masked %reduce_max3A_967 : vector<16xf32>, vector<16xi1> -> vector<16xf32>
    %reduce_max3A_969 = vector.extract %reduce_max3A_968[15] : f32 from vector<16xf32>
    %broadcast_in_dim3A_970 = vector.broadcast %reduce_max3A_969 : f32 to vector<16xf32>
    %jit3A_971 = arith.constant 0xFF800000 : f32
    %broadcast_in_dim3A_972 = vector.broadcast %jit3A_971 : f32 to vector<16xf32>
    %select_n3A_973 = arith.select %eq3A_954, %add3A_25, %broadcast_in_dim3A_972 : vector<16xi1>, vector<16xf32>
    %reduce_max3A_974 = arith.constant true
    %reduce_max3A_975 = vector.broadcast %reduce_max3A_974 : i1 to vector<16xi1>
    %reduce_max3A_976 = tpu.scan <max>, %select_n3A_973 masked %reduce_max3A_975 : vector<16xf32>, vector<16xi1> -> vector<16xf32>
    %reduce_max3A_977 = vector.extract %reduce_max3A_976[15] : f32 from vector<16xf32>
    %broadcast_in_dim3A_978 = vector.broadcast %reduce_max3A_977 : f32 to vector<16xf32>
    %jit3A_979 = arith.constant 0xFF800000 : f32
    %broadcast_in_dim3A_980 = vector.broadcast %jit3A_979 : f32 to vector<16xf32>
    %select_n3A_981 = arith.select %eq3A_954, %add3A_29, %broadcast_in_dim3A_980 : vector<16xi1>, vector<16xf32>
    %reduce_max3A_982 = arith.constant true
    %reduce_max3A_983 = vector.broadcast %reduce_max3A_982 : i1 to vector<16xi1>
    %reduce_max3A_984 = tpu.scan <max>, %select_n3A_981 masked %reduce_max3A_983 : vector<16xf32>, vector<16xi1> -> vector<16xf32>
    %reduce_max3A_985 = vector.extract %reduce_max3A_984[15] : f32 from vector<16xf32>
    %broadcast_in_dim3A_986 = vector.broadcast %reduce_max3A_985 : f32 to vector<16xf32>
    %jit3A_987 = arith.constant 0xFF800000 : f32
    %broadcast_in_dim3A_988 = vector.broadcast %jit3A_987 : f32 to vector<16xf32>
    %select_n3A_989 = arith.select %eq3A_954, %mul3A_32, %broadcast_in_dim3A_988 : vector<16xi1>, vector<16xf32>
    %reduce_max3A_990 = arith.constant true
    %reduce_max3A_991 = vector.broadcast %reduce_max3A_990 : i1 to vector<16xi1>
    %reduce_max3A_992 = tpu.scan <max>, %select_n3A_989 masked %reduce_max3A_991 : vector<16xf32>, vector<16xi1> -> vector<16xf32>
    %reduce_max3A_993 = vector.extract %reduce_max3A_992[15] : f32 from vector<16xf32>
    %broadcast_in_dim3A_994 = vector.broadcast %reduce_max3A_993 : f32 to vector<16xf32>
    %broadcast_in_dim3A_995 = arith.constant -1.000000e+00 : f32
    %broadcast_in_dim3A_996 = vector.broadcast %broadcast_in_dim3A_995 : f32 to vector<16xf32>
    %broadcast_in_dim3A_997 = arith.constant 0 : i32
    %broadcast_in_dim3A_998 = vector.broadcast %broadcast_in_dim3A_997 : i32 to vector<16xi32>
    %scan3A_999 = arith.constant 0 : i32
    %scan3A_1000 = arith.constant 79 : i32
    %scan3A_1001 = arith.addi %scan3A_999, %scan3A_1000 : i32
    %scan3A_1002 = arith.constant 1 : i32
    %scan3A_1003:2 = scf.for %scan3A_1562 = %scan3A_999 to %scan3A_1001 step %scan3A_1002 iter_args(%scan3A_1563 = %broadcast_in_dim3A_996, %scan3A_1564 = %broadcast_in_dim3A_998) -> (vector<16xf32>, vector<16xi32>)  : i32 {
      %mul3A_1565 = arith.constant 16 : i32
      %mul3A_1566 = arith.muli %scan3A_1562, %mul3A_1565 : i32
      %add3A_1567 = vector.broadcast %mul3A_1566 : i32 to vector<16xi32>
      %add3A_1568 = arith.addi %add3A_1567, %iota3A : vector<16xi32>
      %gather3A_1569 = tpu.vector_load_idx %arg7[%add3A_1568, %broadcast_in_dim3A_1] : memref<1264x4xf32, #tpu.memory_space<vmem>>[vector<16xi32>, vector<16xi32>], vector<16xf32>,
      %gather3A_1570 = tpu.vector_load_idx %arg7[%add3A_1568, %broadcast_in_dim3A_3] : memref<1264x4xf32, #tpu.memory_space<vmem>>[vector<16xi32>, vector<16xi32>], vector<16xf32>,
      %gather3A_1571 = tpu.vector_load_idx %arg7[%add3A_1568, %broadcast_in_dim3A_5] : memref<1264x4xf32, #tpu.memory_space<vmem>>[vector<16xi32>, vector<16xi32>], vector<16xf32>,
      %gather3A_1572 = tpu.vector_load_idx %arg7[%add3A_1568, %broadcast_in_dim3A_7] : memref<1264x4xf32, #tpu.memory_space<vmem>>[vector<16xi32>, vector<16xi32>], vector<16xf32>,
      %sub3A_1573 = arith.subf %gather3A_1571, %gather3A_1569 : vector<16xf32>
      %sub3A_1574 = arith.subf %gather3A_1572, %gather3A_1570 : vector<16xf32>
      %mul3A_1575 = arith.mulf %sub3A_1573, %sub3A_1574 : vector<16xf32>
      %max3A = arith.maximumf %gather3A_1569, %broadcast_in_dim3A_962 : vector<16xf32>
      %max3A_1576 = arith.maximumf %gather3A_1570, %broadcast_in_dim3A_970 : vector<16xf32>
      %min3A = arith.minimumf %gather3A_1571, %broadcast_in_dim3A_978 : vector<16xf32>
      %min3A_1577 = arith.minimumf %gather3A_1572, %broadcast_in_dim3A_986 : vector<16xf32>
      %sub3A_1578 = arith.subf %min3A, %max3A : vector<16xf32>
      %max3A_1579 = arith.constant 0.000000e+00 : f32
      %max3A_1580 = vector.broadcast %max3A_1579 : f32 to vector<16xf32>
      %max3A_1581 = arith.maximumf %sub3A_1578, %max3A_1580 : vector<16xf32>
      %sub3A_1582 = arith.subf %min3A_1577, %max3A_1576 : vector<16xf32>
      %max3A_1583 = arith.constant 0.000000e+00 : f32
      %max3A_1584 = vector.broadcast %max3A_1583 : f32 to vector<16xf32>
      %max3A_1585 = arith.maximumf %sub3A_1582, %max3A_1584 : vector<16xf32>
      %mul3A_1586 = arith.mulf %max3A_1581, %max3A_1585 : vector<16xf32>
      %add3A_1587 = arith.addf %mul3A_1575, %broadcast_in_dim3A_994 : vector<16xf32>
      %sub3A_1588 = arith.subf %add3A_1587, %mul3A_1586 : vector<16xf32>
      %div3A = arith.divf %mul3A_1586, %sub3A_1588 : vector<16xf32>
      %gt3A = arith.cmpf ogt, %div3A, %scan3A_1563 : vector<16xf32>
      %add3A_1589 = vector.broadcast %mul3A_0 : i32 to vector<16xi32>
      %add3A_1590 = arith.addi %add3A_1589, %add3A_1568 : vector<16xi32>
      %select_n3A_1591 = arith.select %gt3A, %div3A, %scan3A_1563 : vector<16xi1>, vector<16xf32>
      %select_n3A_1592 = arith.select %gt3A, %add3A_1590, %scan3A_1564 : vector<16xi1>, vector<16xi32>
      scf.yield %select_n3A_1591, %select_n3A_1592 : vector<16xf32>, vector<16xi32>
    }
    %scan3A_1004 = arith.constant 79 : i32
    %reduce_max3A_1005 = arith.constant true
    %reduce_max3A_1006 = vector.broadcast %reduce_max3A_1005 : i1 to vector<16xi1>
    %reduce_max3A_1007 = tpu.scan <max>, %scan3A_1003#0 masked %reduce_max3A_1006 : vector<16xf32>, vector<16xi1> -> vector<16xf32>
    %reduce_max3A_1008 = vector.extract %reduce_max3A_1007[15] : f32 from vector<16xf32>
    %eq3A_1009 = vector.broadcast %reduce_max3A_1008 : f32 to vector<16xf32>
    %eq3A_1010 = arith.cmpf oeq, %scan3A_1003#0, %eq3A_1009 : vector<16xf32>
    %jit3A_1011 = arith.constant 1073741824 : i32
    %broadcast_in_dim3A_1012 = vector.broadcast %jit3A_1011 : i32 to vector<16xi32>
    %select_n3A_1013 = arith.select %eq3A_1010, %scan3A_1003#1, %broadcast_in_dim3A_1012 : vector<16xi1>, vector<16xi32>
    %reduce_min3A_1014 = arith.constant true
    %reduce_min3A_1015 = vector.broadcast %reduce_min3A_1014 : i1 to vector<16xi1>
    %reduce_min3A_1016 = arith.constant -2147483648 : i32
    %reduce_min3A_1017 = vector.broadcast %reduce_min3A_1016 : i32 to vector<16xi32>
    %reduce_min3A_1018 = arith.xori %select_n3A_1013, %reduce_min3A_1017 : vector<16xi32>
    %reduce_min3A_1019 = tpu.scan <min>, %reduce_min3A_1018 masked %reduce_min3A_1015 : vector<16xi32>, vector<16xi1> -> vector<16xi32>
    %reduce_min3A_1020 = arith.xori %reduce_min3A_1019, %reduce_min3A_1017 : vector<16xi32>
    %reduce_min3A_1021 = vector.extract %reduce_min3A_1020[15] : i32 from vector<16xi32>
    %broadcast_in_dim3A_1022 = vector.broadcast %reduce_max3A_1008 : f32 to vector<16xf32>
    %select_n3A_1023 = arith.select %eq3A_954, %broadcast_in_dim3A_1022, %select_n3A_949 : vector<16xi1>, vector<16xf32>
    %broadcast_in_dim3A_1024 = vector.broadcast %reduce_min3A_1021 : i32 to vector<16xi32>
    %select_n3A_1025 = arith.select %eq3A_954, %broadcast_in_dim3A_1024, %select_n3A_951 : vector<16xi1>, vector<16xi32>
    %eq3A_1026 = arith.constant 13 : i32
    %eq3A_1027 = vector.broadcast %eq3A_1026 : i32 to vector<16xi32>
    %eq3A_1028 = arith.cmpi eq, %iota3A, %eq3A_1027 : vector<16xi32>
    %jit3A_1029 = arith.constant 0xFF800000 : f32
    %broadcast_in_dim3A_1030 = vector.broadcast %jit3A_1029 : f32 to vector<16xf32>
    %select_n3A_1031 = arith.select %eq3A_1028, %sub3A, %broadcast_in_dim3A_1030 : vector<16xi1>, vector<16xf32>
    %reduce_max3A_1032 = arith.constant true
    %reduce_max3A_1033 = vector.broadcast %reduce_max3A_1032 : i1 to vector<16xi1>
    %reduce_max3A_1034 = tpu.scan <max>, %select_n3A_1031 masked %reduce_max3A_1033 : vector<16xf32>, vector<16xi1> -> vector<16xf32>
    %reduce_max3A_1035 = vector.extract %reduce_max3A_1034[15] : f32 from vector<16xf32>
    %broadcast_in_dim3A_1036 = vector.broadcast %reduce_max3A_1035 : f32 to vector<16xf32>
    %jit3A_1037 = arith.constant 0xFF800000 : f32
    %broadcast_in_dim3A_1038 = vector.broadcast %jit3A_1037 : f32 to vector<16xf32>
    %select_n3A_1039 = arith.select %eq3A_1028, %sub3A_21, %broadcast_in_dim3A_1038 : vector<16xi1>, vector<16xf32>
    %reduce_max3A_1040 = arith.constant true
    %reduce_max3A_1041 = vector.broadcast %reduce_max3A_1040 : i1 to vector<16xi1>
    %reduce_max3A_1042 = tpu.scan <max>, %select_n3A_1039 masked %reduce_max3A_1041 : vector<16xf32>, vector<16xi1> -> vector<16xf32>
    %reduce_max3A_1043 = vector.extract %reduce_max3A_1042[15] : f32 from vector<16xf32>
    %broadcast_in_dim3A_1044 = vector.broadcast %reduce_max3A_1043 : f32 to vector<16xf32>
    %jit3A_1045 = arith.constant 0xFF800000 : f32
    %broadcast_in_dim3A_1046 = vector.broadcast %jit3A_1045 : f32 to vector<16xf32>
    %select_n3A_1047 = arith.select %eq3A_1028, %add3A_25, %broadcast_in_dim3A_1046 : vector<16xi1>, vector<16xf32>
    %reduce_max3A_1048 = arith.constant true
    %reduce_max3A_1049 = vector.broadcast %reduce_max3A_1048 : i1 to vector<16xi1>
    %reduce_max3A_1050 = tpu.scan <max>, %select_n3A_1047 masked %reduce_max3A_1049 : vector<16xf32>, vector<16xi1> -> vector<16xf32>
    %reduce_max3A_1051 = vector.extract %reduce_max3A_1050[15] : f32 from vector<16xf32>
    %broadcast_in_dim3A_1052 = vector.broadcast %reduce_max3A_1051 : f32 to vector<16xf32>
    %jit3A_1053 = arith.constant 0xFF800000 : f32
    %broadcast_in_dim3A_1054 = vector.broadcast %jit3A_1053 : f32 to vector<16xf32>
    %select_n3A_1055 = arith.select %eq3A_1028, %add3A_29, %broadcast_in_dim3A_1054 : vector<16xi1>, vector<16xf32>
    %reduce_max3A_1056 = arith.constant true
    %reduce_max3A_1057 = vector.broadcast %reduce_max3A_1056 : i1 to vector<16xi1>
    %reduce_max3A_1058 = tpu.scan <max>, %select_n3A_1055 masked %reduce_max3A_1057 : vector<16xf32>, vector<16xi1> -> vector<16xf32>
    %reduce_max3A_1059 = vector.extract %reduce_max3A_1058[15] : f32 from vector<16xf32>
    %broadcast_in_dim3A_1060 = vector.broadcast %reduce_max3A_1059 : f32 to vector<16xf32>
    %jit3A_1061 = arith.constant 0xFF800000 : f32
    %broadcast_in_dim3A_1062 = vector.broadcast %jit3A_1061 : f32 to vector<16xf32>
    %select_n3A_1063 = arith.select %eq3A_1028, %mul3A_32, %broadcast_in_dim3A_1062 : vector<16xi1>, vector<16xf32>
    %reduce_max3A_1064 = arith.constant true
    %reduce_max3A_1065 = vector.broadcast %reduce_max3A_1064 : i1 to vector<16xi1>
    %reduce_max3A_1066 = tpu.scan <max>, %select_n3A_1063 masked %reduce_max3A_1065 : vector<16xf32>, vector<16xi1> -> vector<16xf32>
    %reduce_max3A_1067 = vector.extract %reduce_max3A_1066[15] : f32 from vector<16xf32>
    %broadcast_in_dim3A_1068 = vector.broadcast %reduce_max3A_1067 : f32 to vector<16xf32>
    %broadcast_in_dim3A_1069 = arith.constant -1.000000e+00 : f32
    %broadcast_in_dim3A_1070 = vector.broadcast %broadcast_in_dim3A_1069 : f32 to vector<16xf32>
    %broadcast_in_dim3A_1071 = arith.constant 0 : i32
    %broadcast_in_dim3A_1072 = vector.broadcast %broadcast_in_dim3A_1071 : i32 to vector<16xi32>
    %scan3A_1073 = arith.constant 0 : i32
    %scan3A_1074 = arith.constant 79 : i32
    %scan3A_1075 = arith.addi %scan3A_1073, %scan3A_1074 : i32
    %scan3A_1076 = arith.constant 1 : i32
    %scan3A_1077:2 = scf.for %scan3A_1562 = %scan3A_1073 to %scan3A_1075 step %scan3A_1076 iter_args(%scan3A_1563 = %broadcast_in_dim3A_1070, %scan3A_1564 = %broadcast_in_dim3A_1072) -> (vector<16xf32>, vector<16xi32>)  : i32 {
      %mul3A_1565 = arith.constant 16 : i32
      %mul3A_1566 = arith.muli %scan3A_1562, %mul3A_1565 : i32
      %add3A_1567 = vector.broadcast %mul3A_1566 : i32 to vector<16xi32>
      %add3A_1568 = arith.addi %add3A_1567, %iota3A : vector<16xi32>
      %gather3A_1569 = tpu.vector_load_idx %arg7[%add3A_1568, %broadcast_in_dim3A_1] : memref<1264x4xf32, #tpu.memory_space<vmem>>[vector<16xi32>, vector<16xi32>], vector<16xf32>,
      %gather3A_1570 = tpu.vector_load_idx %arg7[%add3A_1568, %broadcast_in_dim3A_3] : memref<1264x4xf32, #tpu.memory_space<vmem>>[vector<16xi32>, vector<16xi32>], vector<16xf32>,
      %gather3A_1571 = tpu.vector_load_idx %arg7[%add3A_1568, %broadcast_in_dim3A_5] : memref<1264x4xf32, #tpu.memory_space<vmem>>[vector<16xi32>, vector<16xi32>], vector<16xf32>,
      %gather3A_1572 = tpu.vector_load_idx %arg7[%add3A_1568, %broadcast_in_dim3A_7] : memref<1264x4xf32, #tpu.memory_space<vmem>>[vector<16xi32>, vector<16xi32>], vector<16xf32>,
      %sub3A_1573 = arith.subf %gather3A_1571, %gather3A_1569 : vector<16xf32>
      %sub3A_1574 = arith.subf %gather3A_1572, %gather3A_1570 : vector<16xf32>
      %mul3A_1575 = arith.mulf %sub3A_1573, %sub3A_1574 : vector<16xf32>
      %max3A = arith.maximumf %gather3A_1569, %broadcast_in_dim3A_1036 : vector<16xf32>
      %max3A_1576 = arith.maximumf %gather3A_1570, %broadcast_in_dim3A_1044 : vector<16xf32>
      %min3A = arith.minimumf %gather3A_1571, %broadcast_in_dim3A_1052 : vector<16xf32>
      %min3A_1577 = arith.minimumf %gather3A_1572, %broadcast_in_dim3A_1060 : vector<16xf32>
      %sub3A_1578 = arith.subf %min3A, %max3A : vector<16xf32>
      %max3A_1579 = arith.constant 0.000000e+00 : f32
      %max3A_1580 = vector.broadcast %max3A_1579 : f32 to vector<16xf32>
      %max3A_1581 = arith.maximumf %sub3A_1578, %max3A_1580 : vector<16xf32>
      %sub3A_1582 = arith.subf %min3A_1577, %max3A_1576 : vector<16xf32>
      %max3A_1583 = arith.constant 0.000000e+00 : f32
      %max3A_1584 = vector.broadcast %max3A_1583 : f32 to vector<16xf32>
      %max3A_1585 = arith.maximumf %sub3A_1582, %max3A_1584 : vector<16xf32>
      %mul3A_1586 = arith.mulf %max3A_1581, %max3A_1585 : vector<16xf32>
      %add3A_1587 = arith.addf %mul3A_1575, %broadcast_in_dim3A_1068 : vector<16xf32>
      %sub3A_1588 = arith.subf %add3A_1587, %mul3A_1586 : vector<16xf32>
      %div3A = arith.divf %mul3A_1586, %sub3A_1588 : vector<16xf32>
      %gt3A = arith.cmpf ogt, %div3A, %scan3A_1563 : vector<16xf32>
      %add3A_1589 = vector.broadcast %mul3A_0 : i32 to vector<16xi32>
      %add3A_1590 = arith.addi %add3A_1589, %add3A_1568 : vector<16xi32>
      %select_n3A_1591 = arith.select %gt3A, %div3A, %scan3A_1563 : vector<16xi1>, vector<16xf32>
      %select_n3A_1592 = arith.select %gt3A, %add3A_1590, %scan3A_1564 : vector<16xi1>, vector<16xi32>
      scf.yield %select_n3A_1591, %select_n3A_1592 : vector<16xf32>, vector<16xi32>
    }
    %scan3A_1078 = arith.constant 79 : i32
    %reduce_max3A_1079 = arith.constant true
    %reduce_max3A_1080 = vector.broadcast %reduce_max3A_1079 : i1 to vector<16xi1>
    %reduce_max3A_1081 = tpu.scan <max>, %scan3A_1077#0 masked %reduce_max3A_1080 : vector<16xf32>, vector<16xi1> -> vector<16xf32>
    %reduce_max3A_1082 = vector.extract %reduce_max3A_1081[15] : f32 from vector<16xf32>
    %eq3A_1083 = vector.broadcast %reduce_max3A_1082 : f32 to vector<16xf32>
    %eq3A_1084 = arith.cmpf oeq, %scan3A_1077#0, %eq3A_1083 : vector<16xf32>
    %jit3A_1085 = arith.constant 1073741824 : i32
    %broadcast_in_dim3A_1086 = vector.broadcast %jit3A_1085 : i32 to vector<16xi32>
    %select_n3A_1087 = arith.select %eq3A_1084, %scan3A_1077#1, %broadcast_in_dim3A_1086 : vector<16xi1>, vector<16xi32>
    %reduce_min3A_1088 = arith.constant true
    %reduce_min3A_1089 = vector.broadcast %reduce_min3A_1088 : i1 to vector<16xi1>
    %reduce_min3A_1090 = arith.constant -2147483648 : i32
    %reduce_min3A_1091 = vector.broadcast %reduce_min3A_1090 : i32 to vector<16xi32>
    %reduce_min3A_1092 = arith.xori %select_n3A_1087, %reduce_min3A_1091 : vector<16xi32>
    %reduce_min3A_1093 = tpu.scan <min>, %reduce_min3A_1092 masked %reduce_min3A_1089 : vector<16xi32>, vector<16xi1> -> vector<16xi32>
    %reduce_min3A_1094 = arith.xori %reduce_min3A_1093, %reduce_min3A_1091 : vector<16xi32>
    %reduce_min3A_1095 = vector.extract %reduce_min3A_1094[15] : i32 from vector<16xi32>
    %broadcast_in_dim3A_1096 = vector.broadcast %reduce_max3A_1082 : f32 to vector<16xf32>
    %select_n3A_1097 = arith.select %eq3A_1028, %broadcast_in_dim3A_1096, %select_n3A_1023 : vector<16xi1>, vector<16xf32>
    %broadcast_in_dim3A_1098 = vector.broadcast %reduce_min3A_1095 : i32 to vector<16xi32>
    %select_n3A_1099 = arith.select %eq3A_1028, %broadcast_in_dim3A_1098, %select_n3A_1025 : vector<16xi1>, vector<16xi32>
    %eq3A_1100 = arith.constant 14 : i32
    %eq3A_1101 = vector.broadcast %eq3A_1100 : i32 to vector<16xi32>
    %eq3A_1102 = arith.cmpi eq, %iota3A, %eq3A_1101 : vector<16xi32>
    %jit3A_1103 = arith.constant 0xFF800000 : f32
    %broadcast_in_dim3A_1104 = vector.broadcast %jit3A_1103 : f32 to vector<16xf32>
    %select_n3A_1105 = arith.select %eq3A_1102, %sub3A, %broadcast_in_dim3A_1104 : vector<16xi1>, vector<16xf32>
    %reduce_max3A_1106 = arith.constant true
    %reduce_max3A_1107 = vector.broadcast %reduce_max3A_1106 : i1 to vector<16xi1>
    %reduce_max3A_1108 = tpu.scan <max>, %select_n3A_1105 masked %reduce_max3A_1107 : vector<16xf32>, vector<16xi1> -> vector<16xf32>
    %reduce_max3A_1109 = vector.extract %reduce_max3A_1108[15] : f32 from vector<16xf32>
    %broadcast_in_dim3A_1110 = vector.broadcast %reduce_max3A_1109 : f32 to vector<16xf32>
    %jit3A_1111 = arith.constant 0xFF800000 : f32
    %broadcast_in_dim3A_1112 = vector.broadcast %jit3A_1111 : f32 to vector<16xf32>
    %select_n3A_1113 = arith.select %eq3A_1102, %sub3A_21, %broadcast_in_dim3A_1112 : vector<16xi1>, vector<16xf32>
    %reduce_max3A_1114 = arith.constant true
    %reduce_max3A_1115 = vector.broadcast %reduce_max3A_1114 : i1 to vector<16xi1>
    %reduce_max3A_1116 = tpu.scan <max>, %select_n3A_1113 masked %reduce_max3A_1115 : vector<16xf32>, vector<16xi1> -> vector<16xf32>
    %reduce_max3A_1117 = vector.extract %reduce_max3A_1116[15] : f32 from vector<16xf32>
    %broadcast_in_dim3A_1118 = vector.broadcast %reduce_max3A_1117 : f32 to vector<16xf32>
    %jit3A_1119 = arith.constant 0xFF800000 : f32
    %broadcast_in_dim3A_1120 = vector.broadcast %jit3A_1119 : f32 to vector<16xf32>
    %select_n3A_1121 = arith.select %eq3A_1102, %add3A_25, %broadcast_in_dim3A_1120 : vector<16xi1>, vector<16xf32>
    %reduce_max3A_1122 = arith.constant true
    %reduce_max3A_1123 = vector.broadcast %reduce_max3A_1122 : i1 to vector<16xi1>
    %reduce_max3A_1124 = tpu.scan <max>, %select_n3A_1121 masked %reduce_max3A_1123 : vector<16xf32>, vector<16xi1> -> vector<16xf32>
    %reduce_max3A_1125 = vector.extract %reduce_max3A_1124[15] : f32 from vector<16xf32>
    %broadcast_in_dim3A_1126 = vector.broadcast %reduce_max3A_1125 : f32 to vector<16xf32>
    %jit3A_1127 = arith.constant 0xFF800000 : f32
    %broadcast_in_dim3A_1128 = vector.broadcast %jit3A_1127 : f32 to vector<16xf32>
    %select_n3A_1129 = arith.select %eq3A_1102, %add3A_29, %broadcast_in_dim3A_1128 : vector<16xi1>, vector<16xf32>
    %reduce_max3A_1130 = arith.constant true
    %reduce_max3A_1131 = vector.broadcast %reduce_max3A_1130 : i1 to vector<16xi1>
    %reduce_max3A_1132 = tpu.scan <max>, %select_n3A_1129 masked %reduce_max3A_1131 : vector<16xf32>, vector<16xi1> -> vector<16xf32>
    %reduce_max3A_1133 = vector.extract %reduce_max3A_1132[15] : f32 from vector<16xf32>
    %broadcast_in_dim3A_1134 = vector.broadcast %reduce_max3A_1133 : f32 to vector<16xf32>
    %jit3A_1135 = arith.constant 0xFF800000 : f32
    %broadcast_in_dim3A_1136 = vector.broadcast %jit3A_1135 : f32 to vector<16xf32>
    %select_n3A_1137 = arith.select %eq3A_1102, %mul3A_32, %broadcast_in_dim3A_1136 : vector<16xi1>, vector<16xf32>
    %reduce_max3A_1138 = arith.constant true
    %reduce_max3A_1139 = vector.broadcast %reduce_max3A_1138 : i1 to vector<16xi1>
    %reduce_max3A_1140 = tpu.scan <max>, %select_n3A_1137 masked %reduce_max3A_1139 : vector<16xf32>, vector<16xi1> -> vector<16xf32>
    %reduce_max3A_1141 = vector.extract %reduce_max3A_1140[15] : f32 from vector<16xf32>
    %broadcast_in_dim3A_1142 = vector.broadcast %reduce_max3A_1141 : f32 to vector<16xf32>
    %broadcast_in_dim3A_1143 = arith.constant -1.000000e+00 : f32
    %broadcast_in_dim3A_1144 = vector.broadcast %broadcast_in_dim3A_1143 : f32 to vector<16xf32>
    %broadcast_in_dim3A_1145 = arith.constant 0 : i32
    %broadcast_in_dim3A_1146 = vector.broadcast %broadcast_in_dim3A_1145 : i32 to vector<16xi32>
    %scan3A_1147 = arith.constant 0 : i32
    %scan3A_1148 = arith.constant 79 : i32
    %scan3A_1149 = arith.addi %scan3A_1147, %scan3A_1148 : i32
    %scan3A_1150 = arith.constant 1 : i32
    %scan3A_1151:2 = scf.for %scan3A_1562 = %scan3A_1147 to %scan3A_1149 step %scan3A_1150 iter_args(%scan3A_1563 = %broadcast_in_dim3A_1144, %scan3A_1564 = %broadcast_in_dim3A_1146) -> (vector<16xf32>, vector<16xi32>)  : i32 {
      %mul3A_1565 = arith.constant 16 : i32
      %mul3A_1566 = arith.muli %scan3A_1562, %mul3A_1565 : i32
      %add3A_1567 = vector.broadcast %mul3A_1566 : i32 to vector<16xi32>
      %add3A_1568 = arith.addi %add3A_1567, %iota3A : vector<16xi32>
      %gather3A_1569 = tpu.vector_load_idx %arg7[%add3A_1568, %broadcast_in_dim3A_1] : memref<1264x4xf32, #tpu.memory_space<vmem>>[vector<16xi32>, vector<16xi32>], vector<16xf32>,
      %gather3A_1570 = tpu.vector_load_idx %arg7[%add3A_1568, %broadcast_in_dim3A_3] : memref<1264x4xf32, #tpu.memory_space<vmem>>[vector<16xi32>, vector<16xi32>], vector<16xf32>,
      %gather3A_1571 = tpu.vector_load_idx %arg7[%add3A_1568, %broadcast_in_dim3A_5] : memref<1264x4xf32, #tpu.memory_space<vmem>>[vector<16xi32>, vector<16xi32>], vector<16xf32>,
      %gather3A_1572 = tpu.vector_load_idx %arg7[%add3A_1568, %broadcast_in_dim3A_7] : memref<1264x4xf32, #tpu.memory_space<vmem>>[vector<16xi32>, vector<16xi32>], vector<16xf32>,
      %sub3A_1573 = arith.subf %gather3A_1571, %gather3A_1569 : vector<16xf32>
      %sub3A_1574 = arith.subf %gather3A_1572, %gather3A_1570 : vector<16xf32>
      %mul3A_1575 = arith.mulf %sub3A_1573, %sub3A_1574 : vector<16xf32>
      %max3A = arith.maximumf %gather3A_1569, %broadcast_in_dim3A_1110 : vector<16xf32>
      %max3A_1576 = arith.maximumf %gather3A_1570, %broadcast_in_dim3A_1118 : vector<16xf32>
      %min3A = arith.minimumf %gather3A_1571, %broadcast_in_dim3A_1126 : vector<16xf32>
      %min3A_1577 = arith.minimumf %gather3A_1572, %broadcast_in_dim3A_1134 : vector<16xf32>
      %sub3A_1578 = arith.subf %min3A, %max3A : vector<16xf32>
      %max3A_1579 = arith.constant 0.000000e+00 : f32
      %max3A_1580 = vector.broadcast %max3A_1579 : f32 to vector<16xf32>
      %max3A_1581 = arith.maximumf %sub3A_1578, %max3A_1580 : vector<16xf32>
      %sub3A_1582 = arith.subf %min3A_1577, %max3A_1576 : vector<16xf32>
      %max3A_1583 = arith.constant 0.000000e+00 : f32
      %max3A_1584 = vector.broadcast %max3A_1583 : f32 to vector<16xf32>
      %max3A_1585 = arith.maximumf %sub3A_1582, %max3A_1584 : vector<16xf32>
      %mul3A_1586 = arith.mulf %max3A_1581, %max3A_1585 : vector<16xf32>
      %add3A_1587 = arith.addf %mul3A_1575, %broadcast_in_dim3A_1142 : vector<16xf32>
      %sub3A_1588 = arith.subf %add3A_1587, %mul3A_1586 : vector<16xf32>
      %div3A = arith.divf %mul3A_1586, %sub3A_1588 : vector<16xf32>
      %gt3A = arith.cmpf ogt, %div3A, %scan3A_1563 : vector<16xf32>
      %add3A_1589 = vector.broadcast %mul3A_0 : i32 to vector<16xi32>
      %add3A_1590 = arith.addi %add3A_1589, %add3A_1568 : vector<16xi32>
      %select_n3A_1591 = arith.select %gt3A, %div3A, %scan3A_1563 : vector<16xi1>, vector<16xf32>
      %select_n3A_1592 = arith.select %gt3A, %add3A_1590, %scan3A_1564 : vector<16xi1>, vector<16xi32>
      scf.yield %select_n3A_1591, %select_n3A_1592 : vector<16xf32>, vector<16xi32>
    }
    %scan3A_1152 = arith.constant 79 : i32
    %reduce_max3A_1153 = arith.constant true
    %reduce_max3A_1154 = vector.broadcast %reduce_max3A_1153 : i1 to vector<16xi1>
    %reduce_max3A_1155 = tpu.scan <max>, %scan3A_1151#0 masked %reduce_max3A_1154 : vector<16xf32>, vector<16xi1> -> vector<16xf32>
    %reduce_max3A_1156 = vector.extract %reduce_max3A_1155[15] : f32 from vector<16xf32>
    %eq3A_1157 = vector.broadcast %reduce_max3A_1156 : f32 to vector<16xf32>
    %eq3A_1158 = arith.cmpf oeq, %scan3A_1151#0, %eq3A_1157 : vector<16xf32>
    %jit3A_1159 = arith.constant 1073741824 : i32
    %broadcast_in_dim3A_1160 = vector.broadcast %jit3A_1159 : i32 to vector<16xi32>
    %select_n3A_1161 = arith.select %eq3A_1158, %scan3A_1151#1, %broadcast_in_dim3A_1160 : vector<16xi1>, vector<16xi32>
    %reduce_min3A_1162 = arith.constant true
    %reduce_min3A_1163 = vector.broadcast %reduce_min3A_1162 : i1 to vector<16xi1>
    %reduce_min3A_1164 = arith.constant -2147483648 : i32
    %reduce_min3A_1165 = vector.broadcast %reduce_min3A_1164 : i32 to vector<16xi32>
    %reduce_min3A_1166 = arith.xori %select_n3A_1161, %reduce_min3A_1165 : vector<16xi32>
    %reduce_min3A_1167 = tpu.scan <min>, %reduce_min3A_1166 masked %reduce_min3A_1163 : vector<16xi32>, vector<16xi1> -> vector<16xi32>
    %reduce_min3A_1168 = arith.xori %reduce_min3A_1167, %reduce_min3A_1165 : vector<16xi32>
    %reduce_min3A_1169 = vector.extract %reduce_min3A_1168[15] : i32 from vector<16xi32>
    %broadcast_in_dim3A_1170 = vector.broadcast %reduce_max3A_1156 : f32 to vector<16xf32>
    %select_n3A_1171 = arith.select %eq3A_1102, %broadcast_in_dim3A_1170, %select_n3A_1097 : vector<16xi1>, vector<16xf32>
    %broadcast_in_dim3A_1172 = vector.broadcast %reduce_min3A_1169 : i32 to vector<16xi32>
    %select_n3A_1173 = arith.select %eq3A_1102, %broadcast_in_dim3A_1172, %select_n3A_1099 : vector<16xi1>, vector<16xi32>
    %eq3A_1174 = arith.constant 15 : i32
    %eq3A_1175 = vector.broadcast %eq3A_1174 : i32 to vector<16xi32>
    %eq3A_1176 = arith.cmpi eq, %iota3A, %eq3A_1175 : vector<16xi32>
    %jit3A_1177 = arith.constant 0xFF800000 : f32
    %broadcast_in_dim3A_1178 = vector.broadcast %jit3A_1177 : f32 to vector<16xf32>
    %select_n3A_1179 = arith.select %eq3A_1176, %sub3A, %broadcast_in_dim3A_1178 : vector<16xi1>, vector<16xf32>
    %reduce_max3A_1180 = arith.constant true
    %reduce_max3A_1181 = vector.broadcast %reduce_max3A_1180 : i1 to vector<16xi1>
    %reduce_max3A_1182 = tpu.scan <max>, %select_n3A_1179 masked %reduce_max3A_1181 : vector<16xf32>, vector<16xi1> -> vector<16xf32>
    %reduce_max3A_1183 = vector.extract %reduce_max3A_1182[15] : f32 from vector<16xf32>
    %broadcast_in_dim3A_1184 = vector.broadcast %reduce_max3A_1183 : f32 to vector<16xf32>
    %jit3A_1185 = arith.constant 0xFF800000 : f32
    %broadcast_in_dim3A_1186 = vector.broadcast %jit3A_1185 : f32 to vector<16xf32>
    %select_n3A_1187 = arith.select %eq3A_1176, %sub3A_21, %broadcast_in_dim3A_1186 : vector<16xi1>, vector<16xf32>
    %reduce_max3A_1188 = arith.constant true
    %reduce_max3A_1189 = vector.broadcast %reduce_max3A_1188 : i1 to vector<16xi1>
    %reduce_max3A_1190 = tpu.scan <max>, %select_n3A_1187 masked %reduce_max3A_1189 : vector<16xf32>, vector<16xi1> -> vector<16xf32>
    %reduce_max3A_1191 = vector.extract %reduce_max3A_1190[15] : f32 from vector<16xf32>
    %broadcast_in_dim3A_1192 = vector.broadcast %reduce_max3A_1191 : f32 to vector<16xf32>
    %jit3A_1193 = arith.constant 0xFF800000 : f32
    %broadcast_in_dim3A_1194 = vector.broadcast %jit3A_1193 : f32 to vector<16xf32>
    %select_n3A_1195 = arith.select %eq3A_1176, %add3A_25, %broadcast_in_dim3A_1194 : vector<16xi1>, vector<16xf32>
    %reduce_max3A_1196 = arith.constant true
    %reduce_max3A_1197 = vector.broadcast %reduce_max3A_1196 : i1 to vector<16xi1>
    %reduce_max3A_1198 = tpu.scan <max>, %select_n3A_1195 masked %reduce_max3A_1197 : vector<16xf32>, vector<16xi1> -> vector<16xf32>
    %reduce_max3A_1199 = vector.extract %reduce_max3A_1198[15] : f32 from vector<16xf32>
    %broadcast_in_dim3A_1200 = vector.broadcast %reduce_max3A_1199 : f32 to vector<16xf32>
    %jit3A_1201 = arith.constant 0xFF800000 : f32
    %broadcast_in_dim3A_1202 = vector.broadcast %jit3A_1201 : f32 to vector<16xf32>
    %select_n3A_1203 = arith.select %eq3A_1176, %add3A_29, %broadcast_in_dim3A_1202 : vector<16xi1>, vector<16xf32>
    %reduce_max3A_1204 = arith.constant true
    %reduce_max3A_1205 = vector.broadcast %reduce_max3A_1204 : i1 to vector<16xi1>
    %reduce_max3A_1206 = tpu.scan <max>, %select_n3A_1203 masked %reduce_max3A_1205 : vector<16xf32>, vector<16xi1> -> vector<16xf32>
    %reduce_max3A_1207 = vector.extract %reduce_max3A_1206[15] : f32 from vector<16xf32>
    %broadcast_in_dim3A_1208 = vector.broadcast %reduce_max3A_1207 : f32 to vector<16xf32>
    %jit3A_1209 = arith.constant 0xFF800000 : f32
    %broadcast_in_dim3A_1210 = vector.broadcast %jit3A_1209 : f32 to vector<16xf32>
    %select_n3A_1211 = arith.select %eq3A_1176, %mul3A_32, %broadcast_in_dim3A_1210 : vector<16xi1>, vector<16xf32>
    %reduce_max3A_1212 = arith.constant true
    %reduce_max3A_1213 = vector.broadcast %reduce_max3A_1212 : i1 to vector<16xi1>
    %reduce_max3A_1214 = tpu.scan <max>, %select_n3A_1211 masked %reduce_max3A_1213 : vector<16xf32>, vector<16xi1> -> vector<16xf32>
    %reduce_max3A_1215 = vector.extract %reduce_max3A_1214[15] : f32 from vector<16xf32>
    %broadcast_in_dim3A_1216 = vector.broadcast %reduce_max3A_1215 : f32 to vector<16xf32>
    %broadcast_in_dim3A_1217 = arith.constant -1.000000e+00 : f32
    %broadcast_in_dim3A_1218 = vector.broadcast %broadcast_in_dim3A_1217 : f32 to vector<16xf32>
    %broadcast_in_dim3A_1219 = arith.constant 0 : i32
    %broadcast_in_dim3A_1220 = vector.broadcast %broadcast_in_dim3A_1219 : i32 to vector<16xi32>
    %scan3A_1221 = arith.constant 0 : i32
    %scan3A_1222 = arith.constant 79 : i32
    %scan3A_1223 = arith.addi %scan3A_1221, %scan3A_1222 : i32
    %scan3A_1224 = arith.constant 1 : i32
    %scan3A_1225:2 = scf.for %scan3A_1562 = %scan3A_1221 to %scan3A_1223 step %scan3A_1224 iter_args(%scan3A_1563 = %broadcast_in_dim3A_1218, %scan3A_1564 = %broadcast_in_dim3A_1220) -> (vector<16xf32>, vector<16xi32>)  : i32 {
      %mul3A_1565 = arith.constant 16 : i32
      %mul3A_1566 = arith.muli %scan3A_1562, %mul3A_1565 : i32
      %add3A_1567 = vector.broadcast %mul3A_1566 : i32 to vector<16xi32>
      %add3A_1568 = arith.addi %add3A_1567, %iota3A : vector<16xi32>
      %gather3A_1569 = tpu.vector_load_idx %arg7[%add3A_1568, %broadcast_in_dim3A_1] : memref<1264x4xf32, #tpu.memory_space<vmem>>[vector<16xi32>, vector<16xi32>], vector<16xf32>,
      %gather3A_1570 = tpu.vector_load_idx %arg7[%add3A_1568, %broadcast_in_dim3A_3] : memref<1264x4xf32, #tpu.memory_space<vmem>>[vector<16xi32>, vector<16xi32>], vector<16xf32>,
      %gather3A_1571 = tpu.vector_load_idx %arg7[%add3A_1568, %broadcast_in_dim3A_5] : memref<1264x4xf32, #tpu.memory_space<vmem>>[vector<16xi32>, vector<16xi32>], vector<16xf32>,
      %gather3A_1572 = tpu.vector_load_idx %arg7[%add3A_1568, %broadcast_in_dim3A_7] : memref<1264x4xf32, #tpu.memory_space<vmem>>[vector<16xi32>, vector<16xi32>], vector<16xf32>,
      %sub3A_1573 = arith.subf %gather3A_1571, %gather3A_1569 : vector<16xf32>
      %sub3A_1574 = arith.subf %gather3A_1572, %gather3A_1570 : vector<16xf32>
      %mul3A_1575 = arith.mulf %sub3A_1573, %sub3A_1574 : vector<16xf32>
      %max3A = arith.maximumf %gather3A_1569, %broadcast_in_dim3A_1184 : vector<16xf32>
      %max3A_1576 = arith.maximumf %gather3A_1570, %broadcast_in_dim3A_1192 : vector<16xf32>
      %min3A = arith.minimumf %gather3A_1571, %broadcast_in_dim3A_1200 : vector<16xf32>
      %min3A_1577 = arith.minimumf %gather3A_1572, %broadcast_in_dim3A_1208 : vector<16xf32>
      %sub3A_1578 = arith.subf %min3A, %max3A : vector<16xf32>
      %max3A_1579 = arith.constant 0.000000e+00 : f32
      %max3A_1580 = vector.broadcast %max3A_1579 : f32 to vector<16xf32>
      %max3A_1581 = arith.maximumf %sub3A_1578, %max3A_1580 : vector<16xf32>
      %sub3A_1582 = arith.subf %min3A_1577, %max3A_1576 : vector<16xf32>
      %max3A_1583 = arith.constant 0.000000e+00 : f32
      %max3A_1584 = vector.broadcast %max3A_1583 : f32 to vector<16xf32>
      %max3A_1585 = arith.maximumf %sub3A_1582, %max3A_1584 : vector<16xf32>
      %mul3A_1586 = arith.mulf %max3A_1581, %max3A_1585 : vector<16xf32>
      %add3A_1587 = arith.addf %mul3A_1575, %broadcast_in_dim3A_1216 : vector<16xf32>
      %sub3A_1588 = arith.subf %add3A_1587, %mul3A_1586 : vector<16xf32>
      %div3A = arith.divf %mul3A_1586, %sub3A_1588 : vector<16xf32>
      %gt3A = arith.cmpf ogt, %div3A, %scan3A_1563 : vector<16xf32>
      %add3A_1589 = vector.broadcast %mul3A_0 : i32 to vector<16xi32>
      %add3A_1590 = arith.addi %add3A_1589, %add3A_1568 : vector<16xi32>
      %select_n3A_1591 = arith.select %gt3A, %div3A, %scan3A_1563 : vector<16xi1>, vector<16xf32>
      %select_n3A_1592 = arith.select %gt3A, %add3A_1590, %scan3A_1564 : vector<16xi1>, vector<16xi32>
      scf.yield %select_n3A_1591, %select_n3A_1592 : vector<16xf32>, vector<16xi32>
    }
    %scan3A_1226 = arith.constant 79 : i32
    %reduce_max3A_1227 = arith.constant true
    %reduce_max3A_1228 = vector.broadcast %reduce_max3A_1227 : i1 to vector<16xi1>
    %reduce_max3A_1229 = tpu.scan <max>, %scan3A_1225#0 masked %reduce_max3A_1228 : vector<16xf32>, vector<16xi1> -> vector<16xf32>
    %reduce_max3A_1230 = vector.extract %reduce_max3A_1229[15] : f32 from vector<16xf32>
    %eq3A_1231 = vector.broadcast %reduce_max3A_1230 : f32 to vector<16xf32>
    %eq3A_1232 = arith.cmpf oeq, %scan3A_1225#0, %eq3A_1231 : vector<16xf32>
    %jit3A_1233 = arith.constant 1073741824 : i32
    %broadcast_in_dim3A_1234 = vector.broadcast %jit3A_1233 : i32 to vector<16xi32>
    %select_n3A_1235 = arith.select %eq3A_1232, %scan3A_1225#1, %broadcast_in_dim3A_1234 : vector<16xi1>, vector<16xi32>
    %reduce_min3A_1236 = arith.constant true
    %reduce_min3A_1237 = vector.broadcast %reduce_min3A_1236 : i1 to vector<16xi1>
    %reduce_min3A_1238 = arith.constant -2147483648 : i32
    %reduce_min3A_1239 = vector.broadcast %reduce_min3A_1238 : i32 to vector<16xi32>
    %reduce_min3A_1240 = arith.xori %select_n3A_1235, %reduce_min3A_1239 : vector<16xi32>
    %reduce_min3A_1241 = tpu.scan <min>, %reduce_min3A_1240 masked %reduce_min3A_1237 : vector<16xi32>, vector<16xi1> -> vector<16xi32>
    %reduce_min3A_1242 = arith.xori %reduce_min3A_1241, %reduce_min3A_1239 : vector<16xi32>
    %reduce_min3A_1243 = vector.extract %reduce_min3A_1242[15] : i32 from vector<16xi32>
    %broadcast_in_dim3A_1244 = vector.broadcast %reduce_max3A_1230 : f32 to vector<16xf32>
    %select_n3A_1245 = arith.select %eq3A_1176, %broadcast_in_dim3A_1244, %select_n3A_1171 : vector<16xi1>, vector<16xf32>
    %broadcast_in_dim3A_1246 = vector.broadcast %reduce_min3A_1243 : i32 to vector<16xi32>
    %select_n3A_1247 = arith.select %eq3A_1176, %broadcast_in_dim3A_1246, %select_n3A_1173 : vector<16xi1>, vector<16xi32>
    %eq3A_1248 = arith.constant 0 : i32
    %eq3A_1249 = vector.broadcast %eq3A_1248 : i32 to vector<16xi32>
    %eq3A_1250 = arith.cmpi eq, %iota3A, %eq3A_1249 : vector<16xi32>
    %jit3A_1251 = arith.constant 0xFF800000 : f32
    %broadcast_in_dim3A_1252 = vector.broadcast %jit3A_1251 : f32 to vector<16xf32>
    %select_n3A_1253 = arith.select %eq3A_1250, %sub3A_46, %broadcast_in_dim3A_1252 : vector<16xi1>, vector<16xf32>
    %reduce_max3A_1254 = arith.constant true
    %reduce_max3A_1255 = vector.broadcast %reduce_max3A_1254 : i1 to vector<16xi1>
    %reduce_max3A_1256 = tpu.scan <max>, %select_n3A_1253 masked %reduce_max3A_1255 : vector<16xf32>, vector<16xi1> -> vector<16xf32>
    %reduce_max3A_1257 = vector.extract %reduce_max3A_1256[15] : f32 from vector<16xf32>
    %broadcast_in_dim3A_1258 = vector.broadcast %reduce_max3A_1257 : f32 to vector<16xf32>
    %jit3A_1259 = arith.constant 0xFF800000 : f32
    %broadcast_in_dim3A_1260 = vector.broadcast %jit3A_1259 : f32 to vector<16xf32>
    %select_n3A_1261 = arith.select %eq3A_1250, %sub3A_50, %broadcast_in_dim3A_1260 : vector<16xi1>, vector<16xf32>
    %reduce_max3A_1262 = arith.constant true
    %reduce_max3A_1263 = vector.broadcast %reduce_max3A_1262 : i1 to vector<16xi1>
    %reduce_max3A_1264 = tpu.scan <max>, %select_n3A_1261 masked %reduce_max3A_1263 : vector<16xf32>, vector<16xi1> -> vector<16xf32>
    %reduce_max3A_1265 = vector.extract %reduce_max3A_1264[15] : f32 from vector<16xf32>
    %broadcast_in_dim3A_1266 = vector.broadcast %reduce_max3A_1265 : f32 to vector<16xf32>
    %jit3A_1267 = arith.constant 0xFF800000 : f32
    %broadcast_in_dim3A_1268 = vector.broadcast %jit3A_1267 : f32 to vector<16xf32>
    %select_n3A_1269 = arith.select %eq3A_1250, %add3A_54, %broadcast_in_dim3A_1268 : vector<16xi1>, vector<16xf32>
    %reduce_max3A_1270 = arith.constant true
    %reduce_max3A_1271 = vector.broadcast %reduce_max3A_1270 : i1 to vector<16xi1>
    %reduce_max3A_1272 = tpu.scan <max>, %select_n3A_1269 masked %reduce_max3A_1271 : vector<16xf32>, vector<16xi1> -> vector<16xf32>
    %reduce_max3A_1273 = vector.extract %reduce_max3A_1272[15] : f32 from vector<16xf32>
    %broadcast_in_dim3A_1274 = vector.broadcast %reduce_max3A_1273 : f32 to vector<16xf32>
    %jit3A_1275 = arith.constant 0xFF800000 : f32
    %broadcast_in_dim3A_1276 = vector.broadcast %jit3A_1275 : f32 to vector<16xf32>
    %select_n3A_1277 = arith.select %eq3A_1250, %add3A_58, %broadcast_in_dim3A_1276 : vector<16xi1>, vector<16xf32>
    %reduce_max3A_1278 = arith.constant true
    %reduce_max3A_1279 = vector.broadcast %reduce_max3A_1278 : i1 to vector<16xi1>
    %reduce_max3A_1280 = tpu.scan <max>, %select_n3A_1277 masked %reduce_max3A_1279 : vector<16xf32>, vector<16xi1> -> vector<16xf32>
    %reduce_max3A_1281 = vector.extract %reduce_max3A_1280[15] : f32 from vector<16xf32>
    %broadcast_in_dim3A_1282 = vector.broadcast %reduce_max3A_1281 : f32 to vector<16xf32>
    %jit3A_1283 = arith.constant 0xFF800000 : f32
    %broadcast_in_dim3A_1284 = vector.broadcast %jit3A_1283 : f32 to vector<16xf32>
    %select_n3A_1285 = arith.select %eq3A_1250, %mul3A_61, %broadcast_in_dim3A_1284 : vector<16xi1>, vector<16xf32>
    %reduce_max3A_1286 = arith.constant true
    %reduce_max3A_1287 = vector.broadcast %reduce_max3A_1286 : i1 to vector<16xi1>
    %reduce_max3A_1288 = tpu.scan <max>, %select_n3A_1285 masked %reduce_max3A_1287 : vector<16xf32>, vector<16xi1> -> vector<16xf32>
    %reduce_max3A_1289 = vector.extract %reduce_max3A_1288[15] : f32 from vector<16xf32>
    %broadcast_in_dim3A_1290 = vector.broadcast %reduce_max3A_1289 : f32 to vector<16xf32>
    %broadcast_in_dim3A_1291 = arith.constant -1.000000e+00 : f32
    %broadcast_in_dim3A_1292 = vector.broadcast %broadcast_in_dim3A_1291 : f32 to vector<16xf32>
    %broadcast_in_dim3A_1293 = arith.constant 0 : i32
    %broadcast_in_dim3A_1294 = vector.broadcast %broadcast_in_dim3A_1293 : i32 to vector<16xi32>
    %scan3A_1295 = arith.constant 0 : i32
    %scan3A_1296 = arith.constant 79 : i32
    %scan3A_1297 = arith.addi %scan3A_1295, %scan3A_1296 : i32
    %scan3A_1298 = arith.constant 1 : i32
    %scan3A_1299:2 = scf.for %scan3A_1562 = %scan3A_1295 to %scan3A_1297 step %scan3A_1298 iter_args(%scan3A_1563 = %broadcast_in_dim3A_1292, %scan3A_1564 = %broadcast_in_dim3A_1294) -> (vector<16xf32>, vector<16xi32>)  : i32 {
      %mul3A_1565 = arith.constant 16 : i32
      %mul3A_1566 = arith.muli %scan3A_1562, %mul3A_1565 : i32
      %add3A_1567 = vector.broadcast %mul3A_1566 : i32 to vector<16xi32>
      %add3A_1568 = arith.addi %add3A_1567, %iota3A : vector<16xi32>
      %gather3A_1569 = tpu.vector_load_idx %arg7[%add3A_1568, %broadcast_in_dim3A_1] : memref<1264x4xf32, #tpu.memory_space<vmem>>[vector<16xi32>, vector<16xi32>], vector<16xf32>,
      %gather3A_1570 = tpu.vector_load_idx %arg7[%add3A_1568, %broadcast_in_dim3A_3] : memref<1264x4xf32, #tpu.memory_space<vmem>>[vector<16xi32>, vector<16xi32>], vector<16xf32>,
      %gather3A_1571 = tpu.vector_load_idx %arg7[%add3A_1568, %broadcast_in_dim3A_5] : memref<1264x4xf32, #tpu.memory_space<vmem>>[vector<16xi32>, vector<16xi32>], vector<16xf32>,
      %gather3A_1572 = tpu.vector_load_idx %arg7[%add3A_1568, %broadcast_in_dim3A_7] : memref<1264x4xf32, #tpu.memory_space<vmem>>[vector<16xi32>, vector<16xi32>], vector<16xf32>,
      %sub3A_1573 = arith.subf %gather3A_1571, %gather3A_1569 : vector<16xf32>
      %sub3A_1574 = arith.subf %gather3A_1572, %gather3A_1570 : vector<16xf32>
      %mul3A_1575 = arith.mulf %sub3A_1573, %sub3A_1574 : vector<16xf32>
      %max3A = arith.maximumf %gather3A_1569, %broadcast_in_dim3A_1258 : vector<16xf32>
      %max3A_1576 = arith.maximumf %gather3A_1570, %broadcast_in_dim3A_1266 : vector<16xf32>
      %min3A = arith.minimumf %gather3A_1571, %broadcast_in_dim3A_1274 : vector<16xf32>
      %min3A_1577 = arith.minimumf %gather3A_1572, %broadcast_in_dim3A_1282 : vector<16xf32>
      %sub3A_1578 = arith.subf %min3A, %max3A : vector<16xf32>
      %max3A_1579 = arith.constant 0.000000e+00 : f32
      %max3A_1580 = vector.broadcast %max3A_1579 : f32 to vector<16xf32>
      %max3A_1581 = arith.maximumf %sub3A_1578, %max3A_1580 : vector<16xf32>
      %sub3A_1582 = arith.subf %min3A_1577, %max3A_1576 : vector<16xf32>
      %max3A_1583 = arith.constant 0.000000e+00 : f32
      %max3A_1584 = vector.broadcast %max3A_1583 : f32 to vector<16xf32>
      %max3A_1585 = arith.maximumf %sub3A_1582, %max3A_1584 : vector<16xf32>
      %mul3A_1586 = arith.mulf %max3A_1581, %max3A_1585 : vector<16xf32>
      %add3A_1587 = arith.addf %mul3A_1575, %broadcast_in_dim3A_1290 : vector<16xf32>
      %sub3A_1588 = arith.subf %add3A_1587, %mul3A_1586 : vector<16xf32>
      %div3A = arith.divf %mul3A_1586, %sub3A_1588 : vector<16xf32>
      %gt3A = arith.cmpf ogt, %div3A, %scan3A_1563 : vector<16xf32>
      %add3A_1589 = vector.broadcast %mul3A_0 : i32 to vector<16xi32>
      %add3A_1590 = arith.addi %add3A_1589, %add3A_1568 : vector<16xi32>
      %select_n3A_1591 = arith.select %gt3A, %div3A, %scan3A_1563 : vector<16xi1>, vector<16xf32>
      %select_n3A_1592 = arith.select %gt3A, %add3A_1590, %scan3A_1564 : vector<16xi1>, vector<16xi32>
      scf.yield %select_n3A_1591, %select_n3A_1592 : vector<16xf32>, vector<16xi32>
    }
    %scan3A_1300 = arith.constant 79 : i32
    %reduce_max3A_1301 = arith.constant true
    %reduce_max3A_1302 = vector.broadcast %reduce_max3A_1301 : i1 to vector<16xi1>
    %reduce_max3A_1303 = tpu.scan <max>, %scan3A_1299#0 masked %reduce_max3A_1302 : vector<16xf32>, vector<16xi1> -> vector<16xf32>
    %reduce_max3A_1304 = vector.extract %reduce_max3A_1303[15] : f32 from vector<16xf32>
    %eq3A_1305 = vector.broadcast %reduce_max3A_1304 : f32 to vector<16xf32>
    %eq3A_1306 = arith.cmpf oeq, %scan3A_1299#0, %eq3A_1305 : vector<16xf32>
    %jit3A_1307 = arith.constant 1073741824 : i32
    %broadcast_in_dim3A_1308 = vector.broadcast %jit3A_1307 : i32 to vector<16xi32>
    %select_n3A_1309 = arith.select %eq3A_1306, %scan3A_1299#1, %broadcast_in_dim3A_1308 : vector<16xi1>, vector<16xi32>
    %reduce_min3A_1310 = arith.constant true
    %reduce_min3A_1311 = vector.broadcast %reduce_min3A_1310 : i1 to vector<16xi1>
    %reduce_min3A_1312 = arith.constant -2147483648 : i32
    %reduce_min3A_1313 = vector.broadcast %reduce_min3A_1312 : i32 to vector<16xi32>
    %reduce_min3A_1314 = arith.xori %select_n3A_1309, %reduce_min3A_1313 : vector<16xi32>
    %reduce_min3A_1315 = tpu.scan <min>, %reduce_min3A_1314 masked %reduce_min3A_1311 : vector<16xi32>, vector<16xi1> -> vector<16xi32>
    %reduce_min3A_1316 = arith.xori %reduce_min3A_1315, %reduce_min3A_1313 : vector<16xi32>
    %reduce_min3A_1317 = vector.extract %reduce_min3A_1316[15] : i32 from vector<16xi32>
    %broadcast_in_dim3A_1318 = vector.broadcast %reduce_max3A_1304 : f32 to vector<16xf32>
    %select_n3A_1319 = arith.select %eq3A_1250, %broadcast_in_dim3A_1318, %broadcast_in_dim3A_65 : vector<16xi1>, vector<16xf32>
    %broadcast_in_dim3A_1320 = vector.broadcast %reduce_min3A_1317 : i32 to vector<16xi32>
    %select_n3A_1321 = arith.select %eq3A_1250, %broadcast_in_dim3A_1320, %broadcast_in_dim3A_69 : vector<16xi1>, vector<16xi32>
    %eq3A_1322 = arith.constant 1 : i32
    %eq3A_1323 = vector.broadcast %eq3A_1322 : i32 to vector<16xi32>
    %eq3A_1324 = arith.cmpi eq, %iota3A, %eq3A_1323 : vector<16xi32>
    %jit3A_1325 = arith.constant 0xFF800000 : f32
    %broadcast_in_dim3A_1326 = vector.broadcast %jit3A_1325 : f32 to vector<16xf32>
    %select_n3A_1327 = arith.select %eq3A_1324, %sub3A_46, %broadcast_in_dim3A_1326 : vector<16xi1>, vector<16xf32>
    %reduce_max3A_1328 = arith.constant true
    %reduce_max3A_1329 = vector.broadcast %reduce_max3A_1328 : i1 to vector<16xi1>
    %reduce_max3A_1330 = tpu.scan <max>, %select_n3A_1327 masked %reduce_max3A_1329 : vector<16xf32>, vector<16xi1> -> vector<16xf32>
    %reduce_max3A_1331 = vector.extract %reduce_max3A_1330[15] : f32 from vector<16xf32>
    %broadcast_in_dim3A_1332 = vector.broadcast %reduce_max3A_1331 : f32 to vector<16xf32>
    %jit3A_1333 = arith.constant 0xFF800000 : f32
    %broadcast_in_dim3A_1334 = vector.broadcast %jit3A_1333 : f32 to vector<16xf32>
    %select_n3A_1335 = arith.select %eq3A_1324, %sub3A_50, %broadcast_in_dim3A_1334 : vector<16xi1>, vector<16xf32>
    %reduce_max3A_1336 = arith.constant true
    %reduce_max3A_1337 = vector.broadcast %reduce_max3A_1336 : i1 to vector<16xi1>
    %reduce_max3A_1338 = tpu.scan <max>, %select_n3A_1335 masked %reduce_max3A_1337 : vector<16xf32>, vector<16xi1> -> vector<16xf32>
    %reduce_max3A_1339 = vector.extract %reduce_max3A_1338[15] : f32 from vector<16xf32>
    %broadcast_in_dim3A_1340 = vector.broadcast %reduce_max3A_1339 : f32 to vector<16xf32>
    %jit3A_1341 = arith.constant 0xFF800000 : f32
    %broadcast_in_dim3A_1342 = vector.broadcast %jit3A_1341 : f32 to vector<16xf32>
    %select_n3A_1343 = arith.select %eq3A_1324, %add3A_54, %broadcast_in_dim3A_1342 : vector<16xi1>, vector<16xf32>
    %reduce_max3A_1344 = arith.constant true
    %reduce_max3A_1345 = vector.broadcast %reduce_max3A_1344 : i1 to vector<16xi1>
    %reduce_max3A_1346 = tpu.scan <max>, %select_n3A_1343 masked %reduce_max3A_1345 : vector<16xf32>, vector<16xi1> -> vector<16xf32>
    %reduce_max3A_1347 = vector.extract %reduce_max3A_1346[15] : f32 from vector<16xf32>
    %broadcast_in_dim3A_1348 = vector.broadcast %reduce_max3A_1347 : f32 to vector<16xf32>
    %jit3A_1349 = arith.constant 0xFF800000 : f32
    %broadcast_in_dim3A_1350 = vector.broadcast %jit3A_1349 : f32 to vector<16xf32>
    %select_n3A_1351 = arith.select %eq3A_1324, %add3A_58, %broadcast_in_dim3A_1350 : vector<16xi1>, vector<16xf32>
    %reduce_max3A_1352 = arith.constant true
    %reduce_max3A_1353 = vector.broadcast %reduce_max3A_1352 : i1 to vector<16xi1>
    %reduce_max3A_1354 = tpu.scan <max>, %select_n3A_1351 masked %reduce_max3A_1353 : vector<16xf32>, vector<16xi1> -> vector<16xf32>
    %reduce_max3A_1355 = vector.extract %reduce_max3A_1354[15] : f32 from vector<16xf32>
    %broadcast_in_dim3A_1356 = vector.broadcast %reduce_max3A_1355 : f32 to vector<16xf32>
    %jit3A_1357 = arith.constant 0xFF800000 : f32
    %broadcast_in_dim3A_1358 = vector.broadcast %jit3A_1357 : f32 to vector<16xf32>
    %select_n3A_1359 = arith.select %eq3A_1324, %mul3A_61, %broadcast_in_dim3A_1358 : vector<16xi1>, vector<16xf32>
    %reduce_max3A_1360 = arith.constant true
    %reduce_max3A_1361 = vector.broadcast %reduce_max3A_1360 : i1 to vector<16xi1>
    %reduce_max3A_1362 = tpu.scan <max>, %select_n3A_1359 masked %reduce_max3A_1361 : vector<16xf32>, vector<16xi1> -> vector<16xf32>
    %reduce_max3A_1363 = vector.extract %reduce_max3A_1362[15] : f32 from vector<16xf32>
    %broadcast_in_dim3A_1364 = vector.broadcast %reduce_max3A_1363 : f32 to vector<16xf32>
    %broadcast_in_dim3A_1365 = arith.constant -1.000000e+00 : f32
    %broadcast_in_dim3A_1366 = vector.broadcast %broadcast_in_dim3A_1365 : f32 to vector<16xf32>
    %broadcast_in_dim3A_1367 = arith.constant 0 : i32
    %broadcast_in_dim3A_1368 = vector.broadcast %broadcast_in_dim3A_1367 : i32 to vector<16xi32>
    %scan3A_1369 = arith.constant 0 : i32
    %scan3A_1370 = arith.constant 79 : i32
    %scan3A_1371 = arith.addi %scan3A_1369, %scan3A_1370 : i32
    %scan3A_1372 = arith.constant 1 : i32
    %scan3A_1373:2 = scf.for %scan3A_1562 = %scan3A_1369 to %scan3A_1371 step %scan3A_1372 iter_args(%scan3A_1563 = %broadcast_in_dim3A_1366, %scan3A_1564 = %broadcast_in_dim3A_1368) -> (vector<16xf32>, vector<16xi32>)  : i32 {
      %mul3A_1565 = arith.constant 16 : i32
      %mul3A_1566 = arith.muli %scan3A_1562, %mul3A_1565 : i32
      %add3A_1567 = vector.broadcast %mul3A_1566 : i32 to vector<16xi32>
      %add3A_1568 = arith.addi %add3A_1567, %iota3A : vector<16xi32>
      %gather3A_1569 = tpu.vector_load_idx %arg7[%add3A_1568, %broadcast_in_dim3A_1] : memref<1264x4xf32, #tpu.memory_space<vmem>>[vector<16xi32>, vector<16xi32>], vector<16xf32>,
      %gather3A_1570 = tpu.vector_load_idx %arg7[%add3A_1568, %broadcast_in_dim3A_3] : memref<1264x4xf32, #tpu.memory_space<vmem>>[vector<16xi32>, vector<16xi32>], vector<16xf32>,
      %gather3A_1571 = tpu.vector_load_idx %arg7[%add3A_1568, %broadcast_in_dim3A_5] : memref<1264x4xf32, #tpu.memory_space<vmem>>[vector<16xi32>, vector<16xi32>], vector<16xf32>,
      %gather3A_1572 = tpu.vector_load_idx %arg7[%add3A_1568, %broadcast_in_dim3A_7] : memref<1264x4xf32, #tpu.memory_space<vmem>>[vector<16xi32>, vector<16xi32>], vector<16xf32>,
      %sub3A_1573 = arith.subf %gather3A_1571, %gather3A_1569 : vector<16xf32>
      %sub3A_1574 = arith.subf %gather3A_1572, %gather3A_1570 : vector<16xf32>
      %mul3A_1575 = arith.mulf %sub3A_1573, %sub3A_1574 : vector<16xf32>
      %max3A = arith.maximumf %gather3A_1569, %broadcast_in_dim3A_1332 : vector<16xf32>
      %max3A_1576 = arith.maximumf %gather3A_1570, %broadcast_in_dim3A_1340 : vector<16xf32>
      %min3A = arith.minimumf %gather3A_1571, %broadcast_in_dim3A_1348 : vector<16xf32>
      %min3A_1577 = arith.minimumf %gather3A_1572, %broadcast_in_dim3A_1356 : vector<16xf32>
      %sub3A_1578 = arith.subf %min3A, %max3A : vector<16xf32>
      %max3A_1579 = arith.constant 0.000000e+00 : f32
      %max3A_1580 = vector.broadcast %max3A_1579 : f32 to vector<16xf32>
      %max3A_1581 = arith.maximumf %sub3A_1578, %max3A_1580 : vector<16xf32>
      %sub3A_1582 = arith.subf %min3A_1577, %max3A_1576 : vector<16xf32>
      %max3A_1583 = arith.constant 0.000000e+00 : f32
      %max3A_1584 = vector.broadcast %max3A_1583 : f32 to vector<16xf32>
      %max3A_1585 = arith.maximumf %sub3A_1582, %max3A_1584 : vector<16xf32>
      %mul3A_1586 = arith.mulf %max3A_1581, %max3A_1585 : vector<16xf32>
      %add3A_1587 = arith.addf %mul3A_1575, %broadcast_in_dim3A_1364 : vector<16xf32>
      %sub3A_1588 = arith.subf %add3A_1587, %mul3A_1586 : vector<16xf32>
      %div3A = arith.divf %mul3A_1586, %sub3A_1588 : vector<16xf32>
      %gt3A = arith.cmpf ogt, %div3A, %scan3A_1563 : vector<16xf32>
      %add3A_1589 = vector.broadcast %mul3A_0 : i32 to vector<16xi32>
      %add3A_1590 = arith.addi %add3A_1589, %add3A_1568 : vector<16xi32>
      %select_n3A_1591 = arith.select %gt3A, %div3A, %scan3A_1563 : vector<16xi1>, vector<16xf32>
      %select_n3A_1592 = arith.select %gt3A, %add3A_1590, %scan3A_1564 : vector<16xi1>, vector<16xi32>
      scf.yield %select_n3A_1591, %select_n3A_1592 : vector<16xf32>, vector<16xi32>
    }
    %scan3A_1374 = arith.constant 79 : i32
    %reduce_max3A_1375 = arith.constant true
    %reduce_max3A_1376 = vector.broadcast %reduce_max3A_1375 : i1 to vector<16xi1>
    %reduce_max3A_1377 = tpu.scan <max>, %scan3A_1373#0 masked %reduce_max3A_1376 : vector<16xf32>, vector<16xi1> -> vector<16xf32>
    %reduce_max3A_1378 = vector.extract %reduce_max3A_1377[15] : f32 from vector<16xf32>
    %eq3A_1379 = vector.broadcast %reduce_max3A_1378 : f32 to vector<16xf32>
    %eq3A_1380 = arith.cmpf oeq, %scan3A_1373#0, %eq3A_1379 : vector<16xf32>
    %jit3A_1381 = arith.constant 1073741824 : i32
    %broadcast_in_dim3A_1382 = vector.broadcast %jit3A_1381 : i32 to vector<16xi32>
    %select_n3A_1383 = arith.select %eq3A_1380, %scan3A_1373#1, %broadcast_in_dim3A_1382 : vector<16xi1>, vector<16xi32>
    %reduce_min3A_1384 = arith.constant true
    %reduce_min3A_1385 = vector.broadcast %reduce_min3A_1384 : i1 to vector<16xi1>
    %reduce_min3A_1386 = arith.constant -2147483648 : i32
    %reduce_min3A_1387 = vector.broadcast %reduce_min3A_1386 : i32 to vector<16xi32>
    %reduce_min3A_1388 = arith.xori %select_n3A_1383, %reduce_min3A_1387 : vector<16xi32>
    %reduce_min3A_1389 = tpu.scan <min>, %reduce_min3A_1388 masked %reduce_min3A_1385 : vector<16xi32>, vector<16xi1> -> vector<16xi32>
    %reduce_min3A_1390 = arith.xori %reduce_min3A_1389, %reduce_min3A_1387 : vector<16xi32>
    %reduce_min3A_1391 = vector.extract %reduce_min3A_1390[15] : i32 from vector<16xi32>
    %broadcast_in_dim3A_1392 = vector.broadcast %reduce_max3A_1378 : f32 to vector<16xf32>
    %select_n3A_1393 = arith.select %eq3A_1324, %broadcast_in_dim3A_1392, %select_n3A_1319 : vector<16xi1>, vector<16xf32>
    %broadcast_in_dim3A_1394 = vector.broadcast %reduce_min3A_1391 : i32 to vector<16xi32>
    %select_n3A_1395 = arith.select %eq3A_1324, %broadcast_in_dim3A_1394, %select_n3A_1321 : vector<16xi1>, vector<16xi32>
    %eq3A_1396 = arith.constant 2 : i32
    %eq3A_1397 = vector.broadcast %eq3A_1396 : i32 to vector<16xi32>
    %eq3A_1398 = arith.cmpi eq, %iota3A, %eq3A_1397 : vector<16xi32>
    %jit3A_1399 = arith.constant 0xFF800000 : f32
    %broadcast_in_dim3A_1400 = vector.broadcast %jit3A_1399 : f32 to vector<16xf32>
    %select_n3A_1401 = arith.select %eq3A_1398, %sub3A_46, %broadcast_in_dim3A_1400 : vector<16xi1>, vector<16xf32>
    %reduce_max3A_1402 = arith.constant true
    %reduce_max3A_1403 = vector.broadcast %reduce_max3A_1402 : i1 to vector<16xi1>
    %reduce_max3A_1404 = tpu.scan <max>, %select_n3A_1401 masked %reduce_max3A_1403 : vector<16xf32>, vector<16xi1> -> vector<16xf32>
    %reduce_max3A_1405 = vector.extract %reduce_max3A_1404[15] : f32 from vector<16xf32>
    %broadcast_in_dim3A_1406 = vector.broadcast %reduce_max3A_1405 : f32 to vector<16xf32>
    %jit3A_1407 = arith.constant 0xFF800000 : f32
    %broadcast_in_dim3A_1408 = vector.broadcast %jit3A_1407 : f32 to vector<16xf32>
    %select_n3A_1409 = arith.select %eq3A_1398, %sub3A_50, %broadcast_in_dim3A_1408 : vector<16xi1>, vector<16xf32>
    %reduce_max3A_1410 = arith.constant true
    %reduce_max3A_1411 = vector.broadcast %reduce_max3A_1410 : i1 to vector<16xi1>
    %reduce_max3A_1412 = tpu.scan <max>, %select_n3A_1409 masked %reduce_max3A_1411 : vector<16xf32>, vector<16xi1> -> vector<16xf32>
    %reduce_max3A_1413 = vector.extract %reduce_max3A_1412[15] : f32 from vector<16xf32>
    %broadcast_in_dim3A_1414 = vector.broadcast %reduce_max3A_1413 : f32 to vector<16xf32>
    %jit3A_1415 = arith.constant 0xFF800000 : f32
    %broadcast_in_dim3A_1416 = vector.broadcast %jit3A_1415 : f32 to vector<16xf32>
    %select_n3A_1417 = arith.select %eq3A_1398, %add3A_54, %broadcast_in_dim3A_1416 : vector<16xi1>, vector<16xf32>
    %reduce_max3A_1418 = arith.constant true
    %reduce_max3A_1419 = vector.broadcast %reduce_max3A_1418 : i1 to vector<16xi1>
    %reduce_max3A_1420 = tpu.scan <max>, %select_n3A_1417 masked %reduce_max3A_1419 : vector<16xf32>, vector<16xi1> -> vector<16xf32>
    %reduce_max3A_1421 = vector.extract %reduce_max3A_1420[15] : f32 from vector<16xf32>
    %broadcast_in_dim3A_1422 = vector.broadcast %reduce_max3A_1421 : f32 to vector<16xf32>
    %jit3A_1423 = arith.constant 0xFF800000 : f32
    %broadcast_in_dim3A_1424 = vector.broadcast %jit3A_1423 : f32 to vector<16xf32>
    %select_n3A_1425 = arith.select %eq3A_1398, %add3A_58, %broadcast_in_dim3A_1424 : vector<16xi1>, vector<16xf32>
    %reduce_max3A_1426 = arith.constant true
    %reduce_max3A_1427 = vector.broadcast %reduce_max3A_1426 : i1 to vector<16xi1>
    %reduce_max3A_1428 = tpu.scan <max>, %select_n3A_1425 masked %reduce_max3A_1427 : vector<16xf32>, vector<16xi1> -> vector<16xf32>
    %reduce_max3A_1429 = vector.extract %reduce_max3A_1428[15] : f32 from vector<16xf32>
    %broadcast_in_dim3A_1430 = vector.broadcast %reduce_max3A_1429 : f32 to vector<16xf32>
    %jit3A_1431 = arith.constant 0xFF800000 : f32
    %broadcast_in_dim3A_1432 = vector.broadcast %jit3A_1431 : f32 to vector<16xf32>
    %select_n3A_1433 = arith.select %eq3A_1398, %mul3A_61, %broadcast_in_dim3A_1432 : vector<16xi1>, vector<16xf32>
    %reduce_max3A_1434 = arith.constant true
    %reduce_max3A_1435 = vector.broadcast %reduce_max3A_1434 : i1 to vector<16xi1>
    %reduce_max3A_1436 = tpu.scan <max>, %select_n3A_1433 masked %reduce_max3A_1435 : vector<16xf32>, vector<16xi1> -> vector<16xf32>
    %reduce_max3A_1437 = vector.extract %reduce_max3A_1436[15] : f32 from vector<16xf32>
    %broadcast_in_dim3A_1438 = vector.broadcast %reduce_max3A_1437 : f32 to vector<16xf32>
    %broadcast_in_dim3A_1439 = arith.constant -1.000000e+00 : f32
    %broadcast_in_dim3A_1440 = vector.broadcast %broadcast_in_dim3A_1439 : f32 to vector<16xf32>
    %broadcast_in_dim3A_1441 = arith.constant 0 : i32
    %broadcast_in_dim3A_1442 = vector.broadcast %broadcast_in_dim3A_1441 : i32 to vector<16xi32>
    %scan3A_1443 = arith.constant 0 : i32
    %scan3A_1444 = arith.constant 79 : i32
    %scan3A_1445 = arith.addi %scan3A_1443, %scan3A_1444 : i32
    %scan3A_1446 = arith.constant 1 : i32
    %scan3A_1447:2 = scf.for %scan3A_1562 = %scan3A_1443 to %scan3A_1445 step %scan3A_1446 iter_args(%scan3A_1563 = %broadcast_in_dim3A_1440, %scan3A_1564 = %broadcast_in_dim3A_1442) -> (vector<16xf32>, vector<16xi32>)  : i32 {
      %mul3A_1565 = arith.constant 16 : i32
      %mul3A_1566 = arith.muli %scan3A_1562, %mul3A_1565 : i32
      %add3A_1567 = vector.broadcast %mul3A_1566 : i32 to vector<16xi32>
      %add3A_1568 = arith.addi %add3A_1567, %iota3A : vector<16xi32>
      %gather3A_1569 = tpu.vector_load_idx %arg7[%add3A_1568, %broadcast_in_dim3A_1] : memref<1264x4xf32, #tpu.memory_space<vmem>>[vector<16xi32>, vector<16xi32>], vector<16xf32>,
      %gather3A_1570 = tpu.vector_load_idx %arg7[%add3A_1568, %broadcast_in_dim3A_3] : memref<1264x4xf32, #tpu.memory_space<vmem>>[vector<16xi32>, vector<16xi32>], vector<16xf32>,
      %gather3A_1571 = tpu.vector_load_idx %arg7[%add3A_1568, %broadcast_in_dim3A_5] : memref<1264x4xf32, #tpu.memory_space<vmem>>[vector<16xi32>, vector<16xi32>], vector<16xf32>,
      %gather3A_1572 = tpu.vector_load_idx %arg7[%add3A_1568, %broadcast_in_dim3A_7] : memref<1264x4xf32, #tpu.memory_space<vmem>>[vector<16xi32>, vector<16xi32>], vector<16xf32>,
      %sub3A_1573 = arith.subf %gather3A_1571, %gather3A_1569 : vector<16xf32>
      %sub3A_1574 = arith.subf %gather3A_1572, %gather3A_1570 : vector<16xf32>
      %mul3A_1575 = arith.mulf %sub3A_1573, %sub3A_1574 : vector<16xf32>
      %max3A = arith.maximumf %gather3A_1569, %broadcast_in_dim3A_1406 : vector<16xf32>
      %max3A_1576 = arith.maximumf %gather3A_1570, %broadcast_in_dim3A_1414 : vector<16xf32>
      %min3A = arith.minimumf %gather3A_1571, %broadcast_in_dim3A_1422 : vector<16xf32>
      %min3A_1577 = arith.minimumf %gather3A_1572, %broadcast_in_dim3A_1430 : vector<16xf32>
      %sub3A_1578 = arith.subf %min3A, %max3A : vector<16xf32>
      %max3A_1579 = arith.constant 0.000000e+00 : f32
      %max3A_1580 = vector.broadcast %max3A_1579 : f32 to vector<16xf32>
      %max3A_1581 = arith.maximumf %sub3A_1578, %max3A_1580 : vector<16xf32>
      %sub3A_1582 = arith.subf %min3A_1577, %max3A_1576 : vector<16xf32>
      %max3A_1583 = arith.constant 0.000000e+00 : f32
      %max3A_1584 = vector.broadcast %max3A_1583 : f32 to vector<16xf32>
      %max3A_1585 = arith.maximumf %sub3A_1582, %max3A_1584 : vector<16xf32>
      %mul3A_1586 = arith.mulf %max3A_1581, %max3A_1585 : vector<16xf32>
      %add3A_1587 = arith.addf %mul3A_1575, %broadcast_in_dim3A_1438 : vector<16xf32>
      %sub3A_1588 = arith.subf %add3A_1587, %mul3A_1586 : vector<16xf32>
      %div3A = arith.divf %mul3A_1586, %sub3A_1588 : vector<16xf32>
      %gt3A = arith.cmpf ogt, %div3A, %scan3A_1563 : vector<16xf32>
      %add3A_1589 = vector.broadcast %mul3A_0 : i32 to vector<16xi32>
      %add3A_1590 = arith.addi %add3A_1589, %add3A_1568 : vector<16xi32>
      %select_n3A_1591 = arith.select %gt3A, %div3A, %scan3A_1563 : vector<16xi1>, vector<16xf32>
      %select_n3A_1592 = arith.select %gt3A, %add3A_1590, %scan3A_1564 : vector<16xi1>, vector<16xi32>
      scf.yield %select_n3A_1591, %select_n3A_1592 : vector<16xf32>, vector<16xi32>
    }
    %scan3A_1448 = arith.constant 79 : i32
    %reduce_max3A_1449 = arith.constant true
    %reduce_max3A_1450 = vector.broadcast %reduce_max3A_1449 : i1 to vector<16xi1>
    %reduce_max3A_1451 = tpu.scan <max>, %scan3A_1447#0 masked %reduce_max3A_1450 : vector<16xf32>, vector<16xi1> -> vector<16xf32>
    %reduce_max3A_1452 = vector.extract %reduce_max3A_1451[15] : f32 from vector<16xf32>
    %eq3A_1453 = vector.broadcast %reduce_max3A_1452 : f32 to vector<16xf32>
    %eq3A_1454 = arith.cmpf oeq, %scan3A_1447#0, %eq3A_1453 : vector<16xf32>
    %jit3A_1455 = arith.constant 1073741824 : i32
    %broadcast_in_dim3A_1456 = vector.broadcast %jit3A_1455 : i32 to vector<16xi32>
    %select_n3A_1457 = arith.select %eq3A_1454, %scan3A_1447#1, %broadcast_in_dim3A_1456 : vector<16xi1>, vector<16xi32>
    %reduce_min3A_1458 = arith.constant true
    %reduce_min3A_1459 = vector.broadcast %reduce_min3A_1458 : i1 to vector<16xi1>
    %reduce_min3A_1460 = arith.constant -2147483648 : i32
    %reduce_min3A_1461 = vector.broadcast %reduce_min3A_1460 : i32 to vector<16xi32>
    %reduce_min3A_1462 = arith.xori %select_n3A_1457, %reduce_min3A_1461 : vector<16xi32>
    %reduce_min3A_1463 = tpu.scan <min>, %reduce_min3A_1462 masked %reduce_min3A_1459 : vector<16xi32>, vector<16xi1> -> vector<16xi32>
    %reduce_min3A_1464 = arith.xori %reduce_min3A_1463, %reduce_min3A_1461 : vector<16xi32>
    %reduce_min3A_1465 = vector.extract %reduce_min3A_1464[15] : i32 from vector<16xi32>
    %broadcast_in_dim3A_1466 = vector.broadcast %reduce_max3A_1452 : f32 to vector<16xf32>
    %select_n3A_1467 = arith.select %eq3A_1398, %broadcast_in_dim3A_1466, %select_n3A_1393 : vector<16xi1>, vector<16xf32>
    %broadcast_in_dim3A_1468 = vector.broadcast %reduce_min3A_1465 : i32 to vector<16xi32>
    %select_n3A_1469 = arith.select %eq3A_1398, %broadcast_in_dim3A_1468, %select_n3A_1395 : vector<16xi1>, vector<16xi32>
    %eq3A_1470 = arith.constant 3 : i32
    %eq3A_1471 = vector.broadcast %eq3A_1470 : i32 to vector<16xi32>
    %eq3A_1472 = arith.cmpi eq, %iota3A, %eq3A_1471 : vector<16xi32>
    %jit3A_1473 = arith.constant 0xFF800000 : f32
    %broadcast_in_dim3A_1474 = vector.broadcast %jit3A_1473 : f32 to vector<16xf32>
    %select_n3A_1475 = arith.select %eq3A_1472, %sub3A_46, %broadcast_in_dim3A_1474 : vector<16xi1>, vector<16xf32>
    %reduce_max3A_1476 = arith.constant true
    %reduce_max3A_1477 = vector.broadcast %reduce_max3A_1476 : i1 to vector<16xi1>
    %reduce_max3A_1478 = tpu.scan <max>, %select_n3A_1475 masked %reduce_max3A_1477 : vector<16xf32>, vector<16xi1> -> vector<16xf32>
    %reduce_max3A_1479 = vector.extract %reduce_max3A_1478[15] : f32 from vector<16xf32>
    %broadcast_in_dim3A_1480 = vector.broadcast %reduce_max3A_1479 : f32 to vector<16xf32>
    %jit3A_1481 = arith.constant 0xFF800000 : f32
    %broadcast_in_dim3A_1482 = vector.broadcast %jit3A_1481 : f32 to vector<16xf32>
    %select_n3A_1483 = arith.select %eq3A_1472, %sub3A_50, %broadcast_in_dim3A_1482 : vector<16xi1>, vector<16xf32>
    %reduce_max3A_1484 = arith.constant true
    %reduce_max3A_1485 = vector.broadcast %reduce_max3A_1484 : i1 to vector<16xi1>
    %reduce_max3A_1486 = tpu.scan <max>, %select_n3A_1483 masked %reduce_max3A_1485 : vector<16xf32>, vector<16xi1> -> vector<16xf32>
    %reduce_max3A_1487 = vector.extract %reduce_max3A_1486[15] : f32 from vector<16xf32>
    %broadcast_in_dim3A_1488 = vector.broadcast %reduce_max3A_1487 : f32 to vector<16xf32>
    %jit3A_1489 = arith.constant 0xFF800000 : f32
    %broadcast_in_dim3A_1490 = vector.broadcast %jit3A_1489 : f32 to vector<16xf32>
    %select_n3A_1491 = arith.select %eq3A_1472, %add3A_54, %broadcast_in_dim3A_1490 : vector<16xi1>, vector<16xf32>
    %reduce_max3A_1492 = arith.constant true
    %reduce_max3A_1493 = vector.broadcast %reduce_max3A_1492 : i1 to vector<16xi1>
    %reduce_max3A_1494 = tpu.scan <max>, %select_n3A_1491 masked %reduce_max3A_1493 : vector<16xf32>, vector<16xi1> -> vector<16xf32>
    %reduce_max3A_1495 = vector.extract %reduce_max3A_1494[15] : f32 from vector<16xf32>
    %broadcast_in_dim3A_1496 = vector.broadcast %reduce_max3A_1495 : f32 to vector<16xf32>
    %jit3A_1497 = arith.constant 0xFF800000 : f32
    %broadcast_in_dim3A_1498 = vector.broadcast %jit3A_1497 : f32 to vector<16xf32>
    %select_n3A_1499 = arith.select %eq3A_1472, %add3A_58, %broadcast_in_dim3A_1498 : vector<16xi1>, vector<16xf32>
    %reduce_max3A_1500 = arith.constant true
    %reduce_max3A_1501 = vector.broadcast %reduce_max3A_1500 : i1 to vector<16xi1>
    %reduce_max3A_1502 = tpu.scan <max>, %select_n3A_1499 masked %reduce_max3A_1501 : vector<16xf32>, vector<16xi1> -> vector<16xf32>
    %reduce_max3A_1503 = vector.extract %reduce_max3A_1502[15] : f32 from vector<16xf32>
    %broadcast_in_dim3A_1504 = vector.broadcast %reduce_max3A_1503 : f32 to vector<16xf32>
    %jit3A_1505 = arith.constant 0xFF800000 : f32
    %broadcast_in_dim3A_1506 = vector.broadcast %jit3A_1505 : f32 to vector<16xf32>
    %select_n3A_1507 = arith.select %eq3A_1472, %mul3A_61, %broadcast_in_dim3A_1506 : vector<16xi1>, vector<16xf32>
    %reduce_max3A_1508 = arith.constant true
    %reduce_max3A_1509 = vector.broadcast %reduce_max3A_1508 : i1 to vector<16xi1>
    %reduce_max3A_1510 = tpu.scan <max>, %select_n3A_1507 masked %reduce_max3A_1509 : vector<16xf32>, vector<16xi1> -> vector<16xf32>
    %reduce_max3A_1511 = vector.extract %reduce_max3A_1510[15] : f32 from vector<16xf32>
    %broadcast_in_dim3A_1512 = vector.broadcast %reduce_max3A_1511 : f32 to vector<16xf32>
    %broadcast_in_dim3A_1513 = arith.constant -1.000000e+00 : f32
    %broadcast_in_dim3A_1514 = vector.broadcast %broadcast_in_dim3A_1513 : f32 to vector<16xf32>
    %broadcast_in_dim3A_1515 = arith.constant 0 : i32
    %broadcast_in_dim3A_1516 = vector.broadcast %broadcast_in_dim3A_1515 : i32 to vector<16xi32>
    %scan3A_1517 = arith.constant 0 : i32
    %scan3A_1518 = arith.constant 79 : i32
    %scan3A_1519 = arith.addi %scan3A_1517, %scan3A_1518 : i32
    %scan3A_1520 = arith.constant 1 : i32
    %scan3A_1521:2 = scf.for %scan3A_1562 = %scan3A_1517 to %scan3A_1519 step %scan3A_1520 iter_args(%scan3A_1563 = %broadcast_in_dim3A_1514, %scan3A_1564 = %broadcast_in_dim3A_1516) -> (vector<16xf32>, vector<16xi32>)  : i32 {
      %mul3A_1565 = arith.constant 16 : i32
      %mul3A_1566 = arith.muli %scan3A_1562, %mul3A_1565 : i32
      %add3A_1567 = vector.broadcast %mul3A_1566 : i32 to vector<16xi32>
      %add3A_1568 = arith.addi %add3A_1567, %iota3A : vector<16xi32>
      %gather3A_1569 = tpu.vector_load_idx %arg7[%add3A_1568, %broadcast_in_dim3A_1] : memref<1264x4xf32, #tpu.memory_space<vmem>>[vector<16xi32>, vector<16xi32>], vector<16xf32>,
      %gather3A_1570 = tpu.vector_load_idx %arg7[%add3A_1568, %broadcast_in_dim3A_3] : memref<1264x4xf32, #tpu.memory_space<vmem>>[vector<16xi32>, vector<16xi32>], vector<16xf32>,
      %gather3A_1571 = tpu.vector_load_idx %arg7[%add3A_1568, %broadcast_in_dim3A_5] : memref<1264x4xf32, #tpu.memory_space<vmem>>[vector<16xi32>, vector<16xi32>], vector<16xf32>,
      %gather3A_1572 = tpu.vector_load_idx %arg7[%add3A_1568, %broadcast_in_dim3A_7] : memref<1264x4xf32, #tpu.memory_space<vmem>>[vector<16xi32>, vector<16xi32>], vector<16xf32>,
      %sub3A_1573 = arith.subf %gather3A_1571, %gather3A_1569 : vector<16xf32>
      %sub3A_1574 = arith.subf %gather3A_1572, %gather3A_1570 : vector<16xf32>
      %mul3A_1575 = arith.mulf %sub3A_1573, %sub3A_1574 : vector<16xf32>
      %max3A = arith.maximumf %gather3A_1569, %broadcast_in_dim3A_1480 : vector<16xf32>
      %max3A_1576 = arith.maximumf %gather3A_1570, %broadcast_in_dim3A_1488 : vector<16xf32>
      %min3A = arith.minimumf %gather3A_1571, %broadcast_in_dim3A_1496 : vector<16xf32>
      %min3A_1577 = arith.minimumf %gather3A_1572, %broadcast_in_dim3A_1504 : vector<16xf32>
      %sub3A_1578 = arith.subf %min3A, %max3A : vector<16xf32>
      %max3A_1579 = arith.constant 0.000000e+00 : f32
      %max3A_1580 = vector.broadcast %max3A_1579 : f32 to vector<16xf32>
      %max3A_1581 = arith.maximumf %sub3A_1578, %max3A_1580 : vector<16xf32>
      %sub3A_1582 = arith.subf %min3A_1577, %max3A_1576 : vector<16xf32>
      %max3A_1583 = arith.constant 0.000000e+00 : f32
      %max3A_1584 = vector.broadcast %max3A_1583 : f32 to vector<16xf32>
      %max3A_1585 = arith.maximumf %sub3A_1582, %max3A_1584 : vector<16xf32>
      %mul3A_1586 = arith.mulf %max3A_1581, %max3A_1585 : vector<16xf32>
      %add3A_1587 = arith.addf %mul3A_1575, %broadcast_in_dim3A_1512 : vector<16xf32>
      %sub3A_1588 = arith.subf %add3A_1587, %mul3A_1586 : vector<16xf32>
      %div3A = arith.divf %mul3A_1586, %sub3A_1588 : vector<16xf32>
      %gt3A = arith.cmpf ogt, %div3A, %scan3A_1563 : vector<16xf32>
      %add3A_1589 = vector.broadcast %mul3A_0 : i32 to vector<16xi32>
      %add3A_1590 = arith.addi %add3A_1589, %add3A_1568 : vector<16xi32>
      %select_n3A_1591 = arith.select %gt3A, %div3A, %scan3A_1563 : vector<16xi1>, vector<16xf32>
      %select_n3A_1592 = arith.select %gt3A, %add3A_1590, %scan3A_1564 : vector<16xi1>, vector<16xi32>
      scf.yield %select_n3A_1591, %select_n3A_1592 : vector<16xf32>, vector<16xi32>
    }
    %scan3A_1522 = arith.constant 79 : i32
    %reduce_max3A_1523 = arith.constant true
    %reduce_max3A_1524 = vector.broadcast %reduce_max3A_1523 : i1 to vector<16xi1>
    %reduce_max3A_1525 = tpu.scan <max>, %scan3A_1521#0 masked %reduce_max3A_1524 : vector<16xf32>, vector<16xi1> -> vector<16xf32>
    %reduce_max3A_1526 = vector.extract %reduce_max3A_1525[15] : f32 from vector<16xf32>
    %eq3A_1527 = vector.broadcast %reduce_max3A_1526 : f32 to vector<16xf32>
    %eq3A_1528 = arith.cmpf oeq, %scan3A_1521#0, %eq3A_1527 : vector<16xf32>
    %jit3A_1529 = arith.constant 1073741824 : i32
    %broadcast_in_dim3A_1530 = vector.broadcast %jit3A_1529 : i32 to vector<16xi32>
    %select_n3A_1531 = arith.select %eq3A_1528, %scan3A_1521#1, %broadcast_in_dim3A_1530 : vector<16xi1>, vector<16xi32>
    %reduce_min3A_1532 = arith.constant true
    %reduce_min3A_1533 = vector.broadcast %reduce_min3A_1532 : i1 to vector<16xi1>
    %reduce_min3A_1534 = arith.constant -2147483648 : i32
    %reduce_min3A_1535 = vector.broadcast %reduce_min3A_1534 : i32 to vector<16xi32>
    %reduce_min3A_1536 = arith.xori %select_n3A_1531, %reduce_min3A_1535 : vector<16xi32>
    %reduce_min3A_1537 = tpu.scan <min>, %reduce_min3A_1536 masked %reduce_min3A_1533 : vector<16xi32>, vector<16xi1> -> vector<16xi32>
    %reduce_min3A_1538 = arith.xori %reduce_min3A_1537, %reduce_min3A_1535 : vector<16xi32>
    %reduce_min3A_1539 = vector.extract %reduce_min3A_1538[15] : i32 from vector<16xi32>
    %broadcast_in_dim3A_1540 = vector.broadcast %reduce_max3A_1526 : f32 to vector<16xf32>
    %select_n3A_1541 = arith.select %eq3A_1472, %broadcast_in_dim3A_1540, %select_n3A_1467 : vector<16xi1>, vector<16xf32>
    %broadcast_in_dim3A_1542 = vector.broadcast %reduce_min3A_1539 : i32 to vector<16xi32>
    %select_n3A_1543 = arith.select %eq3A_1472, %broadcast_in_dim3A_1542, %select_n3A_1469 : vector<16xi1>, vector<16xi32>
    %swap3A = arith.constant 0 : i32
    %swap3A_1544 = arith.index_cast %swap3A : i32 to index
    %swap3A_1545 = arith.constant 0 : index
    %swap3A_1546 = tpu.vector_load %arg9[%swap3A_1544, %swap3A_1545] {strides = array<i32>} : memref<2x16xf32, #tpu.memory_space<vmem>>, vector<16xf32>,
    tpu.vector_store %arg9[%swap3A_1544, %swap3A_1545], %select_n3A_1245 {strides = array<i32>} : memref<2x16xf32, #tpu.memory_space<vmem>>, vector<16xf32>,
    %swap3A_1547 = arith.constant 1 : i32
    %swap3A_1548 = arith.index_cast %swap3A_1547 : i32 to index
    %swap3A_1549 = arith.constant 0 : index
    %swap3A_1550 = tpu.vector_load %arg9[%swap3A_1548, %swap3A_1549] {strides = array<i32>} : memref<2x16xf32, #tpu.memory_space<vmem>>, vector<16xf32>,
    tpu.vector_store %arg9[%swap3A_1548, %swap3A_1549], %select_n3A_1541 {strides = array<i32>} : memref<2x16xf32, #tpu.memory_space<vmem>>, vector<16xf32>,
    %swap3A_1551 = arith.constant 0 : i32
    %swap3A_1552 = arith.index_cast %swap3A_1551 : i32 to index
    %swap3A_1553 = arith.constant 0 : index
    %swap3A_1554 = tpu.vector_load %arg10[%swap3A_1552, %swap3A_1553] {strides = array<i32>} : memref<2x16xi32, #tpu.memory_space<vmem>>, vector<16xi32>,
    tpu.vector_store %arg10[%swap3A_1552, %swap3A_1553], %select_n3A_1247 {strides = array<i32>} : memref<2x16xi32, #tpu.memory_space<vmem>>, vector<16xi32>,
    %swap3A_1555 = arith.constant 1 : i32
    %swap3A_1556 = arith.index_cast %swap3A_1555 : i32 to index
    %swap3A_1557 = arith.constant 0 : index
    %swap3A_1558 = tpu.vector_load %arg10[%swap3A_1556, %swap3A_1557] {strides = array<i32>} : memref<2x16xi32, #tpu.memory_space<vmem>>, vector<16xi32>,
    tpu.vector_store %arg10[%swap3A_1556, %swap3A_1557], %select_n3A_1543 {strides = array<i32>} : memref<2x16xi32, #tpu.memory_space<vmem>>, vector<16xi32>,
    "tpu.region"() ({
      %run_scoped3A = tpu.sem_alloc : memref<!tpu.dma_semaphore, #tpu.memory_space<semaphore_mem>>
      %dma_start3A = arith.constant 0 : i32
      %dma_start3A_1562 = arith.constant 0 : i32
      %dma_start3A_1563 = tpu.memref_slice %arg11[%arg1, %dma_start3A, %dma_start3A_1562] : memref<16x2x16xf32, #tpu.memory_space<vmem_shared>> -> memref<1x2x16xf32, #tpu.memory_space<vmem_shared>>
      %dma_start3A_1564 = tpu.memref_squeeze %dma_start3A_1563 : memref<1x2x16xf32, #tpu.memory_space<vmem_shared>> -> memref<2x16xf32, #tpu.memory_space<vmem_shared>>
      %dma_start3A_1565 = arith.constant 0 : i32
      %dma_start3A_1566 = arith.constant 0 : i32
      %dma_start3A_1567 = tpu.memref_slice %arg11[%arg1, %dma_start3A_1565, %dma_start3A_1566] : memref<16x2x16xf32, #tpu.memory_space<vmem_shared>> -> memref<1x2x16xf32, #tpu.memory_space<vmem_shared>>
      %dma_start3A_1568 = tpu.memref_squeeze %dma_start3A_1567 : memref<1x2x16xf32, #tpu.memory_space<vmem_shared>> -> memref<2x16xf32, #tpu.memory_space<vmem_shared>>
      tpu.enqueue_dma source(%arg9 : memref<2x16xf32, #tpu.memory_space<vmem>>) target(%dma_start3A_1568 : memref<2x16xf32, #tpu.memory_space<vmem_shared>>) target_semaphore(%run_scoped3A : memref<!tpu.dma_semaphore, #tpu.memory_space<semaphore_mem>>)
      %dma_wait3A = arith.constant 0 : i32
      %dma_wait3A_1569 = arith.constant 0 : i32
      %dma_wait3A_1570 = tpu.memref_slice %arg11[%arg1, %dma_wait3A, %dma_wait3A_1569] : memref<16x2x16xf32, #tpu.memory_space<vmem_shared>> -> memref<1x2x16xf32, #tpu.memory_space<vmem_shared>>
      %dma_wait3A_1571 = tpu.memref_squeeze %dma_wait3A_1570 : memref<1x2x16xf32, #tpu.memory_space<vmem_shared>> -> memref<2x16xf32, #tpu.memory_space<vmem_shared>>
      %dma_wait3A_1572 = arith.constant 0 : i32
      %dma_wait3A_1573 = arith.constant 0 : i32
      %dma_wait3A_1574 = tpu.memref_slice %arg11[%arg1, %dma_wait3A_1572, %dma_wait3A_1573] : memref<16x2x16xf32, #tpu.memory_space<vmem_shared>> -> memref<1x2x16xf32, #tpu.memory_space<vmem_shared>>
      %dma_wait3A_1575 = tpu.memref_squeeze %dma_wait3A_1574 : memref<1x2x16xf32, #tpu.memory_space<vmem_shared>> -> memref<2x16xf32, #tpu.memory_space<vmem_shared>>
      tpu.wait_dma2 semaphore(%run_scoped3A : memref<!tpu.dma_semaphore, #tpu.memory_space<semaphore_mem>>) src(%arg9 : memref<2x16xf32, #tpu.memory_space<vmem>>) dst(%dma_wait3A_1575 : memref<2x16xf32, #tpu.memory_space<vmem_shared>>)
      tpu.yield
    }) : () -> ()
    "tpu.region"() ({
      %run_scoped3A = tpu.sem_alloc : memref<!tpu.dma_semaphore, #tpu.memory_space<semaphore_mem>>
      %dma_start3A = arith.constant 0 : i32
      %dma_start3A_1562 = arith.constant 0 : i32
      %dma_start3A_1563 = tpu.memref_slice %arg12[%arg1, %dma_start3A, %dma_start3A_1562] : memref<16x2x16xi32, #tpu.memory_space<vmem_shared>> -> memref<1x2x16xi32, #tpu.memory_space<vmem_shared>>
      %dma_start3A_1564 = tpu.memref_squeeze %dma_start3A_1563 : memref<1x2x16xi32, #tpu.memory_space<vmem_shared>> -> memref<2x16xi32, #tpu.memory_space<vmem_shared>>
      %dma_start3A_1565 = arith.constant 0 : i32
      %dma_start3A_1566 = arith.constant 0 : i32
      %dma_start3A_1567 = tpu.memref_slice %arg12[%arg1, %dma_start3A_1565, %dma_start3A_1566] : memref<16x2x16xi32, #tpu.memory_space<vmem_shared>> -> memref<1x2x16xi32, #tpu.memory_space<vmem_shared>>
      %dma_start3A_1568 = tpu.memref_squeeze %dma_start3A_1567 : memref<1x2x16xi32, #tpu.memory_space<vmem_shared>> -> memref<2x16xi32, #tpu.memory_space<vmem_shared>>
      tpu.enqueue_dma source(%arg10 : memref<2x16xi32, #tpu.memory_space<vmem>>) target(%dma_start3A_1568 : memref<2x16xi32, #tpu.memory_space<vmem_shared>>) target_semaphore(%run_scoped3A : memref<!tpu.dma_semaphore, #tpu.memory_space<semaphore_mem>>)
      %dma_wait3A = arith.constant 0 : i32
      %dma_wait3A_1569 = arith.constant 0 : i32
      %dma_wait3A_1570 = tpu.memref_slice %arg12[%arg1, %dma_wait3A, %dma_wait3A_1569] : memref<16x2x16xi32, #tpu.memory_space<vmem_shared>> -> memref<1x2x16xi32, #tpu.memory_space<vmem_shared>>
      %dma_wait3A_1571 = tpu.memref_squeeze %dma_wait3A_1570 : memref<1x2x16xi32, #tpu.memory_space<vmem_shared>> -> memref<2x16xi32, #tpu.memory_space<vmem_shared>>
      %dma_wait3A_1572 = arith.constant 0 : i32
      %dma_wait3A_1573 = arith.constant 0 : i32
      %dma_wait3A_1574 = tpu.memref_slice %arg12[%arg1, %dma_wait3A_1572, %dma_wait3A_1573] : memref<16x2x16xi32, #tpu.memory_space<vmem_shared>> -> memref<1x2x16xi32, #tpu.memory_space<vmem_shared>>
      %dma_wait3A_1575 = tpu.memref_squeeze %dma_wait3A_1574 : memref<1x2x16xi32, #tpu.memory_space<vmem_shared>> -> memref<2x16xi32, #tpu.memory_space<vmem_shared>>
      tpu.wait_dma2 semaphore(%run_scoped3A : memref<!tpu.dma_semaphore, #tpu.memory_space<semaphore_mem>>) src(%arg10 : memref<2x16xi32, #tpu.memory_space<vmem>>) dst(%dma_wait3A_1575 : memref<2x16xi32, #tpu.memory_space<vmem_shared>>)
      tpu.yield
    }) : () -> ()
    %barrier3A = arith.constant 0 : index
    tpu.barrier barrier_id(%barrier3A)
    %eq3A_1559 = arith.constant 0 : i32
    %eq3A_1560 = arith.cmpi eq, %arg1, %eq3A_1559 : i32
    %convert_element_type3A = arith.extui %eq3A_1560 : i1 to i32
    %cond3A = arith.constant 0 : i32
    %cond3A_1561 = arith.cmpi ne, %convert_element_type3A, %cond3A : i32
    scf.if %cond3A_1561 {
      "tpu.region"() ({
        %run_scoped3A = tpu.sem_alloc : memref<!tpu.dma_semaphore, #tpu.memory_space<semaphore_mem>>
        tpu.enqueue_dma source(%arg11 : memref<16x2x16xf32, #tpu.memory_space<vmem_shared>>) target(%arg13 : memref<16x2x16xf32, #tpu.memory_space<vmem>>) target_semaphore(%run_scoped3A : memref<!tpu.dma_semaphore, #tpu.memory_space<semaphore_mem>>)
        tpu.wait_dma2 semaphore(%run_scoped3A : memref<!tpu.dma_semaphore, #tpu.memory_space<semaphore_mem>>) src(%arg11 : memref<16x2x16xf32, #tpu.memory_space<vmem_shared>>) dst(%arg13 : memref<16x2x16xf32, #tpu.memory_space<vmem>>)
        tpu.yield
      }) : () -> ()
      "tpu.region"() ({
        %run_scoped3A = tpu.sem_alloc : memref<!tpu.dma_semaphore, #tpu.memory_space<semaphore_mem>>
        tpu.enqueue_dma source(%arg12 : memref<16x2x16xi32, #tpu.memory_space<vmem_shared>>) target(%arg14 : memref<16x2x16xi32, #tpu.memory_space<vmem>>) target_semaphore(%run_scoped3A : memref<!tpu.dma_semaphore, #tpu.memory_space<semaphore_mem>>)
        tpu.wait_dma2 semaphore(%run_scoped3A : memref<!tpu.dma_semaphore, #tpu.memory_space<semaphore_mem>>) src(%arg12 : memref<16x2x16xi32, #tpu.memory_space<vmem_shared>>) dst(%arg14 : memref<16x2x16xi32, #tpu.memory_space<vmem>>)
        tpu.yield
      }) : () -> ()
      %broadcast_in_dim3A_1562 = arith.constant -2.000000e+00 : f32
      %broadcast_in_dim3A_1563 = vector.broadcast %broadcast_in_dim3A_1562 : f32 to vector<16xf32>
      %broadcast_in_dim3A_1564 = arith.constant 0 : i32
      %broadcast_in_dim3A_1565 = vector.broadcast %broadcast_in_dim3A_1564 : i32 to vector<16xi32>
      %get3A = arith.constant 0 : i32
      %get3A_1566 = arith.constant 0 : i32
      %get3A_1567 = arith.index_cast %get3A : i32 to index
      %get3A_1568 = arith.index_cast %get3A_1566 : i32 to index
      %get3A_1569 = arith.constant 0 : index
      %get3A_1570 = tpu.vector_load %arg13[%get3A_1567, %get3A_1568, %get3A_1569] {strides = array<i32>} : memref<16x2x16xf32, #tpu.memory_space<vmem>>, vector<16xf32>,
      %get3A_1571 = arith.constant 0 : i32
      %get3A_1572 = arith.constant 0 : i32
      %get3A_1573 = arith.index_cast %get3A_1571 : i32 to index
      %get3A_1574 = arith.index_cast %get3A_1572 : i32 to index
      %get3A_1575 = arith.constant 0 : index
      %get3A_1576 = tpu.vector_load %arg14[%get3A_1573, %get3A_1574, %get3A_1575] {strides = array<i32>} : memref<16x2x16xi32, #tpu.memory_space<vmem>>, vector<16xi32>,
      %gt3A = arith.cmpf ogt, %get3A_1570, %broadcast_in_dim3A_1563 : vector<16xf32>
      %eq3A_1577 = arith.cmpf oeq, %get3A_1570, %broadcast_in_dim3A_1563 : vector<16xf32>
      %lt3A_1578 = arith.cmpi slt, %get3A_1576, %broadcast_in_dim3A_1565 : vector<16xi32>
      %and3A = arith.andi %eq3A_1577, %lt3A_1578 : vector<16xi1>
      %or3A = arith.ori %gt3A, %and3A : vector<16xi1>
      %select_n3A_1579 = arith.select %or3A, %get3A_1570, %broadcast_in_dim3A_1563 : vector<16xi1>, vector<16xf32>
      %select_n3A_1580 = arith.select %or3A, %get3A_1576, %broadcast_in_dim3A_1565 : vector<16xi1>, vector<16xi32>
      %get3A_1581 = arith.constant 1 : i32
      %get3A_1582 = arith.constant 0 : i32
      %get3A_1583 = arith.index_cast %get3A_1581 : i32 to index
      %get3A_1584 = arith.index_cast %get3A_1582 : i32 to index
      %get3A_1585 = arith.constant 0 : index
      %get3A_1586 = tpu.vector_load %arg13[%get3A_1583, %get3A_1584, %get3A_1585] {strides = array<i32>} : memref<16x2x16xf32, #tpu.memory_space<vmem>>, vector<16xf32>,
      %get3A_1587 = arith.constant 1 : i32
      %get3A_1588 = arith.constant 0 : i32
      %get3A_1589 = arith.index_cast %get3A_1587 : i32 to index
      %get3A_1590 = arith.index_cast %get3A_1588 : i32 to index
      %get3A_1591 = arith.constant 0 : index
      %get3A_1592 = tpu.vector_load %arg14[%get3A_1589, %get3A_1590, %get3A_1591] {strides = array<i32>} : memref<16x2x16xi32, #tpu.memory_space<vmem>>, vector<16xi32>,
      %gt3A_1593 = arith.cmpf ogt, %get3A_1586, %select_n3A_1579 : vector<16xf32>
      %eq3A_1594 = arith.cmpf oeq, %get3A_1586, %select_n3A_1579 : vector<16xf32>
      %lt3A_1595 = arith.cmpi slt, %get3A_1592, %select_n3A_1580 : vector<16xi32>
      %and3A_1596 = arith.andi %eq3A_1594, %lt3A_1595 : vector<16xi1>
      %or3A_1597 = arith.ori %gt3A_1593, %and3A_1596 : vector<16xi1>
      %select_n3A_1598 = arith.select %or3A_1597, %get3A_1586, %select_n3A_1579 : vector<16xi1>, vector<16xf32>
      %select_n3A_1599 = arith.select %or3A_1597, %get3A_1592, %select_n3A_1580 : vector<16xi1>, vector<16xi32>
      %get3A_1600 = arith.constant 2 : i32
      %get3A_1601 = arith.constant 0 : i32
      %get3A_1602 = arith.index_cast %get3A_1600 : i32 to index
      %get3A_1603 = arith.index_cast %get3A_1601 : i32 to index
      %get3A_1604 = arith.constant 0 : index
      %get3A_1605 = tpu.vector_load %arg13[%get3A_1602, %get3A_1603, %get3A_1604] {strides = array<i32>} : memref<16x2x16xf32, #tpu.memory_space<vmem>>, vector<16xf32>,
      %get3A_1606 = arith.constant 2 : i32
      %get3A_1607 = arith.constant 0 : i32
      %get3A_1608 = arith.index_cast %get3A_1606 : i32 to index
      %get3A_1609 = arith.index_cast %get3A_1607 : i32 to index
      %get3A_1610 = arith.constant 0 : index
      %get3A_1611 = tpu.vector_load %arg14[%get3A_1608, %get3A_1609, %get3A_1610] {strides = array<i32>} : memref<16x2x16xi32, #tpu.memory_space<vmem>>, vector<16xi32>,
      %gt3A_1612 = arith.cmpf ogt, %get3A_1605, %select_n3A_1598 : vector<16xf32>
      %eq3A_1613 = arith.cmpf oeq, %get3A_1605, %select_n3A_1598 : vector<16xf32>
      %lt3A_1614 = arith.cmpi slt, %get3A_1611, %select_n3A_1599 : vector<16xi32>
      %and3A_1615 = arith.andi %eq3A_1613, %lt3A_1614 : vector<16xi1>
      %or3A_1616 = arith.ori %gt3A_1612, %and3A_1615 : vector<16xi1>
      %select_n3A_1617 = arith.select %or3A_1616, %get3A_1605, %select_n3A_1598 : vector<16xi1>, vector<16xf32>
      %select_n3A_1618 = arith.select %or3A_1616, %get3A_1611, %select_n3A_1599 : vector<16xi1>, vector<16xi32>
      %get3A_1619 = arith.constant 3 : i32
      %get3A_1620 = arith.constant 0 : i32
      %get3A_1621 = arith.index_cast %get3A_1619 : i32 to index
      %get3A_1622 = arith.index_cast %get3A_1620 : i32 to index
      %get3A_1623 = arith.constant 0 : index
      %get3A_1624 = tpu.vector_load %arg13[%get3A_1621, %get3A_1622, %get3A_1623] {strides = array<i32>} : memref<16x2x16xf32, #tpu.memory_space<vmem>>, vector<16xf32>,
      %get3A_1625 = arith.constant 3 : i32
      %get3A_1626 = arith.constant 0 : i32
      %get3A_1627 = arith.index_cast %get3A_1625 : i32 to index
      %get3A_1628 = arith.index_cast %get3A_1626 : i32 to index
      %get3A_1629 = arith.constant 0 : index
      %get3A_1630 = tpu.vector_load %arg14[%get3A_1627, %get3A_1628, %get3A_1629] {strides = array<i32>} : memref<16x2x16xi32, #tpu.memory_space<vmem>>, vector<16xi32>,
      %gt3A_1631 = arith.cmpf ogt, %get3A_1624, %select_n3A_1617 : vector<16xf32>
      %eq3A_1632 = arith.cmpf oeq, %get3A_1624, %select_n3A_1617 : vector<16xf32>
      %lt3A_1633 = arith.cmpi slt, %get3A_1630, %select_n3A_1618 : vector<16xi32>
      %and3A_1634 = arith.andi %eq3A_1632, %lt3A_1633 : vector<16xi1>
      %or3A_1635 = arith.ori %gt3A_1631, %and3A_1634 : vector<16xi1>
      %select_n3A_1636 = arith.select %or3A_1635, %get3A_1624, %select_n3A_1617 : vector<16xi1>, vector<16xf32>
      %select_n3A_1637 = arith.select %or3A_1635, %get3A_1630, %select_n3A_1618 : vector<16xi1>, vector<16xi32>
      %get3A_1638 = arith.constant 4 : i32
      %get3A_1639 = arith.constant 0 : i32
      %get3A_1640 = arith.index_cast %get3A_1638 : i32 to index
      %get3A_1641 = arith.index_cast %get3A_1639 : i32 to index
      %get3A_1642 = arith.constant 0 : index
      %get3A_1643 = tpu.vector_load %arg13[%get3A_1640, %get3A_1641, %get3A_1642] {strides = array<i32>} : memref<16x2x16xf32, #tpu.memory_space<vmem>>, vector<16xf32>,
      %get3A_1644 = arith.constant 4 : i32
      %get3A_1645 = arith.constant 0 : i32
      %get3A_1646 = arith.index_cast %get3A_1644 : i32 to index
      %get3A_1647 = arith.index_cast %get3A_1645 : i32 to index
      %get3A_1648 = arith.constant 0 : index
      %get3A_1649 = tpu.vector_load %arg14[%get3A_1646, %get3A_1647, %get3A_1648] {strides = array<i32>} : memref<16x2x16xi32, #tpu.memory_space<vmem>>, vector<16xi32>,
      %gt3A_1650 = arith.cmpf ogt, %get3A_1643, %select_n3A_1636 : vector<16xf32>
      %eq3A_1651 = arith.cmpf oeq, %get3A_1643, %select_n3A_1636 : vector<16xf32>
      %lt3A_1652 = arith.cmpi slt, %get3A_1649, %select_n3A_1637 : vector<16xi32>
      %and3A_1653 = arith.andi %eq3A_1651, %lt3A_1652 : vector<16xi1>
      %or3A_1654 = arith.ori %gt3A_1650, %and3A_1653 : vector<16xi1>
      %select_n3A_1655 = arith.select %or3A_1654, %get3A_1643, %select_n3A_1636 : vector<16xi1>, vector<16xf32>
      %select_n3A_1656 = arith.select %or3A_1654, %get3A_1649, %select_n3A_1637 : vector<16xi1>, vector<16xi32>
      %get3A_1657 = arith.constant 5 : i32
      %get3A_1658 = arith.constant 0 : i32
      %get3A_1659 = arith.index_cast %get3A_1657 : i32 to index
      %get3A_1660 = arith.index_cast %get3A_1658 : i32 to index
      %get3A_1661 = arith.constant 0 : index
      %get3A_1662 = tpu.vector_load %arg13[%get3A_1659, %get3A_1660, %get3A_1661] {strides = array<i32>} : memref<16x2x16xf32, #tpu.memory_space<vmem>>, vector<16xf32>,
      %get3A_1663 = arith.constant 5 : i32
      %get3A_1664 = arith.constant 0 : i32
      %get3A_1665 = arith.index_cast %get3A_1663 : i32 to index
      %get3A_1666 = arith.index_cast %get3A_1664 : i32 to index
      %get3A_1667 = arith.constant 0 : index
      %get3A_1668 = tpu.vector_load %arg14[%get3A_1665, %get3A_1666, %get3A_1667] {strides = array<i32>} : memref<16x2x16xi32, #tpu.memory_space<vmem>>, vector<16xi32>,
      %gt3A_1669 = arith.cmpf ogt, %get3A_1662, %select_n3A_1655 : vector<16xf32>
      %eq3A_1670 = arith.cmpf oeq, %get3A_1662, %select_n3A_1655 : vector<16xf32>
      %lt3A_1671 = arith.cmpi slt, %get3A_1668, %select_n3A_1656 : vector<16xi32>
      %and3A_1672 = arith.andi %eq3A_1670, %lt3A_1671 : vector<16xi1>
      %or3A_1673 = arith.ori %gt3A_1669, %and3A_1672 : vector<16xi1>
      %select_n3A_1674 = arith.select %or3A_1673, %get3A_1662, %select_n3A_1655 : vector<16xi1>, vector<16xf32>
      %select_n3A_1675 = arith.select %or3A_1673, %get3A_1668, %select_n3A_1656 : vector<16xi1>, vector<16xi32>
      %get3A_1676 = arith.constant 6 : i32
      %get3A_1677 = arith.constant 0 : i32
      %get3A_1678 = arith.index_cast %get3A_1676 : i32 to index
      %get3A_1679 = arith.index_cast %get3A_1677 : i32 to index
      %get3A_1680 = arith.constant 0 : index
      %get3A_1681 = tpu.vector_load %arg13[%get3A_1678, %get3A_1679, %get3A_1680] {strides = array<i32>} : memref<16x2x16xf32, #tpu.memory_space<vmem>>, vector<16xf32>,
      %get3A_1682 = arith.constant 6 : i32
      %get3A_1683 = arith.constant 0 : i32
      %get3A_1684 = arith.index_cast %get3A_1682 : i32 to index
      %get3A_1685 = arith.index_cast %get3A_1683 : i32 to index
      %get3A_1686 = arith.constant 0 : index
      %get3A_1687 = tpu.vector_load %arg14[%get3A_1684, %get3A_1685, %get3A_1686] {strides = array<i32>} : memref<16x2x16xi32, #tpu.memory_space<vmem>>, vector<16xi32>,
      %gt3A_1688 = arith.cmpf ogt, %get3A_1681, %select_n3A_1674 : vector<16xf32>
      %eq3A_1689 = arith.cmpf oeq, %get3A_1681, %select_n3A_1674 : vector<16xf32>
      %lt3A_1690 = arith.cmpi slt, %get3A_1687, %select_n3A_1675 : vector<16xi32>
      %and3A_1691 = arith.andi %eq3A_1689, %lt3A_1690 : vector<16xi1>
      %or3A_1692 = arith.ori %gt3A_1688, %and3A_1691 : vector<16xi1>
      %select_n3A_1693 = arith.select %or3A_1692, %get3A_1681, %select_n3A_1674 : vector<16xi1>, vector<16xf32>
      %select_n3A_1694 = arith.select %or3A_1692, %get3A_1687, %select_n3A_1675 : vector<16xi1>, vector<16xi32>
      %get3A_1695 = arith.constant 7 : i32
      %get3A_1696 = arith.constant 0 : i32
      %get3A_1697 = arith.index_cast %get3A_1695 : i32 to index
      %get3A_1698 = arith.index_cast %get3A_1696 : i32 to index
      %get3A_1699 = arith.constant 0 : index
      %get3A_1700 = tpu.vector_load %arg13[%get3A_1697, %get3A_1698, %get3A_1699] {strides = array<i32>} : memref<16x2x16xf32, #tpu.memory_space<vmem>>, vector<16xf32>,
      %get3A_1701 = arith.constant 7 : i32
      %get3A_1702 = arith.constant 0 : i32
      %get3A_1703 = arith.index_cast %get3A_1701 : i32 to index
      %get3A_1704 = arith.index_cast %get3A_1702 : i32 to index
      %get3A_1705 = arith.constant 0 : index
      %get3A_1706 = tpu.vector_load %arg14[%get3A_1703, %get3A_1704, %get3A_1705] {strides = array<i32>} : memref<16x2x16xi32, #tpu.memory_space<vmem>>, vector<16xi32>,
      %gt3A_1707 = arith.cmpf ogt, %get3A_1700, %select_n3A_1693 : vector<16xf32>
      %eq3A_1708 = arith.cmpf oeq, %get3A_1700, %select_n3A_1693 : vector<16xf32>
      %lt3A_1709 = arith.cmpi slt, %get3A_1706, %select_n3A_1694 : vector<16xi32>
      %and3A_1710 = arith.andi %eq3A_1708, %lt3A_1709 : vector<16xi1>
      %or3A_1711 = arith.ori %gt3A_1707, %and3A_1710 : vector<16xi1>
      %select_n3A_1712 = arith.select %or3A_1711, %get3A_1700, %select_n3A_1693 : vector<16xi1>, vector<16xf32>
      %select_n3A_1713 = arith.select %or3A_1711, %get3A_1706, %select_n3A_1694 : vector<16xi1>, vector<16xi32>
      %get3A_1714 = arith.constant 8 : i32
      %get3A_1715 = arith.constant 0 : i32
      %get3A_1716 = arith.index_cast %get3A_1714 : i32 to index
      %get3A_1717 = arith.index_cast %get3A_1715 : i32 to index
      %get3A_1718 = arith.constant 0 : index
      %get3A_1719 = tpu.vector_load %arg13[%get3A_1716, %get3A_1717, %get3A_1718] {strides = array<i32>} : memref<16x2x16xf32, #tpu.memory_space<vmem>>, vector<16xf32>,
      %get3A_1720 = arith.constant 8 : i32
      %get3A_1721 = arith.constant 0 : i32
      %get3A_1722 = arith.index_cast %get3A_1720 : i32 to index
      %get3A_1723 = arith.index_cast %get3A_1721 : i32 to index
      %get3A_1724 = arith.constant 0 : index
      %get3A_1725 = tpu.vector_load %arg14[%get3A_1722, %get3A_1723, %get3A_1724] {strides = array<i32>} : memref<16x2x16xi32, #tpu.memory_space<vmem>>, vector<16xi32>,
      %gt3A_1726 = arith.cmpf ogt, %get3A_1719, %select_n3A_1712 : vector<16xf32>
      %eq3A_1727 = arith.cmpf oeq, %get3A_1719, %select_n3A_1712 : vector<16xf32>
      %lt3A_1728 = arith.cmpi slt, %get3A_1725, %select_n3A_1713 : vector<16xi32>
      %and3A_1729 = arith.andi %eq3A_1727, %lt3A_1728 : vector<16xi1>
      %or3A_1730 = arith.ori %gt3A_1726, %and3A_1729 : vector<16xi1>
      %select_n3A_1731 = arith.select %or3A_1730, %get3A_1719, %select_n3A_1712 : vector<16xi1>, vector<16xf32>
      %select_n3A_1732 = arith.select %or3A_1730, %get3A_1725, %select_n3A_1713 : vector<16xi1>, vector<16xi32>
      %get3A_1733 = arith.constant 9 : i32
      %get3A_1734 = arith.constant 0 : i32
      %get3A_1735 = arith.index_cast %get3A_1733 : i32 to index
      %get3A_1736 = arith.index_cast %get3A_1734 : i32 to index
      %get3A_1737 = arith.constant 0 : index
      %get3A_1738 = tpu.vector_load %arg13[%get3A_1735, %get3A_1736, %get3A_1737] {strides = array<i32>} : memref<16x2x16xf32, #tpu.memory_space<vmem>>, vector<16xf32>,
      %get3A_1739 = arith.constant 9 : i32
      %get3A_1740 = arith.constant 0 : i32
      %get3A_1741 = arith.index_cast %get3A_1739 : i32 to index
      %get3A_1742 = arith.index_cast %get3A_1740 : i32 to index
      %get3A_1743 = arith.constant 0 : index
      %get3A_1744 = tpu.vector_load %arg14[%get3A_1741, %get3A_1742, %get3A_1743] {strides = array<i32>} : memref<16x2x16xi32, #tpu.memory_space<vmem>>, vector<16xi32>,
      %gt3A_1745 = arith.cmpf ogt, %get3A_1738, %select_n3A_1731 : vector<16xf32>
      %eq3A_1746 = arith.cmpf oeq, %get3A_1738, %select_n3A_1731 : vector<16xf32>
      %lt3A_1747 = arith.cmpi slt, %get3A_1744, %select_n3A_1732 : vector<16xi32>
      %and3A_1748 = arith.andi %eq3A_1746, %lt3A_1747 : vector<16xi1>
      %or3A_1749 = arith.ori %gt3A_1745, %and3A_1748 : vector<16xi1>
      %select_n3A_1750 = arith.select %or3A_1749, %get3A_1738, %select_n3A_1731 : vector<16xi1>, vector<16xf32>
      %select_n3A_1751 = arith.select %or3A_1749, %get3A_1744, %select_n3A_1732 : vector<16xi1>, vector<16xi32>
      %get3A_1752 = arith.constant 10 : i32
      %get3A_1753 = arith.constant 0 : i32
      %get3A_1754 = arith.index_cast %get3A_1752 : i32 to index
      %get3A_1755 = arith.index_cast %get3A_1753 : i32 to index
      %get3A_1756 = arith.constant 0 : index
      %get3A_1757 = tpu.vector_load %arg13[%get3A_1754, %get3A_1755, %get3A_1756] {strides = array<i32>} : memref<16x2x16xf32, #tpu.memory_space<vmem>>, vector<16xf32>,
      %get3A_1758 = arith.constant 10 : i32
      %get3A_1759 = arith.constant 0 : i32
      %get3A_1760 = arith.index_cast %get3A_1758 : i32 to index
      %get3A_1761 = arith.index_cast %get3A_1759 : i32 to index
      %get3A_1762 = arith.constant 0 : index
      %get3A_1763 = tpu.vector_load %arg14[%get3A_1760, %get3A_1761, %get3A_1762] {strides = array<i32>} : memref<16x2x16xi32, #tpu.memory_space<vmem>>, vector<16xi32>,
      %gt3A_1764 = arith.cmpf ogt, %get3A_1757, %select_n3A_1750 : vector<16xf32>
      %eq3A_1765 = arith.cmpf oeq, %get3A_1757, %select_n3A_1750 : vector<16xf32>
      %lt3A_1766 = arith.cmpi slt, %get3A_1763, %select_n3A_1751 : vector<16xi32>
      %and3A_1767 = arith.andi %eq3A_1765, %lt3A_1766 : vector<16xi1>
      %or3A_1768 = arith.ori %gt3A_1764, %and3A_1767 : vector<16xi1>
      %select_n3A_1769 = arith.select %or3A_1768, %get3A_1757, %select_n3A_1750 : vector<16xi1>, vector<16xf32>
      %select_n3A_1770 = arith.select %or3A_1768, %get3A_1763, %select_n3A_1751 : vector<16xi1>, vector<16xi32>
      %get3A_1771 = arith.constant 11 : i32
      %get3A_1772 = arith.constant 0 : i32
      %get3A_1773 = arith.index_cast %get3A_1771 : i32 to index
      %get3A_1774 = arith.index_cast %get3A_1772 : i32 to index
      %get3A_1775 = arith.constant 0 : index
      %get3A_1776 = tpu.vector_load %arg13[%get3A_1773, %get3A_1774, %get3A_1775] {strides = array<i32>} : memref<16x2x16xf32, #tpu.memory_space<vmem>>, vector<16xf32>,
      %get3A_1777 = arith.constant 11 : i32
      %get3A_1778 = arith.constant 0 : i32
      %get3A_1779 = arith.index_cast %get3A_1777 : i32 to index
      %get3A_1780 = arith.index_cast %get3A_1778 : i32 to index
      %get3A_1781 = arith.constant 0 : index
      %get3A_1782 = tpu.vector_load %arg14[%get3A_1779, %get3A_1780, %get3A_1781] {strides = array<i32>} : memref<16x2x16xi32, #tpu.memory_space<vmem>>, vector<16xi32>,
      %gt3A_1783 = arith.cmpf ogt, %get3A_1776, %select_n3A_1769 : vector<16xf32>
      %eq3A_1784 = arith.cmpf oeq, %get3A_1776, %select_n3A_1769 : vector<16xf32>
      %lt3A_1785 = arith.cmpi slt, %get3A_1782, %select_n3A_1770 : vector<16xi32>
      %and3A_1786 = arith.andi %eq3A_1784, %lt3A_1785 : vector<16xi1>
      %or3A_1787 = arith.ori %gt3A_1783, %and3A_1786 : vector<16xi1>
      %select_n3A_1788 = arith.select %or3A_1787, %get3A_1776, %select_n3A_1769 : vector<16xi1>, vector<16xf32>
      %select_n3A_1789 = arith.select %or3A_1787, %get3A_1782, %select_n3A_1770 : vector<16xi1>, vector<16xi32>
      %get3A_1790 = arith.constant 12 : i32
      %get3A_1791 = arith.constant 0 : i32
      %get3A_1792 = arith.index_cast %get3A_1790 : i32 to index
      %get3A_1793 = arith.index_cast %get3A_1791 : i32 to index
      %get3A_1794 = arith.constant 0 : index
      %get3A_1795 = tpu.vector_load %arg13[%get3A_1792, %get3A_1793, %get3A_1794] {strides = array<i32>} : memref<16x2x16xf32, #tpu.memory_space<vmem>>, vector<16xf32>,
      %get3A_1796 = arith.constant 12 : i32
      %get3A_1797 = arith.constant 0 : i32
      %get3A_1798 = arith.index_cast %get3A_1796 : i32 to index
      %get3A_1799 = arith.index_cast %get3A_1797 : i32 to index
      %get3A_1800 = arith.constant 0 : index
      %get3A_1801 = tpu.vector_load %arg14[%get3A_1798, %get3A_1799, %get3A_1800] {strides = array<i32>} : memref<16x2x16xi32, #tpu.memory_space<vmem>>, vector<16xi32>,
      %gt3A_1802 = arith.cmpf ogt, %get3A_1795, %select_n3A_1788 : vector<16xf32>
      %eq3A_1803 = arith.cmpf oeq, %get3A_1795, %select_n3A_1788 : vector<16xf32>
      %lt3A_1804 = arith.cmpi slt, %get3A_1801, %select_n3A_1789 : vector<16xi32>
      %and3A_1805 = arith.andi %eq3A_1803, %lt3A_1804 : vector<16xi1>
      %or3A_1806 = arith.ori %gt3A_1802, %and3A_1805 : vector<16xi1>
      %select_n3A_1807 = arith.select %or3A_1806, %get3A_1795, %select_n3A_1788 : vector<16xi1>, vector<16xf32>
      %select_n3A_1808 = arith.select %or3A_1806, %get3A_1801, %select_n3A_1789 : vector<16xi1>, vector<16xi32>
      %get3A_1809 = arith.constant 13 : i32
      %get3A_1810 = arith.constant 0 : i32
      %get3A_1811 = arith.index_cast %get3A_1809 : i32 to index
      %get3A_1812 = arith.index_cast %get3A_1810 : i32 to index
      %get3A_1813 = arith.constant 0 : index
      %get3A_1814 = tpu.vector_load %arg13[%get3A_1811, %get3A_1812, %get3A_1813] {strides = array<i32>} : memref<16x2x16xf32, #tpu.memory_space<vmem>>, vector<16xf32>,
      %get3A_1815 = arith.constant 13 : i32
      %get3A_1816 = arith.constant 0 : i32
      %get3A_1817 = arith.index_cast %get3A_1815 : i32 to index
      %get3A_1818 = arith.index_cast %get3A_1816 : i32 to index
      %get3A_1819 = arith.constant 0 : index
      %get3A_1820 = tpu.vector_load %arg14[%get3A_1817, %get3A_1818, %get3A_1819] {strides = array<i32>} : memref<16x2x16xi32, #tpu.memory_space<vmem>>, vector<16xi32>,
      %gt3A_1821 = arith.cmpf ogt, %get3A_1814, %select_n3A_1807 : vector<16xf32>
      %eq3A_1822 = arith.cmpf oeq, %get3A_1814, %select_n3A_1807 : vector<16xf32>
      %lt3A_1823 = arith.cmpi slt, %get3A_1820, %select_n3A_1808 : vector<16xi32>
      %and3A_1824 = arith.andi %eq3A_1822, %lt3A_1823 : vector<16xi1>
      %or3A_1825 = arith.ori %gt3A_1821, %and3A_1824 : vector<16xi1>
      %select_n3A_1826 = arith.select %or3A_1825, %get3A_1814, %select_n3A_1807 : vector<16xi1>, vector<16xf32>
      %select_n3A_1827 = arith.select %or3A_1825, %get3A_1820, %select_n3A_1808 : vector<16xi1>, vector<16xi32>
      %get3A_1828 = arith.constant 14 : i32
      %get3A_1829 = arith.constant 0 : i32
      %get3A_1830 = arith.index_cast %get3A_1828 : i32 to index
      %get3A_1831 = arith.index_cast %get3A_1829 : i32 to index
      %get3A_1832 = arith.constant 0 : index
      %get3A_1833 = tpu.vector_load %arg13[%get3A_1830, %get3A_1831, %get3A_1832] {strides = array<i32>} : memref<16x2x16xf32, #tpu.memory_space<vmem>>, vector<16xf32>,
      %get3A_1834 = arith.constant 14 : i32
      %get3A_1835 = arith.constant 0 : i32
      %get3A_1836 = arith.index_cast %get3A_1834 : i32 to index
      %get3A_1837 = arith.index_cast %get3A_1835 : i32 to index
      %get3A_1838 = arith.constant 0 : index
      %get3A_1839 = tpu.vector_load %arg14[%get3A_1836, %get3A_1837, %get3A_1838] {strides = array<i32>} : memref<16x2x16xi32, #tpu.memory_space<vmem>>, vector<16xi32>,
      %gt3A_1840 = arith.cmpf ogt, %get3A_1833, %select_n3A_1826 : vector<16xf32>
      %eq3A_1841 = arith.cmpf oeq, %get3A_1833, %select_n3A_1826 : vector<16xf32>
      %lt3A_1842 = arith.cmpi slt, %get3A_1839, %select_n3A_1827 : vector<16xi32>
      %and3A_1843 = arith.andi %eq3A_1841, %lt3A_1842 : vector<16xi1>
      %or3A_1844 = arith.ori %gt3A_1840, %and3A_1843 : vector<16xi1>
      %select_n3A_1845 = arith.select %or3A_1844, %get3A_1833, %select_n3A_1826 : vector<16xi1>, vector<16xf32>
      %select_n3A_1846 = arith.select %or3A_1844, %get3A_1839, %select_n3A_1827 : vector<16xi1>, vector<16xi32>
      %get3A_1847 = arith.constant 15 : i32
      %get3A_1848 = arith.constant 0 : i32
      %get3A_1849 = arith.index_cast %get3A_1847 : i32 to index
      %get3A_1850 = arith.index_cast %get3A_1848 : i32 to index
      %get3A_1851 = arith.constant 0 : index
      %get3A_1852 = tpu.vector_load %arg13[%get3A_1849, %get3A_1850, %get3A_1851] {strides = array<i32>} : memref<16x2x16xf32, #tpu.memory_space<vmem>>, vector<16xf32>,
      %get3A_1853 = arith.constant 15 : i32
      %get3A_1854 = arith.constant 0 : i32
      %get3A_1855 = arith.index_cast %get3A_1853 : i32 to index
      %get3A_1856 = arith.index_cast %get3A_1854 : i32 to index
      %get3A_1857 = arith.constant 0 : index
      %get3A_1858 = tpu.vector_load %arg14[%get3A_1855, %get3A_1856, %get3A_1857] {strides = array<i32>} : memref<16x2x16xi32, #tpu.memory_space<vmem>>, vector<16xi32>,
      %gt3A_1859 = arith.cmpf ogt, %get3A_1852, %select_n3A_1845 : vector<16xf32>
      %eq3A_1860 = arith.cmpf oeq, %get3A_1852, %select_n3A_1845 : vector<16xf32>
      %lt3A_1861 = arith.cmpi slt, %get3A_1858, %select_n3A_1846 : vector<16xi32>
      %and3A_1862 = arith.andi %eq3A_1860, %lt3A_1861 : vector<16xi1>
      %or3A_1863 = arith.ori %gt3A_1859, %and3A_1862 : vector<16xi1>
      %select_n3A_1864 = arith.select %or3A_1863, %get3A_1852, %select_n3A_1845 : vector<16xi1>, vector<16xf32>
      %select_n3A_1865 = arith.select %or3A_1863, %get3A_1858, %select_n3A_1846 : vector<16xi1>, vector<16xi32>
      %swap3A_1866 = arith.constant 0 : index
      %swap3A_1867 = tpu.vector_load %arg15[%swap3A_1866] {strides = array<i32>} : memref<32xi32, #tpu.memory_space<vmem>>, vector<16xi32>,
      tpu.vector_store %arg15[%swap3A_1866], %select_n3A_1865 {strides = array<i32>} : memref<32xi32, #tpu.memory_space<vmem>>, vector<16xi32>,
      %broadcast_in_dim3A_1868 = arith.constant -2.000000e+00 : f32
      %broadcast_in_dim3A_1869 = vector.broadcast %broadcast_in_dim3A_1868 : f32 to vector<16xf32>
      %broadcast_in_dim3A_1870 = arith.constant 0 : i32
      %broadcast_in_dim3A_1871 = vector.broadcast %broadcast_in_dim3A_1870 : i32 to vector<16xi32>
      %get3A_1872 = arith.constant 0 : i32
      %get3A_1873 = arith.constant 1 : i32
      %get3A_1874 = arith.index_cast %get3A_1872 : i32 to index
      %get3A_1875 = arith.index_cast %get3A_1873 : i32 to index
      %get3A_1876 = arith.constant 0 : index
      %get3A_1877 = tpu.vector_load %arg13[%get3A_1874, %get3A_1875, %get3A_1876] {strides = array<i32>} : memref<16x2x16xf32, #tpu.memory_space<vmem>>, vector<16xf32>,
      %get3A_1878 = arith.constant 0 : i32
      %get3A_1879 = arith.constant 1 : i32
      %get3A_1880 = arith.index_cast %get3A_1878 : i32 to index
      %get3A_1881 = arith.index_cast %get3A_1879 : i32 to index
      %get3A_1882 = arith.constant 0 : index
      %get3A_1883 = tpu.vector_load %arg14[%get3A_1880, %get3A_1881, %get3A_1882] {strides = array<i32>} : memref<16x2x16xi32, #tpu.memory_space<vmem>>, vector<16xi32>,
      %gt3A_1884 = arith.cmpf ogt, %get3A_1877, %broadcast_in_dim3A_1869 : vector<16xf32>
      %eq3A_1885 = arith.cmpf oeq, %get3A_1877, %broadcast_in_dim3A_1869 : vector<16xf32>
      %lt3A_1886 = arith.cmpi slt, %get3A_1883, %broadcast_in_dim3A_1871 : vector<16xi32>
      %and3A_1887 = arith.andi %eq3A_1885, %lt3A_1886 : vector<16xi1>
      %or3A_1888 = arith.ori %gt3A_1884, %and3A_1887 : vector<16xi1>
      %select_n3A_1889 = arith.select %or3A_1888, %get3A_1877, %broadcast_in_dim3A_1869 : vector<16xi1>, vector<16xf32>
      %select_n3A_1890 = arith.select %or3A_1888, %get3A_1883, %broadcast_in_dim3A_1871 : vector<16xi1>, vector<16xi32>
      %get3A_1891 = arith.constant 1 : i32
      %get3A_1892 = arith.constant 1 : i32
      %get3A_1893 = arith.index_cast %get3A_1891 : i32 to index
      %get3A_1894 = arith.index_cast %get3A_1892 : i32 to index
      %get3A_1895 = arith.constant 0 : index
      %get3A_1896 = tpu.vector_load %arg13[%get3A_1893, %get3A_1894, %get3A_1895] {strides = array<i32>} : memref<16x2x16xf32, #tpu.memory_space<vmem>>, vector<16xf32>,
      %get3A_1897 = arith.constant 1 : i32
      %get3A_1898 = arith.constant 1 : i32
      %get3A_1899 = arith.index_cast %get3A_1897 : i32 to index
      %get3A_1900 = arith.index_cast %get3A_1898 : i32 to index
      %get3A_1901 = arith.constant 0 : index
      %get3A_1902 = tpu.vector_load %arg14[%get3A_1899, %get3A_1900, %get3A_1901] {strides = array<i32>} : memref<16x2x16xi32, #tpu.memory_space<vmem>>, vector<16xi32>,
      %gt3A_1903 = arith.cmpf ogt, %get3A_1896, %select_n3A_1889 : vector<16xf32>
      %eq3A_1904 = arith.cmpf oeq, %get3A_1896, %select_n3A_1889 : vector<16xf32>
      %lt3A_1905 = arith.cmpi slt, %get3A_1902, %select_n3A_1890 : vector<16xi32>
      %and3A_1906 = arith.andi %eq3A_1904, %lt3A_1905 : vector<16xi1>
      %or3A_1907 = arith.ori %gt3A_1903, %and3A_1906 : vector<16xi1>
      %select_n3A_1908 = arith.select %or3A_1907, %get3A_1896, %select_n3A_1889 : vector<16xi1>, vector<16xf32>
      %select_n3A_1909 = arith.select %or3A_1907, %get3A_1902, %select_n3A_1890 : vector<16xi1>, vector<16xi32>
      %get3A_1910 = arith.constant 2 : i32
      %get3A_1911 = arith.constant 1 : i32
      %get3A_1912 = arith.index_cast %get3A_1910 : i32 to index
      %get3A_1913 = arith.index_cast %get3A_1911 : i32 to index
      %get3A_1914 = arith.constant 0 : index
      %get3A_1915 = tpu.vector_load %arg13[%get3A_1912, %get3A_1913, %get3A_1914] {strides = array<i32>} : memref<16x2x16xf32, #tpu.memory_space<vmem>>, vector<16xf32>,
      %get3A_1916 = arith.constant 2 : i32
      %get3A_1917 = arith.constant 1 : i32
      %get3A_1918 = arith.index_cast %get3A_1916 : i32 to index
      %get3A_1919 = arith.index_cast %get3A_1917 : i32 to index
      %get3A_1920 = arith.constant 0 : index
      %get3A_1921 = tpu.vector_load %arg14[%get3A_1918, %get3A_1919, %get3A_1920] {strides = array<i32>} : memref<16x2x16xi32, #tpu.memory_space<vmem>>, vector<16xi32>,
      %gt3A_1922 = arith.cmpf ogt, %get3A_1915, %select_n3A_1908 : vector<16xf32>
      %eq3A_1923 = arith.cmpf oeq, %get3A_1915, %select_n3A_1908 : vector<16xf32>
      %lt3A_1924 = arith.cmpi slt, %get3A_1921, %select_n3A_1909 : vector<16xi32>
      %and3A_1925 = arith.andi %eq3A_1923, %lt3A_1924 : vector<16xi1>
      %or3A_1926 = arith.ori %gt3A_1922, %and3A_1925 : vector<16xi1>
      %select_n3A_1927 = arith.select %or3A_1926, %get3A_1915, %select_n3A_1908 : vector<16xi1>, vector<16xf32>
      %select_n3A_1928 = arith.select %or3A_1926, %get3A_1921, %select_n3A_1909 : vector<16xi1>, vector<16xi32>
      %get3A_1929 = arith.constant 3 : i32
      %get3A_1930 = arith.constant 1 : i32
      %get3A_1931 = arith.index_cast %get3A_1929 : i32 to index
      %get3A_1932 = arith.index_cast %get3A_1930 : i32 to index
      %get3A_1933 = arith.constant 0 : index
      %get3A_1934 = tpu.vector_load %arg13[%get3A_1931, %get3A_1932, %get3A_1933] {strides = array<i32>} : memref<16x2x16xf32, #tpu.memory_space<vmem>>, vector<16xf32>,
      %get3A_1935 = arith.constant 3 : i32
      %get3A_1936 = arith.constant 1 : i32
      %get3A_1937 = arith.index_cast %get3A_1935 : i32 to index
      %get3A_1938 = arith.index_cast %get3A_1936 : i32 to index
      %get3A_1939 = arith.constant 0 : index
      %get3A_1940 = tpu.vector_load %arg14[%get3A_1937, %get3A_1938, %get3A_1939] {strides = array<i32>} : memref<16x2x16xi32, #tpu.memory_space<vmem>>, vector<16xi32>,
      %gt3A_1941 = arith.cmpf ogt, %get3A_1934, %select_n3A_1927 : vector<16xf32>
      %eq3A_1942 = arith.cmpf oeq, %get3A_1934, %select_n3A_1927 : vector<16xf32>
      %lt3A_1943 = arith.cmpi slt, %get3A_1940, %select_n3A_1928 : vector<16xi32>
      %and3A_1944 = arith.andi %eq3A_1942, %lt3A_1943 : vector<16xi1>
      %or3A_1945 = arith.ori %gt3A_1941, %and3A_1944 : vector<16xi1>
      %select_n3A_1946 = arith.select %or3A_1945, %get3A_1934, %select_n3A_1927 : vector<16xi1>, vector<16xf32>
      %select_n3A_1947 = arith.select %or3A_1945, %get3A_1940, %select_n3A_1928 : vector<16xi1>, vector<16xi32>
      %get3A_1948 = arith.constant 4 : i32
      %get3A_1949 = arith.constant 1 : i32
      %get3A_1950 = arith.index_cast %get3A_1948 : i32 to index
      %get3A_1951 = arith.index_cast %get3A_1949 : i32 to index
      %get3A_1952 = arith.constant 0 : index
      %get3A_1953 = tpu.vector_load %arg13[%get3A_1950, %get3A_1951, %get3A_1952] {strides = array<i32>} : memref<16x2x16xf32, #tpu.memory_space<vmem>>, vector<16xf32>,
      %get3A_1954 = arith.constant 4 : i32
      %get3A_1955 = arith.constant 1 : i32
      %get3A_1956 = arith.index_cast %get3A_1954 : i32 to index
      %get3A_1957 = arith.index_cast %get3A_1955 : i32 to index
      %get3A_1958 = arith.constant 0 : index
      %get3A_1959 = tpu.vector_load %arg14[%get3A_1956, %get3A_1957, %get3A_1958] {strides = array<i32>} : memref<16x2x16xi32, #tpu.memory_space<vmem>>, vector<16xi32>,
      %gt3A_1960 = arith.cmpf ogt, %get3A_1953, %select_n3A_1946 : vector<16xf32>
      %eq3A_1961 = arith.cmpf oeq, %get3A_1953, %select_n3A_1946 : vector<16xf32>
      %lt3A_1962 = arith.cmpi slt, %get3A_1959, %select_n3A_1947 : vector<16xi32>
      %and3A_1963 = arith.andi %eq3A_1961, %lt3A_1962 : vector<16xi1>
      %or3A_1964 = arith.ori %gt3A_1960, %and3A_1963 : vector<16xi1>
      %select_n3A_1965 = arith.select %or3A_1964, %get3A_1953, %select_n3A_1946 : vector<16xi1>, vector<16xf32>
      %select_n3A_1966 = arith.select %or3A_1964, %get3A_1959, %select_n3A_1947 : vector<16xi1>, vector<16xi32>
      %get3A_1967 = arith.constant 5 : i32
      %get3A_1968 = arith.constant 1 : i32
      %get3A_1969 = arith.index_cast %get3A_1967 : i32 to index
      %get3A_1970 = arith.index_cast %get3A_1968 : i32 to index
      %get3A_1971 = arith.constant 0 : index
      %get3A_1972 = tpu.vector_load %arg13[%get3A_1969, %get3A_1970, %get3A_1971] {strides = array<i32>} : memref<16x2x16xf32, #tpu.memory_space<vmem>>, vector<16xf32>,
      %get3A_1973 = arith.constant 5 : i32
      %get3A_1974 = arith.constant 1 : i32
      %get3A_1975 = arith.index_cast %get3A_1973 : i32 to index
      %get3A_1976 = arith.index_cast %get3A_1974 : i32 to index
      %get3A_1977 = arith.constant 0 : index
      %get3A_1978 = tpu.vector_load %arg14[%get3A_1975, %get3A_1976, %get3A_1977] {strides = array<i32>} : memref<16x2x16xi32, #tpu.memory_space<vmem>>, vector<16xi32>,
      %gt3A_1979 = arith.cmpf ogt, %get3A_1972, %select_n3A_1965 : vector<16xf32>
      %eq3A_1980 = arith.cmpf oeq, %get3A_1972, %select_n3A_1965 : vector<16xf32>
      %lt3A_1981 = arith.cmpi slt, %get3A_1978, %select_n3A_1966 : vector<16xi32>
      %and3A_1982 = arith.andi %eq3A_1980, %lt3A_1981 : vector<16xi1>
      %or3A_1983 = arith.ori %gt3A_1979, %and3A_1982 : vector<16xi1>
      %select_n3A_1984 = arith.select %or3A_1983, %get3A_1972, %select_n3A_1965 : vector<16xi1>, vector<16xf32>
      %select_n3A_1985 = arith.select %or3A_1983, %get3A_1978, %select_n3A_1966 : vector<16xi1>, vector<16xi32>
      %get3A_1986 = arith.constant 6 : i32
      %get3A_1987 = arith.constant 1 : i32
      %get3A_1988 = arith.index_cast %get3A_1986 : i32 to index
      %get3A_1989 = arith.index_cast %get3A_1987 : i32 to index
      %get3A_1990 = arith.constant 0 : index
      %get3A_1991 = tpu.vector_load %arg13[%get3A_1988, %get3A_1989, %get3A_1990] {strides = array<i32>} : memref<16x2x16xf32, #tpu.memory_space<vmem>>, vector<16xf32>,
      %get3A_1992 = arith.constant 6 : i32
      %get3A_1993 = arith.constant 1 : i32
      %get3A_1994 = arith.index_cast %get3A_1992 : i32 to index
      %get3A_1995 = arith.index_cast %get3A_1993 : i32 to index
      %get3A_1996 = arith.constant 0 : index
      %get3A_1997 = tpu.vector_load %arg14[%get3A_1994, %get3A_1995, %get3A_1996] {strides = array<i32>} : memref<16x2x16xi32, #tpu.memory_space<vmem>>, vector<16xi32>,
      %gt3A_1998 = arith.cmpf ogt, %get3A_1991, %select_n3A_1984 : vector<16xf32>
      %eq3A_1999 = arith.cmpf oeq, %get3A_1991, %select_n3A_1984 : vector<16xf32>
      %lt3A_2000 = arith.cmpi slt, %get3A_1997, %select_n3A_1985 : vector<16xi32>
      %and3A_2001 = arith.andi %eq3A_1999, %lt3A_2000 : vector<16xi1>
      %or3A_2002 = arith.ori %gt3A_1998, %and3A_2001 : vector<16xi1>
      %select_n3A_2003 = arith.select %or3A_2002, %get3A_1991, %select_n3A_1984 : vector<16xi1>, vector<16xf32>
      %select_n3A_2004 = arith.select %or3A_2002, %get3A_1997, %select_n3A_1985 : vector<16xi1>, vector<16xi32>
      %get3A_2005 = arith.constant 7 : i32
      %get3A_2006 = arith.constant 1 : i32
      %get3A_2007 = arith.index_cast %get3A_2005 : i32 to index
      %get3A_2008 = arith.index_cast %get3A_2006 : i32 to index
      %get3A_2009 = arith.constant 0 : index
      %get3A_2010 = tpu.vector_load %arg13[%get3A_2007, %get3A_2008, %get3A_2009] {strides = array<i32>} : memref<16x2x16xf32, #tpu.memory_space<vmem>>, vector<16xf32>,
      %get3A_2011 = arith.constant 7 : i32
      %get3A_2012 = arith.constant 1 : i32
      %get3A_2013 = arith.index_cast %get3A_2011 : i32 to index
      %get3A_2014 = arith.index_cast %get3A_2012 : i32 to index
      %get3A_2015 = arith.constant 0 : index
      %get3A_2016 = tpu.vector_load %arg14[%get3A_2013, %get3A_2014, %get3A_2015] {strides = array<i32>} : memref<16x2x16xi32, #tpu.memory_space<vmem>>, vector<16xi32>,
      %gt3A_2017 = arith.cmpf ogt, %get3A_2010, %select_n3A_2003 : vector<16xf32>
      %eq3A_2018 = arith.cmpf oeq, %get3A_2010, %select_n3A_2003 : vector<16xf32>
      %lt3A_2019 = arith.cmpi slt, %get3A_2016, %select_n3A_2004 : vector<16xi32>
      %and3A_2020 = arith.andi %eq3A_2018, %lt3A_2019 : vector<16xi1>
      %or3A_2021 = arith.ori %gt3A_2017, %and3A_2020 : vector<16xi1>
      %select_n3A_2022 = arith.select %or3A_2021, %get3A_2010, %select_n3A_2003 : vector<16xi1>, vector<16xf32>
      %select_n3A_2023 = arith.select %or3A_2021, %get3A_2016, %select_n3A_2004 : vector<16xi1>, vector<16xi32>
      %get3A_2024 = arith.constant 8 : i32
      %get3A_2025 = arith.constant 1 : i32
      %get3A_2026 = arith.index_cast %get3A_2024 : i32 to index
      %get3A_2027 = arith.index_cast %get3A_2025 : i32 to index
      %get3A_2028 = arith.constant 0 : index
      %get3A_2029 = tpu.vector_load %arg13[%get3A_2026, %get3A_2027, %get3A_2028] {strides = array<i32>} : memref<16x2x16xf32, #tpu.memory_space<vmem>>, vector<16xf32>,
      %get3A_2030 = arith.constant 8 : i32
      %get3A_2031 = arith.constant 1 : i32
      %get3A_2032 = arith.index_cast %get3A_2030 : i32 to index
      %get3A_2033 = arith.index_cast %get3A_2031 : i32 to index
      %get3A_2034 = arith.constant 0 : index
      %get3A_2035 = tpu.vector_load %arg14[%get3A_2032, %get3A_2033, %get3A_2034] {strides = array<i32>} : memref<16x2x16xi32, #tpu.memory_space<vmem>>, vector<16xi32>,
      %gt3A_2036 = arith.cmpf ogt, %get3A_2029, %select_n3A_2022 : vector<16xf32>
      %eq3A_2037 = arith.cmpf oeq, %get3A_2029, %select_n3A_2022 : vector<16xf32>
      %lt3A_2038 = arith.cmpi slt, %get3A_2035, %select_n3A_2023 : vector<16xi32>
      %and3A_2039 = arith.andi %eq3A_2037, %lt3A_2038 : vector<16xi1>
      %or3A_2040 = arith.ori %gt3A_2036, %and3A_2039 : vector<16xi1>
      %select_n3A_2041 = arith.select %or3A_2040, %get3A_2029, %select_n3A_2022 : vector<16xi1>, vector<16xf32>
      %select_n3A_2042 = arith.select %or3A_2040, %get3A_2035, %select_n3A_2023 : vector<16xi1>, vector<16xi32>
      %get3A_2043 = arith.constant 9 : i32
      %get3A_2044 = arith.constant 1 : i32
      %get3A_2045 = arith.index_cast %get3A_2043 : i32 to index
      %get3A_2046 = arith.index_cast %get3A_2044 : i32 to index
      %get3A_2047 = arith.constant 0 : index
      %get3A_2048 = tpu.vector_load %arg13[%get3A_2045, %get3A_2046, %get3A_2047] {strides = array<i32>} : memref<16x2x16xf32, #tpu.memory_space<vmem>>, vector<16xf32>,
      %get3A_2049 = arith.constant 9 : i32
      %get3A_2050 = arith.constant 1 : i32
      %get3A_2051 = arith.index_cast %get3A_2049 : i32 to index
      %get3A_2052 = arith.index_cast %get3A_2050 : i32 to index
      %get3A_2053 = arith.constant 0 : index
      %get3A_2054 = tpu.vector_load %arg14[%get3A_2051, %get3A_2052, %get3A_2053] {strides = array<i32>} : memref<16x2x16xi32, #tpu.memory_space<vmem>>, vector<16xi32>,
      %gt3A_2055 = arith.cmpf ogt, %get3A_2048, %select_n3A_2041 : vector<16xf32>
      %eq3A_2056 = arith.cmpf oeq, %get3A_2048, %select_n3A_2041 : vector<16xf32>
      %lt3A_2057 = arith.cmpi slt, %get3A_2054, %select_n3A_2042 : vector<16xi32>
      %and3A_2058 = arith.andi %eq3A_2056, %lt3A_2057 : vector<16xi1>
      %or3A_2059 = arith.ori %gt3A_2055, %and3A_2058 : vector<16xi1>
      %select_n3A_2060 = arith.select %or3A_2059, %get3A_2048, %select_n3A_2041 : vector<16xi1>, vector<16xf32>
      %select_n3A_2061 = arith.select %or3A_2059, %get3A_2054, %select_n3A_2042 : vector<16xi1>, vector<16xi32>
      %get3A_2062 = arith.constant 10 : i32
      %get3A_2063 = arith.constant 1 : i32
      %get3A_2064 = arith.index_cast %get3A_2062 : i32 to index
      %get3A_2065 = arith.index_cast %get3A_2063 : i32 to index
      %get3A_2066 = arith.constant 0 : index
      %get3A_2067 = tpu.vector_load %arg13[%get3A_2064, %get3A_2065, %get3A_2066] {strides = array<i32>} : memref<16x2x16xf32, #tpu.memory_space<vmem>>, vector<16xf32>,
      %get3A_2068 = arith.constant 10 : i32
      %get3A_2069 = arith.constant 1 : i32
      %get3A_2070 = arith.index_cast %get3A_2068 : i32 to index
      %get3A_2071 = arith.index_cast %get3A_2069 : i32 to index
      %get3A_2072 = arith.constant 0 : index
      %get3A_2073 = tpu.vector_load %arg14[%get3A_2070, %get3A_2071, %get3A_2072] {strides = array<i32>} : memref<16x2x16xi32, #tpu.memory_space<vmem>>, vector<16xi32>,
      %gt3A_2074 = arith.cmpf ogt, %get3A_2067, %select_n3A_2060 : vector<16xf32>
      %eq3A_2075 = arith.cmpf oeq, %get3A_2067, %select_n3A_2060 : vector<16xf32>
      %lt3A_2076 = arith.cmpi slt, %get3A_2073, %select_n3A_2061 : vector<16xi32>
      %and3A_2077 = arith.andi %eq3A_2075, %lt3A_2076 : vector<16xi1>
      %or3A_2078 = arith.ori %gt3A_2074, %and3A_2077 : vector<16xi1>
      %select_n3A_2079 = arith.select %or3A_2078, %get3A_2067, %select_n3A_2060 : vector<16xi1>, vector<16xf32>
      %select_n3A_2080 = arith.select %or3A_2078, %get3A_2073, %select_n3A_2061 : vector<16xi1>, vector<16xi32>
      %get3A_2081 = arith.constant 11 : i32
      %get3A_2082 = arith.constant 1 : i32
      %get3A_2083 = arith.index_cast %get3A_2081 : i32 to index
      %get3A_2084 = arith.index_cast %get3A_2082 : i32 to index
      %get3A_2085 = arith.constant 0 : index
      %get3A_2086 = tpu.vector_load %arg13[%get3A_2083, %get3A_2084, %get3A_2085] {strides = array<i32>} : memref<16x2x16xf32, #tpu.memory_space<vmem>>, vector<16xf32>,
      %get3A_2087 = arith.constant 11 : i32
      %get3A_2088 = arith.constant 1 : i32
      %get3A_2089 = arith.index_cast %get3A_2087 : i32 to index
      %get3A_2090 = arith.index_cast %get3A_2088 : i32 to index
      %get3A_2091 = arith.constant 0 : index
      %get3A_2092 = tpu.vector_load %arg14[%get3A_2089, %get3A_2090, %get3A_2091] {strides = array<i32>} : memref<16x2x16xi32, #tpu.memory_space<vmem>>, vector<16xi32>,
      %gt3A_2093 = arith.cmpf ogt, %get3A_2086, %select_n3A_2079 : vector<16xf32>
      %eq3A_2094 = arith.cmpf oeq, %get3A_2086, %select_n3A_2079 : vector<16xf32>
      %lt3A_2095 = arith.cmpi slt, %get3A_2092, %select_n3A_2080 : vector<16xi32>
      %and3A_2096 = arith.andi %eq3A_2094, %lt3A_2095 : vector<16xi1>
      %or3A_2097 = arith.ori %gt3A_2093, %and3A_2096 : vector<16xi1>
      %select_n3A_2098 = arith.select %or3A_2097, %get3A_2086, %select_n3A_2079 : vector<16xi1>, vector<16xf32>
      %select_n3A_2099 = arith.select %or3A_2097, %get3A_2092, %select_n3A_2080 : vector<16xi1>, vector<16xi32>
      %get3A_2100 = arith.constant 12 : i32
      %get3A_2101 = arith.constant 1 : i32
      %get3A_2102 = arith.index_cast %get3A_2100 : i32 to index
      %get3A_2103 = arith.index_cast %get3A_2101 : i32 to index
      %get3A_2104 = arith.constant 0 : index
      %get3A_2105 = tpu.vector_load %arg13[%get3A_2102, %get3A_2103, %get3A_2104] {strides = array<i32>} : memref<16x2x16xf32, #tpu.memory_space<vmem>>, vector<16xf32>,
      %get3A_2106 = arith.constant 12 : i32
      %get3A_2107 = arith.constant 1 : i32
      %get3A_2108 = arith.index_cast %get3A_2106 : i32 to index
      %get3A_2109 = arith.index_cast %get3A_2107 : i32 to index
      %get3A_2110 = arith.constant 0 : index
      %get3A_2111 = tpu.vector_load %arg14[%get3A_2108, %get3A_2109, %get3A_2110] {strides = array<i32>} : memref<16x2x16xi32, #tpu.memory_space<vmem>>, vector<16xi32>,
      %gt3A_2112 = arith.cmpf ogt, %get3A_2105, %select_n3A_2098 : vector<16xf32>
      %eq3A_2113 = arith.cmpf oeq, %get3A_2105, %select_n3A_2098 : vector<16xf32>
      %lt3A_2114 = arith.cmpi slt, %get3A_2111, %select_n3A_2099 : vector<16xi32>
      %and3A_2115 = arith.andi %eq3A_2113, %lt3A_2114 : vector<16xi1>
      %or3A_2116 = arith.ori %gt3A_2112, %and3A_2115 : vector<16xi1>
      %select_n3A_2117 = arith.select %or3A_2116, %get3A_2105, %select_n3A_2098 : vector<16xi1>, vector<16xf32>
      %select_n3A_2118 = arith.select %or3A_2116, %get3A_2111, %select_n3A_2099 : vector<16xi1>, vector<16xi32>
      %get3A_2119 = arith.constant 13 : i32
      %get3A_2120 = arith.constant 1 : i32
      %get3A_2121 = arith.index_cast %get3A_2119 : i32 to index
      %get3A_2122 = arith.index_cast %get3A_2120 : i32 to index
      %get3A_2123 = arith.constant 0 : index
      %get3A_2124 = tpu.vector_load %arg13[%get3A_2121, %get3A_2122, %get3A_2123] {strides = array<i32>} : memref<16x2x16xf32, #tpu.memory_space<vmem>>, vector<16xf32>,
      %get3A_2125 = arith.constant 13 : i32
      %get3A_2126 = arith.constant 1 : i32
      %get3A_2127 = arith.index_cast %get3A_2125 : i32 to index
      %get3A_2128 = arith.index_cast %get3A_2126 : i32 to index
      %get3A_2129 = arith.constant 0 : index
      %get3A_2130 = tpu.vector_load %arg14[%get3A_2127, %get3A_2128, %get3A_2129] {strides = array<i32>} : memref<16x2x16xi32, #tpu.memory_space<vmem>>, vector<16xi32>,
      %gt3A_2131 = arith.cmpf ogt, %get3A_2124, %select_n3A_2117 : vector<16xf32>
      %eq3A_2132 = arith.cmpf oeq, %get3A_2124, %select_n3A_2117 : vector<16xf32>
      %lt3A_2133 = arith.cmpi slt, %get3A_2130, %select_n3A_2118 : vector<16xi32>
      %and3A_2134 = arith.andi %eq3A_2132, %lt3A_2133 : vector<16xi1>
      %or3A_2135 = arith.ori %gt3A_2131, %and3A_2134 : vector<16xi1>
      %select_n3A_2136 = arith.select %or3A_2135, %get3A_2124, %select_n3A_2117 : vector<16xi1>, vector<16xf32>
      %select_n3A_2137 = arith.select %or3A_2135, %get3A_2130, %select_n3A_2118 : vector<16xi1>, vector<16xi32>
      %get3A_2138 = arith.constant 14 : i32
      %get3A_2139 = arith.constant 1 : i32
      %get3A_2140 = arith.index_cast %get3A_2138 : i32 to index
      %get3A_2141 = arith.index_cast %get3A_2139 : i32 to index
      %get3A_2142 = arith.constant 0 : index
      %get3A_2143 = tpu.vector_load %arg13[%get3A_2140, %get3A_2141, %get3A_2142] {strides = array<i32>} : memref<16x2x16xf32, #tpu.memory_space<vmem>>, vector<16xf32>,
      %get3A_2144 = arith.constant 14 : i32
      %get3A_2145 = arith.constant 1 : i32
      %get3A_2146 = arith.index_cast %get3A_2144 : i32 to index
      %get3A_2147 = arith.index_cast %get3A_2145 : i32 to index
      %get3A_2148 = arith.constant 0 : index
      %get3A_2149 = tpu.vector_load %arg14[%get3A_2146, %get3A_2147, %get3A_2148] {strides = array<i32>} : memref<16x2x16xi32, #tpu.memory_space<vmem>>, vector<16xi32>,
      %gt3A_2150 = arith.cmpf ogt, %get3A_2143, %select_n3A_2136 : vector<16xf32>
      %eq3A_2151 = arith.cmpf oeq, %get3A_2143, %select_n3A_2136 : vector<16xf32>
      %lt3A_2152 = arith.cmpi slt, %get3A_2149, %select_n3A_2137 : vector<16xi32>
      %and3A_2153 = arith.andi %eq3A_2151, %lt3A_2152 : vector<16xi1>
      %or3A_2154 = arith.ori %gt3A_2150, %and3A_2153 : vector<16xi1>
      %select_n3A_2155 = arith.select %or3A_2154, %get3A_2143, %select_n3A_2136 : vector<16xi1>, vector<16xf32>
      %select_n3A_2156 = arith.select %or3A_2154, %get3A_2149, %select_n3A_2137 : vector<16xi1>, vector<16xi32>
      %get3A_2157 = arith.constant 15 : i32
      %get3A_2158 = arith.constant 1 : i32
      %get3A_2159 = arith.index_cast %get3A_2157 : i32 to index
      %get3A_2160 = arith.index_cast %get3A_2158 : i32 to index
      %get3A_2161 = arith.constant 0 : index
      %get3A_2162 = tpu.vector_load %arg13[%get3A_2159, %get3A_2160, %get3A_2161] {strides = array<i32>} : memref<16x2x16xf32, #tpu.memory_space<vmem>>, vector<16xf32>,
      %get3A_2163 = arith.constant 15 : i32
      %get3A_2164 = arith.constant 1 : i32
      %get3A_2165 = arith.index_cast %get3A_2163 : i32 to index
      %get3A_2166 = arith.index_cast %get3A_2164 : i32 to index
      %get3A_2167 = arith.constant 0 : index
      %get3A_2168 = tpu.vector_load %arg14[%get3A_2165, %get3A_2166, %get3A_2167] {strides = array<i32>} : memref<16x2x16xi32, #tpu.memory_space<vmem>>, vector<16xi32>,
      %gt3A_2169 = arith.cmpf ogt, %get3A_2162, %select_n3A_2155 : vector<16xf32>
      %eq3A_2170 = arith.cmpf oeq, %get3A_2162, %select_n3A_2155 : vector<16xf32>
      %lt3A_2171 = arith.cmpi slt, %get3A_2168, %select_n3A_2156 : vector<16xi32>
      %and3A_2172 = arith.andi %eq3A_2170, %lt3A_2171 : vector<16xi1>
      %or3A_2173 = arith.ori %gt3A_2169, %and3A_2172 : vector<16xi1>
      %select_n3A_2174 = arith.select %or3A_2173, %get3A_2162, %select_n3A_2155 : vector<16xi1>, vector<16xf32>
      %select_n3A_2175 = arith.select %or3A_2173, %get3A_2168, %select_n3A_2156 : vector<16xi1>, vector<16xi32>
      %swap3A_2176 = arith.constant 16 : index
      %swap3A_2177 = tpu.vector_load %arg15[%swap3A_2176] {strides = array<i32>} : memref<32xi32, #tpu.memory_space<vmem>>, vector<16xi32>,
      tpu.vector_store %arg15[%swap3A_2176], %select_n3A_2175 {strides = array<i32>} : memref<32xi32, #tpu.memory_space<vmem>>, vector<16xi32>,
      %dma_start3A = arith.constant 0 : i32
      %dma_start3A_2178 = arith.constant 0 : i32
      %dma_start3A_2179 = tpu.memref_slice %arg4[%dma_start3A, %dma_start3A_2178] : memref<20000x32xf32, #tpu.memory_space<hbm>> -> memref<20000x32xf32, #tpu.memory_space<hbm>>
      tpu.enqueue_indirect_dma source(%dma_start3A_2179 : memref<20000x32xf32, #tpu.memory_space<hbm>>) target(%arg16 : memref<32x32xf32, #tpu.memory_space<vmem>>) offsets(%arg15 : memref<32xi32, #tpu.memory_space<vmem>>) semaphore(%arg17 : memref<!tpu.dma_semaphore, #tpu.memory_space<semaphore_mem>>)
      %dma_wait3A = arith.constant 0 : i32
      %dma_wait3A_2180 = arith.constant 0 : i32
      %dma_wait3A_2181 = tpu.memref_slice %arg4[%dma_wait3A, %dma_wait3A_2180] : memref<20000x32xf32, #tpu.memory_space<hbm>> -> memref<20000x32xf32, #tpu.memory_space<hbm>>
      tpu.wait_indirect_dma semaphore(%arg17 : memref<!tpu.dma_semaphore, #tpu.memory_space<semaphore_mem>>) src(%dma_wait3A_2181 : memref<20000x32xf32, #tpu.memory_space<hbm>>) dst(%arg16 : memref<32x32xf32, #tpu.memory_space<vmem>>)
      "tpu.region"() ({
        %run_scoped3A = tpu.sem_alloc : memref<!tpu.dma_semaphore, #tpu.memory_space<semaphore_mem>>
        tpu.enqueue_dma source(%arg16 : memref<32x32xf32, #tpu.memory_space<vmem>>) target(%arg5 : memref<32x32xf32, #tpu.memory_space<hbm>>) target_semaphore(%run_scoped3A : memref<!tpu.dma_semaphore, #tpu.memory_space<semaphore_mem>>)
        tpu.wait_dma2 semaphore(%run_scoped3A : memref<!tpu.dma_semaphore, #tpu.memory_space<semaphore_mem>>) src(%arg16 : memref<32x32xf32, #tpu.memory_space<vmem>>) dst(%arg5 : memref<32x32xf32, #tpu.memory_space<hbm>>)
        tpu.yield
      }) : () -> ()
      "tpu.region"() ({
        %run_scoped3A = tpu.sem_alloc : memref<!tpu.dma_semaphore, #tpu.memory_space<semaphore_mem>>
        tpu.enqueue_dma source(%arg15 : memref<32xi32, #tpu.memory_space<vmem>>) target(%arg6 : memref<32xi32, #tpu.memory_space<hbm>>) target_semaphore(%run_scoped3A : memref<!tpu.dma_semaphore, #tpu.memory_space<semaphore_mem>>)
        tpu.wait_dma2 semaphore(%run_scoped3A : memref<!tpu.dma_semaphore, #tpu.memory_space<semaphore_mem>>) src(%arg15 : memref<32xi32, #tpu.memory_space<vmem>>) dst(%arg6 : memref<32xi32, #tpu.memory_space<hbm>>)
        tpu.yield
      }) : () -> ()
    } else {
    }
    return
  }
}

module attributes {stable_mosaic.version = 14 : i64} {
  func.func @_tc_body(%arg0: memref<20x32xf32, #tpu.memory_space<vmem>>, %arg1: memref<4x20xf32, #tpu.memory_space<vmem>>, %arg2: memref<1x20xf32, #tpu.memory_space<vmem>>, %arg3: memref<1x20xf32, #tpu.memory_space<vmem>>, %arg4: memref<1x128xf32, #tpu.memory_space<vmem>>) attributes {dimension_semantics = [], scalar_prefetch = 0 : i64, scratch_operands = 0 : i64, tpu.core_type = #tpu.core_type<tc>} {
    %get3A = arith.constant 0 : index
    %get3A_0 = arith.constant 0 : index
    %get3A_1 = vector.load %arg0[%get3A, %get3A_0] : memref<20x32xf32, #tpu.memory_space<vmem>>, vector<20x32xf32>
    %get3A_2 = arith.constant 0 : index
    %get3A_3 = arith.constant 0 : index
    %get3A_4 = vector.load %arg1[%get3A_2, %get3A_3] : memref<4x20xf32, #tpu.memory_space<vmem>>, vector<4x20xf32>
    %get3A_5 = arith.constant 0 : index
    %get3A_6 = arith.constant 0 : index
    %get3A_7 = vector.load %arg2[%get3A_5, %get3A_6] : memref<1x20xf32, #tpu.memory_space<vmem>>, vector<1x20xf32>
    %get3A_8 = arith.constant 0 : index
    %get3A_9 = arith.constant 0 : index
    %get3A_10 = vector.load %arg3[%get3A_8, %get3A_9] : memref<1x20xf32, #tpu.memory_space<vmem>>, vector<1x20xf32>
    %slice3A = vector.extract_strided_slice %get3A_1 {offsets = [0, 25], sizes = [20, 1], strides = [1, 1]} : vector<20x32xf32> to vector<20x1xf32>
    %slice3A_11 = vector.extract_strided_slice %get3A_1 {offsets = [0, 26], sizes = [20, 1], strides = [1, 1]} : vector<20x32xf32> to vector<20x1xf32>
    %slice3A_12 = vector.extract_strided_slice %get3A_1 {offsets = [0, 27], sizes = [20, 1], strides = [1, 1]} : vector<20x32xf32> to vector<20x1xf32>
    %slice3A_13 = vector.extract_strided_slice %get3A_1 {offsets = [0, 28], sizes = [20, 1], strides = [1, 1]} : vector<20x32xf32> to vector<20x1xf32>
    %add3A = arith.addf %slice3A, %slice3A_12 : vector<20x1xf32>
    %mul3A = arith.constant 5.000000e-01 : f32
    %mul3A_14 = vector.broadcast %mul3A : f32 to vector<20x1xf32>
    %mul3A_15 = arith.mulf %add3A, %mul3A_14 : vector<20x1xf32>
    %add3A_16 = arith.addf %slice3A_11, %slice3A_13 : vector<20x1xf32>
    %mul3A_17 = arith.constant 5.000000e-01 : f32
    %mul3A_18 = vector.broadcast %mul3A_17 : f32 to vector<20x1xf32>
    %mul3A_19 = arith.mulf %add3A_16, %mul3A_18 : vector<20x1xf32>
    %sub3A = arith.subf %slice3A_12, %slice3A : vector<20x1xf32>
    %sub3A_20 = arith.subf %slice3A_13, %slice3A_11 : vector<20x1xf32>
    %slice3A_21 = vector.extract_strided_slice %get3A_4 {offsets = [0, 0], sizes = [1, 20], strides = [1, 1]} : vector<4x20xf32> to vector<1x20xf32>
    %slice3A_22 = vector.extract_strided_slice %get3A_4 {offsets = [1, 0], sizes = [1, 20], strides = [1, 1]} : vector<4x20xf32> to vector<1x20xf32>
    %slice3A_23 = vector.extract_strided_slice %get3A_4 {offsets = [2, 0], sizes = [1, 20], strides = [1, 1]} : vector<4x20xf32> to vector<1x20xf32>
    %slice3A_24 = vector.extract_strided_slice %get3A_4 {offsets = [3, 0], sizes = [1, 20], strides = [1, 1]} : vector<4x20xf32> to vector<1x20xf32>
    %mul3A_25 = arith.constant 5.000000e-01 : f32
    %mul3A_26 = vector.broadcast %mul3A_25 : f32 to vector<1x20xf32>
    %mul3A_27 = arith.mulf %slice3A_23, %mul3A_26 : vector<1x20xf32>
    %sub3A_28 = arith.subf %slice3A_21, %mul3A_27 : vector<1x20xf32>
    %mul3A_29 = arith.constant 5.000000e-01 : f32
    %mul3A_30 = vector.broadcast %mul3A_29 : f32 to vector<1x20xf32>
    %mul3A_31 = arith.mulf %slice3A_24, %mul3A_30 : vector<1x20xf32>
    %sub3A_32 = arith.subf %slice3A_22, %mul3A_31 : vector<1x20xf32>
    %mul3A_33 = arith.constant 5.000000e-01 : f32
    %mul3A_34 = vector.broadcast %mul3A_33 : f32 to vector<1x20xf32>
    %mul3A_35 = arith.mulf %slice3A_23, %mul3A_34 : vector<1x20xf32>
    %add3A_36 = arith.addf %slice3A_21, %mul3A_35 : vector<1x20xf32>
    %mul3A_37 = arith.constant 5.000000e-01 : f32
    %mul3A_38 = vector.broadcast %mul3A_37 : f32 to vector<1x20xf32>
    %mul3A_39 = arith.mulf %slice3A_24, %mul3A_38 : vector<1x20xf32>
    %add3A_40 = arith.addf %slice3A_22, %mul3A_39 : vector<1x20xf32>
    %sub3A_41 = arith.subf %add3A_36, %sub3A_28 : vector<1x20xf32>
    %sub3A_42 = arith.subf %add3A_40, %sub3A_32 : vector<1x20xf32>
    %mul3A_43 = arith.mulf %sub3A_41, %sub3A_42 : vector<1x20xf32>
    %sub3A_44 = arith.subf %slice3A_12, %slice3A : vector<20x1xf32>
    %sub3A_45 = arith.subf %slice3A_13, %slice3A_11 : vector<20x1xf32>
    %mul3A_46 = arith.mulf %sub3A_44, %sub3A_45 : vector<20x1xf32>
    %max3A = vector.broadcast %slice3A : vector<20x1xf32> to vector<20x20xf32>
    %max3A_47 = vector.broadcast %sub3A_28 : vector<1x20xf32> to vector<20x20xf32>
    %max3A_48 = arith.maximumf %max3A, %max3A_47 : vector<20x20xf32>
    %max3A_49 = vector.broadcast %slice3A_11 : vector<20x1xf32> to vector<20x20xf32>
    %max3A_50 = vector.broadcast %sub3A_32 : vector<1x20xf32> to vector<20x20xf32>
    %max3A_51 = arith.maximumf %max3A_49, %max3A_50 : vector<20x20xf32>
    %min3A = vector.broadcast %slice3A_12 : vector<20x1xf32> to vector<20x20xf32>
    %min3A_52 = vector.broadcast %add3A_36 : vector<1x20xf32> to vector<20x20xf32>
    %min3A_53 = arith.minimumf %min3A, %min3A_52 : vector<20x20xf32>
    %min3A_54 = vector.broadcast %slice3A_13 : vector<20x1xf32> to vector<20x20xf32>
    %min3A_55 = vector.broadcast %add3A_40 : vector<1x20xf32> to vector<20x20xf32>
    %min3A_56 = arith.minimumf %min3A_54, %min3A_55 : vector<20x20xf32>
    %sub3A_57 = arith.subf %min3A_53, %max3A_48 : vector<20x20xf32>
    %max3A_58 = arith.constant 0.000000e+00 : f32
    %max3A_59 = vector.broadcast %max3A_58 : f32 to vector<20x20xf32>
    %max3A_60 = arith.maximumf %sub3A_57, %max3A_59 : vector<20x20xf32>
    %sub3A_61 = arith.subf %min3A_56, %max3A_51 : vector<20x20xf32>
    %max3A_62 = arith.constant 0.000000e+00 : f32
    %max3A_63 = vector.broadcast %max3A_62 : f32 to vector<20x20xf32>
    %max3A_64 = arith.maximumf %sub3A_61, %max3A_63 : vector<20x20xf32>
    %mul3A_65 = arith.mulf %max3A_60, %max3A_64 : vector<20x20xf32>
    %add3A_66 = vector.broadcast %mul3A_46 : vector<20x1xf32> to vector<20x20xf32>
    %add3A_67 = vector.broadcast %mul3A_43 : vector<1x20xf32> to vector<20x20xf32>
    %add3A_68 = arith.addf %add3A_66, %add3A_67 : vector<20x20xf32>
    %sub3A_69 = arith.subf %add3A_68, %mul3A_65 : vector<20x20xf32>
    %div3A = arith.divf %mul3A_65, %sub3A_69 : vector<20x20xf32>
    %iota3A = tpu.iota {dimensions = array<i32: 1>} : vector<20x20xi32>
    %iota3A_70 = tpu.iota {dimensions = array<i32: 0>} : vector<20x20xi32>
    %reduce_max3A = arith.constant dense<0xFF800000> : vector<20xf32>
    %reduce_max3A_71 = vector.multi_reduction <maximumf>, %div3A, %reduce_max3A [1] : vector<20x20xf32> to vector<20xf32>
    %broadcast_in_dim3A = vector.shape_cast %reduce_max3A_71 : vector<20xf32> to vector<20x1xf32>
    %eq3A = vector.broadcast %broadcast_in_dim3A : vector<20x1xf32> to vector<20x20xf32>
    %eq3A_72 = arith.cmpf oeq, %div3A, %eq3A : vector<20x20xf32>
    %jit3A = arith.constant 1073741824 : i32
    %broadcast_in_dim3A_73 = vector.broadcast %jit3A : i32 to vector<20x20xi32>
    %select_n3A = arith.select %eq3A_72, %iota3A, %broadcast_in_dim3A_73 : vector<20x20xi1>, vector<20x20xi32>
    %reduce_min3A = arith.constant dense<2147483647> : vector<20xi32>
    %reduce_min3A_74 = vector.multi_reduction <minsi>, %select_n3A, %reduce_min3A [1] : vector<20x20xi32> to vector<20xi32>
    %broadcast_in_dim3A_75 = vector.shape_cast %reduce_min3A_74 : vector<20xi32> to vector<20x1xi32>
    %eq3A_76 = vector.broadcast %broadcast_in_dim3A_75 : vector<20x1xi32> to vector<20x20xi32>
    %eq3A_77 = arith.cmpi eq, %iota3A, %eq3A_76 : vector<20x20xi32>
    %convert_element_type3A = arith.extui %eq3A_77 : vector<20x20xi1> to vector<20x20xi32>
    %convert_element_type3A_78 = arith.sitofp %convert_element_type3A : vector<20x20xi32> to vector<20x20xf32>
    %mul3A_79 = vector.broadcast %slice3A_21 : vector<1x20xf32> to vector<20x20xf32>
    %mul3A_80 = arith.mulf %convert_element_type3A_78, %mul3A_79 : vector<20x20xf32>
    %reduce_sum3A = arith.constant dense<0.000000e+00> : vector<20xf32>
    %reduce_sum3A_81 = vector.multi_reduction <add>, %mul3A_80, %reduce_sum3A [1] : vector<20x20xf32> to vector<20xf32>
    %broadcast_in_dim3A_82 = vector.shape_cast %reduce_sum3A_81 : vector<20xf32> to vector<20x1xf32>
    %mul3A_83 = vector.broadcast %slice3A_22 : vector<1x20xf32> to vector<20x20xf32>
    %mul3A_84 = arith.mulf %convert_element_type3A_78, %mul3A_83 : vector<20x20xf32>
    %reduce_sum3A_85 = arith.constant dense<0.000000e+00> : vector<20xf32>
    %reduce_sum3A_86 = vector.multi_reduction <add>, %mul3A_84, %reduce_sum3A_85 [1] : vector<20x20xf32> to vector<20xf32>
    %broadcast_in_dim3A_87 = vector.shape_cast %reduce_sum3A_86 : vector<20xf32> to vector<20x1xf32>
    %mul3A_88 = vector.broadcast %slice3A_23 : vector<1x20xf32> to vector<20x20xf32>
    %mul3A_89 = arith.mulf %convert_element_type3A_78, %mul3A_88 : vector<20x20xf32>
    %reduce_sum3A_90 = arith.constant dense<0.000000e+00> : vector<20xf32>
    %reduce_sum3A_91 = vector.multi_reduction <add>, %mul3A_89, %reduce_sum3A_90 [1] : vector<20x20xf32> to vector<20xf32>
    %broadcast_in_dim3A_92 = vector.shape_cast %reduce_sum3A_91 : vector<20xf32> to vector<20x1xf32>
    %mul3A_93 = vector.broadcast %slice3A_24 : vector<1x20xf32> to vector<20x20xf32>
    %mul3A_94 = arith.mulf %convert_element_type3A_78, %mul3A_93 : vector<20x20xf32>
    %reduce_sum3A_95 = arith.constant dense<0.000000e+00> : vector<20xf32>
    %reduce_sum3A_96 = vector.multi_reduction <add>, %mul3A_94, %reduce_sum3A_95 [1] : vector<20x20xf32> to vector<20xf32>
    %broadcast_in_dim3A_97 = vector.shape_cast %reduce_sum3A_96 : vector<20xf32> to vector<20x1xf32>
    %sub3A_98 = arith.subf %broadcast_in_dim3A_82, %mul3A_15 : vector<20x1xf32>
    %div3A_99 = arith.divf %sub3A_98, %sub3A : vector<20x1xf32>
    %sub3A_100 = arith.subf %broadcast_in_dim3A_87, %mul3A_19 : vector<20x1xf32>
    %div3A_101 = arith.divf %sub3A_100, %sub3A_20 : vector<20x1xf32>
    %div3A_102 = arith.divf %broadcast_in_dim3A_92, %sub3A : vector<20x1xf32>
    %log3A = math.log %div3A_102 : vector<20x1xf32>
    %div3A_103 = arith.divf %broadcast_in_dim3A_97, %sub3A_20 : vector<20x1xf32>
    %log3A_104 = math.log %div3A_103 : vector<20x1xf32>
    %mul3A_105 = vector.broadcast %get3A_10 : vector<1x20xf32> to vector<20x20xf32>
    %mul3A_106 = arith.mulf %convert_element_type3A_78, %mul3A_105 : vector<20x20xf32>
    %reduce_sum3A_107 = arith.constant dense<0.000000e+00> : vector<20xf32>
    %reduce_sum3A_108 = vector.multi_reduction <add>, %mul3A_106, %reduce_sum3A_107 [1] : vector<20x20xf32> to vector<20xf32>
    %broadcast_in_dim3A_109 = vector.shape_cast %reduce_sum3A_108 : vector<20xf32> to vector<20x1xf32>
    %eq3A_110 = arith.cmpi eq, %iota3A_70, %iota3A : vector<20x20xi32>
    %convert_element_type3A_111 = arith.extui %eq3A_110 : vector<20x20xi1> to vector<20x20xi32>
    %convert_element_type3A_112 = arith.sitofp %convert_element_type3A_111 : vector<20x20xi32> to vector<20x20xf32>
    %broadcast_in_dim3A_113 = vector.shape_cast %get3A_7 : vector<1x20xf32> to vector<1x20xf32>
    %broadcast_in_dim3A_114 = vector.broadcast %broadcast_in_dim3A_113 : vector<1x20xf32> to vector<20x20xf32>
    %mul3A_115 = arith.mulf %broadcast_in_dim3A_114, %convert_element_type3A_112 : vector<20x20xf32>
    %reduce_sum3A_116 = arith.constant dense<0.000000e+00> : vector<20xf32>
    %reduce_sum3A_117 = vector.multi_reduction <add>, %mul3A_115, %reduce_sum3A_116 [1] : vector<20x20xf32> to vector<20xf32>
    %broadcast_in_dim3A_118 = vector.shape_cast %reduce_sum3A_117 : vector<20xf32> to vector<20x1xf32>
    %eq3A_119 = vector.broadcast %broadcast_in_dim3A_118 : vector<20x1xf32> to vector<20x20xf32>
    %eq3A_120 = arith.cmpf oeq, %broadcast_in_dim3A_114, %eq3A_119 : vector<20x20xf32>
    %lt3A = arith.cmpi slt, %iota3A, %iota3A_70 : vector<20x20xi32>
    %and3A = arith.andi %eq3A_120, %lt3A : vector<20x20xi1>
    %convert_element_type3A_121 = arith.extui %and3A : vector<20x20xi1> to vector<20x20xi32>
    %convert_element_type3A_122 = arith.sitofp %convert_element_type3A_121 : vector<20x20xi32> to vector<20x20xf32>
    %reduce_sum3A_123 = arith.constant dense<0.000000e+00> : vector<20xf32>
    %reduce_sum3A_124 = vector.multi_reduction <add>, %convert_element_type3A_122, %reduce_sum3A_123 [1] : vector<20x20xf32> to vector<20xf32>
    %broadcast_in_dim3A_125 = vector.shape_cast %reduce_sum3A_124 : vector<20xf32> to vector<20x1xf32>
    %eq3A_126 = arith.constant 0.000000e+00 : f32
    %eq3A_127 = vector.broadcast %eq3A_126 : f32 to vector<20x1xf32>
    %eq3A_128 = arith.cmpf oeq, %broadcast_in_dim3A_125, %eq3A_127 : vector<20x1xf32>
    %convert_element_type3A_129 = arith.extui %eq3A_128 : vector<20x1xi1> to vector<20x1xi32>
    %convert_element_type3A_130 = arith.sitofp %convert_element_type3A_129 : vector<20x1xi32> to vector<20x1xf32>
    %reduce_sum3A_131 = vector.shape_cast %convert_element_type3A_130 : vector<20x1xf32> to vector<1x20x1xf32>
    %reduce_sum3A_132 = arith.constant dense<0.000000e+00> : vector<1xf32>
    %reduce_sum3A_133 = vector.multi_reduction <add>, %reduce_sum3A_131, %reduce_sum3A_132 [1, 2] : vector<1x20x1xf32> to vector<1xf32>
    %reduce_sum3A_134 = vector.shape_cast %reduce_sum3A_133 : vector<1xf32> to vector<1x1x1xf32>
    %reduce_sum3A_135 = vector.extract %reduce_sum3A_134[0, 0, 0] : f32 from vector<1x1x1xf32>
    %slice3A_136 = vector.extract_strided_slice %get3A_1 {offsets = [0, 0], sizes = [20, 1], strides = [1, 1]} : vector<20x32xf32> to vector<20x1xf32>
    %slice3A_137 = vector.extract_strided_slice %get3A_1 {offsets = [0, 1], sizes = [20, 1], strides = [1, 1]} : vector<20x32xf32> to vector<20x1xf32>
    %slice3A_138 = vector.extract_strided_slice %get3A_1 {offsets = [0, 2], sizes = [20, 1], strides = [1, 1]} : vector<20x32xf32> to vector<20x1xf32>
    %slice3A_139 = vector.extract_strided_slice %get3A_1 {offsets = [0, 3], sizes = [20, 1], strides = [1, 1]} : vector<20x32xf32> to vector<20x1xf32>
    %sub3A_140 = arith.subf %slice3A_137, %div3A_101 : vector<20x1xf32>
    %abs3A = math.absf %sub3A_140 : vector<20x1xf32>
    %jit3A_141 = arith.constant 0.000000e+00 : f32
    %broadcast_in_dim3A_142 = vector.broadcast %jit3A_141 : f32 to vector<20x1xf32>
    %select_n3A_143 = arith.select %eq3A_128, %abs3A, %broadcast_in_dim3A_142 : vector<20x1xi1>, vector<20x1xf32>
    %reduce_sum3A_144 = vector.shape_cast %select_n3A_143 : vector<20x1xf32> to vector<1x20x1xf32>
    %reduce_sum3A_145 = arith.constant dense<0.000000e+00> : vector<1xf32>
    %reduce_sum3A_146 = vector.multi_reduction <add>, %reduce_sum3A_144, %reduce_sum3A_145 [1, 2] : vector<1x20x1xf32> to vector<1xf32>
    %reduce_sum3A_147 = vector.shape_cast %reduce_sum3A_146 : vector<1xf32> to vector<1x1x1xf32>
    %reduce_sum3A_148 = vector.extract %reduce_sum3A_147[0, 0, 0] : f32 from vector<1x1x1xf32>
    %div3A_149 = arith.divf %reduce_sum3A_148, %reduce_sum3A_135 : f32
    %sub3A_150 = arith.subf %slice3A_136, %div3A_99 : vector<20x1xf32>
    %abs3A_151 = math.absf %sub3A_150 : vector<20x1xf32>
    %jit3A_152 = arith.constant 0.000000e+00 : f32
    %broadcast_in_dim3A_153 = vector.broadcast %jit3A_152 : f32 to vector<20x1xf32>
    %select_n3A_154 = arith.select %eq3A_128, %abs3A_151, %broadcast_in_dim3A_153 : vector<20x1xi1>, vector<20x1xf32>
    %reduce_sum3A_155 = vector.shape_cast %select_n3A_154 : vector<20x1xf32> to vector<1x20x1xf32>
    %reduce_sum3A_156 = arith.constant dense<0.000000e+00> : vector<1xf32>
    %reduce_sum3A_157 = vector.multi_reduction <add>, %reduce_sum3A_155, %reduce_sum3A_156 [1, 2] : vector<1x20x1xf32> to vector<1xf32>
    %reduce_sum3A_158 = vector.shape_cast %reduce_sum3A_157 : vector<1xf32> to vector<1x1x1xf32>
    %reduce_sum3A_159 = vector.extract %reduce_sum3A_158[0, 0, 0] : f32 from vector<1x1x1xf32>
    %div3A_160 = arith.divf %reduce_sum3A_159, %reduce_sum3A_135 : f32
    %sub3A_161 = arith.subf %slice3A_138, %log3A : vector<20x1xf32>
    %abs3A_162 = math.absf %sub3A_161 : vector<20x1xf32>
    %jit3A_163 = arith.constant 0.000000e+00 : f32
    %broadcast_in_dim3A_164 = vector.broadcast %jit3A_163 : f32 to vector<20x1xf32>
    %select_n3A_165 = arith.select %eq3A_128, %abs3A_162, %broadcast_in_dim3A_164 : vector<20x1xi1>, vector<20x1xf32>
    %reduce_sum3A_166 = vector.shape_cast %select_n3A_165 : vector<20x1xf32> to vector<1x20x1xf32>
    %reduce_sum3A_167 = arith.constant dense<0.000000e+00> : vector<1xf32>
    %reduce_sum3A_168 = vector.multi_reduction <add>, %reduce_sum3A_166, %reduce_sum3A_167 [1, 2] : vector<1x20x1xf32> to vector<1xf32>
    %reduce_sum3A_169 = vector.shape_cast %reduce_sum3A_168 : vector<1xf32> to vector<1x1x1xf32>
    %reduce_sum3A_170 = vector.extract %reduce_sum3A_169[0, 0, 0] : f32 from vector<1x1x1xf32>
    %div3A_171 = arith.divf %reduce_sum3A_170, %reduce_sum3A_135 : f32
    %sub3A_172 = arith.subf %slice3A_139, %log3A_104 : vector<20x1xf32>
    %abs3A_173 = math.absf %sub3A_172 : vector<20x1xf32>
    %jit3A_174 = arith.constant 0.000000e+00 : f32
    %broadcast_in_dim3A_175 = vector.broadcast %jit3A_174 : f32 to vector<20x1xf32>
    %select_n3A_176 = arith.select %eq3A_128, %abs3A_173, %broadcast_in_dim3A_175 : vector<20x1xi1>, vector<20x1xf32>
    %reduce_sum3A_177 = vector.shape_cast %select_n3A_176 : vector<20x1xf32> to vector<1x20x1xf32>
    %reduce_sum3A_178 = arith.constant dense<0.000000e+00> : vector<1xf32>
    %reduce_sum3A_179 = vector.multi_reduction <add>, %reduce_sum3A_177, %reduce_sum3A_178 [1, 2] : vector<1x20x1xf32> to vector<1xf32>
    %reduce_sum3A_180 = vector.shape_cast %reduce_sum3A_179 : vector<1xf32> to vector<1x1x1xf32>
    %reduce_sum3A_181 = vector.extract %reduce_sum3A_180[0, 0, 0] : f32 from vector<1x1x1xf32>
    %div3A_182 = arith.divf %reduce_sum3A_181, %reduce_sum3A_135 : f32
    %slice3A_183 = vector.extract_strided_slice %get3A_1 {offsets = [0, 4], sizes = [20, 21], strides = [1, 1]} : vector<20x32xf32> to vector<20x21xf32>
    %reduce_max3A_184 = arith.constant dense<0xFF800000> : vector<20xf32>
    %reduce_max3A_185 = vector.multi_reduction <maximumf>, %slice3A_183, %reduce_max3A_184 [1] : vector<20x21xf32> to vector<20xf32>
    %broadcast_in_dim3A_186 = vector.shape_cast %reduce_max3A_185 : vector<20xf32> to vector<20x1xf32>
    %sub3A_187 = vector.broadcast %broadcast_in_dim3A_186 : vector<20x1xf32> to vector<20x21xf32>
    %sub3A_188 = arith.subf %slice3A_183, %sub3A_187 : vector<20x21xf32>
    %exp3A = math.exp %sub3A_188 : vector<20x21xf32>
    %reduce_sum3A_189 = arith.constant dense<0.000000e+00> : vector<20xf32>
    %reduce_sum3A_190 = vector.multi_reduction <add>, %exp3A, %reduce_sum3A_189 [1] : vector<20x21xf32> to vector<20xf32>
    %broadcast_in_dim3A_191 = vector.shape_cast %reduce_sum3A_190 : vector<20xf32> to vector<20x1xf32>
    %log3A_192 = math.log %broadcast_in_dim3A_191 : vector<20x1xf32>
    %add3A_193 = arith.addf %log3A_192, %broadcast_in_dim3A_186 : vector<20x1xf32>
    %iota3A_194 = tpu.iota {dimensions = array<i32: 1>} : vector<20x21xi32>
    %convert_element_type3A_195 = arith.sitofp %iota3A_194 : vector<20x21xi32> to vector<20x21xf32>
    %eq3A_196 = vector.broadcast %broadcast_in_dim3A_109 : vector<20x1xf32> to vector<20x21xf32>
    %eq3A_197 = arith.cmpf oeq, %convert_element_type3A_195, %eq3A_196 : vector<20x21xf32>
    %jit3A_198 = arith.constant 0.000000e+00 : f32
    %broadcast_in_dim3A_199 = vector.broadcast %jit3A_198 : f32 to vector<20x21xf32>
    %select_n3A_200 = arith.select %eq3A_197, %slice3A_183, %broadcast_in_dim3A_199 : vector<20x21xi1>, vector<20x21xf32>
    %reduce_sum3A_201 = arith.constant dense<0.000000e+00> : vector<20xf32>
    %reduce_sum3A_202 = vector.multi_reduction <add>, %select_n3A_200, %reduce_sum3A_201 [1] : vector<20x21xf32> to vector<20xf32>
    %broadcast_in_dim3A_203 = vector.shape_cast %reduce_sum3A_202 : vector<20xf32> to vector<20x1xf32>
    %sub3A_204 = arith.subf %add3A_193, %broadcast_in_dim3A_203 : vector<20x1xf32>
    %jit3A_205 = arith.constant 0.000000e+00 : f32
    %broadcast_in_dim3A_206 = vector.broadcast %jit3A_205 : f32 to vector<20x1xf32>
    %select_n3A_207 = arith.select %eq3A_128, %sub3A_204, %broadcast_in_dim3A_206 : vector<20x1xi1>, vector<20x1xf32>
    %reduce_sum3A_208 = vector.shape_cast %select_n3A_207 : vector<20x1xf32> to vector<1x20x1xf32>
    %reduce_sum3A_209 = arith.constant dense<0.000000e+00> : vector<1xf32>
    %reduce_sum3A_210 = vector.multi_reduction <add>, %reduce_sum3A_208, %reduce_sum3A_209 [1, 2] : vector<1x20x1xf32> to vector<1xf32>
    %reduce_sum3A_211 = vector.shape_cast %reduce_sum3A_210 : vector<1xf32> to vector<1x1x1xf32>
    %reduce_sum3A_212 = vector.extract %reduce_sum3A_211[0, 0, 0] : f32 from vector<1x1x1xf32>
    %div3A_213 = arith.divf %reduce_sum3A_212, %reduce_sum3A_135 : f32
    %iota3A_214 = tpu.iota {dimensions = array<i32: 1>} : vector<1x128xi32>
    %eq3A_215 = arith.constant 0 : i32
    %eq3A_216 = vector.broadcast %eq3A_215 : i32 to vector<1x128xi32>
    %eq3A_217 = arith.cmpi eq, %iota3A_214, %eq3A_216 : vector<1x128xi32>
    %jit3A_218 = arith.constant 0.000000e+00 : f32
    %broadcast_in_dim3A_219 = vector.broadcast %div3A_149 : f32 to vector<1x128xf32>
    %broadcast_in_dim3A_220 = vector.broadcast %jit3A_218 : f32 to vector<1x128xf32>
    %select_n3A_221 = arith.select %eq3A_217, %broadcast_in_dim3A_219, %broadcast_in_dim3A_220 : vector<1x128xi1>, vector<1x128xf32>
    %eq3A_222 = arith.constant 1 : i32
    %eq3A_223 = vector.broadcast %eq3A_222 : i32 to vector<1x128xi32>
    %eq3A_224 = arith.cmpi eq, %iota3A_214, %eq3A_223 : vector<1x128xi32>
    %broadcast_in_dim3A_225 = vector.broadcast %div3A_160 : f32 to vector<1x128xf32>
    %select_n3A_226 = arith.select %eq3A_224, %broadcast_in_dim3A_225, %select_n3A_221 : vector<1x128xi1>, vector<1x128xf32>
    %eq3A_227 = arith.constant 2 : i32
    %eq3A_228 = vector.broadcast %eq3A_227 : i32 to vector<1x128xi32>
    %eq3A_229 = arith.cmpi eq, %iota3A_214, %eq3A_228 : vector<1x128xi32>
    %broadcast_in_dim3A_230 = vector.broadcast %div3A_171 : f32 to vector<1x128xf32>
    %select_n3A_231 = arith.select %eq3A_229, %broadcast_in_dim3A_230, %select_n3A_226 : vector<1x128xi1>, vector<1x128xf32>
    %eq3A_232 = arith.constant 3 : i32
    %eq3A_233 = vector.broadcast %eq3A_232 : i32 to vector<1x128xi32>
    %eq3A_234 = arith.cmpi eq, %iota3A_214, %eq3A_233 : vector<1x128xi32>
    %broadcast_in_dim3A_235 = vector.broadcast %div3A_182 : f32 to vector<1x128xf32>
    %select_n3A_236 = arith.select %eq3A_234, %broadcast_in_dim3A_235, %select_n3A_231 : vector<1x128xi1>, vector<1x128xf32>
    %eq3A_237 = arith.constant 4 : i32
    %eq3A_238 = vector.broadcast %eq3A_237 : i32 to vector<1x128xi32>
    %eq3A_239 = arith.cmpi eq, %iota3A_214, %eq3A_238 : vector<1x128xi32>
    %broadcast_in_dim3A_240 = vector.broadcast %div3A_213 : f32 to vector<1x128xf32>
    %select_n3A_241 = arith.select %eq3A_239, %broadcast_in_dim3A_240, %select_n3A_236 : vector<1x128xi1>, vector<1x128xf32>
    %swap3A = arith.constant 0 : index
    %swap3A_242 = arith.constant 0 : index
    %swap3A_243 = vector.load %arg4[%swap3A, %swap3A_242] : memref<1x128xf32, #tpu.memory_space<vmem>>, vector<1x128xf32>
    tpu.vector_store %arg4[%swap3A, %swap3A_242], %select_n3A_241 {strides = array<i32>} : memref<1x128xf32, #tpu.memory_space<vmem>>, vector<1x128xf32>,
    return
  }
}

</mosaic_0001>

<sc_bundles>
// kernel: kernel.4.cloned.1.call-start
scs
__scs_entry_jumppad:
0x0: {  	(pc) =	sbr.rel $0x88, $3  }
0x1: {  	(tag) =	ssettag $0x0;
	lr =	simm.s32 $0x1  }
0x2: {  	[smem:$0x3F9C] =	sst lr;
	_ =	strace $0xD0000000  }
0x3: {  	_ = 	snop  }
0x4: {  	_ = 	snop  }
0x5: {  	_ = 	snop  }
0x6: {  	_ = 	snop  }
0x7: {  	_ = 	snop  }
__scs_overlays_trampoline_lowered:
0x8: {  	[smem:$0x3FAB] =	sst s0  }
0x9: {  	[smem:$0x3FAC] =	sst s1  }
0xa: {  	[smem:$0x3FAD] =	sst s2  }
0xb: {  	[smem:$0x3FAE] =	sst s3  }
0xc: {  	[smem:$0x3FAF] =	sst s4  }
0xd: {  	[smem:$0x3FB0] =	sst s5  }
0xe: {  	[smem:$0x3FB1] =	sst s6  }
0xf: {  	[smem:$0x3FB2] =	sst s7  }
0x10: {  	[smem:$0x3FB3] =	sst s8  }
0x11: {  	[smem:$0x3FB4] =	sst s9;
	s0 =	simm.s32 @!p0 $0x0  }
0x12: {  	s1 =	sld [smem:$0x3F9A];
	s0 =	simm.s32 @p0 $0x1  }
0x13: {  	[smem:$0x3FB5] =	sst s0;
	s0 =	simm.s32 @!p1 $0x0  }
0x14: {  	s2 =	sld [smem:$0x3F99];
	s0 =	simm.s32 @p1 $0x1  }
0x15: {  	[smem:$0x3FB6] =	sst s0;
	s0 =	simm.s32 @!p2 $0x0  }
0x16: {  	s3 =	sld [smem:$0x3FDB];
	s0 =	simm.s32 @p2 $0x1  }
0x17: {  	s4 =	simm.s32 $0x1BF5;
	[smem:$0x3FB8] =	sst s0  }
0x18: {  	s0 =	sld [smem:$0x3F9B];
	_ =	swait.ge [sflag:s4], $0x0  }
0x19: {  	s7 =	sld [smem:$0x3F9C]  }
0x1a: {  	s8 =	sadd.s32 $0xFFFFE003, lr  }
0x1b: {  	s9 =	sadd.s32 $0xFFFFFEF7, lr;
	s5 =	simm.s32 $0xFFFFFFFF;
	p2 =	slt.u32 s8, $0xFFFFF086  }
0x1c: {  	p1 =	slt.u32 s9, $0xF7A;
	s5 =	simm.s32 @!p2 $0x0  }
0x1d: {  	s5 =	simm.s32 @p1 $0x1;
	p0 =	seq.s32 s7, s2  }
0x1e: {  	s7 =	smul.u32 @!p0 $0xF7A, s2;
	p2 =	seq.s32 @!p0 s5, $0x0  }
0x1f: {  	s9 =	smul.u32 $0xF7A, s1;
	s8 =	simm.s32 @!p0 $0x1BF5;
	p2 =	por !p2, p0  }
0x20: {  	[sflag:s8] =	ssyncset.s32 @!p0 $0xFFFFF086;
	s6 =	sadd.s32 @!p0 s3, s7;
	s7 =	simm.s32 @!p0 $0x108  }
0x21: {  	s3 =	sadd.s32 s3, s9;
	s6 =	sadd.s32 @!p0 $0x88, s6;
	s7 =	simm.s32 @p2 $0x1082  }
0x22: {  	[simem:s7], [sflag:s8] =	dma.local @!p0 [hbm:s6], $0xF7A  }
0x23: {  	s9 =	sor.u32 $0xD0000000, s2;
	s6 =	simm.s32 $0x108;
	_ =	swait.ge @!p0 [sflag:s8], $0x0  }
0x24: {  	s3 =	sadd.s32 $0x88, s3;
	s6 =	simm.s32 @!p1 $0x1082;
	[sflag:s4] =	ssyncset.s32 $0xFFFFF086  }
0x25: {  	[simem:s6], [sflag:s4] =	dma.local [hbm:s3], $0xF7A  }
0x26: {  	[smem:$0x3F9C] =	sst s1;
	(tag) =	ssettag s2;
	_ =	strace s9  }
0x27: {  	s1 =	sld [smem:$0x3FAC]  }
0x28: {  	s2 =	sld [smem:$0x3FAD]  }
0x29: {  	s4 =	sld [smem:$0x3FAF]  }
0x2a: {  	p0 =	seq.s32 s5, $0x0;
	s5 =	sld [smem:$0x3FB0]  }
0x2b: {  	s6 =	sld [smem:$0x3FB1]  }
0x2c: {  	s7 =	sld [smem:$0x3FB2]  }
0x2d: {  	s3 =	simm.s32 $0x108;
	s8 =	sld [smem:$0x3FB3]  }
0x2e: {  	s3 =	simm.s32 @!p0 $0x1082;
	s9 =	sld [smem:$0x3FB4]  }
0x2f: {  	lr =	sadd.s32 s0, s3;
	s0 =	sld [smem:$0x3FAB]  }
0x30: {  	s3 =	sld [smem:$0x3FAE]  }
0x31: {  	[smem:$0x3FB7] =	sst s10  }
0x32: {  	s10 =	sld [smem:$0x3FB5];
	_ =	sdelay $0x3  }
0x33: {  	p0 =	seq.s32 s10, $0x1;
	s10 =	sld [smem:$0x3FB7];
	_ =	sdelay $0x3  }
0x34: {  	[smem:$0x3FB7] =	sst s10  }
0x35: {  	s10 =	sld [smem:$0x3FB6];
	_ =	sdelay $0x3  }
0x36: {  	p1 =	seq.s32 s10, $0x1;
	s10 =	sld [smem:$0x3FB7];
	_ =	sdelay $0x3  }
0x37: {  	[smem:$0x3FB7] =	sst s10  }
0x38: {  	s10 =	sld [smem:$0x3FB8]  }
0x39: {  	_ = 	snop;
	(pc) =	sbr.ind lr, $3  }
0x3a: {  	_ = 	snop  }
0x3b: {  	_ = 	snop  }
0x3c: {  	p2 =	seq.s32 s10, $0x1;
	s10 =	sld [smem:$0x3FB7]  }
0x3d: {  	_ =	shalt  }
0x3e: {  	_ =	shalt  }
0x3f: {  	_ =	shalt  }
0x40: {  	_ =	shalt  }
0x41: {  	_ =	shalt  }
0x42: {  	_ =	shalt  }
0x43: {  	_ =	shalt  }
0x44: {  	_ =	shalt  }
0x45: {  	_ =	shalt  }
0x46: {  	_ =	shalt  }
0x47: {  	_ =	shalt  }
0x48: {  	_ =	shalt  }
0x49: {  	_ =	shalt  }
0x4a: {  	_ =	shalt  }
0x4b: {  	_ =	shalt  }
0x4c: {  	_ =	shalt  }
0x4d: {  	_ =	shalt  }
0x4e: {  	_ =	shalt  }
0x4f: {  	_ =	shalt  }
0x50: {  	_ =	shalt  }
0x51: {  	_ =	shalt  }
0x52: {  	_ =	shalt  }
0x53: {  	_ =	shalt  }
0x54: {  	_ =	shalt  }
0x55: {  	_ =	shalt  }
0x56: {  	_ =	shalt  }
0x57: {  	_ =	shalt  }
0x58: {  	_ =	shalt  }
0x59: {  	_ =	shalt  }
0x5a: {  	_ =	shalt  }
0x5b: {  	_ =	shalt  }
0x5c: {  	_ =	shalt  }
0x5d: {  	_ =	shalt  }
0x5e: {  	_ =	shalt  }
0x5f: {  	_ =	shalt  }
0x60: {  	_ =	shalt  }
0x61: {  	_ =	shalt  }
0x62: {  	_ =	shalt  }
0x63: {  	_ =	shalt  }
0x64: {  	_ =	shalt  }
0x65: {  	_ =	shalt  }
0x66: {  	_ =	shalt  }
0x67: {  	_ =	shalt  }
0x68: {  	_ =	shalt  }
0x69: {  	_ =	shalt  }
0x6a: {  	_ =	shalt  }
0x6b: {  	_ =	shalt  }
0x6c: {  	_ =	shalt  }
0x6d: {  	_ =	shalt  }
0x6e: {  	_ =	shalt  }
0x6f: {  	_ =	shalt  }
0x70: {  	_ =	shalt  }
0x71: {  	_ =	shalt  }
0x72: {  	_ =	shalt  }
0x73: {  	_ =	shalt  }
0x74: {  	_ =	shalt  }
0x75: {  	_ =	shalt  }
0x76: {  	_ =	shalt  }
0x77: {  	_ =	shalt  }
0x78: {  	_ =	shalt  }
0x79: {  	_ =	shalt  }
0x7a: {  	_ =	shalt  }
0x7b: {  	_ =	shalt  }
0x7c: {  	_ =	shalt  }
0x7d: {  	_ =	shalt  }
0x7e: {  	_ =	shalt  }
0x7f: {  	_ =	shalt  }
0x80: {  	_ =	shalt  }
0x81: {  	_ =	shalt  }
0x82: {  	_ =	shalt  }
0x83: {  	_ =	shalt  }
0x84: {  	_ =	shalt  }
0x85: {  	_ =	shalt  }
0x86: {  	_ =	shalt  }
0x87: {  	_ =	shalt  }
.Lfunc_end0:
.L_simem_size_0:
called_computation_lowered:
.L_overlay_start_0:
0x88: {  	s0 =	sld [smem:$0x3FD9]  }
0x89: {  	s1 =	sld [smem:$0x3FFE];
	_ =	sdelay $0x3  }
0x8a: {  	s0 =	sadd.s32 s1, s0  }
0x8b: {  	[smem:$0x3FC3] =	sst s0  }
0x8c: {  	_ = 	snop  }
0x8d: {  	s0 =	sld [smem:$0x3FD0];
	_ =	sdelay $0x2  }
0x8e: {  	s13 =	simm.s32 $0xA;
	s2 =	simm.s32 $0x10  }
0x8f: {  	[smem:s2], [sflag:s13] =	dma.local [hbm:s0], $0x1  }
0x90: {  	_ =	swait.eq [sflag:s13], $0x1  }
0x91: {  	[sflag:s13] =	ssyncset.done $0x0  }
0x92: {  	[sflag:s13] =	ssyncadd.s32 $0xFFFFFFFF  }
0x93: {  	s14 =	sld [smem:$0x10];
	(tm) =	ssettm $0x1  }
0x94: {  	s15 =	sld [smem:$0x3FFB];
	_ =	sdelay $0x3  }
0x95: {  	_ =	strace s15  }
0x96: {  	s1 =	sld [smem:$0x3FFC];
	_ =	sdelay $0x3  }
0x97: {  	_ =	strace s1  }
0x98: {  	s1 =	sld [smem:$0x3FFD];
	_ =	sdelay $0x3  }
0x99: {  	_ =	strace s1  }
0x9a: {  	_ =	strace $0x8FFFFFFF  }
0x9b: {  	s16 =	sld [smem:$0x3FDB];
	_ =	sdelay $0x1  }
0x9c: {  	s17 =	simm.s32 $_scs_section_size  }
0x9d: {  	s3 =	simm.s32 $_size__tile_overlayer_lowered;
	s4 =	simm.s32 $_tile_overlayer_lowered  }
0x9e: {  	s20 =	simm.s32 $0x1BFF;
	s19 =	sshll.u32 s4, $0x1;
	s1 =	sadd.s32 s17, s16  }
0x9f: {  	s5 =	simm.s32 $0x0;
	s18 =	sshll.u32 s3, $0x1;
	s3 =	sadd.s32 s19, s1  }
0xa0: {  	[timem:s5], [sflag:s20] =	dma.local [hbm:s3], s18  }
0xa1: {  	_ =	swait.ge [sflag:s20], s18  }
0xa2: {  	s2 =	ssub.s32 $0x0, s18;
	[sflag:s20] =	ssyncset.done $0x0  }
0xa3: {  	[sflag:s20] =	ssyncadd.s32 s2;
	_ =	sdelay $0x1  }
0xa4: {  	s21 =	simm.s32 $0x1B8B  }
0xa5: {  	_ =	swait.ge [sflag:s21], $0x1  }
0xa6: {  	[sflag:s21] =	ssyncset.done $0x0  }
0xa7: {  	s23 =	simm.s32 $0x1B8E;
	s22 =	sld [smem:$0x3FFE];
	[sflag:s21] =	ssyncadd.s32 $0xFFFFFFFF  }
0xa8: {  	s24 =	simm.s32 $execute0_lowered;
	[smem:$0x3FD2] =	sst s23  }
0xa9: {  	s3 =	sshll.u32 s24, $0x1;
	_ =	strace $0x80000046;
	[dreg:$0x1] =	wrdreg $0xFFFFFFFF  }
0xaa: {  	s25 =	simm.s32 $_size_execute0_lowered;
	s1 =	sadd.s32 s1, s3;
	[dreg:$0x0] =	wrdreg $0x0  }
0xab: {  	s3 =	sshll.u32 s25, $0x1;
	[dreg:$0x2] =	wrdreg s1  }
0xac: {  	[dreg:$0x3] =	wrdreg s3  }
0xad: {  	[dreg:$0x4] =	wrdreg $0xC0  }
0xae: {  	_ =	task [dreg:s5], $0x5FFFF  }
0xaf: {  	[dreg:$0x1] =	wrdreg $0xFFFFFFFF  }
0xb0: {  	[dreg:$0x0] =	wrdreg $0x60  }
0xb1: {  	[dreg:$0x2] =	wrdreg s22  }
0xb2: {  	[dreg:$0x3] =	wrdreg s14  }
0xb3: {  	[dreg:$0x4] =	wrdreg $0x28600  }
0xb4: {  	[dreg:$0x5] =	wrdreg $0x28800  }
0xb5: {  	[dreg:$0x6] =	wrdreg $0x9  }
0xb6: {  	_ =	task.clear_ibuf [dreg:s5], $0x7FFFF;
	_ =	strace $0x90000046  }
0xb7: {  	s26 =	simm.s32 $0x9;
	_ =	strace $0x80000048  }
0xb8: {  	_ =	swait.ge [sflag:s26], $0x1  }
0xb9: {  	[sflag:s26] =	ssyncadd.s32 $0xFFFFFFFF  }
0xba: {  	_ =	strace $0x90000048  }
0xbb: {  	_ =	sfence  }
0xbc: {  	s28 =	sld [smem:$0x0];
	_ =	sdelay $0x1  }
0xbd: {  	s29 =	srdreg.scid  }
0xbe: {  	s30 =	sshll.u32 s29, $0xD;
	s31 =	sshrl.u32 s29, $0x2  }
0xbf: {  	s2 =	sand.u32 $0x4000, s30;
	s1 =	sand.u32 $0x1, s29;
	s0 =	sadd.s32 s31, s28  }
0xc0: {  	s1 =	sor.u32 s2, s1;
	s0 =	sshll.u32 s0, $0x11  }
0xc1: {  	s0 =	sor.u32 s0, s1  }
0xc2: {  	s0 =	sadd.s32 $0x8F2B, s0  }
0xc3: {  	[sflag:s0] =	ssyncadd.remote.s32 $0x1  }
0xc4: {  	_ =	sfence.sel $0xFFFF  }
0xc5: {  	[dreg:$0x0] =	wrdreg $0xFFFFFFFF;
	(pc) =	sbr.abs _section_cstart, $3  }
0xc6: {  	[dreg:$0x1] =	wrdreg $0xFFFFFFFF  }
0xc7: {  	_ =	task.clear_ibuf [dreg:s5], $0x2FFFF;
	_ =	strace $0x9FFFFFFF  }
0xc8: {  	(tm) =	ssettm $0x7FFFFFFF  }
0xc9: {  	_ =	shalt  }
tec
execute0_lowered:
.L_overlay_start_1:
0x0: {  	(tag) =	ssettag $0x1  }
0x1: {  	s2 =	rddreg [dreg:$0x0]  }
0x2: {  	s1 =	rddreg [dreg:$0x1]  }
0x3: {  	s5 =	rddreg [dreg:$0x2];
	s6 =	stileid.u32  }
0x4: {  	s4 =	rddreg [dreg:$0x3];
	s8 =	smul.u32 $0x4F0, s6  }
0x5: {  	s0 =	rddreg [dreg:$0x4];
	s7 =	simm.s32 $0x0  }
0x6: {  	[smem:$0x7FF] =	sst s7;
	s3 =	sadd.s32 s8, s2  }
0x7: {  	s9 =	simm.s32 $0x2;
	_ =	strace $0x80000047;
	s3 =	sadd.s32 $0x1600, s3  }
0x8: {  	v1 =	vlaneseq.u32;
	[tilespmem:s7], [sflag:$0x2] =	stream.linear.gather [hbm4b:s3+s7], $0x2780, $0x38;
	[tilespmem:$0x30C0] =	vst v63  }
0x9: {  	v2 =	vmul.u32 $0x8, v1;
	_ =	swait.ge [sflag:s9], $0x2780  }
0xa: {  	[sflag:s9] =	ssyncset.done $0x0  }
0xb: {  	s28 =	simm.s32 $0x2780;
	s10 =	sadd.s32 $0x1A000, s2;
	v0 =	vor.u32 $0x2, v2;
	[sflag:s9] =	ssyncadd.s32 $0xFFFFD880  }
0xc: {  	v3 =	vor.u32 $0x3, v2;
	[tilespmem:s28], [sflag:$0x2] =	stream.linear.gather [hbm4b:s10+s7], $0xA0, $0x38;
	[tilespmem:$0x30C0] =	vst v63  }
0xd: {  	_ =	swait.ge [sflag:s9], $0xA0  }
0xe: {  	v4 =	vor.u32 $0x1, v2;
	[sflag:s9] =	ssyncset.done $0x0  }
0xf: {  	[sflag:s9] =	ssyncadd.s32 $0xFFFFFF60  }
0x10: {  	v0 =	vld.idx.msk [tilespmem:v0+s28+$0x0], $0xffff  }
0x11: {  	v3 =	vld.idx.msk [tilespmem:v3+s28+$0x0], $0xffff  }
0x12: {  	v5 =	vld.idx.msk [tilespmem:v2+s28+$0x0], $0xffff  }
0x13: {  	v4 =	vld.idx.msk [tilespmem:v4+s28+$0x0], $0xffff;
	_ =	sdelay $0x1  }
0x14: {  	v0 =	vmul.f32 $5.000000000e-01, v0  }
0x15: {  	v3 =	vmul.f32 $5.000000000e-01, v3  }
0x16: {  	v17 =	vsub.f32 v5, v0;
	v14 =	vadd.f32 v0, v5  }
0x17: {  	v16 =	vsub.f32 v4, v3;
	v13 =	vadd.f32 v3, v4  }
0x18: {  	vm0 =	vmmov $0x1;
	v3 =	vor.u32 s7, v1  }
0x19: {  	v6 =	vshll.u32 v3, $0x3;
	v0 =	vsub.f32 v14, v17;
	v4 =	vsub.f32 v13, v16  }
0x1a: {  	v5 =	vnsel vm0, $0xFF800000, v17;
	v7 =	vor.u32 $0x1, v6  }
0x1b: {  	(xrf0) =	vmax.scan.msk.f32 $0xffff, v5;
	v5 =	vnsel vm0, $0xFF800000, v16;
	v15 =	vmul.f32 v4, v0;
	v4 =	vor.u32 $0x2, v6  }
0x1c: {  	(xrf0) =	vmax.scan.msk.f32 $0xffff, v5;
	v0 =	vnsel vm0, $0xFF800000, v14;
	v5 =	vor.u32 $0x3, v6  }
0x1d: {  	(xrf0) =	vmax.scan.msk.f32 $0xffff, v0;
	v0 =	vnsel vm0, $0xFF800000, v13  }
0x1e: {  	(xrf0) =	vmax.scan.msk.f32 $0xffff, v0;
	v6 =	vld.idx.msk [tilespmem:v6+s7+$0x0], $0xffff  }
0x1f: {  	s29 =	simm.s32 $0x10;
	v7 =	vld.idx.msk [tilespmem:v7+s7+$0x0], $0xffff  }
0x20: {  	v9 =	vor.u32 s29, v1;
	v4 =	vld.idx.msk [tilespmem:v4+s7+$0x0], $0xffff  }
0x21: {  	s30 =	simm.s32 $0x20;
	v10 =	vshll.u32 v9, $0x3;
	v0 =	vnsel vm0, $0xFF800000, v15;
	v8, _, _ =	vpop (xrf0);
	v12 =	vld.idx.msk [tilespmem:v5+s7+$0x0], $0xffff  }
0x22: {  	v30 =	vor.u32 s30, v1;
	v21 =	vor.u32 $0x1, v10;
	v22 =	vor.u32 $0x80, v2;
	(xrf0) =	vmax.scan.msk.f32 $0xffff, v0;
	v11, _, _ =	vpop (xrf0)  }
0x23: {  	v23 =	vor.u32 $0x81, v2;
	v24 =	vor.u32 $0x2, v10;
	v25 =	vor.u32 $0x82, v2;
	v5, _, _ =	vpop (xrf0)  }
0x24: {  	v26 =	vor.u32 $0x3, v10;
	v8 =	vbroadcast v8, $0xF;
	v18 =	vbroadcast v11, $0xF;
	v20, _, _ =	vpop (xrf0)  }
0x25: {  	v27 =	vor.u32 $0x83, v2;
	v19 =	vbroadcast v5, $0xF;
	v20 =	vbroadcast v20, $0xF  }
0x26: {  	v11 =	vld.idx.msk [tilespmem:v10+s7+$0x0], $0xffff;
	v10 =	vsub.f32 v4, v6;
	v6 =	vmax.f32 v6, v8;
	v28 =	vsub.f32 v12, v7  }
0x27: {  	v29 =	vld.idx.msk [tilespmem:v21+s7+$0x0], $0xffff;
	v7 =	vmax.f32 v7, v18;
	v4 =	vmin.f32 v4, v19;
	v12 =	vmin.f32 v12, v20  }
0x28: {  	v24 =	vld.idx.msk [tilespmem:v24+s7+$0x0], $0xffff;
	v0 =	vmov s8;
	v2, _, _ =	vpop (xrf0);
	v21 =	vsub.f32 v4, v6;
	v7 =	vsub.f32 v12, v7  }
0x29: {  	v5 =	vbroadcast v2, $0xF;
	v6 =	vadd.s32 v0, v3;
	v10 =	vmul.f32 v28, v10  }
0x2a: {  	v3 =	vadd.s32 v0, v9;
	v12 =	vld.idx.msk [tilespmem:v26+s7+$0x0], $0xffff;
	v21 =	vmax.f32 v21, $0.0e+00;
	v7 =	vmax.f32 v7, $0.0e+00  }
0x2b: {  	v9 =	vld.idx.msk [tilespmem:v22+s28+$0x0], $0xf;
	v26 =	vshll.u32 v30, $0x3;
	v22 =	vadd.f32 v10, v5;
	v21 =	vmul.f32 v7, v21  }
0x2c: {  	v31 =	vor.u32 $0x1, v26;
	v32 =	vor.u32 $0x2, v26  }
0x2d: {  	v33 =	vor.u32 $0x3, v26;
	v10 =	vld.idx.msk [tilespmem:v23+s28+$0x0], $0xf;
	v23 =	vsub.f32 v24, v11;
	v22 =	vsub.f32 v22, v21  }
0x2e: {  	v24 =	vmin.f32 v24, v19;
	v7 =	vmax.f32 v11, v8;
	v11 =	vld.idx.msk [tilespmem:v25+s28+$0x0], $0xf;
	v25 =	vmax.f32 v29, v18  }
0x2f: {  	v34 =	vsub.f32 v12, v29;
	v28 =	vmin.f32 v12, v20;
	v12 =	vld.idx.msk [tilespmem:v27+s28+$0x0], $0xf;
	(erf) = vrcp.f32 v22  }
0x30: {  	s31 =	simm.s32 $0x30;
	v27 =	vsub.f32 v24, v7;
	v29 =	vsub.f32 v28, v25;
	v25 =	vld.idx.msk [tilespmem:v26+s7+$0x0], $0xffff  }
0x31: {  	v35 =	vor.u32 s31, v1;
	v7 =	vadd.s32 v0, v30;
	v24 =	vld.idx.msk [tilespmem:v31+s7+$0x0], $0xffff  }
0x32: {  	v26 =	vld.idx.msk [tilespmem:v32+s7+$0x0], $0xffff;
	v30 =	vmul.f32 v34, v23;
	v23 =	vmax.f32 v27, $0.0e+00;
	v27 =	vmax.f32 v29, $0.0e+00  }
0x33: {  	v28 =	vshll.u32 v35, $0x3;
	v23 =	vmul.f32 v27, v23;
	v27 =	vld.idx.msk [tilespmem:v33+s7+$0x0], $0xffff  }
0x34: {  	v2 =	vimm.f32 $-1.000000000e+00;
	v29 =	vor.u32 $0x1, v28;
	v31 =	vadd.f32 v30, v5  }
0x35: {  	s3 =	sadd.s32 $0x6600, s2;
	s2 =	sadd.s32 $0x1A200, s2;
	s8 =	simm.s32 $0x40;
	v4 =	vimm.s32 $0x0;
	v22 =	vadd.s32 v0, v35;
	v30 =	vor.u32 $0x2, v28  }
.LBB2_1:
0x36: {  	p0 =	sne.s32 s8, $0x4E0;
	v32 =	vor.u32 $0x3, v28;
	v36 =	vsub.f32 v31, v23;
	v33 =	vmovc v7;
	v7 =	vmov v22  }
0x37: {  	v22 =	vsub.f32 v26, v25;
	v34 =	vmax.f32 v25, v8  }
0x38: {  	v35 =	vsub.f32 v27, v24;
	v25 =	vld.idx.msk [tilespmem:v28+s7+$0x0], $0xffff;
	v28 =	vmax.f32 v24, v18;
	(erf) = vrcp.f32 v36;
	v31 =	vpop (erf)  }
0x39: {  	v27 =	vmin.f32 v27, v20;
	v24 =	vld.idx.msk [tilespmem:v29+s7+$0x0], $0xffff;
	v29 =	vmin.f32 v26, v19;
	v31 =	vmul.f32 v31, v21  }
.Ltmp0:
0x3a: {  	v36 =	vor.u32 s8, v1;
	v21 =	vmovc v23;
	v26 =	vld.idx.msk [tilespmem:v30+s7+$0x0], $0xffff;
	v29 =	vsub.f32 v29, v34;
	v30 =	vsub.f32 v27, v28;
	(pc) =	sbr.rel @p0 .LBB2_1-.Ltmp0, $4  }
0x3b: {  	v22 =	vmul.f32 v35, v22;
	v28 =	vshll.u32 v36, $0x3;
	v27 =	vld.idx.msk [tilespmem:v32+s7+$0x0], $0xffff;
	vm1 =	vgt.f32 v31, v2  }
0x3c: {  	v23 =	vmax.f32 v29, $0.0e+00;
	v30 =	vmax.f32 v30, $0.0e+00;
	v2 =	vsel vm1, v31, v2  }
0x3d: {  	v29 =	vor.u32 $0x1, v28;
	v31 =	vadd.f32 v22, v5;
	v23 =	vmul.f32 v30, v23  }
0x3e: {  	s8 =	sadd.s32 $0x10, s8;
	v22 =	vadd.s32 v0, v36;
	v4 =	vsel vm1, v6, v4;
	v6 =	vmovc v3;
	v3 =	vmovc v33;
	v30 =	vor.u32 $0x2, v28  }
0x3f: {  	_ =	sdelay $0x1  }
0x40: {  	v1 =	vor.u32 $0x3, v28;
	_ =	sdelay $0x1  }
0x41: {  	v28 =	vld.idx.msk [tilespmem:v28+s7+$0x0], $0xffff  }
0x42: {  	v30 =	vld.idx.msk [tilespmem:v30+s7+$0x0], $0xffff  }
0x43: {  	v29 =	vld.idx.msk [tilespmem:v29+s7+$0x0], $0xffff;
	v32 =	vsub.f32 v26, v25  }
0x44: {  	v25 =	vmax.f32 v25, v8;
	v26 =	vmin.f32 v26, v19;
	v33 =	vsub.f32 v27, v24;
	v1 =	vld.idx.msk [tilespmem:v1+s7+$0x0], $0xffff  }
0x45: {  	v25 =	vsub.f32 v26, v25;
	v24 =	vmax.f32 v24, v18;
	v27 =	vmin.f32 v27, v20  }
0x46: {  	v26 =	vsub.f32 v31, v23;
	v24 =	vsub.f32 v27, v24;
	v27 =	vmul.f32 v33, v32  }
0x47: {  	v25 =	vmax.f32 v25, $0.0e+00;
	v8 =	vmax.f32 v28, v8;
	v19 =	vmin.f32 v30, v19  }
0x48: {  	v31 =	vsub.f32 v30, v28;
	v18 =	vmax.f32 v29, v18;
	v8 =	vsub.f32 v19, v8  }
0x49: {  	v28 =	vsub.f32 v1, v29;
	v1 =	vmin.f32 v1, v20;
	v20 =	vmax.f32 v24, $0.0e+00  }
0x4a: {  	v19 =	vadd.f32 v27, v5;
	v1 =	vsub.f32 v1, v18;
	v18 =	vmul.f32 v20, v25  }
0x4b: {  	(erf) = vrcp.f32 v26;
	v20 =	vmul.f32 v28, v31  }
0x4c: {  	v8 =	vmax.f32 v8, $0.0e+00;
	v1 =	vmax.f32 v1, $0.0e+00;
	v19 =	vsub.f32 v19, v18  }
0x4d: {  	v1 =	vmul.f32 v1, v8;
	v5 =	vadd.f32 v20, v5  }
0x4e: {  	(erf) = vrcp.f32 v19  }
0x4f: {  	v5 =	vsub.f32 v5, v1;
	_ =	sdelay $0x1  }
0x50: {  	s7 =	simm.s32 $0x0;
	(erf) = vrcp.f32 v5;
	v5 =	vlaneseq.u32  }
0x51: {  	vm2 =	vcmask $0x308;
	v8 =	vpop (erf);
	v24 =	vor.u32 s7, v5  }
0x52: {  	v8 =	vmul.f32 v8, v21;
	v19 =	vsel vm2, $0xFF800000, v17;
	v20 =	vshll.u32 v24, $0x3  }
0x53: {  	v25 =	vpop (erf);
	(xrf0) =	vmax.scan.msk.f32 $0xffff, v19;
	v19 =	vsel vm2, $0xFF800000, v16;
	v21 =	vor.u32 $0x1, v20  }
0x54: {  	v23 =	vmul.f32 v25, v23;
	(xrf0) =	vmax.scan.msk.f32 $0xffff, v19;
	v19 =	vsel vm2, $0xFF800000, v14;
	v26 =	vor.u32 $0x2, v20  }
0x55: {  	vm1 =	vgt.f32 v8, v2;
	(xrf0) =	vmax.scan.msk.f32 $0xffff, v19;
	v19 =	vsel vm2, $0xFF800000, v13;
	v25 =	vor.u32 $0x3, v20  }
0x56: {  	v2 =	vsel vm1, v8, v2;
	(xrf0) =	vmax.scan.msk.f32 $0xffff, v19;
	v19 =	vsel vm2, $0xFF800000, v15;
	v8 =	vpop (erf)  }
0x57: {  	s8 =	simm.s32 $0x10;
	vm3 =	vgt.f32 v23, v2;
	v8 =	vmul.f32 v8, v18;
	v18 =	vld.idx.msk [tilespmem:v20+s7+$0x0], $0xffff  }
0x58: {  	v27 =	vor.u32 s8, v5;
	v2 =	vsel vm3, v23, v2;
	v23 =	vld.idx.msk [tilespmem:v21+s7+$0x0], $0xffff  }
0x59: {  	v4 =	vsel vm1, v6, v4;
	(xrf0) =	vmax.scan.msk.f32 $0xffff, v19;
	v28 =	vshll.u32 v27, $0x3;
	v19, _, _ =	vpop (xrf0);
	v26 =	vld.idx.msk [tilespmem:v26+s7+$0x0], $0xffff  }
0x5a: {  	v3 =	vsel vm3, v3, v4;
	v29 =	vor.u32 $0x3, v28;
	v4 =	vld.idx.msk [tilespmem:v25+s7+$0x0], $0xffff;
	v6 =	vpop (erf);
	vm1 =	vgt.f32 v8, v2  }
0x5b: {  	v1 =	vmul.f32 v6, v1;
	v6, _, _ =	vpop (xrf0);
	v2 =	vsel vm1, v8, v2;
	v8 =	vor.u32 $0x1, v28  }
0x5c: {  	v19 =	vbroadcast v19, $0xF;
	v3 =	vsel vm1, v7, v3;
	v7 =	vor.u32 $0x2, v28;
	v21, _, _ =	vpop (xrf0)  }
0x5d: {  	v20 =	vbroadcast v6, $0xF;
	vm1 =	vgt.f32 v1, v2;
	v25, _, _ =	vpop (xrf0);
	v21 =	vbroadcast v21, $0xF  }
0x5e: {  	v1 =	vsel vm1, v1, v2;
	v2 =	vsel vm1, v22, v3;
	v22 =	vbroadcast v25, $0xF  }
0x5f: {  	v25 =	vld.idx.msk [tilespmem:v28+s7+$0x0], $0xffff;
	v28 =	vsub.f32 v26, v18;
	v18 =	vmax.f32 v18, v19;
	v30 =	vsub.f32 v4, v23  }
0x60: {  	s30 =	simm.s32 $0x20;
	v31 =	vld.idx.msk [tilespmem:v8+s7+$0x0], $0xffff;
	v8 =	vmax.f32 v23, v20;
	v23 =	vmin.f32 v26, v21;
	v4 =	vmin.f32 v4, v22  }
0x61: {  	v61 =	vor.u32 s30, v5;
	v29 =	vld.idx.msk [tilespmem:v29+s7+$0x0], $0xffff;
	v3, _, _ =	vpop (xrf0);
	v18 =	vsub.f32 v23, v18;
	v4 =	vsub.f32 v4, v8  }
0x62: {  	v6 =	vbroadcast v3, $0xF;
	v26 =	vld.idx.msk [tilespmem:v7+s7+$0x0], $0xffff;
	v28 =	vmul.f32 v30, v28;
	v8 =	vadd.s32 v0, v24  }
0x63: {  	v24 =	vshll.u32 v61, $0x3;
	v18 =	vmax.f32 v18, $0.0e+00;
	v23 =	vmax.f32 v4, $0.0e+00  }
0x64: {  	v4 =	vadd.s32 v0, v27;
	v27 =	vadd.f32 v28, v6;
	v23 =	vmul.f32 v23, v18  }
0x65: {  	v62 =	vor.u32 $0x1, v24;
	v34 =	vor.u32 $0x3, v24  }
0x66: {  	v28 =	vor.u32 $0x2, v24;
	v18 =	vmax.f32 v25, v19;
	v63 =	vsub.f32 v27, v23  }
0x67: {  	v35 =	vsub.f32 v26, v25;
	v25 =	vsub.f32 v29, v31;
	v30 =	vmax.f32 v31, v20  }
0x68: {  	v26 =	vmin.f32 v26, v21;
	v29 =	vmin.f32 v29, v22;
	(erf) = vrcp.f32 v63  }
0x69: {  	s31 =	simm.s32 $0x30;
	v31 =	vsub.f32 v26, v18;
	v29 =	vsub.f32 v29, v30;
	v27 =	vld.idx.msk [tilespmem:v24+s7+$0x0], $0xffff  }
0x6a: {  	v36 =	vor.u32 s31, v5;
	v26 =	vld.idx.msk [tilespmem:v62+s7+$0x0], $0xffff  }
0x6b: {  	v24 =	vmul.f32 v25, v35;
	v25 =	vmax.f32 v31, $0.0e+00;
	v29 =	vmax.f32 v29, $0.0e+00;
	v28 =	vld.idx.msk [tilespmem:v28+s7+$0x0], $0xffff  }
0x6c: {  	v3 =	vimm.f32 $-1.000000000e+00;
	v30 =	vshll.u32 v36, $0x3;
	v25 =	vmul.f32 v29, v25;
	v29 =	vld.idx.msk [tilespmem:v34+s7+$0x0], $0xffff  }
0x6d: {  	v7 =	vimm.s32 $0x0;
	v31 =	vor.u32 $0x1, v30;
	v33 =	vadd.f32 v24, v6  }
0x6e: {  	s8 =	simm.s32 $0x40;
	[tilespmem:$0x1FFF0] =	vst v2;
	v18 =	vadd.s32 v0, v61;
	v32 =	vor.u32 $0x2, v30;
	v24 =	vadd.s32 v0, v36  }
.LBB2_3:
0x6f: {  	p0 =	sne.s32 s8, $0x4E0;
	v34 =	vor.u32 $0x3, v30;
	v2 =	vsub.f32 v33, v25;
	v35 =	vmovc v18;
	v18 =	vmov v24  }
0x70: {  	v24 =	vsub.f32 v28, v27;
	v36 =	vmax.f32 v27, v19  }
0x71: {  	v37 =	vsub.f32 v29, v26;
	v27 =	vld.idx.msk [tilespmem:v30+s7+$0x0], $0xffff;
	v30 =	vmax.f32 v26, v20;
	(erf) = vrcp.f32 v2;
	v33 =	vpop (erf)  }
0x72: {  	v29 =	vmin.f32 v29, v22;
	v26 =	vld.idx.msk [tilespmem:v31+s7+$0x0], $0xffff;
	v31 =	vmin.f32 v28, v21;
	v33 =	vmul.f32 v33, v23  }
.Ltmp1:
0x73: {  	v38 =	vor.u32 s8, v5;
	v23 =	vmovc v25;
	v28 =	vld.idx.msk [tilespmem:v32+s7+$0x0], $0xffff;
	v31 =	vsub.f32 v31, v36;
	v32 =	vsub.f32 v29, v30;
	(pc) =	sbr.rel @p0 .LBB2_3-.Ltmp1, $4  }
0x74: {  	v24 =	vmul.f32 v37, v24;
	v30 =	vshll.u32 v38, $0x3;
	v29 =	vld.idx.msk [tilespmem:v34+s7+$0x0], $0xffff;
	vm1 =	vgt.f32 v33, v3  }
0x75: {  	v25 =	vmax.f32 v31, $0.0e+00;
	v32 =	vmax.f32 v32, $0.0e+00;
	v3 =	vsel vm1, v33, v3  }
0x76: {  	v31 =	vor.u32 $0x1, v30;
	v33 =	vadd.f32 v24, v6;
	v25 =	vmul.f32 v32, v25  }
0x77: {  	s8 =	sadd.s32 $0x10, s8;
	v24 =	vadd.s32 v0, v38;
	v7 =	vsel vm1, v8, v7;
	v8 =	vmovc v4;
	v4 =	vmovc v35;
	v32 =	vor.u32 $0x2, v30  }
0x78: {  	_ =	sdelay $0x1  }
0x79: {  	v5 =	vor.u32 $0x3, v30;
	_ =	sdelay $0x1  }
0x7a: {  	v30 =	vld.idx.msk [tilespmem:v30+s7+$0x0], $0xffff  }
0x7b: {  	v32 =	vld.idx.msk [tilespmem:v32+s7+$0x0], $0xffff  }
0x7c: {  	v31 =	vld.idx.msk [tilespmem:v31+s7+$0x0], $0xffff;
	v34 =	vsub.f32 v28, v27  }
0x7d: {  	v27 =	vmax.f32 v27, v19;
	v28 =	vmin.f32 v28, v21;
	v35 =	vsub.f32 v29, v26;
	v5 =	vld.idx.msk [tilespmem:v5+s7+$0x0], $0xffff  }
0x7e: {  	v27 =	vsub.f32 v28, v27;
	v26 =	vmax.f32 v26, v20;
	v29 =	vmin.f32 v29, v22  }
0x7f: {  	v28 =	vsub.f32 v33, v25;
	v26 =	vsub.f32 v29, v26;
	v29 =	vmul.f32 v35, v34  }
0x80: {  	v27 =	vmax.f32 v27, $0.0e+00;
	v19 =	vmax.f32 v30, v19;
	v21 =	vmin.f32 v32, v21  }
0x81: {  	v56 =	vsub.f32 v32, v30;
	v20 =	vmax.f32 v31, v20;
	v19 =	vsub.f32 v21, v19  }
0x82: {  	v30 =	vsub.f32 v5, v31;
	v5 =	vmin.f32 v5, v22;
	v22 =	vmax.f32 v26, $0.0e+00  }
0x83: {  	v21 =	vadd.f32 v29, v6;
	v5 =	vsub.f32 v5, v20;
	v20 =	vmul.f32 v22, v27  }
0x84: {  	(erf) = vrcp.f32 v28;
	v22 =	vmul.f32 v30, v56  }
0x85: {  	v19 =	vmax.f32 v19, $0.0e+00;
	v5 =	vmax.f32 v5, $0.0e+00;
	v21 =	vsub.f32 v21, v20  }
0x86: {  	v5 =	vmul.f32 v5, v19;
	v6 =	vadd.f32 v22, v6  }
0x87: {  	(erf) = vrcp.f32 v21  }
0x88: {  	v6 =	vsub.f32 v6, v5;
	_ =	sdelay $0x1  }
0x89: {  	s7 =	simm.s32 $0x0;
	(erf) = vrcp.f32 v6;
	v6 =	vlaneseq.u32  }
0x8a: {  	vm3 =	vcmask $0x70C;
	v19 =	vpop (erf);
	v26 =	vor.u32 s7, v6  }
0x8b: {  	v19 =	vmul.f32 v19, v23;
	v21 =	vsel vm3, $0xFF800000, v17;
	v22 =	vshll.u32 v26, $0x3  }
0x8c: {  	v27 =	vpop (erf);
	(xrf0) =	vmax.scan.msk.f32 $0xffff, v21;
	v21 =	vsel vm3, $0xFF800000, v16;
	v23 =	vor.u32 $0x1, v22  }
0x8d: {  	v25 =	vmul.f32 v27, v25;
	(xrf0) =	vmax.scan.msk.f32 $0xffff, v21;
	v21 =	vsel vm3, $0xFF800000, v14;
	v28 =	vor.u32 $0x2, v22  }
0x8e: {  	vm1 =	vgt.f32 v19, v3;
	(xrf0) =	vmax.scan.msk.f32 $0xffff, v21;
	v21 =	vsel vm3, $0xFF800000, v13;
	v27 =	vor.u32 $0x3, v22  }
0x8f: {  	v3 =	vsel vm1, v19, v3;
	(xrf0) =	vmax.scan.msk.f32 $0xffff, v21;
	v21 =	vsel vm3, $0xFF800000, v15;
	v19 =	vpop (erf)  }
0x90: {  	vm4 =	vgt.f32 v25, v3;
	v19 =	vmul.f32 v19, v20;
	v20 =	vld.idx.msk [tilespmem:v22+s7+$0x0], $0xffff  }
0x91: {  	s8 =	simm.s32 $0x10;
	s30 =	simm.s32 $0x20;
	v3 =	vsel vm4, v25, v3;
	v25 =	vld.idx.msk [tilespmem:v23+s7+$0x0], $0xffff  }
0x92: {  	v7 =	vsel vm1, v8, v7;
	v29 =	vor.u32 s8, v6;
	v59 =	vor.u32 s30, v6;
	(xrf0) =	vmax.scan.msk.f32 $0xffff, v21;
	v21, _, _ =	vpop (xrf0);
	v28 =	vld.idx.msk [tilespmem:v28+s7+$0x0], $0xffff  }
0x93: {  	v30 =	vshll.u32 v29, $0x3;
	v4 =	vsel vm4, v4, v7;
	v7 =	vld.idx.msk [tilespmem:v27+s7+$0x0], $0xffff;
	v8 =	vpop (erf);
	vm1 =	vgt.f32 v19, v3  }
0x94: {  	v5 =	vmul.f32 v8, v5;
	v8, _, _ =	vpop (xrf0);
	v3 =	vsel vm1, v19, v3;
	v19 =	vor.u32 $0x1, v30  }
0x95: {  	v31 =	vor.u32 $0x3, v30;
	v21 =	vbroadcast v21, $0xF;
	v4 =	vsel vm1, v18, v4;
	v23, _, _ =	vpop (xrf0)  }
0x96: {  	v18 =	vor.u32 $0x2, v30;
	v22 =	vbroadcast v8, $0xF;
	vm1 =	vgt.f32 v5, v3;
	v27, _, _ =	vpop (xrf0)  }
0x97: {  	v23 =	vbroadcast v23, $0xF;
	v2 =	vsel vm1, v24, v4;
	v24 =	vbroadcast v27, $0xF  }
0x98: {  	v27 =	vld.idx.msk [tilespmem:v30+s7+$0x0], $0xffff;
	v30 =	vsub.f32 v28, v20;
	v20 =	vmax.f32 v20, v21;
	v57 =	vsub.f32 v7, v25  }
0x99: {  	v58 =	vld.idx.msk [tilespmem:v19+s7+$0x0], $0xffff;
	v19 =	vmax.f32 v25, v22;
	v25 =	vmin.f32 v28, v23;
	v7 =	vmin.f32 v7, v24  }
0x9a: {  	v31 =	vld.idx.msk [tilespmem:v31+s7+$0x0], $0xffff;
	v3 =	vsel vm1, v5, v3;
	v5, _, _ =	vpop (xrf0);
	v20 =	vsub.f32 v25, v20;
	v7 =	vsub.f32 v7, v19  }
0x9b: {  	v8 =	vbroadcast v5, $0xF;
	v28 =	vld.idx.msk [tilespmem:v18+s7+$0x0], $0xffff;
	v30 =	vmul.f32 v57, v30;
	v19 =	vadd.s32 v0, v26  }
0x9c: {  	v26 =	vshll.u32 v59, $0x3;
	v20 =	vmax.f32 v20, $0.0e+00;
	v25 =	vmax.f32 v7, $0.0e+00  }
0x9d: {  	v7 =	vadd.s32 v0, v29;
	v29 =	vadd.f32 v30, v8;
	v25 =	vmul.f32 v25, v20  }
0x9e: {  	v60 =	vor.u32 $0x1, v26;
	v36 =	vor.u32 $0x3, v26  }
0x9f: {  	v30 =	vor.u32 $0x2, v26;
	v20 =	vmax.f32 v27, v21;
	v63 =	vsub.f32 v29, v25  }
0xa0: {  	v37 =	vsub.f32 v28, v27;
	v27 =	vsub.f32 v31, v58;
	v61 =	vmax.f32 v58, v22  }
0xa1: {  	s31 =	simm.s32 $0x30;
	v28 =	vmin.f32 v28, v23;
	v31 =	vmin.f32 v31, v24;
	(erf) = vrcp.f32 v63  }
0xa2: {  	v38 =	vor.u32 s31, v6;
	v62 =	vsub.f32 v28, v20;
	v31 =	vsub.f32 v31, v61;
	v29 =	vld.idx.msk [tilespmem:v26+s7+$0x0], $0xffff  }
0xa3: {  	v32 =	vshll.u32 v38, $0x3;
	v28 =	vld.idx.msk [tilespmem:v60+s7+$0x0], $0xffff  }
0xa4: {  	v26 =	vmul.f32 v27, v37;
	v27 =	vmax.f32 v62, $0.0e+00;
	v31 =	vmax.f32 v31, $0.0e+00;
	v30 =	vld.idx.msk [tilespmem:v30+s7+$0x0], $0xffff  }
0xa5: {  	v33 =	vor.u32 $0x1, v32;
	v27 =	vmul.f32 v31, v27;
	v31 =	vld.idx.msk [tilespmem:v36+s7+$0x0], $0xffff  }
0xa6: {  	v34 =	vor.u32 $0x2, v32;
	v5 =	vimm.f32 $-1.000000000e+00;
	v35 =	vadd.f32 v26, v8  }
0xa7: {  	s8 =	simm.s32 $0x40;
	[tilespmem:$0x1FFE0] =	vst v2;
	v18 =	vimm.s32 $0x0;
	v20 =	vadd.s32 v0, v59;
	v26 =	vadd.s32 v0, v38  }
.LBB2_5:
0xa8: {  	p0 =	sne.s32 s8, $0x4E0;
	v36 =	vor.u32 $0x3, v32;
	v2 =	vsub.f32 v35, v27;
	v37 =	vmovc v20;
	v20 =	vmov v26  }
0xa9: {  	v26 =	vsub.f32 v30, v29;
	v38 =	vmax.f32 v29, v21  }
0xaa: {  	v39 =	vsub.f32 v31, v28;
	v29 =	vld.idx.msk [tilespmem:v32+s7+$0x0], $0xffff;
	v32 =	vmax.f32 v28, v22;
	(erf) = vrcp.f32 v2;
	v35 =	vpop (erf)  }
0xab: {  	v31 =	vmin.f32 v31, v24;
	v28 =	vld.idx.msk [tilespmem:v33+s7+$0x0], $0xffff;
	v33 =	vmin.f32 v30, v23;
	v35 =	vmul.f32 v35, v25  }
.Ltmp2:
0xac: {  	v40 =	vor.u32 s8, v6;
	v25 =	vmovc v27;
	v30 =	vld.idx.msk [tilespmem:v34+s7+$0x0], $0xffff;
	v33 =	vsub.f32 v33, v38;
	v34 =	vsub.f32 v31, v32;
	(pc) =	sbr.rel @p0 .LBB2_5-.Ltmp2, $4  }
0xad: {  	v26 =	vmul.f32 v39, v26;
	v32 =	vshll.u32 v40, $0x3;
	v31 =	vld.idx.msk [tilespmem:v36+s7+$0x0], $0xffff;
	vm1 =	vgt.f32 v35, v5  }
0xae: {  	v27 =	vmax.f32 v33, $0.0e+00;
	v34 =	vmax.f32 v34, $0.0e+00;
	v5 =	vsel vm1, v35, v5  }
0xaf: {  	v33 =	vor.u32 $0x1, v32;
	v35 =	vadd.f32 v26, v8;
	v27 =	vmul.f32 v34, v27  }
0xb0: {  	s8 =	sadd.s32 $0x10, s8;
	v26 =	vadd.s32 v0, v40;
	v18 =	vsel vm1, v19, v18;
	v19 =	vmovc v7;
	v7 =	vmovc v37;
	v34 =	vor.u32 $0x2, v32  }
0xb1: {  	_ =	sdelay $0x1  }
0xb2: {  	v6 =	vor.u32 $0x3, v32;
	_ =	sdelay $0x1  }
0xb3: {  	v52 =	vld.idx.msk [tilespmem:v32+s7+$0x0], $0xffff  }
0xb4: {  	v34 =	vld.idx.msk [tilespmem:v34+s7+$0x0], $0xffff  }
0xb5: {  	v33 =	vld.idx.msk [tilespmem:v33+s7+$0x0], $0xffff;
	v36 =	vsub.f32 v30, v29  }
0xb6: {  	v29 =	vmax.f32 v29, v21;
	v30 =	vmin.f32 v30, v23;
	v37 =	vsub.f32 v31, v28;
	v6 =	vld.idx.msk [tilespmem:v6+s7+$0x0], $0xffff  }
0xb7: {  	v29 =	vsub.f32 v30, v29;
	v28 =	vmax.f32 v28, v22;
	v31 =	vmin.f32 v31, v24  }
0xb8: {  	v30 =	vsub.f32 v35, v27;
	v28 =	vsub.f32 v31, v28;
	v31 =	vmul.f32 v37, v36  }
0xb9: {  	v29 =	vmax.f32 v29, $0.0e+00;
	v21 =	vmax.f32 v52, v21;
	v23 =	vmin.f32 v34, v23  }
0xba: {  	v53 =	vsub.f32 v34, v52;
	v22 =	vmax.f32 v33, v22;
	v21 =	vsub.f32 v23, v21  }
0xbb: {  	v54 =	vsub.f32 v6, v33;
	v6 =	vmin.f32 v6, v24;
	v24 =	vmax.f32 v28, $0.0e+00  }
0xbc: {  	v23 =	vadd.f32 v31, v8;
	v6 =	vsub.f32 v6, v22;
	v22 =	vmul.f32 v24, v29  }
0xbd: {  	(erf) = vrcp.f32 v30;
	v24 =	vmul.f32 v54, v53  }
0xbe: {  	v21 =	vmax.f32 v21, $0.0e+00;
	v6 =	vmax.f32 v6, $0.0e+00;
	v23 =	vsub.f32 v23, v22  }
0xbf: {  	v6 =	vmul.f32 v6, v21;
	v8 =	vadd.f32 v24, v8  }
0xc0: {  	(erf) = vrcp.f32 v23  }
0xc1: {  	v8 =	vsub.f32 v8, v6;
	_ =	sdelay $0x1  }
0xc2: {  	s7 =	simm.s32 $0x0;
	(erf) = vrcp.f32 v8;
	v8 =	vlaneseq.u32  }
0xc3: {  	vm1 =	vcmask $0xB10;
	v21 =	vpop (erf);
	v28 =	vor.u32 s7, v8  }
0xc4: {  	v21 =	vmul.f32 v21, v25;
	v23 =	vsel vm1, $0xFF800000, v17;
	v24 =	vshll.u32 v28, $0x3  }
0xc5: {  	v29 =	vpop (erf);
	(xrf0) =	vmax.scan.msk.f32 $0xffff, v23;
	v23 =	vsel vm1, $0xFF800000, v16;
	v25 =	vor.u32 $0x1, v24  }
0xc6: {  	v27 =	vmul.f32 v29, v27;
	(xrf0) =	vmax.scan.msk.f32 $0xffff, v23;
	v23 =	vsel vm1, $0xFF800000, v14;
	v30 =	vor.u32 $0x2, v24  }
0xc7: {  	vm4 =	vgt.f32 v21, v5;
	(xrf0) =	vmax.scan.msk.f32 $0xffff, v23;
	v23 =	vsel vm1, $0xFF800000, v13;
	v29 =	vor.u32 $0x3, v24  }
0xc8: {  	v5 =	vsel vm4, v21, v5;
	(xrf0) =	vmax.scan.msk.f32 $0xffff, v23;
	v23 =	vsel vm1, $0xFF800000, v15;
	v21 =	vpop (erf)  }
0xc9: {  	vm5 =	vgt.f32 v27, v5;
	v21 =	vmul.f32 v21, v22;
	v22 =	vld.idx.msk [tilespmem:v24+s7+$0x0], $0xffff  }
0xca: {  	s8 =	simm.s32 $0x10;
	v5 =	vsel vm5, v27, v5;
	v27 =	vld.idx.msk [tilespmem:v25+s7+$0x0], $0xffff  }
0xcb: {  	v18 =	vsel vm4, v19, v18;
	v31 =	vor.u32 s8, v8;
	(xrf0) =	vmax.scan.msk.f32 $0xffff, v23;
	v23, _, _ =	vpop (xrf0);
	v30 =	vld.idx.msk [tilespmem:v30+s7+$0x0], $0xffff  }
0xcc: {  	v55 =	vshll.u32 v31, $0x3;
	v7 =	vsel vm5, v7, v18;
	v18 =	vld.idx.msk [tilespmem:v29+s7+$0x0], $0xffff;
	v19 =	vpop (erf);
	vm4 =	vgt.f32 v21, v5  }
0xcd: {  	v24, _, _ =	vpop (xrf0);
	v6 =	vmul.f32 v19, v6;
	v5 =	vsel vm4, v21, v5;
	v21 =	vor.u32 $0x1, v55  }
0xce: {  	v56 =	vor.u32 $0x3, v55;
	v25, _, _ =	vpop (xrf0);
	v7 =	vsel vm4, v20, v7;
	v20 =	vor.u32 $0x2, v55  }
0xcf: {  	v29, _, _ =	vpop (xrf0);
	v19 =	vbroadcast v23, $0xF;
	v23 =	vbroadcast v24, $0xF;
	vm4 =	vgt.f32 v6, v5  }
0xd0: {  	v24 =	vbroadcast v25, $0xF;
	v25 =	vbroadcast v29, $0xF;
	v2 =	vsel vm4, v26, v7  }
0xd1: {  	v26 =	vsub.f32 v30, v22;
	v22 =	vmax.f32 v22, v19;
	v57 =	vsub.f32 v18, v27  }
0xd2: {  	v18 =	vmin.f32 v18, v25;
	v58 =	vld.idx.msk [tilespmem:v21+s7+$0x0], $0xffff;
	v21 =	vmax.f32 v27, v23;
	v27 =	vmin.f32 v30, v24  }
0xd3: {  	s30 =	simm.s32 $0x20;
	v29 =	vld.idx.msk [tilespmem:v55+s7+$0x0], $0xffff;
	v5 =	vsel vm4, v6, v5;
	v6, _, _ =	vpop (xrf0);
	v22 =	vsub.f32 v27, v22;
	v18 =	vsub.f32 v18, v21  }
0xd4: {  	v59 =	vor.u32 s30, v8;
	v6 =	vbroadcast v6, $0xF;
	v30 =	vld.idx.msk [tilespmem:v20+s7+$0x0], $0xffff;
	v32 =	vmul.f32 v57, v26  }
0xd5: {  	v21 =	vadd.s32 v0, v28;
	v22 =	vmax.f32 v22, $0.0e+00;
	v26 =	vmax.f32 v18, $0.0e+00  }
0xd6: {  	v27 =	vld.idx.msk [tilespmem:v56+s7+$0x0], $0xffff;
	v28 =	vshll.u32 v59, $0x3;
	v32 =	vadd.f32 v32, v6;
	v26 =	vmul.f32 v26, v22  }
0xd7: {  	s31 =	simm.s32 $0x30;
	v18 =	vadd.s32 v0, v31;
	v31 =	vor.u32 $0x1, v28  }
0xd8: {  	v40 =	vor.u32 s31, v8;
	v60 =	vor.u32 $0x2, v28;
	v32 =	vsub.f32 v32, v26  }
0xd9: {  	v61 =	vor.u32 $0x3, v28;
	v22 =	vmax.f32 v29, v19;
	v38 =	vsub.f32 v30, v29  }
0xda: {  	v29 =	vmax.f32 v58, v23;
	v30 =	vmin.f32 v30, v24;
	(erf) = vrcp.f32 v32  }
0xdb: {  	v39 =	vsub.f32 v27, v58;
	v27 =	vmin.f32 v27, v25;
	v62 =	vsub.f32 v30, v22;
	v30 =	vld.idx.msk [tilespmem:v28+s7+$0x0], $0xffff  }
0xdc: {  	v33 =	vshll.u32 v40, $0x3;
	v27 =	vsub.f32 v27, v29;
	v29 =	vld.idx.msk [tilespmem:v31+s7+$0x0], $0xffff  }
0xdd: {  	v34 =	vor.u32 $0x1, v33;
	v63 =	vmul.f32 v39, v38;
	v31 =	vld.idx.msk [tilespmem:v60+s7+$0x0], $0xffff  }
0xde: {  	v35 =	vor.u32 $0x2, v33;
	v28 =	vmax.f32 v62, $0.0e+00;
	v32 =	vld.idx.msk [tilespmem:v61+s7+$0x0], $0xffff;
	v27 =	vmax.f32 v27, $0.0e+00  }
0xdf: {  	v7 =	vimm.f32 $-1.000000000e+00;
	v28 =	vmul.f32 v27, v28;
	v36 =	vadd.f32 v63, v6  }
0xe0: {  	s8 =	simm.s32 $0x40;
	[tilespmem:$0x1FFD0] =	vst v2;
	v20 =	vimm.s32 $0x0;
	v22 =	vadd.s32 v0, v59;
	v27 =	vadd.s32 v0, v40  }
.LBB2_7:
0xe1: {  	p0 =	sne.s32 s8, $0x4E0;
	v37 =	vor.u32 $0x3, v33;
	v2 =	vsub.f32 v36, v28;
	v38 =	vmovc v22;
	v22 =	vmov v27  }
0xe2: {  	v27 =	vsub.f32 v31, v30;
	v39 =	vmax.f32 v30, v19  }
0xe3: {  	v40 =	vsub.f32 v32, v29;
	v30 =	vld.idx.msk [tilespmem:v33+s7+$0x0], $0xffff;
	v33 =	vmax.f32 v29, v23;
	(erf) = vrcp.f32 v2;
	v36 =	vpop (erf)  }
0xe4: {  	v32 =	vmin.f32 v32, v25;
	v29 =	vld.idx.msk [tilespmem:v34+s7+$0x0], $0xffff;
	v34 =	vmin.f32 v31, v24;
	v36 =	vmul.f32 v36, v26  }
.Ltmp3:
0xe5: {  	v41 =	vor.u32 s8, v8;
	v26 =	vmovc v28;
	v31 =	vld.idx.msk [tilespmem:v35+s7+$0x0], $0xffff;
	v34 =	vsub.f32 v34, v39;
	v35 =	vsub.f32 v32, v33;
	(pc) =	sbr.rel @p0 .LBB2_7-.Ltmp3, $4  }
0xe6: {  	v27 =	vmul.f32 v40, v27;
	v33 =	vshll.u32 v41, $0x3;
	v32 =	vld.idx.msk [tilespmem:v37+s7+$0x0], $0xffff;
	vm4 =	vgt.f32 v36, v7  }
0xe7: {  	v28 =	vmax.f32 v34, $0.0e+00;
	v35 =	vmax.f32 v35, $0.0e+00;
	v7 =	vsel vm4, v36, v7  }
0xe8: {  	v34 =	vor.u32 $0x1, v33;
	v36 =	vadd.f32 v27, v6;
	v28 =	vmul.f32 v35, v28  }
0xe9: {  	s8 =	sadd.s32 $0x10, s8;
	v27 =	vadd.s32 v0, v41;
	v20 =	vsel vm4, v21, v20;
	v21 =	vmovc v18;
	v18 =	vmovc v38;
	v35 =	vor.u32 $0x2, v33  }
0xea: {  	_ =	sdelay $0x1  }
0xeb: {  	v8 =	vor.u32 $0x3, v33;
	_ =	sdelay $0x1  }
0xec: {  	v47 =	vld.idx.msk [tilespmem:v33+s7+$0x0], $0xffff  }
0xed: {  	v34 =	vld.idx.msk [tilespmem:v34+s7+$0x0], $0xffff  }
0xee: {  	v35 =	vld.idx.msk [tilespmem:v35+s7+$0x0], $0xffff  }
0xef: {  	v37 =	vsub.f32 v31, v30;
	v30 =	vmax.f32 v30, v19;
	v31 =	vmin.f32 v31, v24;
	v8 =	vld.idx.msk [tilespmem:v8+s7+$0x0], $0xffff  }
0xf0: {  	v38 =	vsub.f32 v32, v29;
	v30 =	vsub.f32 v31, v30  }
0xf1: {  	v31 =	vsub.f32 v36, v28;
	v29 =	vmax.f32 v29, v23;
	v48 =	vmin.f32 v32, v25  }
0xf2: {  	v29 =	vsub.f32 v48, v29;
	v49 =	vmul.f32 v38, v37;
	v30 =	vmax.f32 v30, $0.0e+00  }
0xf3: {  	v50 =	vsub.f32 v35, v47;
	v19 =	vmax.f32 v47, v19;
	v23 =	vmax.f32 v34, v23  }
0xf4: {  	v24 =	vmin.f32 v35, v24;
	v51 =	vsub.f32 v8, v34;
	v8 =	vmin.f32 v8, v25  }
0xf5: {  	v19 =	vsub.f32 v24, v19;
	v25 =	vmax.f32 v29, $0.0e+00;
	v8 =	vsub.f32 v8, v23  }
0xf6: {  	v24 =	vadd.f32 v49, v6;
	v23 =	vmul.f32 v25, v30;
	v25 =	vmul.f32 v51, v50  }
0xf7: {  	(erf) = vrcp.f32 v31;
	v19 =	vmax.f32 v19, $0.0e+00;
	v8 =	vmax.f32 v8, $0.0e+00  }
0xf8: {  	v24 =	vsub.f32 v24, v23;
	v8 =	vmul.f32 v8, v19;
	v6 =	vadd.f32 v25, v6;
	_ =	sdelay $0x1  }
0xf9: {  	(erf) = vrcp.f32 v24;
	v6 =	vsub.f32 v6, v8;
	_ =	sdelay $0x2  }
0xfa: {  	s7 =	simm.s32 $0x0;
	v19 =	vlaneseq.u32;
	(erf) = vrcp.f32 v6  }
0xfb: {  	vm4 =	vcmask $0xF14;
	v24 =	vor.u32 s7, v19;
	v6 =	vpop (erf)  }
0xfc: {  	v25 =	vsel vm4, $0xFF800000, v17;
	v6 =	vmul.f32 v6, v26;
	v26 =	vshll.u32 v24, $0x3  }
0xfd: {  	(xrf0) =	vmax.scan.msk.f32 $0xffff, v25;
	v25 =	vsel vm4, $0xFF800000, v16;
	v29 =	vor.u32 $0x1, v26  }
0xfe: {  	(xrf0) =	vmax.scan.msk.f32 $0xffff, v25;
	v25 =	vsel vm4, $0xFF800000, v14;
	v30 =	vpop (erf);
	v31 =	vor.u32 $0x2, v26  }
0xff: {  	v28 =	vmul.f32 v30, v28;
	v30 =	vor.u32 $0x3, v26;
	vm5 =	vgt.f32 v6, v7  }
0x100: {  	(xrf0) =	vmax.scan.msk.f32 $0xffff, v25;
	v25 =	vsel vm4, $0xFF800000, v13;
	v6 =	vsel vm5, v6, v7;
	v7 =	vpop (erf)  }
0x101: {  	(xrf0) =	vmax.scan.msk.f32 $0xffff, v25;
	v25 =	vsel vm4, $0xFF800000, v15;
	vm4 =	vgt.f32 v28, v6;
	v7 =	vmul.f32 v7, v23;
	v23 =	vld.idx.msk [tilespmem:v26+s7+$0x0], $0xffff  }
0x102: {  	s8 =	simm.s32 $0x10;
	v20 =	vsel vm5, v21, v20;
	v6 =	vsel vm4, v28, v6;
	v28 =	vld.idx.msk [tilespmem:v29+s7+$0x0], $0xffff  }
0x103: {  	v18 =	vsel vm4, v18, v20;
	v21 =	vpop (erf);
	v29 =	vor.u32 s8, v19;
	v31 =	vld.idx.msk [tilespmem:v31+s7+$0x0], $0xffff  }
0x104: {  	(xrf0) =	vmax.scan.msk.f32 $0xffff, v25;
	v25, _, _ =	vpop (xrf0);
	vm5 =	vgt.f32 v7, v6;
	v20 =	vld.idx.msk [tilespmem:v30+s7+$0x0], $0xffff;
	v8 =	vmul.f32 v21, v8;
	v52 =	vshll.u32 v29, $0x3  }
0x105: {  	v21, _, _ =	vpop (xrf0);
	v6 =	vsel vm5, v7, v6;
	v18 =	vsel vm5, v22, v18;
	v30 =	vor.u32 $0x1, v52  }
0x106: {  	v26, _, _ =	vpop (xrf0);
	v22 =	vor.u32 $0x2, v52;
	v54 =	vor.u32 $0x3, v52;
	vm4 =	vgt.f32 v8, v6  }
0x107: {  	v21 =	vbroadcast v21, $0xF;
	v53, _, _ =	vpop (xrf0);
	v7 =	vsel vm4, v8, v6;
	v8 =	vbroadcast v25, $0xF  }
0x108: {  	v2 =	vsel vm4, v27, v18;
	v25 =	vbroadcast v26, $0xF;
	v26 =	vbroadcast v53, $0xF  }
0x109: {  	v27 =	vsub.f32 v31, v23;
	v55 =	vsub.f32 v20, v28;
	v28 =	vmax.f32 v28, v21  }
0x10a: {  	s30 =	simm.s32 $0x20;
	v32 =	vld.idx.msk [tilespmem:v52+s7+$0x0], $0xffff;
	v23 =	vmax.f32 v23, v8;
	v31 =	vmin.f32 v31, v25;
	v20 =	vmin.f32 v20, v26  }
0x10b: {  	v57 =	vor.u32 s30, v19;
	v6, _, _ =	vpop (xrf0);
	v30 =	vld.idx.msk [tilespmem:v30+s7+$0x0], $0xffff;
	v31 =	vsub.f32 v31, v23;
	v20 =	vsub.f32 v20, v28  }
0x10c: {  	v6 =	vbroadcast v6, $0xF;
	v56 =	vld.idx.msk [tilespmem:v22+s7+$0x0], $0xffff;
	v23 =	vadd.s32 v0, v24;
	v24 =	vmul.f32 v55, v27  }
0x10d: {  	v58 =	vshll.u32 v57, $0x3;
	v28 =	vld.idx.msk [tilespmem:v54+s7+$0x0], $0xffff;
	v27 =	vmax.f32 v31, $0.0e+00;
	v31 =	vmax.f32 v20, $0.0e+00  }
0x10e: {  	v60 =	vor.u32 $0x3, v58;
	v27 =	vmul.f32 v31, v27;
	v31 =	vadd.f32 v24, v6  }
0x10f: {  	s31 =	simm.s32 $0x30  }
0x110: {  	v39 =	vor.u32 s31, v19;
	v59 =	vor.u32 $0x2, v58;
	v63 =	vsub.f32 v31, v27  }
0x111: {  	v20 =	vadd.s32 v0, v29;
	v29 =	vor.u32 $0x1, v58;
	v24 =	vmax.f32 v32, v8  }
0x112: {  	v61 =	vsub.f32 v56, v32;
	v62 =	vsub.f32 v28, v30;
	(erf) = vrcp.f32 v63  }
0x113: {  	v33 =	vld.idx.msk [tilespmem:v60+s7+$0x0], $0xffff;
	v30 =	vmax.f32 v30, v21;
	v35 =	vmin.f32 v56, v25;
	v28 =	vmin.f32 v28, v26  }
0x114: {  	v34 =	vshll.u32 v39, $0x3;
	v31 =	vld.idx.msk [tilespmem:v58+s7+$0x0], $0xffff;
	v35 =	vsub.f32 v35, v24;
	v28 =	vsub.f32 v28, v30  }
0x115: {  	v36 =	vor.u32 $0x2, v34;
	v32 =	vld.idx.msk [tilespmem:v59+s7+$0x0], $0xffff;
	v38 =	vmul.f32 v62, v61  }
0x116: {  	v18 =	vimm.f32 $-1.000000000e+00;
	v30 =	vld.idx.msk [tilespmem:v29+s7+$0x0], $0xffff;
	v29 =	vmax.f32 v35, $0.0e+00;
	v28 =	vmax.f32 v28, $0.0e+00  }
0x117: {  	v35 =	vor.u32 $0x1, v34;
	v29 =	vmul.f32 v28, v29;
	v37 =	vadd.f32 v38, v6  }
0x118: {  	s8 =	simm.s32 $0x40;
	[tilespmem:$0x1FFC0] =	vst v2;
	v22 =	vimm.s32 $0x0;
	v24 =	vadd.s32 v0, v57;
	v28 =	vadd.s32 v0, v39  }
.LBB2_9:
0x119: {  	p0 =	sne.s32 s8, $0x4E0;
	v38 =	vor.u32 $0x3, v34;
	v2 =	vsub.f32 v37, v29;
	v39 =	vmovc v24;
	v24 =	vmov v28  }
0x11a: {  	v28 =	vsub.f32 v32, v31;
	v40 =	vmax.f32 v31, v8  }
0x11b: {  	v41 =	vsub.f32 v33, v30;
	v31 =	vld.idx.msk [tilespmem:v34+s7+$0x0], $0xffff;
	v34 =	vmax.f32 v30, v21;
	(erf) = vrcp.f32 v2;
	v37 =	vpop (erf)  }
0x11c: {  	v33 =	vmin.f32 v33, v26;
	v30 =	vld.idx.msk [tilespmem:v35+s7+$0x0], $0xffff;
	v35 =	vmin.f32 v32, v25;
	v37 =	vmul.f32 v37, v27  }
.Ltmp4:
0x11d: {  	v42 =	vor.u32 s8, v19;
	v27 =	vmovc v29;
	v32 =	vld.idx.msk [tilespmem:v36+s7+$0x0], $0xffff;
	v35 =	vsub.f32 v35, v40;
	v36 =	vsub.f32 v33, v34;
	(pc) =	sbr.rel @p0 .LBB2_9-.Ltmp4, $4  }
0x11e: {  	v28 =	vmul.f32 v41, v28;
	v34 =	vshll.u32 v42, $0x3;
	v33 =	vld.idx.msk [tilespmem:v38+s7+$0x0], $0xffff;
	vm4 =	vgt.f32 v37, v18  }
0x11f: {  	v29 =	vmax.f32 v35, $0.0e+00;
	v36 =	vmax.f32 v36, $0.0e+00;
	v18 =	vsel vm4, v37, v18  }
0x120: {  	v35 =	vor.u32 $0x1, v34;
	v37 =	vadd.f32 v28, v6;
	v29 =	vmul.f32 v36, v29  }
0x121: {  	s8 =	sadd.s32 $0x10, s8;
	v28 =	vadd.s32 v0, v42;
	v22 =	vsel vm4, v23, v22;
	v23 =	vmovc v20;
	v20 =	vmovc v39;
	v36 =	vor.u32 $0x2, v34  }
0x122: {  	_ =	sdelay $0x1  }
0x123: {  	v19 =	vor.u32 $0x3, v34;
	_ =	sdelay $0x1  }
0x124: {  	v62 =	vld.idx.msk [tilespmem:v34+s7+$0x0], $0xffff  }
0x125: {  	v35 =	vld.idx.msk [tilespmem:v35+s7+$0x0], $0xffff  }
0x126: {  	v36 =	vld.idx.msk [tilespmem:v36+s7+$0x0], $0xffff  }
0x127: {  	v38 =	vsub.f32 v32, v31;
	v31 =	vmax.f32 v31, v8;
	v63 =	vmin.f32 v32, v25;
	v19 =	vld.idx.msk [tilespmem:v19+s7+$0x0], $0xffff  }
0x128: {  	v39 =	vsub.f32 v33, v30;
	v31 =	vsub.f32 v63, v31  }
0x129: {  	v42 =	vsub.f32 v37, v29;
	v30 =	vmax.f32 v30, v21;
	v43 =	vmin.f32 v33, v26  }
0x12a: {  	v30 =	vsub.f32 v43, v30;
	v44 =	vmul.f32 v39, v38;
	v31 =	vmax.f32 v31, $0.0e+00  }
0x12b: {  	v45 =	vsub.f32 v36, v62;
	v8 =	vmax.f32 v62, v8;
	v21 =	vmax.f32 v35, v21  }
0x12c: {  	v25 =	vmin.f32 v36, v25;
	v46 =	vsub.f32 v19, v35;
	v19 =	vmin.f32 v19, v26  }
0x12d: {  	v8 =	vsub.f32 v25, v8;
	v26 =	vmax.f32 v30, $0.0e+00;
	v19 =	vsub.f32 v19, v21  }
0x12e: {  	v25 =	vmul.f32 v26, v31;
	v21 =	vadd.f32 v44, v6;
	v26 =	vmul.f32 v46, v45  }
0x12f: {  	(erf) = vrcp.f32 v42;
	v8 =	vmax.f32 v8, $0.0e+00;
	v19 =	vmax.f32 v19, $0.0e+00  }
0x130: {  	v21 =	vsub.f32 v21, v25;
	v8 =	vmul.f32 v19, v8;
	v6 =	vadd.f32 v26, v6;
	_ =	sdelay $0x1  }
0x131: {  	(erf) = vrcp.f32 v21;
	v6 =	vsub.f32 v6, v8;
	_ =	sdelay $0x1  }
0x132: {  	(erf) = vrcp.f32 v6  }
0x133: {  	s7 =	simm.s32 $0x0;
	v21 =	vlaneseq.u32  }
0x134: {  	v26 =	vor.u32 s7, v21;
	v6 =	vpop (erf)  }
0x135: {  	vm4 =	vcmask $0x1318;
	v6 =	vmul.f32 v6, v27;
	v27 =	vshll.u32 v26, $0x3  }
0x136: {  	v19 =	vsel vm4, $0xFF800000, v17;
	v31 =	vpop (erf);
	v30 =	vor.u32 $0x1, v27  }
0x137: {  	(xrf0) =	vmax.scan.msk.f32 $0xffff, v19;
	v19 =	vsel vm4, $0xFF800000, v16;
	v29 =	vmul.f32 v31, v29;
	v31 =	vor.u32 $0x3, v27  }
0x138: {  	(xrf0) =	vmax.scan.msk.f32 $0xffff, v19;
	v19 =	vsel vm4, $0xFF800000, v14;
	v47 =	vor.u32 $0x2, v27;
	vm5 =	vgt.f32 v6, v18  }
0x139: {  	(xrf0) =	vmax.scan.msk.f32 $0xffff, v19;
	v19 =	vsel vm4, $0xFF800000, v13;
	v6 =	vsel vm5, v6, v18;
	v18 =	vpop (erf)  }
0x13a: {  	(xrf0) =	vmax.scan.msk.f32 $0xffff, v19;
	v19 =	vsel vm4, $0xFF800000, v15;
	vm4 =	vgt.f32 v29, v6;
	v18 =	vmul.f32 v18, v25;
	v25 =	vld.idx.msk [tilespmem:v27+s7+$0x0], $0xffff  }
0x13b: {  	(xrf0) =	vmax.scan.msk.f32 $0xffff, v19;
	v19 =	vsel vm5, v23, v22;
	v6 =	vsel vm4, v29, v6;
	v22 =	vpop (erf);
	v29 =	vld.idx.msk [tilespmem:v30+s7+$0x0], $0xffff  }
0x13c: {  	s8 =	simm.s32 $0x10;
	vm5 =	vgt.f32 v18, v6;
	v31 =	vld.idx.msk [tilespmem:v31+s7+$0x0], $0xffff;
	v8 =	vmul.f32 v22, v8  }
0x13d: {  	v23, _, _ =	vpop (xrf0);
	v19 =	vsel vm4, v20, v19;
	v30 =	vor.u32 s8, v21;
	v22 =	vld.idx.msk [tilespmem:v47+s7+$0x0], $0xffff;
	v6 =	vsel vm5, v18, v6  }
0x13e: {  	v27, _, _ =	vpop (xrf0);
	v48 =	vshll.u32 v30, $0x3;
	v19 =	vsel vm5, v24, v19;
	vm4 =	vgt.f32 v8, v6  }
0x13f: {  	v20, _, _ =	vpop (xrf0);
	v49 =	vor.u32 $0x1, v48;
	v24 =	vor.u32 $0x2, v48;
	v18 =	vsel vm4, v8, v6  }
0x140: {  	v50, _, _ =	vpop (xrf0);
	v6 =	vbroadcast v23, $0xF;
	v2 =	vsel vm4, v28, v19;
	v19 =	vbroadcast v27, $0xF  }
0x141: {  	v51 =	vor.u32 $0x3, v48;
	v23 =	vbroadcast v20, $0xF;
	v27 =	vbroadcast v50, $0xF  }
0x142: {  	v52 =	vsub.f32 v31, v29;
	v28 =	vsub.f32 v22, v25;
	v25 =	vmax.f32 v25, v6  }
0x143: {  	v32 =	vld.idx.msk [tilespmem:v48+s7+$0x0], $0xffff;
	v29 =	vmax.f32 v29, v19;
	v22 =	vmin.f32 v22, v23;
	v31 =	vmin.f32 v31, v27  }
0x144: {  	v8, _, _ =	vpop (xrf0);
	v33 =	vld.idx.msk [tilespmem:v49+s7+$0x0], $0xffff;
	v22 =	vsub.f32 v22, v25;
	v29 =	vsub.f32 v31, v29  }
0x145: {  	s30 =	simm.s32 $0x20;
	v8 =	vbroadcast v8, $0xF;
	v53 =	vld.idx.msk [tilespmem:v24+s7+$0x0], $0xffff;
	v25 =	vadd.s32 v0, v26;
	v26 =	vmul.f32 v52, v28  }
0x146: {  	v54 =	vor.u32 s30, v21;
	v31 =	vld.idx.msk [tilespmem:v51+s7+$0x0], $0xffff;
	v28 =	vmax.f32 v22, $0.0e+00;
	v29 =	vmax.f32 v29, $0.0e+00  }
0x147: {  	v55 =	vshll.u32 v54, $0x3;
	v28 =	vmul.f32 v29, v28;
	v29 =	vadd.f32 v26, v8  }
0x148: {  	v22 =	vadd.s32 v0, v30;
	v30 =	vor.u32 $0x1, v55  }
0x149: {  	v56 =	vor.u32 $0x2, v55;
	v29 =	vsub.f32 v29, v28  }
0x14a: {  	v57 =	vor.u32 $0x3, v55;
	v26 =	vmax.f32 v32, v6;
	v58 =	vsub.f32 v53, v32  }
0x14b: {  	v40 =	vsub.f32 v31, v33;
	v60 =	vmin.f32 v53, v23;
	(erf) = vrcp.f32 v29  }
0x14c: {  	s31 =	simm.s32 $0x30;
	v59 =	vmax.f32 v33, v19;
	v31 =	vmin.f32 v31, v27;
	v32 =	vld.idx.msk [tilespmem:v55+s7+$0x0], $0xffff;
	v33 =	vsub.f32 v60, v26  }
0x14d: {  	v41 =	vor.u32 s31, v21;
	v61 =	vsub.f32 v31, v59;
	v31 =	vld.idx.msk [tilespmem:v30+s7+$0x0], $0xffff  }
0x14e: {  	v35 =	vshll.u32 v41, $0x3;
	v62 =	vmul.f32 v40, v58;
	v30 =	vmax.f32 v33, $0.0e+00;
	v33 =	vld.idx.msk [tilespmem:v56+s7+$0x0], $0xffff  }
0x14f: {  	v36 =	vor.u32 $0x1, v35;
	v37 =	vor.u32 $0x2, v35;
	v34 =	vld.idx.msk [tilespmem:v57+s7+$0x0], $0xffff;
	v63 =	vmax.f32 v61, $0.0e+00  }
0x150: {  	v20 =	vimm.f32 $-1.000000000e+00;
	v30 =	vmul.f32 v63, v30;
	v38 =	vadd.f32 v62, v8  }
0x151: {  	s8 =	simm.s32 $0x40;
	[tilespmem:$0x1FFB0] =	vst v2;
	v24 =	vimm.s32 $0x0;
	v26 =	vadd.s32 v0, v54;
	v29 =	vadd.s32 v0, v41  }
.LBB2_11:
0x152: {  	p0 =	sne.s32 s8, $0x4E0;
	v39 =	vor.u32 $0x3, v35;
	v2 =	vsub.f32 v38, v30;
	v40 =	vmovc v26;
	v26 =	vmov v29  }
0x153: {  	v29 =	vsub.f32 v33, v32;
	v41 =	vmax.f32 v32, v6  }
0x154: {  	v42 =	vsub.f32 v34, v31;
	v32 =	vld.idx.msk [tilespmem:v35+s7+$0x0], $0xffff;
	v35 =	vmax.f32 v31, v19;
	(erf) = vrcp.f32 v2;
	v38 =	vpop (erf)  }
0x155: {  	v34 =	vmin.f32 v34, v27;
	v31 =	vld.idx.msk [tilespmem:v36+s7+$0x0], $0xffff;
	v36 =	vmin.f32 v33, v23;
	v38 =	vmul.f32 v38, v28  }
.Ltmp5:
0x156: {  	v43 =	vor.u32 s8, v21;
	v28 =	vmovc v30;
	v33 =	vld.idx.msk [tilespmem:v37+s7+$0x0], $0xffff;
	v36 =	vsub.f32 v36, v41;
	v37 =	vsub.f32 v34, v35;
	(pc) =	sbr.rel @p0 .LBB2_11-.Ltmp5, $4  }
0x157: {  	v29 =	vmul.f32 v42, v29;
	v35 =	vshll.u32 v43, $0x3;
	v34 =	vld.idx.msk [tilespmem:v39+s7+$0x0], $0xffff;
	vm4 =	vgt.f32 v38, v20  }
0x158: {  	v30 =	vmax.f32 v36, $0.0e+00;
	v37 =	vmax.f32 v37, $0.0e+00;
	v20 =	vsel vm4, v38, v20  }
0x159: {  	v36 =	vor.u32 $0x1, v35;
	v38 =	vadd.f32 v29, v8;
	v30 =	vmul.f32 v37, v30  }
0x15a: {  	s8 =	sadd.s32 $0x10, s8;
	v29 =	vadd.s32 v0, v43;
	v24 =	vsel vm4, v25, v24;
	v25 =	vmovc v22;
	v22 =	vmovc v40;
	v37 =	vor.u32 $0x2, v35  }
0x15b: {  	_ =	sdelay $0x1  }
0x15c: {  	v21 =	vor.u32 $0x3, v35;
	_ =	sdelay $0x1  }
0x15d: {  	v60 =	vld.idx.msk [tilespmem:v35+s7+$0x0], $0xffff  }
0x15e: {  	v36 =	vld.idx.msk [tilespmem:v36+s7+$0x0], $0xffff  }
0x15f: {  	v37 =	vld.idx.msk [tilespmem:v37+s7+$0x0], $0xffff  }
0x160: {  	v39 =	vsub.f32 v33, v32;
	v61 =	vmax.f32 v32, v6;
	v62 =	vmin.f32 v33, v23;
	v21 =	vld.idx.msk [tilespmem:v21+s7+$0x0], $0xffff  }
0x161: {  	v40 =	vsub.f32 v34, v31;
	v32 =	vsub.f32 v62, v61  }
0x162: {  	v63 =	vsub.f32 v38, v30;
	v31 =	vmax.f32 v31, v19;
	v38 =	vmin.f32 v34, v27  }
0x163: {  	v31 =	vsub.f32 v38, v31;
	v41 =	vmul.f32 v40, v39;
	v32 =	vmax.f32 v32, $0.0e+00  }
0x164: {  	v42 =	vsub.f32 v37, v60;
	v6 =	vmax.f32 v60, v6;
	v19 =	vmax.f32 v36, v19  }
0x165: {  	v23 =	vmin.f32 v37, v23;
	v43 =	vsub.f32 v21, v36;
	v21 =	vmin.f32 v21, v27  }
0x166: {  	v6 =	vsub.f32 v23, v6;
	v27 =	vmax.f32 v31, $0.0e+00;
	v19 =	vsub.f32 v21, v19  }
0x167: {  	v21 =	vmul.f32 v27, v32;
	v27 =	vmul.f32 v43, v42  }
0x168: {  	v23 =	vadd.f32 v41, v8;
	v6 =	vmax.f32 v6, $0.0e+00;
	v19 =	vmax.f32 v19, $0.0e+00  }
0x169: {  	v6 =	vmul.f32 v19, v6;
	v8 =	vadd.f32 v27, v8  }
0x16a: {  	(erf) = vrcp.f32 v63;
	v23 =	vsub.f32 v23, v21  }
0x16b: {  	v8 =	vsub.f32 v8, v6  }
0x16c: {  	(erf) = vrcp.f32 v23;
	_ =	sdelay $0x1  }
0x16d: {  	s7 =	simm.s32 $0x0;
	v23 =	vlaneseq.u32;
	(erf) = vrcp.f32 v8  }
0x16e: {  	vm4 =	vcmask $0x171C;
	v27 =	vor.u32 s7, v23;
	v8 =	vpop (erf)  }
0x16f: {  	v19 =	vsel vm4, $0xFF800000, v17;
	v8 =	vmul.f32 v8, v28;
	v28 =	vshll.u32 v27, $0x3  }
0x170: {  	(xrf0) =	vmax.scan.msk.f32 $0xffff, v19;
	v19 =	vsel vm4, $0xFF800000, v16;
	v31 =	vor.u32 $0x1, v28  }
0x171: {  	(xrf0) =	vmax.scan.msk.f32 $0xffff, v19;
	v19 =	vsel vm4, $0xFF800000, v14;
	v45 =	vor.u32 $0x2, v28  }
0x172: {  	(xrf0) =	vmax.scan.msk.f32 $0xffff, v19;
	v19 =	vsel vm4, $0xFF800000, v13;
	v44 =	vpop (erf);
	v46 =	vor.u32 $0x3, v28  }
0x173: {  	(xrf0) =	vmax.scan.msk.f32 $0xffff, v19;
	v19 =	vsel vm4, $0xFF800000, v15;
	v30 =	vmul.f32 v44, v30;
	vm5 =	vgt.f32 v8, v20  }
0x174: {  	(xrf0) =	vmax.scan.msk.f32 $0xffff, v19;
	v8 =	vsel vm5, v8, v20;
	v20 =	vpop (erf);
	v28 =	vld.idx.msk [tilespmem:v28+s7+$0x0], $0xffff  }
0x175: {  	s8 =	simm.s32 $0x10;
	v19 =	vsel vm5, v25, v24;
	vm4 =	vgt.f32 v30, v8;
	v20 =	vmul.f32 v20, v21;
	v24 =	vld.idx.msk [tilespmem:v31+s7+$0x0], $0xffff  }
0x176: {  	v8 =	vsel vm4, v30, v8;
	v30 =	vor.u32 s8, v23;
	v19 =	vsel vm4, v22, v19;
	v21 =	vpop (erf);
	v31 =	vld.idx.msk [tilespmem:v45+s7+$0x0], $0xffff  }
0x177: {  	v25, _, _ =	vpop (xrf0);
	vm5 =	vgt.f32 v20, v8;
	v47 =	vshll.u32 v30, $0x3;
	v32 =	vld.idx.msk [tilespmem:v46+s7+$0x0], $0xffff;
	v6 =	vmul.f32 v21, v6  }
0x178: {  	v21, _, _ =	vpop (xrf0);
	v8 =	vsel vm5, v20, v8;
	v48 =	vor.u32 $0x1, v47;
	v26 =	vsel vm5, v26, v19  }
0x179: {  	v49 =	vor.u32 $0x2, v47;
	v19 =	vbroadcast v25, $0xF;
	v51 =	vor.u32 $0x3, v47;
	v22, _, _ =	vpop (xrf0)  }
0x17a: {  	v21 =	vbroadcast v21, $0xF;
	vm4 =	vgt.f32 v6, v8;
	v50, _, _ =	vpop (xrf0);
	v25 =	vbroadcast v22, $0xF  }
0x17b: {  	v20 =	vsel vm4, v6, v8;
	v6 =	vsel vm4, v29, v26;
	v29 =	vbroadcast v50, $0xF  }
0x17c: {  	v26 =	vmax.f32 v28, v19;
	v52 =	vsub.f32 v31, v28;
	v28 =	vsub.f32 v32, v24  }
0x17d: {  	s30 =	simm.s32 $0x20;
	v33 =	vld.idx.msk [tilespmem:v47+s7+$0x0], $0xffff;
	v24 =	vmax.f32 v24, v21;
	v31 =	vmin.f32 v31, v25;
	v32 =	vmin.f32 v32, v29  }
0x17e: {  	v53 =	vor.u32 s30, v23;
	v8, _, _ =	vpop (xrf0);
	v34 =	vld.idx.msk [tilespmem:v48+s7+$0x0], $0xffff;
	v31 =	vsub.f32 v31, v26;
	v24 =	vsub.f32 v32, v24  }
0x17f: {  	v55 =	vshll.u32 v53, $0x3;
	v8 =	vbroadcast v8, $0xF;
	v35 =	vld.idx.msk [tilespmem:v49+s7+$0x0], $0xffff;
	v28 =	vmul.f32 v28, v52  }
0x180: {  	v59 =	vor.u32 $0x3, v55;
	v54 =	vld.idx.msk [tilespmem:v51+s7+$0x0], $0xffff;
	v31 =	vmax.f32 v31, $0.0e+00;
	v56 =	vmax.f32 v24, $0.0e+00  }
0x181: {  	v24 =	vadd.s32 v0, v30;
	v30 =	vmul.f32 v56, v31;
	v31 =	vadd.f32 v28, v8  }
0x182: {  	s31 =	simm.s32 $0x30  }
0x183: {  	v43 =	vor.u32 s31, v23;
	v58 =	vor.u32 $0x2, v55;
	v31 =	vsub.f32 v31, v30  }
0x184: {  	v57 =	vor.u32 $0x1, v55;
	v28 =	vmax.f32 v33, v19;
	v41 =	vsub.f32 v35, v33  }
0x185: {  	v42 =	vsub.f32 v54, v34;
	v61 =	vmin.f32 v35, v25;
	(erf) = vrcp.f32 v31  }
0x186: {  	v36 =	vld.idx.msk [tilespmem:v59+s7+$0x0], $0xffff;
	v60 =	vmax.f32 v34, v21;
	v32 =	vmin.f32 v54, v29;
	v35 =	vsub.f32 v61, v28  }
0x187: {  	v37 =	vshll.u32 v43, $0x3;
	v34 =	vld.idx.msk [tilespmem:v55+s7+$0x0], $0xffff;
	v32 =	vsub.f32 v32, v60  }
0x188: {  	v38 =	vor.u32 $0x1, v37;
	v62 =	vmul.f32 v42, v41;
	v63 =	vmax.f32 v35, $0.0e+00;
	v35 =	vld.idx.msk [tilespmem:v58+s7+$0x0], $0xffff  }
0x189: {  	v39 =	vor.u32 $0x2, v37;
	v27 =	vadd.s32 v0, v27;
	v33 =	vld.idx.msk [tilespmem:v57+s7+$0x0], $0xffff;
	v32 =	vmax.f32 v32, $0.0e+00  }
0x18a: {  	v22 =	vimm.f32 $-1.000000000e+00;
	v32 =	vmul.f32 v32, v63;
	v40 =	vadd.f32 v62, v8  }
0x18b: {  	s8 =	simm.s32 $0x40;
	v26 =	vimm.s32 $0x0;
	v28 =	vadd.s32 v0, v53;
	v31 =	vadd.s32 v0, v43  }
.LBB2_13:
0x18c: {  	p0 =	sne.s32 s8, $0x4E0;
	v41 =	vor.u32 $0x3, v37;
	v2 =	vsub.f32 v40, v32;
	v42 =	vmovc v28;
	v28 =	vmov v31  }
0x18d: {  	v31 =	vsub.f32 v35, v34;
	v43 =	vmax.f32 v34, v19  }
0x18e: {  	v44 =	vsub.f32 v36, v33;
	v34 =	vld.idx.msk [tilespmem:v37+s7+$0x0], $0xffff;
	v37 =	vmax.f32 v33, v21;
	(erf) = vrcp.f32 v2;
	v40 =	vpop (erf)  }
0x18f: {  	v36 =	vmin.f32 v36, v29;
	v33 =	vld.idx.msk [tilespmem:v38+s7+$0x0], $0xffff;
	v38 =	vmin.f32 v35, v25;
	v40 =	vmul.f32 v40, v30  }
.Ltmp6:
0x190: {  	v45 =	vor.u32 s8, v23;
	v30 =	vmovc v32;
	v35 =	vld.idx.msk [tilespmem:v39+s7+$0x0], $0xffff;
	v38 =	vsub.f32 v38, v43;
	v39 =	vsub.f32 v36, v37;
	(pc) =	sbr.rel @p0 .LBB2_13-.Ltmp6, $4  }
0x191: {  	v31 =	vmul.f32 v44, v31;
	v37 =	vshll.u32 v45, $0x3;
	v36 =	vld.idx.msk [tilespmem:v41+s7+$0x0], $0xffff;
	vm4 =	vgt.f32 v40, v22  }
0x192: {  	v32 =	vmax.f32 v38, $0.0e+00;
	v39 =	vmax.f32 v39, $0.0e+00;
	v22 =	vsel vm4, v40, v22  }
0x193: {  	v38 =	vor.u32 $0x1, v37;
	v40 =	vadd.f32 v31, v8;
	v32 =	vmul.f32 v39, v32  }
0x194: {  	s8 =	sadd.s32 $0x10, s8;
	v31 =	vadd.s32 v0, v45;
	v26 =	vsel vm4, v27, v26;
	v27 =	vmovc v24;
	v24 =	vmovc v42;
	v39 =	vor.u32 $0x2, v37  }
0x195: {  	_ =	sdelay $0x1  }
0x196: {  	v23 =	vor.u32 $0x3, v37;
	_ =	sdelay $0x1  }
0x197: {  	v55 =	vld.idx.msk [tilespmem:v37+s7+$0x0], $0xffff  }
0x198: {  	v38 =	vld.idx.msk [tilespmem:v38+s7+$0x0], $0xffff  }
0x199: {  	v39 =	vld.idx.msk [tilespmem:v39+s7+$0x0], $0xffff  }
0x19a: {  	v41 =	vsub.f32 v35, v34;
	v56 =	vmax.f32 v34, v19;
	v57 =	vmin.f32 v35, v25;
	v23 =	vld.idx.msk [tilespmem:v23+s7+$0x0], $0xffff  }
0x19b: {  	v42 =	vsub.f32 v36, v33;
	v34 =	vsub.f32 v57, v56  }
0x19c: {  	v59 =	vmax.f32 v33, v21;
	v60 =	vmin.f32 v36, v29  }
0x19d: {  	v33 =	vsub.f32 v60, v59;
	v61 =	vmul.f32 v42, v41;
	v34 =	vmax.f32 v34, $0.0e+00  }
0x19e: {  	v62 =	vsub.f32 v39, v55;
	v19 =	vmax.f32 v55, v19;
	v21 =	vmax.f32 v38, v21  }
0x19f: {  	v25 =	vmin.f32 v39, v25;
	v63 =	vsub.f32 v23, v38;
	v23 =	vmin.f32 v23, v29  }
0x1a0: {  	v19 =	vsub.f32 v25, v19;
	v29 =	vmax.f32 v33, $0.0e+00;
	v21 =	vsub.f32 v23, v21  }
0x1a1: {  	v58 =	vsub.f32 v40, v32;
	v23 =	vmul.f32 v29, v34;
	v29 =	vmul.f32 v63, v62  }
0x1a2: {  	v25 =	vadd.f32 v61, v8;
	v19 =	vmax.f32 v19, $0.0e+00;
	v21 =	vmax.f32 v21, $0.0e+00  }
0x1a3: {  	v19 =	vmul.f32 v21, v19;
	v8 =	vadd.f32 v29, v8  }
0x1a4: {  	(erf) = vrcp.f32 v58;
	v25 =	vsub.f32 v25, v23  }
0x1a5: {  	v8 =	vsub.f32 v8, v19  }
0x1a6: {  	(erf) = vrcp.f32 v25;
	_ =	sdelay $0x1  }
0x1a7: {  	s7 =	simm.s32 $0x0;
	v25 =	vlaneseq.u32;
	(erf) = vrcp.f32 v8  }
0x1a8: {  	vm4 =	vcmask $0x1B20;
	v29 =	vor.u32 s7, v25;
	v8 =	vpop (erf)  }
0x1a9: {  	v21 =	vsel vm4, $0xFF800000, v17;
	v8 =	vmul.f32 v8, v30;
	v30 =	vshll.u32 v29, $0x3  }
0x1aa: {  	(xrf0) =	vmax.scan.msk.f32 $0xffff, v21;
	v21 =	vsel vm4, $0xFF800000, v16;
	v40 =	vor.u32 $0x1, v30  }
0x1ab: {  	(xrf0) =	vmax.scan.msk.f32 $0xffff, v21;
	v21 =	vsel vm4, $0xFF800000, v14;
	v42 =	vor.u32 $0x2, v30  }
0x1ac: {  	(xrf0) =	vmax.scan.msk.f32 $0xffff, v21;
	v21 =	vsel vm4, $0xFF800000, v13;
	v41 =	vpop (erf);
	v44 =	vor.u32 $0x3, v30  }
0x1ad: {  	s8 =	simm.s32 $0x10;
	(xrf0) =	vmax.scan.msk.f32 $0xffff, v21;
	v21 =	vsel vm4, $0xFF800000, v15;
	v43 =	vmul.f32 v41, v32;
	vm5 =	vgt.f32 v8, v22  }
0x1ae: {  	v45 =	vor.u32 s8, v25;
	(xrf0) =	vmax.scan.msk.f32 $0xffff, v21;
	v8 =	vsel vm5, v8, v22;
	v22 =	vpop (erf);
	v30 =	vld.idx.msk [tilespmem:v30+s7+$0x0], $0xffff  }
0x1af: {  	v21 =	vsel vm5, v27, v26;
	vm4 =	vgt.f32 v43, v8;
	v22 =	vmul.f32 v22, v23;
	v26 =	vld.idx.msk [tilespmem:v40+s7+$0x0], $0xffff  }
0x1b0: {  	v47 =	vshll.u32 v45, $0x3;
	v8 =	vsel vm4, v43, v8;
	v23 =	vpop (erf);
	v46 =	vld.idx.msk [tilespmem:v42+s7+$0x0], $0xffff  }
0x1b1: {  	v48 =	vor.u32 $0x1, v47;
	v27, _, _ =	vpop (xrf0);
	vm5 =	vgt.f32 v22, v8;
	v34 =	vld.idx.msk [tilespmem:v44+s7+$0x0], $0xffff;
	v19 =	vmul.f32 v23, v19  }
0x1b2: {  	v50 =	vor.u32 $0x3, v47;
	v21 =	vsel vm4, v24, v21;
	v23, _, _ =	vpop (xrf0);
	v8 =	vsel vm5, v22, v8  }
0x1b3: {  	v21 =	vsel vm5, v28, v21;
	v28 =	vor.u32 $0x2, v47;
	v24, _, _ =	vpop (xrf0);
	vm4 =	vgt.f32 v19, v8  }
0x1b4: {  	v23 =	vbroadcast v23, $0xF;
	v49, _, _ =	vpop (xrf0);
	v22 =	vsel vm4, v19, v8;
	v19 =	vbroadcast v27, $0xF  }
0x1b5: {  	v21 =	vsel vm4, v31, v21;
	v27 =	vbroadcast v24, $0xF;
	v31 =	vbroadcast v49, $0xF  }
0x1b6: {  	v51 =	vsub.f32 v46, v30;
	v52 =	vsub.f32 v34, v26;
	v26 =	vmax.f32 v26, v23  }
0x1b7: {  	v30 =	vmax.f32 v30, v19;
	v33 =	vmin.f32 v46, v27;
	v34 =	vmin.f32 v34, v31  }
0x1b8: {  	s30 =	simm.s32 $0x20;
	v36 =	vld.idx.msk [tilespmem:v48+s7+$0x0], $0xffff;
	v8, _, _ =	vpop (xrf0);
	v30 =	vsub.f32 v33, v30;
	v26 =	vsub.f32 v34, v26  }
0x1b9: {  	v54 =	vor.u32 s30, v25;
	v55 =	vld.idx.msk [tilespmem:v50+s7+$0x0], $0xffff;
	v8 =	vbroadcast v8, $0xF;
	v37 =	vmul.f32 v52, v51  }
0x1ba: {  	v56 =	vshll.u32 v54, $0x3;
	v35 =	vld.idx.msk [tilespmem:v47+s7+$0x0], $0xffff;
	v30 =	vmax.f32 v30, $0.0e+00;
	v57 =	vmax.f32 v26, $0.0e+00  }
0x1bb: {  	v43 =	vor.u32 $0x3, v56;
	v53 =	vld.idx.msk [tilespmem:v28+s7+$0x0], $0xffff;
	v37 =	vadd.f32 v37, v8;
	v32 =	vmul.f32 v57, v30;
	_ =	sdelay $0x1  }
0x1bc: {  	v58 =	vor.u32 $0x1, v56;
	v59 =	vor.u32 $0x2, v56;
	v37 =	vsub.f32 v37, v32  }
0x1bd: {  	v29 =	vadd.s32 v0, v29;
	v60 =	vmax.f32 v36, v23;
	v33 =	vmin.f32 v55, v31  }
0x1be: {  	v26 =	vadd.s32 v0, v45;
	v45 =	vsub.f32 v55, v36;
	(erf) = vrcp.f32 v37  }
0x1bf: {  	v38 =	vld.idx.msk [tilespmem:v43+s7+$0x0], $0xffff;
	v30 =	vmax.f32 v35, v19;
	v44 =	vsub.f32 v53, v35;
	v61 =	vmin.f32 v53, v27  }
0x1c0: {  	s31 =	simm.s32 $0x30;
	v24 =	vimm.f32 $-1.000000000e+00;
	v33 =	vsub.f32 v33, v60;
	v36 =	vld.idx.msk [tilespmem:v56+s7+$0x0], $0xffff;
	v40 =	vsub.f32 v61, v30  }
0x1c1: {  	v28 =	vimm.s32 $0x0;
	v46 =	vor.u32 s31, v25;
	v62 =	vmul.f32 v45, v44;
	v37 =	vld.idx.msk [tilespmem:v59+s7+$0x0], $0xffff  }
0x1c2: {  	v39 =	vshll.u32 v46, $0x3;
	v33 =	vmax.f32 v33, $0.0e+00;
	v35 =	vld.idx.msk [tilespmem:v58+s7+$0x0], $0xffff;
	v63 =	vmax.f32 v40, $0.0e+00  }
0x1c3: {  	v40 =	vor.u32 $0x1, v39;
	v34 =	vmul.f32 v33, v63;
	v42 =	vadd.f32 v62, v8  }
0x1c4: {  	s8 =	simm.s32 $0x40;
	v41 =	vor.u32 $0x2, v39;
	v30 =	vadd.s32 v0, v54;
	v33 =	vadd.s32 v0, v46  }
.LBB2_15:
0x1c5: {  	p0 =	sne.s32 s8, $0x4E0;
	v43 =	vor.u32 $0x3, v39;
	v2 =	vsub.f32 v42, v34;
	v44 =	vmovc v30;
	v30 =	vmov v33  }
0x1c6: {  	v33 =	vsub.f32 v37, v36;
	v45 =	vmax.f32 v36, v19  }
0x1c7: {  	v46 =	vsub.f32 v38, v35;
	v36 =	vld.idx.msk [tilespmem:v39+s7+$0x0], $0xffff;
	v39 =	vmax.f32 v35, v23;
	(erf) = vrcp.f32 v2;
	v42 =	vpop (erf)  }
0x1c8: {  	v38 =	vmin.f32 v38, v31;
	v35 =	vld.idx.msk [tilespmem:v40+s7+$0x0], $0xffff;
	v40 =	vmin.f32 v37, v27;
	v42 =	vmul.f32 v42, v32  }
.Ltmp7:
0x1c9: {  	v47 =	vor.u32 s8, v25;
	v32 =	vmovc v34;
	v37 =	vld.idx.msk [tilespmem:v41+s7+$0x0], $0xffff;
	v40 =	vsub.f32 v40, v45;
	v41 =	vsub.f32 v38, v39;
	(pc) =	sbr.rel @p0 .LBB2_15-.Ltmp7, $4  }
0x1ca: {  	v33 =	vmul.f32 v46, v33;
	v39 =	vshll.u32 v47, $0x3;
	v38 =	vld.idx.msk [tilespmem:v43+s7+$0x0], $0xffff;
	vm4 =	vgt.f32 v42, v24  }
0x1cb: {  	v34 =	vmax.f32 v40, $0.0e+00;
	v41 =	vmax.f32 v41, $0.0e+00;
	v24 =	vsel vm4, v42, v24  }
0x1cc: {  	v40 =	vor.u32 $0x1, v39;
	v42 =	vadd.f32 v33, v8;
	v34 =	vmul.f32 v41, v34  }
0x1cd: {  	s8 =	sadd.s32 $0x10, s8;
	v33 =	vadd.s32 v0, v47;
	v28 =	vsel vm4, v29, v28;
	v29 =	vmovc v26;
	v26 =	vmovc v44;
	v41 =	vor.u32 $0x2, v39  }
0x1ce: {  	_ =	sdelay $0x1  }
0x1cf: {  	v25 =	vor.u32 $0x3, v39;
	_ =	sdelay $0x1  }
0x1d0: {  	v48 =	vld.idx.msk [tilespmem:v39+s7+$0x0], $0xffff  }
0x1d1: {  	v40 =	vld.idx.msk [tilespmem:v40+s7+$0x0], $0xffff  }
0x1d2: {  	v41 =	vld.idx.msk [tilespmem:v41+s7+$0x0], $0xffff  }
0x1d3: {  	v43 =	vsub.f32 v37, v36;
	v49 =	vmax.f32 v36, v19;
	v50 =	vmin.f32 v37, v27;
	v25 =	vld.idx.msk [tilespmem:v25+s7+$0x0], $0xffff  }
0x1d4: {  	v44 =	vsub.f32 v38, v35;
	v36 =	vsub.f32 v50, v49  }
0x1d5: {  	v51 =	vsub.f32 v42, v34;
	v52 =	vmax.f32 v35, v23;
	v53 =	vmin.f32 v38, v31  }
0x1d6: {  	v35 =	vsub.f32 v53, v52;
	v54 =	vmul.f32 v44, v43;
	v36 =	vmax.f32 v36, $0.0e+00  }
0x1d7: {  	v55 =	vsub.f32 v41, v48;
	v19 =	vmax.f32 v48, v19;
	v23 =	vmax.f32 v40, v23  }
0x1d8: {  	v27 =	vmin.f32 v41, v27;
	v56 =	vsub.f32 v25, v40;
	v25 =	vmin.f32 v25, v31  }
0x1d9: {  	v19 =	vsub.f32 v27, v19;
	v31 =	vmax.f32 v35, $0.0e+00;
	v23 =	vsub.f32 v25, v23  }
0x1da: {  	v27 =	vadd.f32 v54, v8;
	v25 =	vmul.f32 v31, v36;
	v31 =	vmul.f32 v56, v55  }
0x1db: {  	(erf) = vrcp.f32 v51;
	v19 =	vmax.f32 v19, $0.0e+00;
	v23 =	vmax.f32 v23, $0.0e+00  }
0x1dc: {  	v27 =	vsub.f32 v27, v25;
	v19 =	vmul.f32 v23, v19;
	v8 =	vadd.f32 v31, v8;
	_ =	sdelay $0x1  }
0x1dd: {  	(erf) = vrcp.f32 v27;
	v8 =	vsub.f32 v8, v19;
	_ =	sdelay $0x1  }
0x1de: {  	s7 =	simm.s32 $0x0;
	v27 =	vlaneseq.u32;
	(erf) = vrcp.f32 v8  }
0x1df: {  	v31 =	vor.u32 s7, v27  }
0x1e0: {  	vm4 =	vcmask $0x1F24;
	v57 =	vshll.u32 v31, $0x3  }
0x1e1: {  	v23 =	vsel vm4, $0xFF800000, v17;
	v60 =	vor.u32 $0x2, v57;
	v8 =	vpop (erf)  }
0x1e2: {  	s8 =	simm.s32 $0x10;
	(xrf0) =	vmax.scan.msk.f32 $0xffff, v23;
	v23 =	vsel vm4, $0xFF800000, v16;
	v62 =	vor.u32 $0x3, v57;
	v8 =	vmul.f32 v8, v32  }
0x1e3: {  	(xrf0) =	vmax.scan.msk.f32 $0xffff, v23;
	v23 =	vsel vm4, $0xFF800000, v14;
	v63 =	vor.u32 s8, v27;
	v58 =	vor.u32 $0x1, v57;
	v59 =	vpop (erf)  }
0x1e4: {  	(xrf0) =	vmax.scan.msk.f32 $0xffff, v23;
	v23 =	vsel vm4, $0xFF800000, v13;
	v61 =	vmul.f32 v59, v34;
	vm5 =	vgt.f32 v8, v24  }
0x1e5: {  	v46 =	vshll.u32 v63, $0x3;
	(xrf0) =	vmax.scan.msk.f32 $0xffff, v23;
	v32 =	vld.idx.msk [tilespmem:v57+s7+$0x0], $0xffff;
	v8 =	vsel vm5, v8, v24;
	v24 =	vpop (erf)  }
0x1e6: {  	v23 =	vsel vm4, $0xFF800000, v15;
	v45 =	vld.idx.msk [tilespmem:v60+s7+$0x0], $0xffff;
	vm4 =	vgt.f32 v61, v8;
	v24 =	vmul.f32 v24, v25  }
0x1e7: {  	v47 =	vor.u32 $0x1, v46;
	(xrf0) =	vmax.scan.msk.f32 $0xffff, v23;
	v36 =	vld.idx.msk [tilespmem:v62+s7+$0x0], $0xffff;
	v8 =	vsel vm4, v61, v8;
	v25 =	vpop (erf)  }
0x1e8: {  	v23 =	vsel vm5, v29, v28;
	v28 =	vld.idx.msk [tilespmem:v58+s7+$0x0], $0xffff;
	v29, _, _ =	vpop (xrf0);
	vm5 =	vgt.f32 v24, v8;
	v19 =	vmul.f32 v25, v19  }
0x1e9: {  	v49 =	vor.u32 $0x3, v46;
	v23 =	vsel vm4, v26, v23;
	v25, _, _ =	vpop (xrf0);
	v8 =	vsel vm5, v24, v8  }
0x1ea: {  	v23 =	vsel vm5, v30, v23;
	v30 =	vor.u32 $0x2, v46;
	v26, _, _ =	vpop (xrf0);
	vm4 =	vgt.f32 v19, v8  }
0x1eb: {  	v25 =	vbroadcast v25, $0xF;
	v48, _, _ =	vpop (xrf0);
	v24 =	vsel vm4, v19, v8;
	v8 =	vbroadcast v29, $0xF  }
0x1ec: {  	v23 =	vsel vm4, v33, v23;
	v29 =	vbroadcast v26, $0xF;
	v33 =	vbroadcast v48, $0xF  }
0x1ed: {  	v50 =	vsub.f32 v45, v32;
	v51 =	vsub.f32 v36, v28;
	v28 =	vmax.f32 v28, v25  }
0x1ee: {  	v32 =	vmax.f32 v32, v8;
	v35 =	vmin.f32 v45, v29;
	v36 =	vmin.f32 v36, v33  }
0x1ef: {  	v38 =	vld.idx.msk [tilespmem:v47+s7+$0x0], $0xffff;
	v19, _, _ =	vpop (xrf0);
	v32 =	vsub.f32 v35, v32;
	v28 =	vsub.f32 v36, v28  }
0x1f0: {  	s30 =	simm.s32 $0x20;
	v54 =	vld.idx.msk [tilespmem:v49+s7+$0x0], $0xffff;
	v39 =	vmul.f32 v51, v50;
	v19 =	vbroadcast v19, $0xF  }
0x1f1: {  	v53 =	vor.u32 s30, v27;
	v37 =	vld.idx.msk [tilespmem:v46+s7+$0x0], $0xffff;
	v32 =	vmax.f32 v32, $0.0e+00;
	v56 =	vmax.f32 v28, $0.0e+00  }
0x1f2: {  	v55 =	vshll.u32 v53, $0x3;
	v52 =	vld.idx.msk [tilespmem:v30+s7+$0x0], $0xffff;
	v39 =	vadd.f32 v39, v19;
	v34 =	vmul.f32 v56, v32  }
0x1f3: {  	v57 =	vor.u32 $0x1, v55  }
0x1f4: {  	v31 =	vadd.s32 v0, v31;
	v58 =	vor.u32 $0x2, v55;
	v39 =	vsub.f32 v39, v34  }
0x1f5: {  	v47 =	vsub.f32 v54, v38;
	v26 =	vimm.f32 $-1.000000000e+00;
	v45 =	vor.u32 $0x3, v55  }
0x1f6: {  	v60 =	vmax.f32 v38, v25;
	v59 =	vmax.f32 v37, v8;
	(erf) = vrcp.f32 v39  }
0x1f7: {  	s31 =	simm.s32 $0x30;
	v38 =	vld.idx.msk [tilespmem:v55+s7+$0x0], $0xffff;
	v35 =	vmin.f32 v54, v33;
	v46 =	vsub.f32 v52, v37;
	v61 =	vmin.f32 v52, v29  }
0x1f8: {  	v48 =	vor.u32 s31, v27;
	v35 =	vsub.f32 v35, v60;
	v37 =	vld.idx.msk [tilespmem:v57+s7+$0x0], $0xffff;
	v42 =	vsub.f32 v61, v59  }
0x1f9: {  	v41 =	vshll.u32 v48, $0x3;
	v30 =	vimm.s32 $0x0;
	v62 =	vmul.f32 v47, v46;
	v39 =	vld.idx.msk [tilespmem:v58+s7+$0x0], $0xffff  }
0x1fa: {  	v28 =	vadd.s32 v0, v63;
	v35 =	vmax.f32 v35, $0.0e+00;
	v40 =	vld.idx.msk [tilespmem:v45+s7+$0x0], $0xffff;
	v63 =	vmax.f32 v42, $0.0e+00  }
0x1fb: {  	v42 =	vor.u32 $0x1, v41;
	v36 =	vmul.f32 v35, v63;
	v44 =	vadd.f32 v62, v19  }
0x1fc: {  	s8 =	simm.s32 $0x40;
	v43 =	vor.u32 $0x2, v41;
	v32 =	vadd.s32 v0, v53;
	v35 =	vadd.s32 v0, v48  }
.LBB2_17:
0x1fd: {  	p0 =	sne.s32 s8, $0x4E0;
	v45 =	vor.u32 $0x3, v41;
	v2 =	vsub.f32 v44, v36;
	v46 =	vmovc v32;
	v32 =	vmov v35  }
0x1fe: {  	v35 =	vsub.f32 v39, v38;
	v47 =	vmax.f32 v38, v8  }
0x1ff: {  	v48 =	vsub.f32 v40, v37;
	v38 =	vld.idx.msk [tilespmem:v41+s7+$0x0], $0xffff;
	v41 =	vmax.f32 v37, v25;
	(erf) = vrcp.f32 v2;
	v44 =	vpop (erf)  }
0x200: {  	v40 =	vmin.f32 v40, v33;
	v37 =	vld.idx.msk [tilespmem:v42+s7+$0x0], $0xffff;
	v42 =	vmin.f32 v39, v29;
	v44 =	vmul.f32 v44, v34  }
.Ltmp8:
0x201: {  	v49 =	vor.u32 s8, v27;
	v34 =	vmovc v36;
	v39 =	vld.idx.msk [tilespmem:v43+s7+$0x0], $0xffff;
	v42 =	vsub.f32 v42, v47;
	v43 =	vsub.f32 v40, v41;
	(pc) =	sbr.rel @p0 .LBB2_17-.Ltmp8, $4  }
0x202: {  	v35 =	vmul.f32 v48, v35;
	v41 =	vshll.u32 v49, $0x3;
	v40 =	vld.idx.msk [tilespmem:v45+s7+$0x0], $0xffff;
	vm4 =	vgt.f32 v44, v26  }
0x203: {  	v36 =	vmax.f32 v42, $0.0e+00;
	v43 =	vmax.f32 v43, $0.0e+00;
	v26 =	vsel vm4, v44, v26  }
0x204: {  	v42 =	vor.u32 $0x1, v41;
	v44 =	vadd.f32 v35, v19;
	v36 =	vmul.f32 v43, v36  }
0x205: {  	s8 =	sadd.s32 $0x10, s8;
	v35 =	vadd.s32 v0, v49;
	v30 =	vsel vm4, v31, v30;
	v31 =	vmovc v28;
	v28 =	vmovc v46;
	v43 =	vor.u32 $0x2, v41  }
0x206: {  	_ =	sdelay $0x1  }
0x207: {  	v27 =	vor.u32 $0x3, v41;
	_ =	sdelay $0x1  }
0x208: {  	v60 =	vld.idx.msk [tilespmem:v41+s7+$0x0], $0xffff  }
0x209: {  	v42 =	vld.idx.msk [tilespmem:v42+s7+$0x0], $0xffff  }
0x20a: {  	v43 =	vld.idx.msk [tilespmem:v43+s7+$0x0], $0xffff  }
0x20b: {  	v45 =	vsub.f32 v39, v38;
	v61 =	vmax.f32 v38, v8;
	v62 =	vmin.f32 v39, v29;
	v27 =	vld.idx.msk [tilespmem:v27+s7+$0x0], $0xffff  }
0x20c: {  	v46 =	vsub.f32 v40, v37;
	v38 =	vsub.f32 v62, v61  }
0x20d: {  	v63 =	vsub.f32 v44, v36;
	v48 =	vmax.f32 v37, v25;
	v49 =	vmin.f32 v40, v33  }
0x20e: {  	v37 =	vsub.f32 v49, v48;
	v50 =	vmul.f32 v46, v45;
	v38 =	vmax.f32 v38, $0.0e+00  }
0x20f: {  	v51 =	vsub.f32 v43, v60;
	v8 =	vmax.f32 v60, v8;
	v25 =	vmax.f32 v42, v25  }
0x210: {  	v29 =	vmin.f32 v43, v29;
	v52 =	vsub.f32 v27, v42;
	v27 =	vmin.f32 v27, v33  }
0x211: {  	v53 =	vmax.f32 v37, $0.0e+00;
	v8 =	vsub.f32 v29, v8;
	v25 =	vsub.f32 v27, v25  }
0x212: {  	v29 =	vadd.f32 v50, v19;
	v27 =	vmul.f32 v53, v38;
	v54 =	vmul.f32 v52, v51  }
0x213: {  	(erf) = vrcp.f32 v63;
	v8 =	vmax.f32 v8, $0.0e+00;
	v25 =	vmax.f32 v25, $0.0e+00  }
0x214: {  	v29 =	vsub.f32 v29, v27;
	v8 =	vmul.f32 v25, v8;
	v19 =	vadd.f32 v54, v19;
	_ =	sdelay $0x1  }
0x215: {  	(erf) = vrcp.f32 v29;
	v19 =	vsub.f32 v19, v8;
	_ =	sdelay $0x1  }
0x216: {  	s7 =	simm.s32 $0x0;
	v29 =	vlaneseq.u32;
	(erf) = vrcp.f32 v19  }
0x217: {  	v55 =	vor.u32 s7, v29  }
0x218: {  	vm4 =	vcmask $0x2328;
	v56 =	vshll.u32 v55, $0x3  }
0x219: {  	v25 =	vsel vm4, $0xFF800000, v17;
	v59 =	vor.u32 $0x2, v56;
	v19 =	vpop (erf)  }
0x21a: {  	s8 =	simm.s32 $0x10;
	(xrf0) =	vmax.scan.msk.f32 $0xffff, v25;
	v25 =	vsel vm4, $0xFF800000, v16;
	v61 =	vor.u32 $0x3, v56;
	v19 =	vmul.f32 v19, v34  }
0x21b: {  	(xrf0) =	vmax.scan.msk.f32 $0xffff, v25;
	v25 =	vsel vm4, $0xFF800000, v14;
	v62 =	vor.u32 s8, v29;
	v57 =	vor.u32 $0x1, v56;
	v58 =	vpop (erf)  }
0x21c: {  	(xrf0) =	vmax.scan.msk.f32 $0xffff, v25;
	v25 =	vsel vm4, $0xFF800000, v13;
	v60 =	vmul.f32 v58, v36;
	vm5 =	vgt.f32 v19, v26  }
0x21d: {  	v45 =	vshll.u32 v62, $0x3;
	(xrf0) =	vmax.scan.msk.f32 $0xffff, v25;
	v34 =	vld.idx.msk [tilespmem:v56+s7+$0x0], $0xffff;
	v19 =	vsel vm5, v19, v26;
	v26 =	vpop (erf)  }
0x21e: {  	v25 =	vsel vm4, $0xFF800000, v15;
	v63 =	vld.idx.msk [tilespmem:v59+s7+$0x0], $0xffff;
	vm4 =	vgt.f32 v60, v19;
	v26 =	vmul.f32 v26, v27  }
0x21f: {  	v46 =	vor.u32 $0x1, v45;
	(xrf0) =	vmax.scan.msk.f32 $0xffff, v25;
	v38 =	vld.idx.msk [tilespmem:v61+s7+$0x0], $0xffff;
	v19 =	vsel vm4, v60, v19;
	v27 =	vpop (erf)  }
0x220: {  	v25 =	vsel vm5, v31, v30;
	v30 =	vld.idx.msk [tilespmem:v57+s7+$0x0], $0xffff;
	v31, _, _ =	vpop (xrf0);
	vm5 =	vgt.f32 v26, v19;
	v8 =	vmul.f32 v27, v8  }
0x221: {  	v47 =	vor.u32 $0x2, v45;
	v25 =	vsel vm4, v28, v25;
	v27, _, _ =	vpop (xrf0);
	v19 =	vsel vm5, v26, v19  }
0x222: {  	v49 =	vor.u32 $0x3, v45;
	v25 =	vsel vm5, v32, v25;
	v28, _, _ =	vpop (xrf0);
	vm4 =	vgt.f32 v8, v19  }
0x223: {  	v27 =	vbroadcast v27, $0xF;
	v48, _, _ =	vpop (xrf0);
	v26 =	vsel vm4, v8, v19;
	v8 =	vbroadcast v31, $0xF  }
0x224: {  	v19 =	vsel vm4, v35, v25;
	v31 =	vbroadcast v28, $0xF;
	v35 =	vbroadcast v48, $0xF  }
0x225: {  	v50 =	vsub.f32 v63, v34;
	v51 =	vsub.f32 v38, v30;
	v30 =	vmax.f32 v30, v27  }
0x226: {  	s30 =	simm.s32 $0x20;
	v39 =	vld.idx.msk [tilespmem:v45+s7+$0x0], $0xffff;
	v34 =	vmax.f32 v34, v8;
	v37 =	vmin.f32 v63, v31;
	v38 =	vmin.f32 v38, v35  }
0x227: {  	v53 =	vor.u32 s30, v29;
	v40 =	vld.idx.msk [tilespmem:v46+s7+$0x0], $0xffff;
	v25, _, _ =	vpop (xrf0);
	v34 =	vsub.f32 v37, v34;
	v30 =	vsub.f32 v38, v30  }
0x228: {  	v33 =	vadd.s32 v0, v55;
	v54 =	vld.idx.msk [tilespmem:v49+s7+$0x0], $0xffff;
	v41 =	vmul.f32 v51, v50;
	v25 =	vbroadcast v25, $0xF  }
0x229: {  	v55 =	vshll.u32 v53, $0x3;
	v52 =	vld.idx.msk [tilespmem:v47+s7+$0x0], $0xffff;
	v34 =	vmax.f32 v34, $0.0e+00;
	v56 =	vmax.f32 v30, $0.0e+00  }
0x22a: {  	v47 =	vor.u32 $0x3, v55;
	v41 =	vadd.f32 v41, v25;
	v36 =	vmul.f32 v56, v34;
	_ =	sdelay $0x1  }
0x22b: {  	v58 =	vor.u32 $0x2, v55;
	v41 =	vsub.f32 v41, v36  }
0x22c: {  	v57 =	vor.u32 $0x1, v55;
	v32 =	vimm.s32 $0x0;
	v49 =	vsub.f32 v54, v40  }
0x22d: {  	v48 =	vsub.f32 v52, v39;
	v60 =	vmax.f32 v40, v27;
	(erf) = vrcp.f32 v41  }
0x22e: {  	v42 =	vld.idx.msk [tilespmem:v47+s7+$0x0], $0xffff;
	v59 =	vmax.f32 v39, v8;
	v61 =	vmin.f32 v52, v31;
	v37 =	vmin.f32 v54, v35  }
0x22f: {  	s31 =	simm.s32 $0x30;
	v28 =	vimm.f32 $-1.000000000e+00;
	v40 =	vld.idx.msk [tilespmem:v55+s7+$0x0], $0xffff;
	v44 =	vsub.f32 v61, v59;
	v37 =	vsub.f32 v37, v60  }
0x230: {  	v50 =	vor.u32 s31, v29;
	v30 =	vadd.s32 v0, v62;
	v62 =	vmul.f32 v49, v48;
	v41 =	vld.idx.msk [tilespmem:v58+s7+$0x0], $0xffff  }
0x231: {  	v43 =	vshll.u32 v50, $0x3;
	v39 =	vld.idx.msk [tilespmem:v57+s7+$0x0], $0xffff;
	v63 =	vmax.f32 v44, $0.0e+00;
	v37 =	vmax.f32 v37, $0.0e+00  }
0x232: {  	v44 =	vor.u32 $0x1, v43;
	v38 =	vmul.f32 v37, v63;
	v46 =	vadd.f32 v62, v25  }
0x233: {  	s8 =	simm.s32 $0x40;
	v45 =	vor.u32 $0x2, v43;
	v34 =	vadd.s32 v0, v53;
	v37 =	vadd.s32 v0, v50  }
.LBB2_19:
0x234: {  	p0 =	sne.s32 s8, $0x4E0;
	v47 =	vor.u32 $0x3, v43;
	v2 =	vsub.f32 v46, v38;
	v48 =	vmovc v34;
	v34 =	vmov v37  }
0x235: {  	v37 =	vsub.f32 v41, v40;
	v49 =	vmax.f32 v40, v8  }
0x236: {  	v50 =	vsub.f32 v42, v39;
	v40 =	vld.idx.msk [tilespmem:v43+s7+$0x0], $0xffff;
	v43 =	vmax.f32 v39, v27;
	(erf) = vrcp.f32 v2;
	v46 =	vpop (erf)  }
0x237: {  	v42 =	vmin.f32 v42, v35;
	v39 =	vld.idx.msk [tilespmem:v44+s7+$0x0], $0xffff;
	v44 =	vmin.f32 v41, v31;
	v46 =	vmul.f32 v46, v36  }
.Ltmp9:
0x238: {  	v51 =	vor.u32 s8, v29;
	v36 =	vmovc v38;
	v41 =	vld.idx.msk [tilespmem:v45+s7+$0x0], $0xffff;
	v44 =	vsub.f32 v44, v49;
	v45 =	vsub.f32 v42, v43;
	(pc) =	sbr.rel @p0 .LBB2_19-.Ltmp9, $4  }
0x239: {  	v37 =	vmul.f32 v50, v37;
	v43 =	vshll.u32 v51, $0x3;
	v42 =	vld.idx.msk [tilespmem:v47+s7+$0x0], $0xffff;
	vm4 =	vgt.f32 v46, v28  }
0x23a: {  	v38 =	vmax.f32 v44, $0.0e+00;
	v45 =	vmax.f32 v45, $0.0e+00;
	v28 =	vsel vm4, v46, v28  }
0x23b: {  	v44 =	vor.u32 $0x1, v43;
	v46 =	vadd.f32 v37, v25;
	v38 =	vmul.f32 v45, v38  }
0x23c: {  	s8 =	sadd.s32 $0x10, s8;
	v37 =	vadd.s32 v0, v51;
	v32 =	vsel vm4, v33, v32;
	v33 =	vmovc v30;
	v30 =	vmovc v48;
	v45 =	vor.u32 $0x2, v43  }
0x23d: {  	_ =	sdelay $0x1  }
0x23e: {  	v29 =	vor.u32 $0x3, v43;
	_ =	sdelay $0x1  }
0x23f: {  	v52 =	vld.idx.msk [tilespmem:v43+s7+$0x0], $0xffff  }
0x240: {  	v44 =	vld.idx.msk [tilespmem:v44+s7+$0x0], $0xffff  }
0x241: {  	v45 =	vld.idx.msk [tilespmem:v45+s7+$0x0], $0xffff  }
0x242: {  	v47 =	vsub.f32 v41, v40;
	v53 =	vmax.f32 v40, v8;
	v54 =	vmin.f32 v41, v31;
	v29 =	vld.idx.msk [tilespmem:v29+s7+$0x0], $0xffff  }
0x243: {  	v48 =	vsub.f32 v42, v39;
	v40 =	vsub.f32 v54, v53  }
0x244: {  	v55 =	vsub.f32 v46, v38;
	v56 =	vmax.f32 v39, v27;
	v57 =	vmin.f32 v42, v35  }
0x245: {  	v39 =	vsub.f32 v57, v56;
	v58 =	vmul.f32 v48, v47;
	v40 =	vmax.f32 v40, $0.0e+00  }
0x246: {  	v59 =	vsub.f32 v45, v52;
	v8 =	vmax.f32 v52, v8;
	v27 =	vmax.f32 v44, v27  }
0x247: {  	v31 =	vmin.f32 v45, v31;
	v60 =	vsub.f32 v29, v44;
	v29 =	vmin.f32 v29, v35  }
0x248: {  	v61 =	vmax.f32 v39, $0.0e+00;
	v8 =	vsub.f32 v31, v8;
	v27 =	vsub.f32 v29, v27  }
0x249: {  	v31 =	vadd.f32 v58, v25;
	v29 =	vmul.f32 v61, v40;
	v62 =	vmul.f32 v60, v59  }
0x24a: {  	(erf) = vrcp.f32 v55;
	v8 =	vmax.f32 v8, $0.0e+00;
	v27 =	vmax.f32 v27, $0.0e+00  }
0x24b: {  	v31 =	vsub.f32 v31, v29;
	v8 =	vmul.f32 v27, v8;
	v25 =	vadd.f32 v62, v25;
	_ =	sdelay $0x1  }
0x24c: {  	(erf) = vrcp.f32 v31;
	v25 =	vsub.f32 v25, v8  }
0x24d: {  	s7 =	simm.s32 $0x0;
	v31 =	vlaneseq.u32  }
0x24e: {  	vm4 =	vcmask $0x272C;
	v63 =	vor.u32 s7, v31;
	(erf) = vrcp.f32 v25  }
0x24f: {  	v27 =	vsel vm4, $0xFF800000, v17;
	v44 =	vshll.u32 v63, $0x3  }
0x250: {  	(xrf0) =	vmax.scan.msk.f32 $0xffff, v27;
	v45 =	vor.u32 $0x1, v44  }
0x251: {  	v27 =	vsel vm4, $0xFF800000, v16;
	v47 =	vor.u32 $0x2, v44;
	v25 =	vpop (erf)  }
0x252: {  	s8 =	simm.s32 $0x10;
	(xrf0) =	vmax.scan.msk.f32 $0xffff, v27;
	v27 =	vsel vm4, $0xFF800000, v14;
	v49 =	vor.u32 $0x3, v44;
	v25 =	vmul.f32 v25, v36  }
0x253: {  	v51 =	vor.u32 s8, v31;
	(xrf0) =	vmax.scan.msk.f32 $0xffff, v27;
	v27 =	vsel vm4, $0xFF800000, v13;
	v46 =	vpop (erf)  }
0x254: {  	v54 =	vshll.u32 v51, $0x3;
	(xrf0) =	vmax.scan.msk.f32 $0xffff, v27;
	v48 =	vmul.f32 v46, v38;
	v36 =	vld.idx.msk [tilespmem:v44+s7+$0x0], $0xffff;
	vm5 =	vgt.f32 v25, v28  }
0x255: {  	v27 =	vsel vm4, $0xFF800000, v15;
	v55 =	vor.u32 $0x1, v54;
	v50 =	vld.idx.msk [tilespmem:v45+s7+$0x0], $0xffff;
	v25 =	vsel vm5, v25, v28;
	v28 =	vpop (erf)  }
0x256: {  	v56 =	vor.u32 $0x2, v54;
	v52, _, _ =	vpop (xrf0);
	v53 =	vld.idx.msk [tilespmem:v47+s7+$0x0], $0xffff;
	vm4 =	vgt.f32 v48, v25;
	v28 =	vmul.f32 v28, v29  }
0x257: {  	v58 =	vor.u32 $0x3, v54;
	(xrf0) =	vmax.scan.msk.f32 $0xffff, v27;
	v40 =	vld.idx.msk [tilespmem:v49+s7+$0x0], $0xffff;
	v27 =	vsel vm5, v33, v32;
	v25 =	vsel vm4, v48, v25;
	v29 =	vpop (erf)  }
0x258: {  	v27 =	vsel vm4, v30, v27;
	vm5 =	vgt.f32 v28, v25;
	v8 =	vmul.f32 v29, v8;
	v29, _, _ =	vpop (xrf0)  }
0x259: {  	v25 =	vsel vm5, v28, v25;
	v34 =	vsel vm5, v34, v27;
	v27 =	vbroadcast v52, $0xF;
	v30, _, _ =	vpop (xrf0)  }
0x25a: {  	v29 =	vbroadcast v29, $0xF;
	vm4 =	vgt.f32 v8, v25;
	v57, _, _ =	vpop (xrf0);
	v33 =	vbroadcast v30, $0xF  }
0x25b: {  	v28 =	vsel vm4, v8, v25;
	v8 =	vsel vm4, v37, v34;
	v37 =	vbroadcast v57, $0xF  }
0x25c: {  	v59 =	vsub.f32 v53, v36;
	v61 =	vsub.f32 v40, v50;
	v60 =	vmax.f32 v36, v27  }
0x25d: {  	v41 =	vld.idx.msk [tilespmem:v54+s7+$0x0], $0xffff;
	v32 =	vmax.f32 v50, v29;
	v39 =	vmin.f32 v53, v33;
	v40 =	vmin.f32 v40, v37  }
0x25e: {  	s30 =	simm.s32 $0x20;
	v35 =	vadd.s32 v0, v63;
	v42 =	vld.idx.msk [tilespmem:v55+s7+$0x0], $0xffff;
	v25, _, _ =	vpop (xrf0);
	v39 =	vsub.f32 v39, v60;
	v32 =	vsub.f32 v40, v32  }
0x25f: {  	v46 =	vor.u32 s30, v31;
	v43 =	vld.idx.msk [tilespmem:v56+s7+$0x0], $0xffff;
	v36 =	vmul.f32 v61, v59;
	v25 =	vbroadcast v25, $0xF  }
0x260: {  	v62 =	vld.idx.msk [tilespmem:v58+s7+$0x0], $0xffff;
	v63 =	vshll.u32 v46, $0x3;
	v39 =	vmax.f32 v39, $0.0e+00;
	v54 =	vmax.f32 v32, $0.0e+00  }
0x261: {  	v58 =	vor.u32 $0x3, v63;
	v56 =	vadd.f32 v36, v25;
	v38 =	vmul.f32 v54, v39;
	_ =	sdelay $0x1  }
0x262: {  	v57 =	vor.u32 $0x2, v63;
	v39 =	vsub.f32 v56, v38  }
0x263: {  	v55 =	vor.u32 $0x1, v63;
	v49 =	vsub.f32 v43, v41;
	v59 =	vmax.f32 v41, v27  }
0x264: {  	v50 =	vsub.f32 v62, v42;
	v61 =	vmin.f32 v43, v33;
	(erf) = vrcp.f32 v39  }
0x265: {  	v44 =	vld.idx.msk [tilespmem:v58+s7+$0x0], $0xffff;
	v60 =	vmax.f32 v42, v29;
	v43 =	vsub.f32 v61, v59;
	v40 =	vmin.f32 v62, v37  }
0x266: {  	s31 =	simm.s32 $0x30;
	v30 =	vimm.f32 $-1.000000000e+00;
	v42 =	vld.idx.msk [tilespmem:v63+s7+$0x0], $0xffff;
	v62 =	vmul.f32 v50, v49;
	v40 =	vsub.f32 v40, v60  }
0x267: {  	v63 =	vmax.f32 v43, $0.0e+00;
	v32 =	vadd.s32 v0, v51;
	v51 =	vor.u32 s31, v31;
	v43 =	vld.idx.msk [tilespmem:v57+s7+$0x0], $0xffff  }
0x268: {  	v41 =	vld.idx.msk [tilespmem:v55+s7+$0x0], $0xffff;
	v36 =	vadd.s32 v0, v46;
	v45 =	vshll.u32 v51, $0x3;
	v40 =	vmax.f32 v40, $0.0e+00  }
0x269: {  	v48 =	vadd.f32 v62, v25;
	v46 =	vor.u32 $0x1, v45;
	v40 =	vmul.f32 v40, v63  }
0x26a: {  	s8 =	simm.s32 $0x40;
	v34 =	vimm.s32 $0x0;
	v47 =	vor.u32 $0x2, v45;
	v39 =	vadd.s32 v0, v51  }
.LBB2_21:
0x26b: {  	p0 =	sne.s32 s8, $0x4E0;
	v49 =	vor.u32 $0x3, v45;
	v2 =	vsub.f32 v48, v40;
	v50 =	vmovc v36;
	v36 =	vmov v39  }
0x26c: {  	v39 =	vsub.f32 v43, v42;
	v51 =	vmax.f32 v42, v27  }
0x26d: {  	v52 =	vsub.f32 v44, v41;
	v42 =	vld.idx.msk [tilespmem:v45+s7+$0x0], $0xffff;
	v45 =	vmax.f32 v41, v29;
	(erf) = vrcp.f32 v2;
	v48 =	vpop (erf)  }
0x26e: {  	v44 =	vmin.f32 v44, v37;
	v41 =	vld.idx.msk [tilespmem:v46+s7+$0x0], $0xffff;
	v46 =	vmin.f32 v43, v33;
	v48 =	vmul.f32 v48, v38  }
.Ltmp10:
0x26f: {  	v53 =	vor.u32 s8, v31;
	v38 =	vmovc v40;
	v43 =	vld.idx.msk [tilespmem:v47+s7+$0x0], $0xffff;
	v46 =	vsub.f32 v46, v51;
	v47 =	vsub.f32 v44, v45;
	(pc) =	sbr.rel @p0 .LBB2_21-.Ltmp10, $4  }
0x270: {  	v39 =	vmul.f32 v52, v39;
	v45 =	vshll.u32 v53, $0x3;
	v44 =	vld.idx.msk [tilespmem:v49+s7+$0x0], $0xffff;
	vm4 =	vgt.f32 v48, v30  }
0x271: {  	v40 =	vmax.f32 v46, $0.0e+00;
	v47 =	vmax.f32 v47, $0.0e+00;
	v30 =	vsel vm4, v48, v30  }
0x272: {  	v46 =	vor.u32 $0x1, v45;
	v48 =	vadd.f32 v39, v25;
	v40 =	vmul.f32 v47, v40  }
0x273: {  	s8 =	sadd.s32 $0x10, s8;
	v39 =	vadd.s32 v0, v53;
	v34 =	vsel vm4, v35, v34;
	v35 =	vmovc v32;
	v32 =	vmovc v50;
	v47 =	vor.u32 $0x2, v45  }
0x274: {  	_ =	sdelay $0x1  }
0x275: {  	v31 =	vor.u32 $0x3, v45;
	_ =	sdelay $0x1  }
0x276: {  	v56 =	vld.idx.msk [tilespmem:v45+s7+$0x0], $0xffff  }
0x277: {  	v46 =	vld.idx.msk [tilespmem:v46+s7+$0x0], $0xffff  }
0x278: {  	v47 =	vld.idx.msk [tilespmem:v47+s7+$0x0], $0xffff  }
0x279: {  	v49 =	vsub.f32 v43, v42;
	v57 =	vmax.f32 v42, v27;
	v58 =	vmin.f32 v43, v33;
	v31 =	vld.idx.msk [tilespmem:v31+s7+$0x0], $0xffff  }
0x27a: {  	v50 =	vsub.f32 v44, v41;
	v42 =	vsub.f32 v58, v57  }
0x27b: {  	v59 =	vsub.f32 v48, v40;
	v60 =	vmax.f32 v41, v29;
	v61 =	vmin.f32 v44, v37  }
0x27c: {  	v41 =	vsub.f32 v61, v60;
	v62 =	vmul.f32 v50, v49;
	v42 =	vmax.f32 v42, $0.0e+00  }
0x27d: {  	v63 =	vsub.f32 v47, v56;
	v27 =	vmax.f32 v56, v27;
	v29 =	vmax.f32 v46, v29  }
0x27e: {  	v52 =	vmin.f32 v47, v33;
	v51 =	vsub.f32 v31, v46;
	v31 =	vmin.f32 v31, v37  }
0x27f: {  	v53 =	vmax.f32 v41, $0.0e+00;
	v27 =	vsub.f32 v52, v27;
	v29 =	vsub.f32 v31, v29  }
0x280: {  	v54 =	vadd.f32 v62, v25;
	v31 =	vmul.f32 v53, v42;
	v55 =	vmul.f32 v51, v63  }
0x281: {  	(erf) = vrcp.f32 v59;
	v27 =	vmax.f32 v27, $0.0e+00;
	v29 =	vmax.f32 v29, $0.0e+00  }
0x282: {  	v33 =	vsub.f32 v54, v31;
	v27 =	vmul.f32 v29, v27;
	v25 =	vadd.f32 v55, v25;
	_ =	sdelay $0x1  }
0x283: {  	(erf) = vrcp.f32 v33;
	v25 =	vsub.f32 v25, v27;
	_ =	sdelay $0x1  }
0x284: {  	vm4 =	vcmask $0x2B30;
	s7 =	simm.s32 $0x0;
	v33 =	vlaneseq.u32;
	(erf) = vrcp.f32 v25  }
0x285: {  	v29 =	vsel vm4, $0xFF800000, v17;
	v37 =	vor.u32 s7, v33  }
0x286: {  	(xrf0) =	vmax.scan.msk.f32 $0xffff, v29;
	v56 =	vshll.u32 v37, $0x3  }
0x287: {  	v29 =	vsel vm4, $0xFF800000, v16;
	v57 =	vor.u32 $0x1, v56;
	v25 =	vpop (erf)  }
0x288: {  	s8 =	simm.s32 $0x10;
	(xrf0) =	vmax.scan.msk.f32 $0xffff, v29;
	v29 =	vsel vm4, $0xFF800000, v14;
	v59 =	vor.u32 $0x2, v56;
	v25 =	vmul.f32 v25, v38  }
0x289: {  	v63 =	vor.u32 s8, v33;
	(xrf0) =	vmax.scan.msk.f32 $0xffff, v29;
	v61 =	vor.u32 $0x3, v56;
	v58 =	vpop (erf)  }
0x28a: {  	v29 =	vsel vm4, $0xFF800000, v13;
	v60 =	vmul.f32 v58, v40;
	vm5 =	vgt.f32 v25, v30  }
0x28b: {  	v51 =	vshll.u32 v63, $0x3;
	(xrf0) =	vmax.scan.msk.f32 $0xffff, v29;
	v38 =	vld.idx.msk [tilespmem:v56+s7+$0x0], $0xffff;
	v25 =	vsel vm5, v25, v30;
	v30 =	vpop (erf)  }
0x28c: {  	v29 =	vsel vm4, $0xFF800000, v15;
	v49, _, _ =	vpop (xrf0);
	v62 =	vld.idx.msk [tilespmem:v57+s7+$0x0], $0xffff;
	vm4 =	vgt.f32 v60, v25;
	v30 =	vmul.f32 v30, v31  }
0x28d: {  	v53 =	vor.u32 $0x1, v51;
	(xrf0) =	vmax.scan.msk.f32 $0xffff, v29;
	v50 =	vld.idx.msk [tilespmem:v59+s7+$0x0], $0xffff;
	v25 =	vsel vm4, v60, v25;
	v31 =	vpop (erf)  }
0x28e: {  	v52, _, _ =	vpop (xrf0);
	v42 =	vld.idx.msk [tilespmem:v61+s7+$0x0], $0xffff;
	v29 =	vsel vm5, v35, v34;
	vm5 =	vgt.f32 v30, v25;
	v27 =	vmul.f32 v31, v27  }
0x28f: {  	v55 =	vor.u32 $0x2, v51;
	v54, _, _ =	vpop (xrf0);
	v57 =	vor.u32 $0x3, v51;
	v25 =	vsel vm5, v30, v25  }
0x290: {  	v35 =	vbroadcast v54, $0xF;
	v29 =	vsel vm4, v32, v29;
	vm4 =	vgt.f32 v27, v25  }
0x291: {  	v56, _, _ =	vpop (xrf0);
	v29 =	vsel vm5, v36, v29;
	v30 =	vsel vm4, v27, v25;
	v27 =	vbroadcast v49, $0xF  }
0x292: {  	v31 =	vsel vm4, v39, v29;
	v29 =	vbroadcast v52, $0xF;
	v39 =	vbroadcast v56, $0xF  }
0x293: {  	v45 =	vld.idx.msk [tilespmem:v53+s7+$0x0], $0xffff;
	v58 =	vsub.f32 v50, v38;
	v59 =	vsub.f32 v42, v62;
	v41 =	vmin.f32 v50, v35  }
0x294: {  	v61 =	vld.idx.msk [tilespmem:v57+s7+$0x0], $0xffff;
	v38 =	vmax.f32 v38, v27;
	v34 =	vmax.f32 v62, v29;
	v42 =	vmin.f32 v42, v39  }
0x295: {  	v43 =	vld.idx.msk [tilespmem:v51+s7+$0x0], $0xffff;
	v25, _, _ =	vpop (xrf0);
	v38 =	vsub.f32 v41, v38;
	v34 =	vsub.f32 v42, v34  }
0x296: {  	s30 =	simm.s32 $0x20;
	v60 =	vld.idx.msk [tilespmem:v55+s7+$0x0], $0xffff;
	v44 =	vmul.f32 v59, v58;
	v25 =	vbroadcast v25, $0xF  }
0x297: {  	v49 =	vor.u32 s30, v33;
	v38 =	vmax.f32 v38, $0.0e+00;
	v62 =	vmax.f32 v34, $0.0e+00  }
0x298: {  	v42 =	vshll.u32 v49, $0x3;
	v44 =	vadd.f32 v44, v25;
	v40 =	vmul.f32 v62, v38  }
0x299: {  	v53 =	vsub.f32 v61, v45;
	v34 =	vadd.s32 v0, v63;
	v63 =	vor.u32 $0x1, v42  }
0x29a: {  	v41 =	vmin.f32 v61, v39;
	v57 =	vor.u32 $0x2, v42;
	v61 =	vsub.f32 v44, v40  }
0x29b: {  	v52 =	vsub.f32 v60, v43;
	v51 =	vor.u32 $0x3, v42  }
0x29c: {  	v60 =	vmin.f32 v60, v35;
	v58 =	vmax.f32 v43, v27;
	(erf) = vrcp.f32 v61  }
0x29d: {  	s31 =	simm.s32 $0x30;
	v59 =	vmax.f32 v45, v29;
	v45 =	vsub.f32 v60, v58;
	v44 =	vld.idx.msk [tilespmem:v42+s7+$0x0], $0xffff  }
0x29e: {  	v37 =	vadd.s32 v0, v37;
	v54 =	vor.u32 s31, v33;
	v41 =	vsub.f32 v41, v59;
	v43 =	vld.idx.msk [tilespmem:v63+s7+$0x0], $0xffff  }
0x29f: {  	v47 =	vshll.u32 v54, $0x3;
	v62 =	vmul.f32 v53, v52;
	v63 =	vmax.f32 v45, $0.0e+00;
	v45 =	vld.idx.msk [tilespmem:v57+s7+$0x0], $0xffff  }
0x2a0: {  	v32 =	vimm.f32 $-1.000000000e+00;
	v48 =	vor.u32 $0x1, v47;
	v41 =	vmax.f32 v41, $0.0e+00;
	v46 =	vld.idx.msk [tilespmem:v51+s7+$0x0], $0xffff  }
0x2a1: {  	v36 =	vimm.s32 $0x0;
	v50 =	vadd.f32 v62, v25;
	v42 =	vmul.f32 v41, v63  }
0x2a2: {  	s8 =	simm.s32 $0x40;
	v38 =	vadd.s32 v0, v49;
	v49 =	vor.u32 $0x2, v47;
	v41 =	vadd.s32 v0, v54  }
.LBB2_23:
0x2a3: {  	p0 =	sne.s32 s8, $0x4E0;
	v51 =	vor.u32 $0x3, v47;
	v2 =	vsub.f32 v50, v42;
	v52 =	vmovc v38;
	v38 =	vmov v41  }
0x2a4: {  	v41 =	vsub.f32 v45, v44;
	v53 =	vmax.f32 v44, v27  }
0x2a5: {  	v54 =	vsub.f32 v46, v43;
	v44 =	vld.idx.msk [tilespmem:v47+s7+$0x0], $0xffff;
	v47 =	vmax.f32 v43, v29;
	(erf) = vrcp.f32 v2;
	v50 =	vpop (erf)  }
0x2a6: {  	v46 =	vmin.f32 v46, v39;
	v43 =	vld.idx.msk [tilespmem:v48+s7+$0x0], $0xffff;
	v48 =	vmin.f32 v45, v35;
	v50 =	vmul.f32 v50, v40  }
.Ltmp11:
0x2a7: {  	v55 =	vor.u32 s8, v33;
	v40 =	vmovc v42;
	v45 =	vld.idx.msk [tilespmem:v49+s7+$0x0], $0xffff;
	v48 =	vsub.f32 v48, v53;
	v49 =	vsub.f32 v46, v47;
	(pc) =	sbr.rel @p0 .LBB2_23-.Ltmp11, $4  }
0x2a8: {  	v41 =	vmul.f32 v54, v41;
	v47 =	vshll.u32 v55, $0x3;
	v46 =	vld.idx.msk [tilespmem:v51+s7+$0x0], $0xffff;
	vm4 =	vgt.f32 v50, v32  }
0x2a9: {  	v42 =	vmax.f32 v48, $0.0e+00;
	v49 =	vmax.f32 v49, $0.0e+00;
	v32 =	vsel vm4, v50, v32  }
0x2aa: {  	v48 =	vor.u32 $0x1, v47;
	v50 =	vadd.f32 v41, v25;
	v42 =	vmul.f32 v49, v42  }
0x2ab: {  	s8 =	sadd.s32 $0x10, s8;
	v41 =	vadd.s32 v0, v55;
	v36 =	vsel vm4, v37, v36;
	v37 =	vmovc v34;
	v34 =	vmovc v52;
	v49 =	vor.u32 $0x2, v47  }
0x2ac: {  	_ =	sdelay $0x1  }
0x2ad: {  	v33 =	vor.u32 $0x3, v47;
	_ =	sdelay $0x1  }
0x2ae: {  	v61 =	vld.idx.msk [tilespmem:v47+s7+$0x0], $0xffff  }
0x2af: {  	v48 =	vld.idx.msk [tilespmem:v48+s7+$0x0], $0xffff  }
0x2b0: {  	v49 =	vld.idx.msk [tilespmem:v49+s7+$0x0], $0xffff  }
0x2b1: {  	v51 =	vsub.f32 v45, v44;
	v62 =	vmax.f32 v44, v27;
	v63 =	vmin.f32 v45, v35;
	v33 =	vld.idx.msk [tilespmem:v33+s7+$0x0], $0xffff  }
0x2b2: {  	v52 =	vsub.f32 v46, v43;
	v44 =	vsub.f32 v63, v62  }
0x2b3: {  	v55 =	vsub.f32 v50, v42;
	v56 =	vmax.f32 v43, v29;
	v57 =	vmin.f32 v46, v39  }
0x2b4: {  	v43 =	vsub.f32 v57, v56;
	v58 =	vmul.f32 v52, v51;
	v44 =	vmax.f32 v44, $0.0e+00  }
0x2b5: {  	v59 =	vsub.f32 v49, v61;
	v27 =	vmax.f32 v61, v27;
	v29 =	vmax.f32 v48, v29  }
0x2b6: {  	v61 =	vmin.f32 v49, v35;
	v60 =	vsub.f32 v33, v48;
	v33 =	vmin.f32 v33, v39  }
0x2b7: {  	v62 =	vmax.f32 v43, $0.0e+00;
	v27 =	vsub.f32 v61, v27;
	v29 =	vsub.f32 v33, v29  }
0x2b8: {  	v63 =	vmul.f32 v62, v44;
	v48 =	vadd.f32 v58, v25;
	v49 =	vmul.f32 v60, v59  }
0x2b9: {  	(erf) = vrcp.f32 v55;
	v27 =	vmax.f32 v27, $0.0e+00;
	v29 =	vmax.f32 v29, $0.0e+00  }
0x2ba: {  	v35 =	vsub.f32 v48, v63;
	v27 =	vmul.f32 v29, v27;
	v25 =	vadd.f32 v49, v25;
	_ =	sdelay $0x1  }
0x2bb: {  	(erf) = vrcp.f32 v35;
	v25 =	vsub.f32 v25, v27;
	_ =	sdelay $0x1  }
0x2bc: {  	vm4 =	vcmask $0x2F34;
	s7 =	simm.s32 $0x0;
	v35 =	vlaneseq.u32;
	(erf) = vrcp.f32 v25  }
0x2bd: {  	v29 =	vsel vm4, $0xFF800000, v17;
	v39 =	vor.u32 s7, v35  }
0x2be: {  	(xrf0) =	vmax.scan.msk.f32 $0xffff, v29;
	v50 =	vshll.u32 v39, $0x3  }
0x2bf: {  	v29 =	vsel vm4, $0xFF800000, v16;
	v51 =	vor.u32 $0x1, v50;
	v25 =	vpop (erf)  }
0x2c0: {  	(xrf0) =	vmax.scan.msk.f32 $0xffff, v29;
	v29 =	vsel vm4, $0xFF800000, v14;
	v53 =	vor.u32 $0x2, v50;
	v25 =	vmul.f32 v25, v40  }
0x2c1: {  	(xrf0) =	vmax.scan.msk.f32 $0xffff, v29;
	v55 =	vor.u32 $0x3, v50;
	v52 =	vpop (erf)  }
0x2c2: {  	v29 =	vsel vm4, $0xFF800000, v13;
	v54 =	vmul.f32 v52, v42;
	vm5 =	vgt.f32 v25, v32  }
0x2c3: {  	s8 =	simm.s32 $0x10;
	(xrf0) =	vmax.scan.msk.f32 $0xffff, v29;
	v29 =	vsel vm4, $0xFF800000, v15;
	v40 =	vld.idx.msk [tilespmem:v50+s7+$0x0], $0xffff;
	v56 =	vpop (erf);
	v25 =	vsel vm5, v25, v32  }
0x2c4: {  	v59, _, _ =	vpop (xrf0);
	v58 =	vld.idx.msk [tilespmem:v51+s7+$0x0], $0xffff;
	v42 =	vor.u32 s8, v35;
	v32 =	vmul.f32 v56, v63;
	vm4 =	vgt.f32 v54, v25  }
0x2c5: {  	(xrf0) =	vmax.scan.msk.f32 $0xffff, v29;
	v60 =	vld.idx.msk [tilespmem:v53+s7+$0x0], $0xffff;
	v61 =	vshll.u32 v42, $0x3;
	v29 =	vsel vm5, v37, v36;
	v25 =	vsel vm4, v54, v25;
	v57 =	vpop (erf)  }
0x2c6: {  	v62, _, _ =	vpop (xrf0);
	v44 =	vld.idx.msk [tilespmem:v55+s7+$0x0], $0xffff;
	v63 =	vor.u32 $0x1, v61;
	vm5 =	vgt.f32 v32, v25;
	v27 =	vmul.f32 v57, v27  }
0x2c7: {  	v52, _, _ =	vpop (xrf0);
	v53 =	vor.u32 $0x2, v61;
	v55 =	vor.u32 $0x3, v61;
	v25 =	vsel vm5, v32, v25  }
0x2c8: {  	v37 =	vbroadcast v52, $0xF;
	v29 =	vsel vm4, v34, v29;
	vm4 =	vgt.f32 v27, v25  }
0x2c9: {  	v54, _, _ =	vpop (xrf0);
	v29 =	vsel vm5, v38, v29;
	v32 =	vsel vm4, v27, v25;
	v27 =	vbroadcast v59, $0xF  }
0x2ca: {  	v33 =	vsel vm4, v41, v29;
	v29 =	vbroadcast v62, $0xF;
	v41 =	vbroadcast v54, $0xF  }
0x2cb: {  	v56 =	vsub.f32 v60, v40;
	v43 =	vmin.f32 v60, v37;
	v57 =	vsub.f32 v44, v58  }
0x2cc: {  	v45 =	vld.idx.msk [tilespmem:v61+s7+$0x0], $0xffff;
	v40 =	vmax.f32 v40, v27;
	v36 =	vmax.f32 v58, v29;
	v44 =	vmin.f32 v44, v41  }
0x2cd: {  	s30 =	simm.s32 $0x20;
	v47 =	vld.idx.msk [tilespmem:v63+s7+$0x0], $0xffff;
	v25, _, _ =	vpop (xrf0);
	v40 =	vsub.f32 v43, v40;
	v36 =	vsub.f32 v44, v36  }
0x2ce: {  	v51 =	vor.u32 s30, v35;
	v46 =	vmul.f32 v57, v56;
	v59 =	vld.idx.msk [tilespmem:v55+s7+$0x0], $0xffff;
	v25 =	vbroadcast v25, $0xF  }
0x2cf: {  	v58 =	vld.idx.msk [tilespmem:v53+s7+$0x0], $0xffff;
	v44 =	vshll.u32 v51, $0x3;
	v40 =	vmax.f32 v40, $0.0e+00;
	v61 =	vmax.f32 v36, $0.0e+00  }
0x2d0: {  	v46 =	vadd.f32 v46, v25;
	v36 =	vadd.s32 v0, v42;
	v42 =	vmul.f32 v61, v40  }
0x2d1: {  	v62 =	vor.u32 $0x1, v44  }
0x2d2: {  	v48 =	vor.u32 $0x2, v44;
	v61 =	vsub.f32 v46, v42  }
0x2d3: {  	v63 =	vmax.f32 v45, v27;
	v49 =	vmax.f32 v47, v29;
	v53 =	vor.u32 $0x3, v44  }
0x2d4: {  	v55 =	vsub.f32 v59, v47;
	v60 =	vmin.f32 v58, v37;
	(erf) = vrcp.f32 v61  }
0x2d5: {  	v43 =	vmin.f32 v59, v41;
	v54 =	vsub.f32 v58, v45;
	v47 =	vsub.f32 v60, v63;
	v46 =	vld.idx.msk [tilespmem:v44+s7+$0x0], $0xffff  }
0x2d6: {  	s31 =	simm.s32 $0x30;
	v39 =	vadd.s32 v0, v39;
	v34 =	vimm.f32 $-1.000000000e+00;
	v43 =	vsub.f32 v43, v49;
	v45 =	vld.idx.msk [tilespmem:v62+s7+$0x0], $0xffff  }
0x2d7: {  	v56 =	vor.u32 s31, v35;
	v62 =	vmul.f32 v55, v54;
	v63 =	vmax.f32 v47, $0.0e+00;
	v47 =	vld.idx.msk [tilespmem:v48+s7+$0x0], $0xffff  }
0x2d8: {  	v38 =	vimm.s32 $0x0;
	v49 =	vshll.u32 v56, $0x3;
	v43 =	vmax.f32 v43, $0.0e+00;
	v48 =	vld.idx.msk [tilespmem:v53+s7+$0x0], $0xffff  }
0x2d9: {  	v50 =	vor.u32 $0x1, v49;
	v44 =	vmul.f32 v43, v63;
	v52 =	vadd.f32 v62, v25  }
0x2da: {  	s8 =	simm.s32 $0x40;
	v40 =	vadd.s32 v0, v51;
	v51 =	vor.u32 $0x2, v49;
	v43 =	vadd.s32 v0, v56  }
.LBB2_25:
0x2db: {  	p0 =	sne.s32 s8, $0x4E0;
	v53 =	vor.u32 $0x3, v49;
	v2 =	vsub.f32 v52, v44;
	v54 =	vmovc v40;
	v40 =	vmov v43  }
0x2dc: {  	v43 =	vsub.f32 v47, v46;
	v55 =	vmax.f32 v46, v27  }
0x2dd: {  	v56 =	vsub.f32 v48, v45;
	v46 =	vld.idx.msk [tilespmem:v49+s7+$0x0], $0xffff;
	v49 =	vmax.f32 v45, v29;
	(erf) = vrcp.f32 v2;
	v52 =	vpop (erf)  }
0x2de: {  	v48 =	vmin.f32 v48, v41;
	v45 =	vld.idx.msk [tilespmem:v50+s7+$0x0], $0xffff;
	v50 =	vmin.f32 v47, v37;
	v52 =	vmul.f32 v52, v42  }
.Ltmp12:
0x2df: {  	v57 =	vor.u32 s8, v35;
	v42 =	vmovc v44;
	v47 =	vld.idx.msk [tilespmem:v51+s7+$0x0], $0xffff;
	v50 =	vsub.f32 v50, v55;
	v51 =	vsub.f32 v48, v49;
	(pc) =	sbr.rel @p0 .LBB2_25-.Ltmp12, $4  }
0x2e0: {  	v43 =	vmul.f32 v56, v43;
	v49 =	vshll.u32 v57, $0x3;
	v48 =	vld.idx.msk [tilespmem:v53+s7+$0x0], $0xffff;
	vm4 =	vgt.f32 v52, v34  }
0x2e1: {  	v44 =	vmax.f32 v50, $0.0e+00;
	v51 =	vmax.f32 v51, $0.0e+00;
	v34 =	vsel vm4, v52, v34  }
0x2e2: {  	v50 =	vor.u32 $0x1, v49;
	v52 =	vadd.f32 v43, v25;
	v44 =	vmul.f32 v51, v44  }
0x2e3: {  	s8 =	sadd.s32 $0x10, s8;
	v43 =	vadd.s32 v0, v57;
	v38 =	vsel vm4, v39, v38;
	v39 =	vmovc v36;
	v36 =	vmovc v54;
	v51 =	vor.u32 $0x2, v49  }
0x2e4: {  	_ =	sdelay $0x1  }
0x2e5: {  	v35 =	vor.u32 $0x3, v49;
	_ =	sdelay $0x1  }
0x2e6: {  	v61 =	vld.idx.msk [tilespmem:v49+s7+$0x0], $0xffff  }
0x2e7: {  	v50 =	vld.idx.msk [tilespmem:v50+s7+$0x0], $0xffff  }
0x2e8: {  	v51 =	vld.idx.msk [tilespmem:v51+s7+$0x0], $0xffff  }
0x2e9: {  	v53 =	vsub.f32 v47, v46;
	v62 =	vmax.f32 v46, v27;
	v63 =	vmin.f32 v47, v37;
	v35 =	vld.idx.msk [tilespmem:v35+s7+$0x0], $0xffff  }
0x2ea: {  	v54 =	vsub.f32 v48, v45;
	v46 =	vsub.f32 v63, v62  }
0x2eb: {  	v47 =	vsub.f32 v52, v44;
	v56 =	vmax.f32 v45, v29;
	v57 =	vmin.f32 v48, v41  }
0x2ec: {  	v45 =	vsub.f32 v57, v56;
	v58 =	vmul.f32 v54, v53;
	v46 =	vmax.f32 v46, $0.0e+00  }
0x2ed: {  	v59 =	vsub.f32 v51, v61;
	v27 =	vmax.f32 v61, v27;
	v29 =	vmax.f32 v50, v29  }
0x2ee: {  	v61 =	vmin.f32 v51, v37;
	v60 =	vsub.f32 v35, v50;
	v35 =	vmin.f32 v35, v41  }
0x2ef: {  	v62 =	vmax.f32 v45, $0.0e+00;
	v27 =	vsub.f32 v61, v27;
	v29 =	vsub.f32 v35, v29  }
0x2f0: {  	v63 =	vmul.f32 v62, v46;
	v48 =	vadd.f32 v58, v25;
	v50 =	vmul.f32 v60, v59  }
0x2f1: {  	(erf) = vrcp.f32 v47;
	v27 =	vmax.f32 v27, $0.0e+00;
	v29 =	vmax.f32 v29, $0.0e+00  }
0x2f2: {  	v37 =	vsub.f32 v48, v63;
	v27 =	vmul.f32 v29, v27;
	v25 =	vadd.f32 v50, v25;
	_ =	sdelay $0x1  }
0x2f3: {  	vm4 =	vcmask $0x3338;
	(erf) = vrcp.f32 v37;
	v25 =	vsub.f32 v25, v27  }
0x2f4: {  	s7 =	simm.s32 $0x0;
	v37 =	vlaneseq.u32;
	v29 =	vsel vm4, $0xFF800000, v17  }
0x2f5: {  	v41 =	vor.u32 s7, v37;
	(xrf0) =	vmax.scan.msk.f32 $0xffff, v29;
	(erf) = vrcp.f32 v25  }
0x2f6: {  	v51 =	vshll.u32 v41, $0x3;
	v29 =	vsel vm4, $0xFF800000, v16  }
0x2f7: {  	v54 =	vor.u32 $0x2, v51;
	(xrf0) =	vmax.scan.msk.f32 $0xffff, v29  }
0x2f8: {  	v56 =	vor.u32 $0x3, v51;
	v29 =	vsel vm4, $0xFF800000, v14;
	v25 =	vpop (erf)  }
0x2f9: {  	(xrf0) =	vmax.scan.msk.f32 $0xffff, v29;
	v25 =	vmul.f32 v25, v42  }
0x2fa: {  	v52 =	vor.u32 $0x1, v51;
	v53 =	vpop (erf)  }
0x2fb: {  	v29 =	vsel vm4, $0xFF800000, v13;
	v59, _, _ =	vpop (xrf0);
	v55 =	vmul.f32 v53, v44;
	vm5 =	vgt.f32 v25, v34  }
0x2fc: {  	s8 =	simm.s32 $0x10;
	v60 =	vld.idx.msk [tilespmem:v54+s7+$0x0], $0xffff;
	(xrf0) =	vmax.scan.msk.f32 $0xffff, v29;
	v29 =	vsel vm4, $0xFF800000, v15;
	v57 =	vpop (erf);
	v25 =	vsel vm5, v25, v34  }
0x2fd: {  	v46 =	vld.idx.msk [tilespmem:v56+s7+$0x0], $0xffff;
	v44 =	vor.u32 s8, v37;
	v62, _, _ =	vpop (xrf0);
	v34 =	vmul.f32 v57, v63;
	vm4 =	vgt.f32 v55, v25  }
0x2fe: {  	(xrf0) =	vmax.scan.msk.f32 $0xffff, v29;
	v42 =	vld.idx.msk [tilespmem:v51+s7+$0x0], $0xffff;
	v61 =	vshll.u32 v44, $0x3;
	v29 =	vsel vm5, v39, v38;
	v25 =	vsel vm4, v55, v25;
	v58 =	vpop (erf)  }
0x2ff: {  	v54, _, _ =	vpop (xrf0);
	v38 =	vld.idx.msk [tilespmem:v52+s7+$0x0], $0xffff;
	v63 =	vor.u32 $0x1, v61;
	vm5 =	vgt.f32 v34, v25;
	v27 =	vmul.f32 v58, v27  }
0x300: {  	v57 =	vor.u32 $0x3, v61;
	v39 =	vbroadcast v54, $0xF;
	v25 =	vsel vm5, v34, v25  }
0x301: {  	v29 =	vsel vm4, v36, v29;
	v55 =	vor.u32 $0x2, v61;
	vm4 =	vgt.f32 v27, v25  }
0x302: {  	v56, _, _ =	vpop (xrf0);
	v29 =	vsel vm5, v40, v29;
	v34 =	vsel vm4, v27, v25;
	v27 =	vbroadcast v59, $0xF  }
0x303: {  	v35 =	vsel vm4, v43, v29;
	v29 =	vbroadcast v62, $0xF;
	v43 =	vbroadcast v56, $0xF  }
0x304: {  	v45 =	vmin.f32 v60, v39;
	v58 =	vsub.f32 v60, v42;
	v59 =	vsub.f32 v46, v38  }
0x305: {  	v42 =	vmax.f32 v42, v27;
	v38 =	vmax.f32 v38, v29;
	v46 =	vmin.f32 v46, v43  }
0x306: {  	s30 =	simm.s32 $0x20;
	v47 =	vld.idx.msk [tilespmem:v61+s7+$0x0], $0xffff;
	v25, _, _ =	vpop (xrf0);
	v42 =	vsub.f32 v45, v42;
	v38 =	vsub.f32 v46, v38  }
0x307: {  	v53 =	vor.u32 s30, v37;
	v49 =	vld.idx.msk [tilespmem:v63+s7+$0x0], $0xffff;
	v25 =	vbroadcast v25, $0xF;
	v48 =	vmul.f32 v59, v58  }
0x308: {  	v60 =	vld.idx.msk [tilespmem:v55+s7+$0x0], $0xffff;
	v46 =	vshll.u32 v53, $0x3;
	v42 =	vmax.f32 v42, $0.0e+00;
	v61 =	vmax.f32 v38, $0.0e+00  }
0x309: {  	v45 =	vld.idx.msk [tilespmem:v57+s7+$0x0], $0xffff;
	v48 =	vadd.f32 v48, v25;
	v38 =	vadd.s32 v0, v44;
	v44 =	vmul.f32 v61, v42  }
0x30a: {  	v54 =	vor.u32 $0x1, v46  }
0x30b: {  	v50 =	vor.u32 $0x2, v46;
	v61 =	vsub.f32 v48, v44  }
0x30c: {  	v62 =	vmax.f32 v47, v27;
	v63 =	vmax.f32 v49, v29;
	v55 =	vor.u32 $0x3, v46  }
0x30d: {  	v56 =	vsub.f32 v60, v47;
	v60 =	vmin.f32 v60, v39;
	(erf) = vrcp.f32 v61  }
0x30e: {  	v57 =	vsub.f32 v45, v49;
	v45 =	vmin.f32 v45, v43;
	v49 =	vsub.f32 v60, v62;
	v48 =	vld.idx.msk [tilespmem:v46+s7+$0x0], $0xffff  }
0x30f: {  	s31 =	simm.s32 $0x30;
	v41 =	vadd.s32 v0, v41;
	v36 =	vimm.f32 $-1.000000000e+00;
	v45 =	vsub.f32 v45, v63;
	v47 =	vld.idx.msk [tilespmem:v54+s7+$0x0], $0xffff  }
0x310: {  	v58 =	vor.u32 s31, v37;
	v62 =	vmul.f32 v57, v56;
	v63 =	vmax.f32 v49, $0.0e+00;
	v49 =	vld.idx.msk [tilespmem:v50+s7+$0x0], $0xffff  }
0x311: {  	v40 =	vimm.s32 $0x0;
	v51 =	vshll.u32 v58, $0x3;
	v50 =	vld.idx.msk [tilespmem:v55+s7+$0x0], $0xffff;
	v45 =	vmax.f32 v45, $0.0e+00  }
0x312: {  	v52 =	vor.u32 $0x1, v51;
	v46 =	vmul.f32 v45, v63;
	v54 =	vadd.f32 v62, v25  }
0x313: {  	s8 =	simm.s32 $0x40;
	v42 =	vadd.s32 v0, v53;
	v53 =	vor.u32 $0x2, v51;
	v45 =	vadd.s32 v0, v58  }
.LBB2_27:
0x314: {  	p0 =	sne.s32 s8, $0x4E0;
	v55 =	vor.u32 $0x3, v51;
	v2 =	vsub.f32 v54, v46;
	v56 =	vmovc v42;
	v42 =	vmov v45  }
0x315: {  	v45 =	vsub.f32 v49, v48;
	v57 =	vmax.f32 v48, v27  }
0x316: {  	v58 =	vsub.f32 v50, v47;
	v48 =	vld.idx.msk [tilespmem:v51+s7+$0x0], $0xffff;
	v51 =	vmax.f32 v47, v29;
	(erf) = vrcp.f32 v2;
	v54 =	vpop (erf)  }
0x317: {  	v50 =	vmin.f32 v50, v43;
	v47 =	vld.idx.msk [tilespmem:v52+s7+$0x0], $0xffff;
	v52 =	vmin.f32 v49, v39;
	v54 =	vmul.f32 v54, v44  }
.Ltmp13:
0x318: {  	v59 =	vor.u32 s8, v37;
	v44 =	vmovc v46;
	v49 =	vld.idx.msk [tilespmem:v53+s7+$0x0], $0xffff;
	v52 =	vsub.f32 v52, v57;
	v53 =	vsub.f32 v50, v51;
	(pc) =	sbr.rel @p0 .LBB2_27-.Ltmp13, $4  }
0x319: {  	v45 =	vmul.f32 v58, v45;
	v51 =	vshll.u32 v59, $0x3;
	v50 =	vld.idx.msk [tilespmem:v55+s7+$0x0], $0xffff;
	vm4 =	vgt.f32 v54, v36  }
0x31a: {  	v46 =	vmax.f32 v52, $0.0e+00;
	v53 =	vmax.f32 v53, $0.0e+00;
	v36 =	vsel vm4, v54, v36  }
0x31b: {  	v52 =	vor.u32 $0x1, v51;
	v54 =	vadd.f32 v45, v25;
	v46 =	vmul.f32 v53, v46  }
0x31c: {  	s8 =	sadd.s32 $0x10, s8;
	v45 =	vadd.s32 v0, v59;
	v40 =	vsel vm4, v41, v40;
	v41 =	vmovc v38;
	v38 =	vmovc v56;
	v53 =	vor.u32 $0x2, v51  }
0x31d: {  	_ =	sdelay $0x1  }
0x31e: {  	v37 =	vor.u32 $0x3, v51;
	_ =	sdelay $0x1  }
0x31f: {  	v51 =	vld.idx.msk [tilespmem:v51+s7+$0x0], $0xffff  }
0x320: {  	v53 =	vld.idx.msk [tilespmem:v53+s7+$0x0], $0xffff  }
0x321: {  	v52 =	vld.idx.msk [tilespmem:v52+s7+$0x0], $0xffff;
	v55 =	vsub.f32 v49, v48;
	v62 =	vmax.f32 v48, v27;
	v63 =	vmin.f32 v49, v39  }
0x322: {  	v60 =	vmax.f32 v47, v29;
	v56 =	vsub.f32 v50, v47;
	v61 =	vmin.f32 v50, v43;
	v37 =	vld.idx.msk [tilespmem:v37+s7+$0x0], $0xffff  }
0x323: {  	v48 =	vsub.f32 v63, v62;
	v47 =	vsub.f32 v61, v60  }
0x324: {  	v49 =	vsub.f32 v54, v46;
	v62 =	vmul.f32 v56, v55  }
0x325: {  	v48 =	vmax.f32 v48, $0.0e+00;
	v59 =	vmax.f32 v47, $0.0e+00;
	v63 =	vsub.f32 v53, v51  }
0x326: {  	v27 =	vmax.f32 v51, v27;
	v29 =	vmax.f32 v52, v29;
	v58 =	vmin.f32 v53, v39  }
0x327: {  	v61 =	vadd.f32 v62, v25;
	v57 =	vsub.f32 v37, v52;
	v37 =	vmin.f32 v37, v43  }
0x328: {  	v60 =	vmul.f32 v59, v48;
	v27 =	vsub.f32 v58, v27;
	v29 =	vsub.f32 v37, v29  }
0x329: {  	(erf) = vrcp.f32 v49;
	v62 =	vmul.f32 v57, v63  }
0x32a: {  	v39 =	vsub.f32 v61, v60;
	v27 =	vmax.f32 v27, $0.0e+00;
	v29 =	vmax.f32 v29, $0.0e+00  }
0x32b: {  	v27 =	vmul.f32 v29, v27;
	v25 =	vadd.f32 v62, v25  }
0x32c: {  	vm4 =	vcmask $0x373C;
	(erf) = vrcp.f32 v39  }
0x32d: {  	v29 =	vsel vm4, $0xFF800000, v17;
	v25 =	vsub.f32 v25, v27  }
0x32e: {  	(xrf0) =	vmax.scan.msk.f32 $0xffff, v29  }
0x32f: {  	s7 =	simm.s32 $0x0;
	v39 =	vlaneseq.u32;
	v29 =	vsel vm4, $0xFF800000, v16;
	(erf) = vrcp.f32 v25  }
0x330: {  	v43 =	vor.u32 s7, v39;
	(xrf0) =	vmax.scan.msk.f32 $0xffff, v29;
	v29 =	vsel vm4, $0xFF800000, v14  }
0x331: {  	v63 =	vshll.u32 v43, $0x3;
	(xrf0) =	vmax.scan.msk.f32 $0xffff, v29  }
0x332: {  	v54 =	vor.u32 $0x2, v63;
	v25 =	vpop (erf)  }
0x333: {  	v56 =	vor.u32 $0x3, v63;
	v25 =	vmul.f32 v25, v44;
	v53 =	vpop (erf)  }
0x334: {  	v52 =	vor.u32 $0x1, v63;
	v59, _, _ =	vpop (xrf0)  }
0x335: {  	v29 =	vsel vm4, $0xFF800000, v13;
	v55 =	vmul.f32 v53, v46;
	v57 =	vpop (erf);
	vm5 =	vgt.f32 v25, v36  }
0x336: {  	s8 =	simm.s32 $0x10;
	v50 =	vld.idx.msk [tilespmem:v63+s7+$0x0], $0xffff;
	(xrf0) =	vmax.scan.msk.f32 $0xffff, v29;
	v29 =	vsel vm4, $0xFF800000, v15;
	v61, _, _ =	vpop (xrf0);
	v25 =	vsel vm5, v25, v36  }
0x337: {  	v47 =	vld.idx.msk [tilespmem:v54+s7+$0x0], $0xffff;
	v46 =	vor.u32 s8, v39;
	v63, _, _ =	vpop (xrf0);
	v36 =	vmul.f32 v57, v60;
	vm4 =	vgt.f32 v55, v25  }
0x338: {  	v48 =	vld.idx.msk [tilespmem:v56+s7+$0x0], $0xffff;
	(xrf0) =	vmax.scan.msk.f32 $0xffff, v29;
	v29 =	vsel vm5, v41, v40;
	v60 =	vshll.u32 v46, $0x3;
	v25 =	vsel vm4, v55, v25;
	v58 =	vpop (erf)  }
0x339: {  	v40 =	vld.idx.msk [tilespmem:v52+s7+$0x0], $0xffff;
	v44 =	vbroadcast v63, $0xF;
	vm5 =	vgt.f32 v36, v25;
	v27 =	vmul.f32 v58, v27  }
0x33a: {  	v62 =	vor.u32 $0x1, v60;
	v29 =	vsel vm4, v38, v29;
	v25 =	vsel vm5, v36, v25  }
0x33b: {  	v56 =	vor.u32 $0x2, v60;
	v29 =	vsel vm5, v42, v29;
	vm4 =	vgt.f32 v27, v25  }
0x33c: {  	v57, _, _ =	vpop (xrf0);
	v58 =	vor.u32 $0x3, v60;
	v36 =	vsel vm4, v27, v25;
	v27 =	vbroadcast v59, $0xF  }
0x33d: {  	v37 =	vsel vm4, v45, v29;
	v29 =	vbroadcast v61, $0xF;
	v45 =	vbroadcast v57, $0xF  }
0x33e: {  	v49 =	vld.idx.msk [tilespmem:v60+s7+$0x0], $0xffff;
	v60 =	vsub.f32 v48, v40;
	v59 =	vsub.f32 v47, v50;
	v47 =	vmin.f32 v47, v44  }
0x33f: {  	v50 =	vmax.f32 v50, v27;
	v40 =	vmax.f32 v40, v29;
	v48 =	vmin.f32 v48, v45  }
0x340: {  	s30 =	simm.s32 $0x20;
	v51 =	vld.idx.msk [tilespmem:v62+s7+$0x0], $0xffff;
	v25, _, _ =	vpop (xrf0);
	v47 =	vsub.f32 v47, v50;
	v40 =	vsub.f32 v48, v40  }
0x341: {  	v55 =	vor.u32 s30, v39;
	v61 =	vld.idx.msk [tilespmem:v56+s7+$0x0], $0xffff;
	v25 =	vbroadcast v25, $0xF;
	v62 =	vmul.f32 v60, v59  }
0x342: {  	v50 =	vshll.u32 v55, $0x3;
	v47 =	vmax.f32 v47, $0.0e+00;
	v63 =	vmax.f32 v40, $0.0e+00  }
0x343: {  	v48 =	vld.idx.msk [tilespmem:v58+s7+$0x0], $0xffff;
	v40 =	vadd.s32 v0, v46;
	v46 =	vmul.f32 v63, v47;
	v47 =	vadd.f32 v62, v25  }
0x344: {  	v56 =	vor.u32 $0x1, v50  }
0x345: {  	v52 =	vor.u32 $0x2, v50;
	v47 =	vsub.f32 v47, v46  }
0x346: {  	v60 =	vmax.f32 v49, v27;
	v57 =	vor.u32 $0x3, v50;
	v58 =	vsub.f32 v61, v49  }
0x347: {  	v49 =	vmax.f32 v51, v29;
	v61 =	vmin.f32 v61, v44;
	(erf) = vrcp.f32 v47  }
0x348: {  	v59 =	vsub.f32 v48, v51;
	v48 =	vmin.f32 v48, v45;
	v51 =	vsub.f32 v61, v60;
	v50 =	vld.idx.msk [tilespmem:v50+s7+$0x0], $0xffff  }
0x349: {  	s31 =	simm.s32 $0x30;
	v41 =	vimm.s32 $0x0;
	v38 =	vimm.f32 $-1.000000000e+00;
	v48 =	vsub.f32 v48, v49;
	v49 =	vld.idx.msk [tilespmem:v56+s7+$0x0], $0xffff  }
0x34a: {  	v60 =	vor.u32 s31, v39;
	v62 =	vmul.f32 v59, v58;
	v63 =	vmax.f32 v51, $0.0e+00;
	v51 =	vld.idx.msk [tilespmem:v52+s7+$0x0], $0xffff  }
0x34b: {  	v42 =	vadd.s32 v0, v43;
	v53 =	vshll.u32 v60, $0x3;
	v52 =	vld.idx.msk [tilespmem:v57+s7+$0x0], $0xffff;
	v48 =	vmax.f32 v48, $0.0e+00  }
0x34c: {  	v54 =	vor.u32 $0x1, v53;
	v48 =	vmul.f32 v48, v63;
	v56 =	vadd.f32 v62, v25  }
0x34d: {  	s8 =	simm.s32 $0x40;
	v43 =	vadd.s32 v0, v55;
	v55 =	vor.u32 $0x2, v53;
	v47 =	vadd.s32 v0, v60  }
.LBB2_29:
0x34e: {  	p0 =	sne.s32 s8, $0x4E0;
	v57 =	vor.u32 $0x3, v53;
	v2 =	vsub.f32 v56, v48;
	v58 =	vmovc v43;
	v43 =	vmov v47  }
0x34f: {  	v47 =	vsub.f32 v51, v50;
	v59 =	vmax.f32 v50, v27  }
0x350: {  	v60 =	vsub.f32 v52, v49;
	v50 =	vld.idx.msk [tilespmem:v53+s7+$0x0], $0xffff;
	v53 =	vmax.f32 v49, v29;
	(erf) = vrcp.f32 v2;
	v56 =	vpop (erf)  }
0x351: {  	v52 =	vmin.f32 v52, v45;
	v49 =	vld.idx.msk [tilespmem:v54+s7+$0x0], $0xffff;
	v54 =	vmin.f32 v51, v44;
	v56 =	vmul.f32 v56, v46  }
.Ltmp14:
0x352: {  	v61 =	vor.u32 s8, v39;
	v46 =	vmovc v48;
	v51 =	vld.idx.msk [tilespmem:v55+s7+$0x0], $0xffff;
	v54 =	vsub.f32 v54, v59;
	v55 =	vsub.f32 v52, v53;
	(pc) =	sbr.rel @p0 .LBB2_29-.Ltmp14, $4  }
0x353: {  	v47 =	vmul.f32 v60, v47;
	v53 =	vshll.u32 v61, $0x3;
	v52 =	vld.idx.msk [tilespmem:v57+s7+$0x0], $0xffff;
	vm4 =	vgt.f32 v56, v38  }
0x354: {  	v48 =	vmax.f32 v54, $0.0e+00;
	v55 =	vmax.f32 v55, $0.0e+00;
	v38 =	vsel vm4, v56, v38  }
0x355: {  	v54 =	vor.u32 $0x1, v53;
	v56 =	vadd.f32 v47, v25;
	v48 =	vmul.f32 v55, v48  }
0x356: {  	s8 =	sadd.s32 $0x10, s8;
	v47 =	vadd.s32 v0, v61;
	v41 =	vsel vm4, v42, v41;
	v42 =	vmovc v40;
	v40 =	vmovc v58;
	v55 =	vor.u32 $0x2, v53  }
0x357: {  	_ =	sdelay $0x1  }
0x358: {  	v39 =	vor.u32 $0x3, v53;
	_ =	sdelay $0x1  }
0x359: {  	v53 =	vld.idx.msk [tilespmem:v53+s7+$0x0], $0xffff  }
0x35a: {  	v54 =	vld.idx.msk [tilespmem:v54+s7+$0x0], $0xffff  }
0x35b: {  	v55 =	vld.idx.msk [tilespmem:v55+s7+$0x0], $0xffff  }
0x35c: {  	v57 =	vsub.f32 v51, v50;
	v62 =	vmax.f32 v50, v27;
	v63 =	vmin.f32 v51, v44;
	v39 =	vld.idx.msk [tilespmem:v39+s7+$0x0], $0xffff  }
0x35d: {  	v58 =	vsub.f32 v52, v49;
	v50 =	vsub.f32 v63, v62  }
0x35e: {  	v51 =	vsub.f32 v56, v48;
	v60 =	vmax.f32 v49, v29;
	v61 =	vmin.f32 v52, v45  }
0x35f: {  	v49 =	vsub.f32 v61, v60;
	v62 =	vmul.f32 v58, v57;
	v50 =	vmax.f32 v50, $0.0e+00  }
0x360: {  	v63 =	vsub.f32 v55, v53;
	v27 =	vmax.f32 v53, v27;
	v29 =	vmax.f32 v54, v29  }
0x361: {  	v59 =	vmin.f32 v55, v44;
	v58 =	vsub.f32 v39, v54;
	v39 =	vmin.f32 v39, v45  }
0x362: {  	v60 =	vmax.f32 v49, $0.0e+00;
	v27 =	vsub.f32 v59, v27;
	v29 =	vsub.f32 v39, v29  }
0x363: {  	v61 =	vmul.f32 v60, v50;
	v62 =	vadd.f32 v62, v25;
	v63 =	vmul.f32 v58, v63  }
0x364: {  	(erf) = vrcp.f32 v51;
	v27 =	vmax.f32 v27, $0.0e+00;
	v29 =	vmax.f32 v29, $0.0e+00  }
0x365: {  	v39 =	vsub.f32 v62, v61;
	v27 =	vmul.f32 v29, v27;
	v25 =	vadd.f32 v63, v25  }
0x366: {  	vm4 =	vmmov $0x7fff  }
0x367: {  	s7 =	simm.s32 $0x0;
	(erf) = vrcp.f32 v39;
	v39 =	vlaneseq.u32;
	v25 =	vsub.f32 v25, v27  }
0x368: {  	v17 =	vsel vm4, $0xFF800000, v17;
	v29 =	vor.u32 s7, v39  }
0x369: {  	s8 =	simm.s32 $0x10;
	(xrf0) =	vmax.scan.msk.f32 $0xffff, v17;
	v49 =	vshll.u32 v29, $0x3;
	(erf) = vrcp.f32 v25  }
0x36a: {  	v16 =	vsel vm4, $0xFF800000, v16;
	v44 =	vor.u32 s8, v39;
	v17 =	vor.u32 $0x1, v49  }
0x36b: {  	(xrf0) =	vmax.scan.msk.f32 $0xffff, v16;
	v56 =	vshll.u32 v44, $0x3;
	v25 =	vpop (erf)  }
0x36c: {  	v14 =	vsel vm4, $0xFF800000, v14;
	v16 =	vor.u32 $0x2, v49;
	v25 =	vmul.f32 v25, v46  }
0x36d: {  	(xrf0) =	vmax.scan.msk.f32 $0xffff, v14;
	v14 =	vor.u32 $0x3, v49;
	v50 =	vpop (erf)  }
0x36e: {  	v13 =	vsel vm4, $0xFF800000, v13;
	v52 =	vld.idx.msk [tilespmem:v49+s7+$0x0], $0xffff;
	v46 =	vmul.f32 v50, v48;
	vm5 =	vgt.f32 v25, v38  }
0x36f: {  	(xrf0) =	vmax.scan.msk.f32 $0xffff, v13;
	v59 =	vor.u32 $0x1, v56;
	v54 =	vld.idx.msk [tilespmem:v17+s7+$0x0], $0xffff;
	v17, _, _ =	vpop (xrf0);
	v25 =	vsel vm5, v25, v38  }
0x370: {  	v62 =	vor.u32 $0x3, v56;
	v45 =	vld.idx.msk [tilespmem:v56+s7+$0x0], $0xffff;
	v51 =	vpop (erf);
	vm6 =	vgt.f32 v46, v25  }
0x371: {  	v13 =	vsel vm4, $0xFF800000, v15;
	v55 =	vld.idx.msk [tilespmem:v16+s7+$0x0], $0xffff;
	v57, _, _ =	vpop (xrf0);
	v15 =	vmul.f32 v51, v61;
	v25 =	vsel vm6, v46, v25  }
0x372: {  	v60 =	vor.u32 $0x2, v56;
	v58 =	vld.idx.msk [tilespmem:v14+s7+$0x0], $0xffff;
	v16 =	vbroadcast v17, $0xF;
	v17 =	vbroadcast v57, $0xF;
	v53 =	vpop (erf)  }
0x373: {  	(xrf0) =	vmax.scan.msk.f32 $0xffff, v13;
	v13 =	vsel vm5, v42, v41;
	vm5 =	vgt.f32 v15, v25;
	v27 =	vmul.f32 v53, v27  }
0x374: {  	v49 =	vld.idx.msk [tilespmem:v59+s7+$0x0], $0xffff;
	v38 =	vmax.f32 v52, v16;
	v13 =	vsel vm6, v40, v13;
	v15 =	vsel vm5, v15, v25;
	v25, _, _ =	vpop (xrf0)  }
0x375: {  	v59 =	vld.idx.msk [tilespmem:v62+s7+$0x0], $0xffff;
	v62 =	vmax.f32 v45, v16;
	v14 =	vsel vm5, v43, v13;
	vm5 =	vgt.f32 v27, v15;
	v61, _, _ =	vpop (xrf0)  }
0x376: {  	v25 =	vbroadcast v25, $0xF;
	v13 =	vsel vm5, v27, v15;
	v27 =	vbroadcast v61, $0xF  }
0x377: {  	s30 =	simm.s32 $0x20;
	v63 =	vsub.f32 v55, v52;
	v56 =	vsub.f32 v58, v54;
	v42 =	vmax.f32 v54, v17  }
0x378: {  	v57 =	vld.idx.msk [tilespmem:v60+s7+$0x0], $0xffff;
	v52 =	vor.u32 s30, v39;
	v41 =	vmin.f32 v55, v25;
	v48 =	vmin.f32 v58, v27  }
0x379: {  	v50 =	vshll.u32 v52, $0x3;
	v15, _, _ =	vpop (xrf0);
	v38 =	vsub.f32 v41, v38;
	v58 =	vsub.f32 v48, v42  }
0x37a: {  	v43 =	vadd.s32 v0, v29;
	v46 =	vmul.f32 v56, v63;
	v15 =	vbroadcast v15, $0xF  }
0x37b: {  	v53 =	vor.u32 $0x1, v50;
	v29 =	vmax.f32 v38, $0.0e+00;
	v61 =	vmax.f32 v58, $0.0e+00  }
0x37c: {  	v63 =	vmax.f32 v49, v17;
	v38 =	vadd.f32 v46, v15;
	v29 =	vmul.f32 v61, v29  }
0x37d: {  	v55 =	vsub.f32 v57, v45;
	v45 =	vsub.f32 v59, v49;
	v60 =	vmin.f32 v57, v25  }
0x37e: {  	v49 =	vsub.f32 v60, v62;
	v46 =	vor.u32 $0x2, v50;
	v62 =	vsub.f32 v38, v29  }
0x37f: {  	v54 =	vor.u32 $0x3, v50  }
0x380: {  	v48 =	vmin.f32 v59, v27;
	(erf) = vrcp.f32 v62  }
0x381: {  	v14 =	vsel vm5, v47, v14;
	v47 =	vld.idx.msk [tilespmem:v50+s7+$0x0], $0xffff;
	v48 =	vsub.f32 v48, v63  }
0x382: {  	s31 =	simm.s32 $0x30;
	v40 =	vimm.f32 $-1.000000000e+00;
	v45 =	vmul.f32 v45, v55;
	v38 =	vld.idx.msk [tilespmem:v53+s7+$0x0], $0xffff  }
0x383: {  	v49 =	vmax.f32 v49, $0.0e+00;
	v61 =	vor.u32 s31, v39;
	v63 =	vmax.f32 v48, $0.0e+00;
	v48 =	vld.idx.msk [tilespmem:v46+s7+$0x0], $0xffff  }
0x384: {  	v41 =	vadd.s32 v0, v44;
	v50 =	vshll.u32 v61, $0x3;
	v46 =	vmul.f32 v63, v49;
	v49 =	vld.idx.msk [tilespmem:v54+s7+$0x0], $0xffff  }
0x385: {  	v44 =	vadd.s32 v0, v52;
	v51 =	vor.u32 $0x1, v50;
	v53 =	vadd.f32 v45, v15  }
0x386: {  	s8 =	simm.s32 $0x40;
	v42 =	vimm.s32 $0x0;
	v52 =	vor.u32 $0x2, v50;
	v45 =	vadd.s32 v0, v61  }
.LBB2_31:
0x387: {  	p0 =	sne.s32 s8, $0x4E0;
	v54 =	vor.u32 $0x3, v50;
	v2 =	vsub.f32 v53, v46;
	v55 =	vmovc v44;
	v44 =	vmov v45  }
0x388: {  	v45 =	vsub.f32 v48, v47;
	v56 =	vmax.f32 v47, v16  }
0x389: {  	v57 =	vsub.f32 v49, v38;
	v47 =	vld.idx.msk [tilespmem:v50+s7+$0x0], $0xffff;
	v50 =	vmax.f32 v38, v17;
	(erf) = vrcp.f32 v2;
	v53 =	vpop (erf)  }
0x38a: {  	v49 =	vmin.f32 v49, v27;
	v38 =	vld.idx.msk [tilespmem:v51+s7+$0x0], $0xffff;
	v51 =	vmin.f32 v48, v25;
	v53 =	vmul.f32 v53, v29  }
.Ltmp15:
0x38b: {  	v58 =	vor.u32 s8, v39;
	v29 =	vmovc v46;
	v48 =	vld.idx.msk [tilespmem:v52+s7+$0x0], $0xffff;
	v51 =	vsub.f32 v51, v56;
	v52 =	vsub.f32 v49, v50;
	(pc) =	sbr.rel @p0 .LBB2_31-.Ltmp15, $4  }
0x38c: {  	v45 =	vmul.f32 v57, v45;
	v50 =	vshll.u32 v58, $0x3;
	v49 =	vld.idx.msk [tilespmem:v54+s7+$0x0], $0xffff;
	vm5 =	vgt.f32 v53, v40  }
0x38d: {  	v46 =	vmax.f32 v51, $0.0e+00;
	v52 =	vmax.f32 v52, $0.0e+00;
	v40 =	vsel vm5, v53, v40  }
0x38e: {  	v51 =	vor.u32 $0x1, v50;
	v53 =	vadd.f32 v45, v15;
	v46 =	vmul.f32 v52, v46  }
0x38f: {  	s8 =	sadd.s32 $0x10, s8;
	v45 =	vadd.s32 v0, v58;
	v42 =	vsel vm5, v43, v42;
	v43 =	vmovc v41;
	v41 =	vmovc v55;
	v52 =	vor.u32 $0x2, v50  }
0x390: {  	_ =	sdelay $0x1  }
0x391: {  	v39 =	vor.u32 $0x3, v50;
	_ =	sdelay $0x1  }
0x392: {  	v50 =	vld.idx.msk [tilespmem:v50+s7+$0x0], $0xffff  }
0x393: {  	v51 =	vld.idx.msk [tilespmem:v51+s7+$0x0], $0xffff  }
0x394: {  	v52 =	vld.idx.msk [tilespmem:v52+s7+$0x0], $0xffff;
	v54 =	vsub.f32 v48, v47;
	v57 =	vmax.f32 v47, v16  }
0x395: {  	v58 =	vmin.f32 v48, v25;
	v59 =	vsub.f32 v53, v46;
	v60 =	vmax.f32 v38, v17;
	v39 =	vld.idx.msk [tilespmem:v39+s7+$0x0], $0xffff  }
0x396: {  	v55 =	vsub.f32 v49, v38;
	v47 =	vsub.f32 v58, v57;
	v61 =	vmin.f32 v49, v27  }
0x397: {  	v38 =	vsub.f32 v61, v60  }
0x398: {  	(erf) = vrcp.f32 v59;
	v62 =	vmul.f32 v55, v54;
	v47 =	vmax.f32 v47, $0.0e+00  }
0x399: {  	v63 =	vsub.f32 v52, v50;
	v16 =	vmax.f32 v50, v16;
	v17 =	vmax.f32 v51, v17  }
0x39a: {  	v25 =	vmin.f32 v52, v25;
	v55 =	vsub.f32 v39, v51;
	v27 =	vmin.f32 v39, v27  }
0x39b: {  	v38 =	vmax.f32 v38, $0.0e+00;
	v16 =	vsub.f32 v25, v16;
	v17 =	vsub.f32 v27, v17  }
0x39c: {  	v25 =	vmul.f32 v38, v47;
	v27 =	vadd.f32 v62, v15;
	v56 =	vmul.f32 v55, v63  }
0x39d: {  	v16 =	vmax.f32 v16, $0.0e+00;
	v17 =	vmax.f32 v17, $0.0e+00  }
0x39e: {  	v27 =	vsub.f32 v27, v25;
	v57 =	vmul.f32 v17, v16;
	v15 =	vadd.f32 v56, v15  }
0x39f: {  	v11 =	vmul.f32 $5.000000000e-01, v11  }
0x3a0: {  	(erf) = vrcp.f32 v27;
	v15 =	vsub.f32 v15, v57  }
0x3a1: {  	v12 =	vmul.f32 $5.000000000e-01, v12;
	v17 =	vsub.f32 v9, v11  }
0x3a2: {  	s7 =	simm.s32 $0x0;
	v16 =	vadd.f32 v11, v9;
	v11 =	vlaneseq.u32;
	(erf) = vrcp.f32 v15  }
0x3a3: {  	v38 =	vsub.f32 v10, v12;
	v9 =	vpop (erf);
	v48 =	vor.u32 s7, v11;
	v15 =	vadd.f32 v12, v10  }
0x3a4: {  	v9 =	vmul.f32 v9, v29;
	v27 =	vnsel vm0, $0xFF800000, v17;
	v29 =	vshll.u32 v48, $0x3  }
0x3a5: {  	s8 =	simm.s32 $0x10;
	v59 =	vpop (erf);
	(xrf0) =	vmax.scan.msk.f32 $0xffff, v27;
	v27 =	vnsel vm0, $0xFF800000, v38;
	v10 =	vsub.f32 v16, v17;
	v12 =	vsub.f32 v15, v38  }
0x3a6: {  	v49 =	vor.u32 s8, v11;
	v60 =	vor.u32 $0x3, v29;
	(xrf0) =	vmax.scan.msk.f32 $0xffff, v27;
	v27 =	vmul.f32 v59, v46  }
0x3a7: {  	v39 =	vmul.f32 v12, v10;
	v10 =	vnsel vm0, $0xFF800000, v16;
	v12 =	vor.u32 $0x2, v29  }
0x3a8: {  	vm5 =	vgt.f32 v9, v40;
	v58 =	vor.u32 $0x1, v29;
	(xrf0) =	vmax.scan.msk.f32 $0xffff, v10;
	v10 =	vnsel vm0, $0xFF800000, v15  }
0x3a9: {  	v56 =	vshll.u32 v49, $0x3;
	v9 =	vsel vm5, v9, v40;
	v61 =	vpop (erf);
	(xrf0) =	vmax.scan.msk.f32 $0xffff, v10  }
0x3aa: {  	vm6 =	vgt.f32 v27, v9;
	v62 =	vld.idx.msk [tilespmem:v29+s7+$0x0], $0xffff;
	v10 =	vnsel vm0, $0xFF800000, v39;
	v25 =	vmul.f32 v61, v25  }
0x3ab: {  	v9 =	vsel vm6, v27, v9;
	v46 =	vld.idx.msk [tilespmem:v60+s7+$0x0], $0xffff;
	v60 =	vor.u32 $0x3, v56;
	(xrf0) =	vmax.scan.msk.f32 $0xffff, v10;
	v27 =	vpop (erf)  }
0x3ac: {  	v29, _, _ =	vpop (xrf0);
	v10 =	vsel vm5, v43, v42;
	vm5 =	vgt.f32 v25, v9;
	v63 =	vld.idx.msk [tilespmem:v12+s7+$0x0], $0xffff;
	v27 =	vmul.f32 v27, v57  }
0x3ad: {  	v42 =	vld.idx.msk [tilespmem:v58+s7+$0x0], $0xffff;
	v58 =	vor.u32 $0x2, v56;
	v10 =	vsel vm6, v41, v10;
	v12, _, _ =	vpop (xrf0);
	v9 =	vsel vm5, v25, v9  }
0x3ae: {  	v57 =	vor.u32 $0x1, v56;
	v10 =	vsel vm5, v44, v10;
	v25, _, _ =	vpop (xrf0);
	vm5 =	vgt.f32 v27, v9  }
0x3af: {  	v59, _, _ =	vpop (xrf0);
	v41 =	vbroadcast v25, $0xF;
	v9 =	vsel vm5, v27, v9;
	v27 =	vbroadcast v29, $0xF  }
0x3b0: {  	v10 =	vsel vm5, v45, v10;
	v29 =	vbroadcast v12, $0xF;
	v45 =	vbroadcast v59, $0xF  }
0x3b1: {  	v47 =	vld.idx.msk [tilespmem:v56+s7+$0x0], $0xffff;
	v61 =	vsub.f32 v63, v62;
	v43 =	vmin.f32 v63, v41;
	v40 =	vmax.f32 v62, v27  }
0x3b2: {  	v52 =	vld.idx.msk [tilespmem:v60+s7+$0x0], $0xffff;
	v62 =	vsub.f32 v46, v42;
	v42 =	vmax.f32 v42, v29;
	v46 =	vmin.f32 v46, v45  }
0x3b3: {  	v44 =	vld.idx.msk [tilespmem:v58+s7+$0x0], $0xffff;
	v12, _, _ =	vpop (xrf0);
	v40 =	vsub.f32 v43, v40;
	v46 =	vsub.f32 v46, v42  }
0x3b4: {  	s30 =	simm.s32 $0x20;
	v25 =	vbroadcast v12, $0xF;
	v50 =	vld.idx.msk [tilespmem:v57+s7+$0x0], $0xffff;
	v51 =	vmul.f32 v62, v61  }
0x3b5: {  	v54 =	vor.u32 s30, v11;
	v60 =	vmax.f32 v40, $0.0e+00;
	v46 =	vmax.f32 v46, $0.0e+00  }
0x3b6: {  	v63 =	vshll.u32 v54, $0x3;
	v46 =	vmul.f32 v46, v60;
	v51 =	vadd.f32 v51, v25  }
0x3b7: {  	s31 =	simm.s32 $0x30;
	v61 =	vor.u32 $0x1, v63  }
0x3b8: {  	v59 =	vor.u32 s31, v11;
	v62 =	vor.u32 $0x2, v63;
	v51 =	vsub.f32 v51, v46  }
0x3b9: {  	v56 =	vor.u32 $0x3, v63;
	v57 =	vsub.f32 v44, v47;
	v58 =	vsub.f32 v52, v50  }
0x3ba: {  	v50 =	vmax.f32 v50, v29;
	v52 =	vmin.f32 v52, v45;
	(erf) = vrcp.f32 v51  }
0x3bb: {  	v47 =	vmax.f32 v47, v27;
	v44 =	vmin.f32 v44, v41;
	v52 =	vsub.f32 v52, v50;
	v50 =	vld.idx.msk [tilespmem:v63+s7+$0x0], $0xffff  }
0x3bc: {  	v12 =	vimm.f32 $-1.000000000e+00;
	v40 =	vadd.s32 v0, v49;
	v47 =	vsub.f32 v44, v47;
	v49 =	vld.idx.msk [tilespmem:v61+s7+$0x0], $0xffff  }
0x3bd: {  	v53 =	vshll.u32 v59, $0x3;
	v43 =	vadd.s32 v0, v48;
	v57 =	vmul.f32 v58, v57;
	v51 =	vld.idx.msk [tilespmem:v62+s7+$0x0], $0xffff  }
0x3be: {  	v44 =	vadd.s32 v0, v54;
	v47 =	vmax.f32 v47, $0.0e+00;
	v63 =	vmax.f32 v52, $0.0e+00;
	v52 =	vld.idx.msk [tilespmem:v56+s7+$0x0], $0xffff  }
0x3bf: {  	v54 =	vor.u32 $0x1, v53;
	v48 =	vmul.f32 v63, v47;
	v56 =	vadd.f32 v57, v25  }
0x3c0: {  	s8 =	simm.s32 $0x40;
	v55 =	vor.u32 $0x2, v53;
	v42 =	vimm.s32 $0x0;
	v47 =	vadd.s32 v0, v59  }
.LBB2_33:
0x3c1: {  	p0 =	sne.s32 s8, $0x4E0;
	v57 =	vor.u32 $0x3, v53;
	v2 =	vsub.f32 v56, v48;
	v58 =	vmovc v44;
	v44 =	vmov v47  }
0x3c2: {  	v47 =	vsub.f32 v51, v50;
	v59 =	vmax.f32 v50, v27  }
0x3c3: {  	v60 =	vsub.f32 v52, v49;
	v50 =	vld.idx.msk [tilespmem:v53+s7+$0x0], $0xffff;
	v53 =	vmax.f32 v49, v29;
	(erf) = vrcp.f32 v2;
	v56 =	vpop (erf)  }
0x3c4: {  	v52 =	vmin.f32 v52, v45;
	v49 =	vld.idx.msk [tilespmem:v54+s7+$0x0], $0xffff;
	v54 =	vmin.f32 v51, v41;
	v56 =	vmul.f32 v56, v46  }
.Ltmp16:
0x3c5: {  	v61 =	vor.u32 s8, v11;
	v46 =	vmovc v48;
	v51 =	vld.idx.msk [tilespmem:v55+s7+$0x0], $0xffff;
	v54 =	vsub.f32 v54, v59;
	v55 =	vsub.f32 v52, v53;
	(pc) =	sbr.rel @p0 .LBB2_33-.Ltmp16, $4  }
0x3c6: {  	v47 =	vmul.f32 v60, v47;
	v53 =	vshll.u32 v61, $0x3;
	v52 =	vld.idx.msk [tilespmem:v57+s7+$0x0], $0xffff;
	vm5 =	vgt.f32 v56, v12  }
0x3c7: {  	v48 =	vmax.f32 v54, $0.0e+00;
	v55 =	vmax.f32 v55, $0.0e+00;
	v12 =	vsel vm5, v56, v12  }
0x3c8: {  	v54 =	vor.u32 $0x1, v53;
	v56 =	vadd.f32 v47, v25;
	v48 =	vmul.f32 v55, v48  }
0x3c9: {  	s8 =	sadd.s32 $0x10, s8;
	v47 =	vadd.s32 v0, v61;
	v42 =	vsel vm5, v43, v42;
	v43 =	vmovc v40;
	v40 =	vmovc v58;
	v55 =	vor.u32 $0x2, v53  }
0x3ca: {  	_ =	sdelay $0x1  }
0x3cb: {  	v11 =	vor.u32 $0x3, v53;
	_ =	sdelay $0x1  }
0x3cc: {  	v53 =	vld.idx.msk [tilespmem:v53+s7+$0x0], $0xffff  }
0x3cd: {  	v54 =	vld.idx.msk [tilespmem:v54+s7+$0x0], $0xffff  }
0x3ce: {  	v55 =	vld.idx.msk [tilespmem:v55+s7+$0x0], $0xffff  }
0x3cf: {  	v57 =	vsub.f32 v51, v50;
	v62 =	vmax.f32 v50, v27;
	v63 =	vmin.f32 v51, v41;
	v11 =	vld.idx.msk [tilespmem:v11+s7+$0x0], $0xffff  }
0x3d0: {  	v58 =	vsub.f32 v52, v49;
	v50 =	vsub.f32 v63, v62  }
0x3d1: {  	v51 =	vsub.f32 v56, v48;
	v59 =	vmax.f32 v49, v29;
	v60 =	vmin.f32 v52, v45  }
0x3d2: {  	v49 =	vsub.f32 v60, v59;
	v61 =	vmul.f32 v58, v57;
	v50 =	vmax.f32 v50, $0.0e+00  }
0x3d3: {  	v62 =	vsub.f32 v55, v53;
	v27 =	vmax.f32 v53, v27;
	v29 =	vmax.f32 v54, v29  }
0x3d4: {  	v55 =	vmin.f32 v55, v41;
	v63 =	vsub.f32 v11, v54;
	v11 =	vmin.f32 v11, v45  }
0x3d5: {  	v57 =	vmax.f32 v49, $0.0e+00;
	v27 =	vsub.f32 v55, v27;
	v11 =	vsub.f32 v11, v29  }
0x3d6: {  	v58 =	vadd.f32 v61, v25;
	v29 =	vmul.f32 v57, v50;
	v59 =	vmul.f32 v63, v62  }
0x3d7: {  	(erf) = vrcp.f32 v51;
	v27 =	vmax.f32 v27, $0.0e+00;
	v11 =	vmax.f32 v11, $0.0e+00  }
0x3d8: {  	v41 =	vsub.f32 v58, v29;
	v11 =	vmul.f32 v11, v27;
	v25 =	vadd.f32 v59, v25;
	_ =	sdelay $0x1  }
0x3d9: {  	(erf) = vrcp.f32 v41;
	v25 =	vsub.f32 v25, v11;
	_ =	sdelay $0x1  }
0x3da: {  	s7 =	simm.s32 $0x0;
	v41 =	vlaneseq.u32;
	(erf) = vrcp.f32 v25  }
0x3db: {  	v45 =	vor.u32 s7, v41  }
0x3dc: {  	v60 =	vshll.u32 v45, $0x3;
	v25 =	vpop (erf)  }
0x3dd: {  	v27 =	vsel vm2, $0xFF800000, v17;
	v63 =	vor.u32 $0x2, v60;
	v25 =	vmul.f32 v25, v46  }
0x3de: {  	(xrf0) =	vmax.scan.msk.f32 $0xffff, v27;
	v27 =	vsel vm2, $0xFF800000, v38;
	v55 =	vor.u32 $0x3, v60  }
0x3df: {  	(xrf0) =	vmax.scan.msk.f32 $0xffff, v27;
	v27 =	vsel vm2, $0xFF800000, v16;
	v61 =	vor.u32 $0x1, v60;
	v62 =	vpop (erf)  }
0x3e0: {  	(xrf0) =	vmax.scan.msk.f32 $0xffff, v27;
	v27 =	vsel vm2, $0xFF800000, v15;
	v54 =	vmul.f32 v62, v48;
	vm5 =	vgt.f32 v25, v12  }
0x3e1: {  	s8 =	simm.s32 $0x10;
	(xrf0) =	vmax.scan.msk.f32 $0xffff, v27;
	v27 =	vsel vm2, $0xFF800000, v39;
	v46 =	vld.idx.msk [tilespmem:v60+s7+$0x0], $0xffff;
	v12 =	vsel vm5, v25, v12;
	v25 =	vpop (erf)  }
0x3e2: {  	v48 =	vor.u32 s8, v41;
	v49 =	vld.idx.msk [tilespmem:v63+s7+$0x0], $0xffff;
	vm2 =	vgt.f32 v54, v12;
	v25 =	vmul.f32 v25, v29  }
0x3e3: {  	(xrf0) =	vmax.scan.msk.f32 $0xffff, v27;
	v57 =	vshll.u32 v48, $0x3;
	v50 =	vld.idx.msk [tilespmem:v55+s7+$0x0], $0xffff;
	v27 =	vsel vm5, v43, v42;
	v12 =	vsel vm2, v54, v12;
	v29 =	vpop (erf)  }
0x3e4: {  	v56, _, _ =	vpop (xrf0);
	v42 =	vld.idx.msk [tilespmem:v61+s7+$0x0], $0xffff;
	v58 =	vor.u32 $0x1, v57;
	vm5 =	vgt.f32 v25, v12;
	v11 =	vmul.f32 v29, v11  }
0x3e5: {  	v59 =	vor.u32 $0x2, v57;
	v27 =	vsel vm2, v40, v27;
	v29, _, _ =	vpop (xrf0);
	v12 =	vsel vm5, v25, v12  }
0x3e6: {  	v63 =	vor.u32 $0x3, v57;
	v40 =	vsel vm5, v44, v27;
	v25, _, _ =	vpop (xrf0);
	vm2 =	vgt.f32 v11, v12  }
0x3e7: {  	v27 =	vbroadcast v56, $0xF;
	v29 =	vbroadcast v29, $0xF;
	v62, _, _ =	vpop (xrf0);
	v11 =	vsel vm2, v11, v12  }
0x3e8: {  	v12 =	vsel vm2, v47, v40;
	v43 =	vbroadcast v25, $0xF;
	v47 =	vbroadcast v62, $0xF  }
0x3e9: {  	v60 =	vsub.f32 v49, v46;
	v61 =	vsub.f32 v50, v42;
	v46 =	vmax.f32 v46, v27  }
0x3ea: {  	v42 =	vmax.f32 v42, v29;
	v49 =	vmin.f32 v49, v43;
	v50 =	vmin.f32 v50, v47  }
0x3eb: {  	s30 =	simm.s32 $0x20;
	v51 =	vld.idx.msk [tilespmem:v57+s7+$0x0], $0xffff;
	v25, _, _ =	vpop (xrf0);
	v46 =	vsub.f32 v49, v46;
	v42 =	vsub.f32 v50, v42  }
0x3ec: {  	v57 =	vor.u32 s30, v41;
	v56 =	vld.idx.msk [tilespmem:v59+s7+$0x0], $0xffff;
	v53 =	vmul.f32 v61, v60;
	v25 =	vbroadcast v25, $0xF  }
0x3ed: {  	v52 =	vld.idx.msk [tilespmem:v58+s7+$0x0], $0xffff;
	v50 =	vshll.u32 v57, $0x3;
	v46 =	vmax.f32 v46, $0.0e+00;
	v62 =	vmax.f32 v42, $0.0e+00  }
0x3ee: {  	v49 =	vld.idx.msk [tilespmem:v63+s7+$0x0], $0xffff;
	v53 =	vadd.f32 v53, v25;
	v42 =	vadd.s32 v0, v48;
	v48 =	vmul.f32 v62, v46  }
0x3ef: {  	v58 =	vor.u32 $0x1, v50  }
0x3f0: {  	s31 =	simm.s32 $0x30;
	v54 =	vor.u32 $0x2, v50;
	v53 =	vsub.f32 v53, v48  }
0x3f1: {  	v2 =	vor.u32 s31, v41;
	v60 =	vsub.f32 v56, v51;
	v59 =	vor.u32 $0x3, v50  }
0x3f2: {  	v63 =	vmax.f32 v52, v29;
	v56 =	vmin.f32 v56, v43;
	(erf) = vrcp.f32 v53  }
0x3f3: {  	v46 =	vmax.f32 v51, v27;
	v61 =	vsub.f32 v49, v52;
	v49 =	vmin.f32 v49, v47;
	v52 =	vld.idx.msk [tilespmem:v50+s7+$0x0], $0xffff  }
0x3f4: {  	v45 =	vadd.s32 v0, v45;
	v56 =	vsub.f32 v56, v46;
	v49 =	vsub.f32 v49, v63;
	v51 =	vld.idx.msk [tilespmem:v58+s7+$0x0], $0xffff  }
0x3f5: {  	v55 =	vshll.u32 v2, $0x3;
	v44 =	vimm.s32 $0x0;
	v62 =	vmul.f32 v61, v60;
	v53 =	vld.idx.msk [tilespmem:v54+s7+$0x0], $0xffff  }
0x3f6: {  	v40 =	vimm.f32 $-1.000000000e+00;
	v63 =	vmax.f32 v56, $0.0e+00;
	v49 =	vmax.f32 v49, $0.0e+00;
	v54 =	vld.idx.msk [tilespmem:v59+s7+$0x0], $0xffff  }
0x3f7: {  	v56 =	vor.u32 $0x1, v55;
	v50 =	vmul.f32 v49, v63;
	v58 =	vadd.f32 v62, v25  }
0x3f8: {  	s8 =	simm.s32 $0x40;
	v46 =	vadd.s32 v0, v57;
	v57 =	vor.u32 $0x2, v55;
	v49 =	vadd.s32 v0, v2  }
.LBB2_35:
0x3f9: {  	p0 =	sne.s32 s8, $0x4E0;
	v2 =	vor.u32 $0x3, v55;
	v4 =	vsub.f32 v58, v50;
	v59 =	vmovc v46;
	v46 =	vmov v49  }
0x3fa: {  	v49 =	vsub.f32 v53, v52;
	v60 =	vmax.f32 v52, v27  }
0x3fb: {  	v61 =	vsub.f32 v54, v51;
	v52 =	vld.idx.msk [tilespmem:v55+s7+$0x0], $0xffff;
	v55 =	vmax.f32 v51, v29;
	(erf) = vrcp.f32 v4;
	v58 =	vpop (erf)  }
0x3fc: {  	v54 =	vmin.f32 v54, v47;
	v51 =	vld.idx.msk [tilespmem:v56+s7+$0x0], $0xffff;
	v56 =	vmin.f32 v53, v43;
	v58 =	vmul.f32 v58, v48  }
.Ltmp17:
0x3fd: {  	v4 =	vor.u32 s8, v41;
	v48 =	vmovc v50;
	v53 =	vld.idx.msk [tilespmem:v57+s7+$0x0], $0xffff;
	v56 =	vsub.f32 v56, v60;
	v57 =	vsub.f32 v54, v55;
	(pc) =	sbr.rel @p0 .LBB2_35-.Ltmp17, $4  }
0x3fe: {  	v55 =	vshll.u32 v4, $0x3;
	v54 =	vld.idx.msk [tilespmem:v2+s7+$0x0], $0xffff;
	v2 =	vmul.f32 v61, v49;
	vm2 =	vgt.f32 v58, v40  }
0x3ff: {  	v49 =	vmax.f32 v56, $0.0e+00;
	v50 =	vmax.f32 v57, $0.0e+00;
	v40 =	vsel vm2, v58, v40  }
0x400: {  	v56 =	vor.u32 $0x1, v55;
	v50 =	vmul.f32 v50, v49;
	v58 =	vadd.f32 v2, v25  }
0x401: {  	s8 =	sadd.s32 $0x10, s8;
	v57 =	vor.u32 $0x2, v55;
	v44 =	vsel vm2, v45, v44;
	v45 =	vmovc v42;
	v42 =	vmovc v59;
	v49 =	vadd.s32 v0, v4  }
0x402: {  	_ =	sdelay $0x1  }
0x403: {  	v2 =	vor.u32 $0x3, v55;
	_ =	sdelay $0x1  }
0x404: {  	v4 =	vld.idx.msk [tilespmem:v55+s7+$0x0], $0xffff  }
0x405: {  	v55 =	vld.idx.msk [tilespmem:v57+s7+$0x0], $0xffff  }
0x406: {  	v41 =	vld.idx.msk [tilespmem:v56+s7+$0x0], $0xffff;
	v56 =	vsub.f32 v53, v52;
	v61 =	vmax.f32 v52, v27;
	v62 =	vmin.f32 v53, v43  }
0x407: {  	v59 =	vmax.f32 v51, v29;
	v63 =	vsub.f32 v54, v51;
	v60 =	vmin.f32 v54, v47;
	v2 =	vld.idx.msk [tilespmem:v2+s7+$0x0], $0xffff  }
0x408: {  	v52 =	vsub.f32 v62, v61;
	v51 =	vsub.f32 v60, v59  }
0x409: {  	v53 =	vsub.f32 v58, v50;
	v61 =	vmul.f32 v63, v56  }
0x40a: {  	v52 =	vmax.f32 v52, $0.0e+00;
	v51 =	vmax.f32 v51, $0.0e+00;
	v62 =	vsub.f32 v55, v4  }
0x40b: {  	v4 =	vmax.f32 v4, v27;
	v29 =	vmax.f32 v41, v29;
	v63 =	vmin.f32 v55, v43  }
0x40c: {  	v55 =	vadd.f32 v61, v25;
	v27 =	vsub.f32 v2, v41;
	v2 =	vmin.f32 v2, v47  }
0x40d: {  	v4 =	vsub.f32 v63, v4;
	v2 =	vsub.f32 v2, v29;
	v29 =	vmul.f32 v51, v52  }
0x40e: {  	(erf) = vrcp.f32 v53;
	v27 =	vmul.f32 v27, v62  }
0x40f: {  	v4 =	vmax.f32 v4, $0.0e+00;
	v2 =	vmax.f32 v2, $0.0e+00;
	v41 =	vsub.f32 v55, v29  }
0x410: {  	v2 =	vmul.f32 v2, v4;
	v4 =	vadd.f32 v27, v25  }
0x411: {  	(erf) = vrcp.f32 v41  }
0x412: {  	s7 =	simm.s32 $0x0;
	v43 =	vlaneseq.u32;
	v25 =	vsel vm3, $0xFF800000, v17;
	v4 =	vsub.f32 v4, v2  }
0x413: {  	v47 =	vor.u32 s7, v43;
	(xrf0) =	vmax.scan.msk.f32 $0xffff, v25  }
0x414: {  	v27 =	vshll.u32 v47, $0x3;
	v25 =	vsel vm3, $0xFF800000, v38;
	(erf) = vrcp.f32 v4  }
0x415: {  	v57 =	vor.u32 $0x1, v27;
	(xrf0) =	vmax.scan.msk.f32 $0xffff, v25;
	v25 =	vsel vm3, $0xFF800000, v16  }
0x416: {  	v59 =	vor.u32 $0x2, v27;
	(xrf0) =	vmax.scan.msk.f32 $0xffff, v25;
	v4 =	vpop (erf)  }
0x417: {  	v4 =	vmul.f32 v4, v48  }
0x418: {  	v60 =	vor.u32 $0x3, v27;
	v25 =	vsel vm3, $0xFF800000, v15;
	v58 =	vpop (erf)  }
0x419: {  	s8 =	simm.s32 $0x10;
	(xrf0) =	vmax.scan.msk.f32 $0xffff, v25;
	v25 =	vsel vm3, $0xFF800000, v39;
	v52 =	vld.idx.msk [tilespmem:v27+s7+$0x0], $0xffff;
	v62, _, _ =	vpop (xrf0);
	v48 =	vmul.f32 v58, v50;
	vm2 =	vgt.f32 v4, v40  }
0x41a: {  	v53 =	vor.u32 s8, v43;
	(xrf0) =	vmax.scan.msk.f32 $0xffff, v25;
	v4 =	vsel vm2, v4, v40;
	v61 =	vpop (erf);
	v25 =	vsel vm2, v45, v44;
	v44 =	vld.idx.msk [tilespmem:v57+s7+$0x0], $0xffff  }
0x41b: {  	v63 =	vshll.u32 v53, $0x3;
	v45 =	vld.idx.msk [tilespmem:v59+s7+$0x0], $0xffff;
	v57, _, _ =	vpop (xrf0);
	vm3 =	vgt.f32 v48, v4;
	v29 =	vmul.f32 v61, v29  }
0x41c: {  	v58 =	vor.u32 $0x1, v63;
	v59, _, _ =	vpop (xrf0);
	v4 =	vsel vm3, v48, v4  }
0x41d: {  	v50 =	vld.idx.msk [tilespmem:v60+s7+$0x0], $0xffff;
	v60 =	vor.u32 $0x2, v63;
	v25 =	vsel vm3, v42, v25;
	v27 =	vpop (erf);
	vm2 =	vgt.f32 v29, v4  }
0x41e: {  	v48 =	vbroadcast v59, $0xF;
	v2 =	vmul.f32 v27, v2;
	v4 =	vsel vm2, v29, v4  }
0x41f: {  	v25 =	vsel vm2, v46, v25;
	v27 =	vbroadcast v62, $0xF;
	v29 =	vbroadcast v57, $0xF  }
0x420: {  	v61, _, _ =	vpop (xrf0);
	v62 =	vsub.f32 v45, v52;
	v45 =	vmin.f32 v45, v48;
	vm2 =	vgt.f32 v2, v4  }
0x421: {  	v40 =	vsel vm2, v2, v4;
	v41 =	vsel vm2, v49, v25;
	v4, _, _ =	vpop (xrf0);
	v49 =	vbroadcast v61, $0xF  }
0x422: {  	v52 =	vmax.f32 v52, v27;
	v2 =	vor.u32 $0x3, v63;
	v25 =	vbroadcast v4, $0xF  }
0x423: {  	v4 =	vld.idx.msk [tilespmem:v63+s7+$0x0], $0xffff;
	v63 =	vsub.f32 v50, v44;
	v44 =	vmax.f32 v44, v29;
	v50 =	vmin.f32 v50, v49  }
0x424: {  	s30 =	simm.s32 $0x20;
	v54 =	vld.idx.msk [tilespmem:v58+s7+$0x0], $0xffff;
	v52 =	vsub.f32 v45, v52;
	v44 =	vsub.f32 v50, v44  }
0x425: {  	v56 =	vld.idx.msk [tilespmem:v60+s7+$0x0], $0xffff;
	v57 =	vor.u32 s30, v43;
	v60 =	vmul.f32 v63, v62  }
0x426: {  	v58 =	vshll.u32 v57, $0x3;
	v61 =	vmax.f32 v52, $0.0e+00;
	v62 =	vmax.f32 v44, $0.0e+00  }
0x427: {  	v55 =	vor.u32 $0x2, v58;
	v2 =	vld.idx.msk [tilespmem:v2+s7+$0x0], $0xffff;
	v51 =	vadd.f32 v60, v25;
	v50 =	vmul.f32 v62, v61  }
0x428: {  	v59 =	vor.u32 $0x3, v58  }
0x429: {  	v46 =	vadd.s32 v0, v47;
	v51 =	vsub.f32 v51, v50  }
0x42a: {  	v47 =	vmax.f32 v54, v29;
	v52 =	vor.u32 $0x1, v58;
	v63 =	vmin.f32 v56, v48  }
0x42b: {  	v60 =	vsub.f32 v56, v4;
	v4 =	vmax.f32 v4, v27;
	(erf) = vrcp.f32 v51  }
0x42c: {  	v55 =	vld.idx.msk [tilespmem:v55+s7+$0x0], $0xffff;
	v4 =	vsub.f32 v63, v4;
	v61 =	vsub.f32 v2, v54;
	v2 =	vmin.f32 v2, v49  }
0x42d: {  	s31 =	simm.s32 $0x30;
	v42 =	vimm.f32 $-1.000000000e+00;
	v44 =	vadd.s32 v0, v53;
	v56 =	vld.idx.msk [tilespmem:v59+s7+$0x0], $0xffff;
	v2 =	vsub.f32 v2, v47  }
0x42e: {  	v62 =	vor.u32 s31, v43;
	v4 =	vmax.f32 v4, $0.0e+00;
	v54 =	vld.idx.msk [tilespmem:v58+s7+$0x0], $0xffff;
	v60 =	vmul.f32 v61, v60  }
0x42f: {  	v53 =	vld.idx.msk [tilespmem:v52+s7+$0x0], $0xffff;
	v47 =	vadd.s32 v0, v57;
	v57 =	vshll.u32 v62, $0x3;
	v2 =	vmax.f32 v2, $0.0e+00  }
0x430: {  	v58 =	vor.u32 $0x1, v57;
	v52 =	vmul.f32 v2, v4;
	v60 =	vadd.f32 v60, v25  }
0x431: {  	s8 =	simm.s32 $0x40;
	v45 =	vimm.s32 $0x0;
	v51 =	vadd.s32 v0, v62;
	v59 =	vor.u32 $0x2, v57  }
.LBB2_37:
0x432: {  	p0 =	sne.s32 s8, $0x4E0;
	v2 =	vor.u32 $0x3, v57;
	v63 =	vsub.f32 v60, v52;
	v61 =	vmovc v47;
	v47 =	vmov v51  }
0x433: {  	v51 =	vsub.f32 v55, v54;
	v60 =	vmax.f32 v54, v27  }
0x434: {  	v62 =	vsub.f32 v56, v53;
	v54 =	vld.idx.msk [tilespmem:v57+s7+$0x0], $0xffff;
	v57 =	vmax.f32 v53, v29;
	(erf) = vrcp.f32 v63;
	v4 =	vpop (erf)  }
0x435: {  	v56 =	vmin.f32 v56, v49;
	v53 =	vld.idx.msk [tilespmem:v58+s7+$0x0], $0xffff;
	v58 =	vmin.f32 v55, v48;
	v4 =	vmul.f32 v4, v50  }
.Ltmp18:
0x436: {  	v63 =	vor.u32 s8, v43;
	v50 =	vmovc v52;
	v55 =	vld.idx.msk [tilespmem:v59+s7+$0x0], $0xffff;
	v58 =	vsub.f32 v58, v60;
	v59 =	vsub.f32 v56, v57;
	(pc) =	sbr.rel @p0 .LBB2_37-.Ltmp18, $4  }
0x437: {  	v57 =	vshll.u32 v63, $0x3;
	v56 =	vld.idx.msk [tilespmem:v2+s7+$0x0], $0xffff;
	v2 =	vmul.f32 v62, v51;
	vm2 =	vgt.f32 v4, v42  }
0x438: {  	v51 =	vmax.f32 v58, $0.0e+00;
	v52 =	vmax.f32 v59, $0.0e+00;
	v42 =	vsel vm2, v4, v42  }
0x439: {  	v58 =	vor.u32 $0x1, v57;
	v52 =	vmul.f32 v52, v51;
	v60 =	vadd.f32 v2, v25  }
0x43a: {  	s8 =	sadd.s32 $0x10, s8;
	v59 =	vor.u32 $0x2, v57;
	v45 =	vsel vm2, v46, v45;
	v46 =	vmovc v44;
	v44 =	vmovc v61;
	v51 =	vadd.s32 v0, v63  }
0x43b: {  	_ =	sdelay $0x2  }
0x43c: {  	v2 =	vor.u32 $0x3, v57  }
0x43d: {  	v4 =	vld.idx.msk [tilespmem:v57+s7+$0x0], $0xffff  }
0x43e: {  	v43 =	vld.idx.msk [tilespmem:v58+s7+$0x0], $0xffff  }
0x43f: {  	v57 =	vld.idx.msk [tilespmem:v59+s7+$0x0], $0xffff;
	v58 =	vsub.f32 v55, v54  }
0x440: {  	v61 =	vmax.f32 v54, v27;
	v62 =	vmin.f32 v55, v48;
	v63 =	vsub.f32 v56, v53  }
0x441: {  	v54 =	vsub.f32 v62, v61;
	v61 =	vmax.f32 v53, v29;
	v62 =	vmin.f32 v56, v49;
	v2 =	vld.idx.msk [tilespmem:v2+s7+$0x0], $0xffff  }
0x442: {  	v53 =	vsub.f32 v62, v61  }
0x443: {  	v55 =	vsub.f32 v60, v52;
	v63 =	vmul.f32 v63, v58  }
0x444: {  	v54 =	vmax.f32 v54, $0.0e+00;
	v62 =	vmax.f32 v53, $0.0e+00;
	v60 =	vsub.f32 v57, v4  }
0x445: {  	v4 =	vmax.f32 v4, v27;
	v29 =	vmax.f32 v43, v29;
	v61 =	vmin.f32 v57, v48  }
0x446: {  	v63 =	vadd.f32 v63, v25;
	v27 =	vsub.f32 v2, v43;
	v2 =	vmin.f32 v2, v49  }
0x447: {  	v4 =	vsub.f32 v61, v4;
	v2 =	vsub.f32 v2, v29;
	v29 =	vmul.f32 v62, v54  }
0x448: {  	v17 =	vsel vm1, $0xFF800000, v17;
	(erf) = vrcp.f32 v55;
	v27 =	vmul.f32 v27, v60  }
0x449: {  	(xrf0) =	vmax.scan.msk.f32 $0xffff, v17;
	v4 =	vmax.f32 v4, $0.0e+00;
	v2 =	vmax.f32 v2, $0.0e+00;
	v43 =	vsub.f32 v63, v29  }
0x44a: {  	v17 =	vsel vm1, $0xFF800000, v38;
	v2 =	vmul.f32 v2, v4;
	v4 =	vadd.f32 v27, v25  }
0x44b: {  	(xrf0) =	vmax.scan.msk.f32 $0xffff, v17;
	(erf) = vrcp.f32 v43  }
0x44c: {  	v16 =	vsel vm1, $0xFF800000, v16;
	v4 =	vsub.f32 v4, v2  }
0x44d: {  	(xrf0) =	vmax.scan.msk.f32 $0xffff, v16;
	s7 =	simm.s32 $0x0;
	v60 =	vlaneseq.u32  }
0x44e: {  	v15 =	vsel vm1, $0xFF800000, v15;
	v25 =	vor.u32 s7, v60  }
0x44f: {  	(xrf0) =	vmax.scan.msk.f32 $0xffff, v15;
	v53, _, _ =	vpop (xrf0);
	v27 =	vshll.u32 v25, $0x3;
	(erf) = vrcp.f32 v4  }
0x450: {  	v48 =	vor.u32 $0x1, v27;
	v4 =	vpop (erf)  }
0x451: {  	v55, _, _ =	vpop (xrf0);
	v17 =	vor.u32 $0x2, v27;
	v4 =	vmul.f32 v4, v50  }
0x452: {  	v49 =	vpop (erf)  }
0x453: {  	v57, _, _ =	vpop (xrf0);
	v16 =	vor.u32 $0x3, v27;
	v43 =	vmul.f32 v49, v52;
	vm2 =	vgt.f32 v4, v42  }
0x454: {  	v27 =	vld.idx.msk [tilespmem:v27+s7+$0x0], $0xffff;
	v4 =	vsel vm2, v4, v42;
	v50 =	vpop (erf)  }
0x455: {  	v15 =	vsel vm1, $0xFF800000, v39;
	v59, _, _ =	vpop (xrf0);
	v38 =	vld.idx.msk [tilespmem:v48+s7+$0x0], $0xffff;
	vm3 =	vgt.f32 v43, v4;
	v29 =	vmul.f32 v50, v29  }
0x456: {  	s8 =	simm.s32 $0x10;
	(xrf0) =	vmax.scan.msk.f32 $0xffff, v15;
	v17 =	vld.idx.msk [tilespmem:v17+s7+$0x0], $0xffff;
	v48 =	vbroadcast v59, $0xF;
	v15 =	vsel vm2, v46, v45;
	v4 =	vsel vm3, v43, v4  }
0x457: {  	v42 =	vor.u32 s8, v60;
	v45 =	vbroadcast v53, $0xF;
	vm2 =	vgt.f32 v29, v4  }
0x458: {  	v46 =	vbroadcast v55, $0xF;
	v54 =	vshll.u32 v42, $0x3;
	v52 =	vpop (erf);
	v4 =	vsel vm2, v29, v4;
	v29 =	vld.idx.msk [tilespmem:v16+s7+$0x0], $0xffff  }
0x459: {  	v15 =	vsel vm3, v44, v15;
	v56 =	vor.u32 $0x1, v54;
	v2 =	vmul.f32 v52, v2  }
0x45a: {  	v58 =	vor.u32 $0x2, v54;
	v16 =	vsel vm2, v47, v15;
	v47 =	vbroadcast v57, $0xF  }
0x45b: {  	v61 =	vsub.f32 v17, v27;
	v27 =	vmax.f32 v27, v45;
	vm2 =	vgt.f32 v2, v4  }
0x45c: {  	v17 =	vmin.f32 v17, v47;
	v15 =	vsel vm2, v2, v4;
	v2 =	vor.u32 $0x3, v54  }
0x45d: {  	s30 =	simm.s32 $0x20;
	v62 =	vsub.f32 v29, v38;
	v38 =	vmax.f32 v38, v46;
	v29 =	vmin.f32 v29, v48  }
0x45e: {  	v53 =	vor.u32 s30, v60;
	v4, _, _ =	vpop (xrf0);
	v63 =	vld.idx.msk [tilespmem:v56+s7+$0x0], $0xffff;
	v27 =	vsub.f32 v17, v27;
	v29 =	vsub.f32 v29, v38  }
0x45f: {  	v16 =	vsel vm2, v51, v16;
	v50 =	vld.idx.msk [tilespmem:v58+s7+$0x0], $0xffff;
	v44 =	vbroadcast v4, $0xF;
	v51 =	vmul.f32 v62, v61  }
0x460: {  	v4 =	vld.idx.msk [tilespmem:v54+s7+$0x0], $0xffff;
	v27 =	vmax.f32 v27, $0.0e+00;
	v38 =	vadd.s32 v0, v25;
	v29 =	vmax.f32 v29, $0.0e+00  }
0x461: {  	v25 =	vshll.u32 v53, $0x3;
	v2 =	vld.idx.msk [tilespmem:v2+s7+$0x0], $0xffff;
	v49 =	vmul.f32 v29, v27;
	v27 =	vadd.f32 v51, v44  }
0x462: {  	v54 =	vor.u32 $0x1, v25  }
0x463: {  	v39 =	vadd.s32 v0, v42;
	v29 =	vor.u32 $0x2, v25;
	v27 =	vsub.f32 v27, v49  }
0x464: {  	v42 =	vadd.s32 v0, v53;
	v55 =	vor.u32 $0x3, v25;
	v59 =	vmax.f32 v63, v46  }
0x465: {  	v51 =	vsub.f32 v50, v4;
	v4 =	vmax.f32 v4, v45;
	(erf) = vrcp.f32 v27  }
0x466: {  	v50 =	vmin.f32 v50, v47;
	v53 =	vld.idx.msk [tilespmem:v25+s7+$0x0], $0xffff;
	v57 =	vsub.f32 v2, v63;
	v2 =	vmin.f32 v2, v48  }
0x467: {  	s31 =	simm.s32 $0x30;
	v4 =	vsub.f32 v50, v4;
	v52 =	vld.idx.msk [tilespmem:v54+s7+$0x0], $0xffff;
	v2 =	vsub.f32 v2, v59  }
0x468: {  	v43 =	vimm.f32 $-1.000000000e+00;
	v61 =	vor.u32 s31, v60;
	v54 =	vld.idx.msk [tilespmem:v29+s7+$0x0], $0xffff;
	v25 =	vmul.f32 v57, v51  }
0x469: {  	v56 =	vshll.u32 v61, $0x3;
	v4 =	vmax.f32 v4, $0.0e+00;
	v55 =	vld.idx.msk [tilespmem:v55+s7+$0x0], $0xffff;
	v2 =	vmax.f32 v2, $0.0e+00  }
0x46a: {  	v58 =	vor.u32 $0x1, v56;
	v51 =	vmul.f32 v2, v4;
	v59 =	vadd.f32 v25, v44  }
0x46b: {  	s8 =	simm.s32 $0x40;
	v17 =	vimm.s32 $0x0;
	v50 =	vadd.s32 v0, v61;
	v57 =	vor.u32 $0x2, v56  }
.LBB2_39:
0x46c: {  	p0 =	sne.s32 s8, $0x4E0;
	v2 =	vor.u32 $0x3, v56;
	v59 =	vsub.f32 v59, v51;
	v25 =	vmovc v42;
	v42 =	vmov v50  }
0x46d: {  	v27 =	vsub.f32 v54, v53;
	v29 =	vmax.f32 v53, v45  }
0x46e: {  	v50 =	vsub.f32 v55, v52;
	v53 =	vld.idx.msk [tilespmem:v56+s7+$0x0], $0xffff;
	v56 =	vmax.f32 v52, v46;
	(erf) = vrcp.f32 v59;
	v4 =	vpop (erf)  }
0x46f: {  	v55 =	vmin.f32 v55, v48;
	v52 =	vld.idx.msk [tilespmem:v58+s7+$0x0], $0xffff;
	v58 =	vmin.f32 v54, v47;
	v4 =	vmul.f32 v4, v49  }
.Ltmp19:
0x470: {  	v61 =	vor.u32 s8, v60;
	v49 =	vmovc v51;
	v54 =	vld.idx.msk [tilespmem:v57+s7+$0x0], $0xffff;
	v29 =	vsub.f32 v58, v29;
	v57 =	vsub.f32 v55, v56;
	(pc) =	sbr.rel @p0 .LBB2_39-.Ltmp19, $4  }
0x471: {  	v56 =	vshll.u32 v61, $0x3;
	v55 =	vld.idx.msk [tilespmem:v2+s7+$0x0], $0xffff;
	v2 =	vmul.f32 v50, v27;
	vm2 =	vgt.f32 v4, v43  }
0x472: {  	v27 =	vmax.f32 v29, $0.0e+00;
	v29 =	vmax.f32 v57, $0.0e+00;
	v43 =	vsel vm2, v4, v43  }
0x473: {  	v58 =	vor.u32 $0x1, v56;
	v51 =	vmul.f32 v29, v27;
	v59 =	vadd.f32 v2, v44  }
0x474: {  	s8 =	sadd.s32 $0x10, s8;
	v50 =	vadd.s32 v0, v61;
	v57 =	vor.u32 $0x2, v56;
	v17 =	vsel vm2, v38, v17;
	v38 =	vmovc v39;
	v39 =	vmovc v25  }
0x475: {  	(xrf0) =	vmax.scan.msk.f32 $0xffff, v1;
	_ =	sdelay $0x3  }
0x476: {  	v25 =	vld [tilespmem:$0x1FFF0];
	_ =	sdelay $0x1  }
0x477: {  	v0, _, _ =	vpop (xrf0)  }
0x478: {  	v0 =	vbroadcast v0, $0xF;
	_ =	sdelay $0x1  }
0x479: {  	vm2 =	veq.f32 v1, v0;
	v1 =	vxor.u32 $0x80000000, v25  }
0x47a: {  	v1 =	vnsel vm2, $0xC0000000, v1  }
0x47b: {  	(xrf0) =	vmin.scan.msk.u32 $0xffff, v1  }
0x47c: {  	(xrf0) =	vmax.scan.msk.f32 $0xffff, v3;
	_ =	sdelay $0x3  }
0x47d: {  	v2 =	vld [tilespmem:$0x1FFE0]  }
0x47e: {  	v60, _, _ =	vpop (xrf0)  }
0x47f: {  	v27, _, _ =	vpop (xrf0)  }
0x480: {  	v1 =	vbroadcast v27, $0xF;
	_ =	sdelay $0x1  }
0x481: {  	v2 =	vxor.u32 $0x80000000, v2;
	vm9 =	veq.f32 v3, v1  }
0x482: {  	v2 =	vnsel vm9, $0xC0000000, v2  }
0x483: {  	(xrf0) =	vmin.scan.msk.u32 $0xffff, v2  }
0x484: {  	(xrf0) =	vmax.scan.msk.f32 $0xffff, v5;
	_ =	sdelay $0x3  }
0x485: {  	v62 =	vld [tilespmem:$0x1FFD0]  }
0x486: {  	v61, _, _ =	vpop (xrf0)  }
0x487: {  	v29, _, _ =	vpop (xrf0)  }
0x488: {  	v2 =	vbroadcast v29, $0xF;
	_ =	sdelay $0x1  }
0x489: {  	v3 =	vxor.u32 $0x80000000, v62;
	vm10 =	veq.f32 v5, v2  }
0x48a: {  	v3 =	vnsel vm10, $0xC0000000, v3  }
0x48b: {  	(xrf0) =	vmin.scan.msk.u32 $0xffff, v3  }
0x48c: {  	(xrf0) =	vmax.scan.msk.f32 $0xffff, v7;
	_ =	sdelay $0x3  }
0x48d: {  	v4 =	vld [tilespmem:$0x1FFC0]  }
0x48e: {  	v62, _, _ =	vpop (xrf0)  }
0x48f: {  	v63, _, _ =	vpop (xrf0)  }
0x490: {  	v3 =	vbroadcast v63, $0xF;
	_ =	sdelay $0x1  }
0x491: {  	v4 =	vxor.u32 $0x80000000, v4;
	vm11 =	veq.f32 v7, v3  }
0x492: {  	v4 =	vnsel vm11, $0xC0000000, v4  }
0x493: {  	(xrf0) =	vmin.scan.msk.u32 $0xffff, v4  }
0x494: {  	(xrf0) =	vmax.scan.msk.f32 $0xffff, v18;
	_ =	sdelay $0x3  }
0x495: {  	v27 =	vld [tilespmem:$0x1FFB0]  }
0x496: {  	v63, _, _ =	vpop (xrf0)  }
0x497: {  	v25, _, _ =	vpop (xrf0)  }
0x498: {  	v4 =	vbroadcast v25, $0xF;
	_ =	sdelay $0x1  }
0x499: {  	v5 =	vxor.u32 $0x80000000, v27;
	vm12 =	veq.f32 v18, v4  }
0x49a: {  	v5 =	vnsel vm12, $0xC0000000, v5  }
0x49b: {  	(xrf0) =	vmin.scan.msk.u32 $0xffff, v5  }
0x49c: {  	(xrf0) =	vmax.scan.msk.f32 $0xffff, v20;
	_ =	sdelay $0x4  }
0x49d: {  	v25, _, _ =	vpop (xrf0)  }
0x49e: {  	v29, _, _ =	vpop (xrf0)  }
0x49f: {  	v5 =	vbroadcast v29, $0xF;
	_ =	sdelay $0x1  }
0x4a0: {  	v6 =	vxor.u32 $0x80000000, v6;
	vm13 =	veq.f32 v20, v5  }
0x4a1: {  	v6 =	vnsel vm13, $0xC0000000, v6  }
0x4a2: {  	(xrf0) =	vmin.scan.msk.u32 $0xffff, v6  }
0x4a3: {  	(xrf0) =	vmax.scan.msk.f32 $0xffff, v22;
	_ =	sdelay $0x4  }
0x4a4: {  	v27, _, _ =	vpop (xrf0)  }
0x4a5: {  	v18, _, _ =	vpop (xrf0)  }
0x4a6: {  	v6 =	vbroadcast v18, $0xF;
	_ =	sdelay $0x1  }
0x4a7: {  	v20 =	vxor.u32 $0x80000000, v21;
	vm14 =	veq.f32 v22, v6  }
0x4a8: {  	v7 =	vnsel vm14, $0xC0000000, v20  }
0x4a9: {  	(xrf0) =	vmin.scan.msk.u32 $0xffff, v7  }
0x4aa: {  	(xrf0) =	vmax.scan.msk.f32 $0xffff, v24;
	_ =	sdelay $0x4  }
0x4ab: {  	v29, _, _ =	vpop (xrf0)  }
0x4ac: {  	v21, _, _ =	vpop (xrf0)  }
0x4ad: {  	v21 =	vbroadcast v21, $0xF;
	_ =	sdelay $0x1  }
0x4ae: {  	v22 =	vxor.u32 $0x80000000, v23;
	vm15 =	veq.f32 v24, v21  }
0x4af: {  	v7 =	vnsel vm15, $0xC0000000, v22  }
0x4b0: {  	(xrf0) =	vmin.scan.msk.u32 $0xffff, v7  }
0x4b1: {  	(xrf0) =	vmax.scan.msk.f32 $0xffff, v26;
	_ =	sdelay $0x4  }
0x4b2: {  	v24, _, _ =	vpop (xrf0)  }
0x4b3: {  	v23, _, _ =	vpop (xrf0)  }
0x4b4: {  	v22 =	vbroadcast v23, $0xF;
	_ =	sdelay $0x1  }
0x4b5: {  	vm5 =	veq.f32 v26, v22;
	v26 =	vxor.u32 $0x80000000, v19  }
0x4b6: {  	v7 =	vnsel vm5, $0xC0000000, v26  }
0x4b7: {  	(xrf0) =	vmin.scan.msk.u32 $0xffff, v7  }
0x4b8: {  	(xrf0) =	vmax.scan.msk.f32 $0xffff, v28;
	_ =	sdelay $0x4  }
0x4b9: {  	v26, _, _ =	vpop (xrf0)  }
0x4ba: {  	v18, _, _ =	vpop (xrf0)  }
0x4bb: {  	v23 =	vbroadcast v18, $0xF;
	_ =	sdelay $0x1  }
0x4bc: {  	v19 =	vxor.u32 $0x80000000, v8;
	vm6 =	veq.f32 v28, v23  }
0x4bd: {  	v7 =	vnsel vm6, $0xC0000000, v19  }
0x4be: {  	(xrf0) =	vmin.scan.msk.u32 $0xffff, v7  }
0x4bf: {  	(xrf0) =	vmax.scan.msk.f32 $0xffff, v30;
	_ =	sdelay $0x4  }
0x4c0: {  	v28, _, _ =	vpop (xrf0)  }
0x4c1: {  	v20, _, _ =	vpop (xrf0)  }
0x4c2: {  	v7 =	vbroadcast v20, $0xF;
	_ =	sdelay $0x1  }
0x4c3: {  	vm7 =	veq.f32 v30, v7;
	v30 =	vxor.u32 $0x80000000, v31  }
0x4c4: {  	v8 =	vnsel vm7, $0xC0000000, v30  }
0x4c5: {  	(xrf0) =	vmin.scan.msk.u32 $0xffff, v8  }
0x4c6: {  	(xrf0) =	vmax.scan.msk.f32 $0xffff, v32;
	_ =	sdelay $0x4  }
0x4c7: {  	v30, _, _ =	vpop (xrf0)  }
0x4c8: {  	v31, _, _ =	vpop (xrf0)  }
0x4c9: {  	v8 =	vbroadcast v31, $0xF;
	_ =	sdelay $0x1  }
0x4ca: {  	vm8 =	veq.f32 v32, v8;
	v32 =	vxor.u32 $0x80000000, v33  }
0x4cb: {  	v18 =	vnsel vm8, $0xC0000000, v32  }
0x4cc: {  	(xrf0) =	vmin.scan.msk.u32 $0xffff, v18  }
0x4cd: {  	(xrf0) =	vmax.scan.msk.f32 $0xffff, v34;
	_ =	sdelay $0x4  }
0x4ce: {  	v31, _, _ =	vpop (xrf0)  }
0x4cf: {  	v33, _, _ =	vpop (xrf0)  }
0x4d0: {  	v18 =	vbroadcast v33, $0xF;
	_ =	sdelay $0x1  }
0x4d1: {  	vm9 =	veq.f32 v34, v18;
	v34 =	vxor.u32 $0x80000000, v35  }
0x4d2: {  	v19 =	vnsel vm9, $0xC0000000, v34  }
0x4d3: {  	(xrf0) =	vmin.scan.msk.u32 $0xffff, v19  }
0x4d4: {  	(xrf0) =	vmax.scan.msk.f32 $0xffff, v36;
	_ =	sdelay $0x4  }
0x4d5: {  	v32, _, _ =	vpop (xrf0)  }
0x4d6: {  	v35, _, _ =	vpop (xrf0)  }
0x4d7: {  	v19 =	vbroadcast v35, $0xF;
	_ =	sdelay $0x1  }
0x4d8: {  	v33 =	vxor.u32 $0x80000000, v37;
	vm10 =	veq.f32 v36, v19  }
0x4d9: {  	v20 =	vnsel vm10, $0xC0000000, v33  }
0x4da: {  	(xrf0) =	vmin.scan.msk.u32 $0xffff, v20  }
0x4db: {  	(xrf0) =	vmax.scan.msk.f32 $0xffff, v13;
	_ =	sdelay $0x4  }
0x4dc: {  	v33, _, _ =	vpop (xrf0)  }
0x4dd: {  	v34, _, _ =	vpop (xrf0)  }
0x4de: {  	v20 =	vbroadcast v34, $0xF;
	_ =	sdelay $0x1  }
0x4df: {  	v35 =	vxor.u32 $0x80000000, v14;
	vm11 =	veq.f32 v13, v20  }
0x4e0: {  	v13 =	vnsel vm11, $0xC0000000, v35  }
0x4e1: {  	(xrf0) =	vmin.scan.msk.u32 $0xffff, v13  }
0x4e2: {  	(xrf0) =	vmax.scan.msk.f32 $0xffff, v9;
	_ =	sdelay $0x4  }
0x4e3: {  	v14, _, _ =	vpop (xrf0)  }
0x4e4: {  	v13, _, _ =	vpop (xrf0)  }
0x4e5: {  	v36 =	vbroadcast v13, $0xF;
	_ =	sdelay $0x1  }
0x4e6: {  	v37 =	vxor.u32 $0x80000000, v10;
	vm12 =	veq.f32 v9, v36  }
0x4e7: {  	v9 =	vnsel vm12, $0xC0000000, v37  }
0x4e8: {  	(xrf0) =	vmin.scan.msk.u32 $0xffff, v9  }
0x4e9: {  	(xrf0) =	vmax.scan.msk.f32 $0xffff, v11;
	_ =	sdelay $0x1  }
0x4ea: {  	v10 =	vor.u32 $0x3, v56;
	_ =	sdelay $0x2  }
0x4eb: {  	v34 =	vld.idx.msk [tilespmem:v56+s7+$0x0], $0xffff;
	v35, _, _ =	vpop (xrf0)  }
0x4ec: {  	v56 =	vld.idx.msk [tilespmem:v57+s7+$0x0], $0xffff;
	v9, _, _ =	vpop (xrf0)  }
0x4ed: {  	v10 =	vld.idx.msk [tilespmem:v10+s7+$0x0], $0xffff;
	v57 =	vmin.f32 v55, v48;
	v9 =	vbroadcast v9, $0xF  }
0x4ee: {  	v36 =	vsub.f32 v54, v53;
	v53 =	vmax.f32 v53, v45;
	v54 =	vmin.f32 v54, v47;
	v37 =	vld.idx.msk [tilespmem:v58+s7+$0x0], $0xffff  }
0x4ef: {  	v53 =	vsub.f32 v54, v53;
	v58 =	vxor.u32 $0x80000000, v12;
	vm13 =	veq.f32 v11, v9  }
0x4f0: {  	v54 =	vsub.f32 v55, v52;
	v52 =	vmax.f32 v52, v46;
	v11 =	vnsel vm13, $0xC0000000, v58  }
0x4f1: {  	v55 =	vmin.f32 v56, v47;
	v12 =	vsub.f32 v57, v52;
	v57 =	vsub.f32 v59, v51;
	(xrf0) =	vmin.scan.msk.u32 $0xffff, v11  }
0x4f2: {  	v59 =	vsub.f32 v56, v34;
	v34 =	vmax.f32 v34, v45;
	v36 =	vmul.f32 v54, v36;
	(xrf0) =	vmax.scan.msk.f32 $0xffff, v40  }
0x4f3: {  	v56 =	vsub.f32 v55, v34;
	v12 =	vmax.f32 v12, $0.0e+00;
	v54 =	vsub.f32 v10, v37  }
0x4f4: {  	v37 =	vmax.f32 v37, v46;
	v10 =	vmin.f32 v10, v48;
	v58 =	vmax.f32 v53, $0.0e+00  }
0x4f5: {  	v36 =	vadd.f32 v36, v44;
	v10 =	vsub.f32 v10, v37;
	v11 =	vmul.f32 v12, v58  }
0x4f6: {  	(v2sf) =	vpush v60, $0xF;
	(erf) = vrcp.f32 v57;
	v57 =	vmul.f32 v54, v59  }
0x4f7: {  	v10 =	vmax.f32 v10, $0.0e+00;
	v12 =	vmax.f32 v56, $0.0e+00;
	v36 =	vsub.f32 v36, v11;
	v58, _, _ =	vpop (xrf0)  }
0x4f8: {  	(v2sf) =	vpush v61, $0xF;
	v34 =	vadd.f32 v57, v44;
	v12 =	vmul.f32 v10, v12;
	v59, _, _ =	vpop (xrf0)  }
0x4f9: {  	(v2sf) =	vpush v62, $0xF;
	(erf) = vrcp.f32 v36;
	v10 =	vbroadcast v59, $0xF  }
0x4fa: {  	(v2sf) =	vpush v63, $0xF;
	v34 =	vsub.f32 v34, v12  }
0x4fb: {  	v61 =	vxor.u32 $0x80000000, v41;
	(v2sf) =	vpush v25, $0xF;
	vm14 =	veq.f32 v40, v10  }
0x4fc: {  	(v2sf) =	vpush v27, $0xF;
	(erf) = vrcp.f32 v34;
	v36 =	vnsel vm14, $0xC0000000, v61  }
0x4fd: {  	(v2sf) =	vpush v29, $0xF;
	(xrf0) =	vmin.scan.msk.u32 $0xffff, v36  }
0x4fe: {  	(v2sf) =	vpush v24, $0xF;
	(xrf0) =	vmax.scan.msk.f32 $0xffff, v15  }
0x4ff: {  	(v2sf) =	vpush v26, $0xF;
	v40 =	vpop (erf)  }
0x500: {  	(v2sf) =	vpush v28, $0xF;
	v41 =	vmul.f32 v40, v49  }
0x501: {  	(v2sf) =	vpush v30, $0xF;
	v44 =	vpop (erf)  }
0x502: {  	(v2sf) =	vpush v31, $0xF;
	v27 =	vmul.f32 v44, v51;
	vm15 =	vgt.f32 v41, v43;
	v46 =	vpop (erf)  }
0x503: {  	(v2sf) =	vpush v32, $0xF;
	v45 =	vsel vm15, v41, v43;
	v47, _, _ =	vpop (xrf0)  }
0x504: {  	(v2sf) =	vpush v33, $0xF;
	v11 =	vmul.f32 v46, v11;
	vm3 =	vgt.f32 v27, v45;
	v48, _, _ =	vpop (xrf0)  }
0x505: {  	(v2sf) =	vpush v14, $0xF;
	v49 =	vpop (erf);
	v24 =	vsel vm3, v27, v45;
	v26 =	vbroadcast v48, $0xF  }
0x506: {  	s16 =	spop (v2sf);
	(v2sf) =	vpush v35, $0xF;
	v12 =	vmul.f32 v49, v12;
	vm5 =	vgt.f32 v11, v24  }
0x507: {  	s17 =	spop (v2sf);
	v51 =	vxor.u32 $0x80000000, v16;
	v11 =	vsel vm5, v11, v24;
	vm6 =	veq.f32 v15, v26  }
0x508: {  	s18 =	spop (v2sf);
	vm7 =	vgt.f32 v12, v11;
	v52 =	vnsel vm6, $0xC0000000, v51  }
0x509: {  	s19 =	spop (v2sf);
	v11 =	vsel vm7, v12, v11;
	(xrf0) =	vmin.scan.msk.u32 $0xffff, v52  }
0x50a: {  	s20 =	spop (v2sf);
	(xrf0) =	vmax.scan.msk.f32 $0xffff, v11  }
0x50b: {  	s21 =	spop (v2sf)  }
0x50c: {  	s15 =	spop (v2sf)  }
0x50d: {  	s9 =	spop (v2sf)  }
0x50e: {  	s12 =	spop (v2sf)  }
0x50f: {  	s13 =	spop (v2sf);
	v53 =	vsel vm15, v38, v17;
	v14, _, _ =	vpop (xrf0)  }
0x510: {  	s10 =	spop (v2sf);
	v12 =	vsel vm3, v39, v53;
	v54, _, _ =	vpop (xrf0)  }
0x511: {  	v0 =	vsel vm0, v0, v1;
	s11 =	spop (v2sf);
	v12 =	vsel vm5, v42, v12;
	v1 =	vbroadcast v54, $0xF  }
0x512: {  	s14 =	spop (v2sf);
	vm5 =	vmmov $0x3;
	v55 =	vsel vm7, v50, v12  }
0x513: {  	s8 =	spop (v2sf);
	v0 =	vsel vm5, v0, v2;
	v2 =	vxor.u32 $0x80000000, v55;
	vm8 =	veq.f32 v11, v1  }
0x514: {  	s26 =	spop (v2sf);
	v2 =	vnsel vm8, $0xC0000000, v2  }
0x515: {  	vm2 =	vcmask $0x704;
	s22 =	spop (v2sf);
	(v2sf) =	vpush v58, $0xF;
	(xrf0) =	vmin.scan.msk.u32 $0xffff, v2  }
0x516: {  	vm9 =	vmmov $0x1f;
	vm10 =	vmmov $0x3f;
	vm11 =	vmmov $0x7f  }
0x517: {  	vm12 =	vmmov $0xff;
	vm13 =	vmmov $0x1ff;
	v58 =	vnsel vm0, $0x0, v9;
	s22 =	sxor.u32 $0x80000000, s22  }
0x518: {  	vm14 =	vmmov $0x3ff;
	v56 =	vmov s22;
	vm6 =	vmmov $0x7  }
0x519: {  	vm15 =	vcmask $0x1310;
	vm7 =	vmmov $0xf;
	v0 =	vsel vm6, v0, v3  }
0x51a: {  	(v2sf) =	vpush v47, $0xF;
	vm3 =	vcmask $0xB08;
	v0 =	vsel vm7, v0, v4  }
0x51b: {  	vm5 =	vcmask $0x300;
	v0 =	vsel vm9, v0, v5;
	(v2sf) =	vpush v14, $0xF;
	v57, _, _ =	vpop (xrf0)  }
0x51c: {  	s16 =	sxor.u32 $0x80000000, s16;
	vm6 =	vcmask $0xF0C;
	v0 =	vsel vm10, v0, v6;
	(v2sf) =	vpush v57, $0xF  }
0x51d: {  	s17 =	sxor.u32 $0x80000000, s17;
	vm10 =	vcmask $0x2F2C;
	v0 =	vsel vm11, v0, v21;
	v2 =	vsel vm5, s16, v56  }
0x51e: {  	s28 =	sxor.u32 $0x80000000, s18;
	vm11 =	vcmask $0x1714;
	v0 =	vsel vm12, v0, v22;
	v2 =	vsel vm2, s17, v2  }
0x51f: {  	s29 =	sxor.u32 $0x80000000, s19;
	vm12 =	vcmask $0x1B18;
	v0 =	vsel vm13, v0, v23;
	v2 =	vsel vm3, s28, v2  }
0x520: {  	s30 =	sxor.u32 $0x80000000, s20;
	v0 =	vsel vm14, v0, v7;
	vm8 =	vmmov $0x7ff;
	v2 =	vsel vm6, s29, v2  }
0x521: {  	s31 =	sxor.u32 $0x80000000, s21;
	vm13 =	vmmov $0xfff;
	v0 =	vsel vm8, v0, v8;
	v2 =	vsel vm15, s30, v2  }
0x522: {  	s15 =	sxor.u32 $0x80000000, s15;
	vm14 =	vcmask $0x1F1C;
	v0 =	vsel vm13, v0, v18;
	v2 =	vsel vm11, s31, v2  }
0x523: {  	s9 =	sxor.u32 $0x80000000, s9;
	vm13 =	vcmask $0x2724;
	vm15 =	vcmask $0x2320;
	v2 =	vsel vm12, s15, v2  }
0x524: {  	s21 =	spop (v2sf);
	vm11 =	vcmask $0x3330;
	vm12 =	vmmov $0x1fff;
	v2 =	vsel vm14, s9, v2  }
0x525: {  	s12 =	sxor.u32 $0x80000000, s12;
	v0 =	vsel vm12, v0, v19;
	vm14 =	vcmask $0x2B28;
	vm12 =	vcmask $0x3734;
	s9 =	sxor.u32 $0x80000000, s21  }
0x526: {  	s18 =	sxor.u32 $0x80000000, s13;
	v2 =	vsel vm15, s12, v2;
	vm15 =	vmmov $0x3fff;
	v59 =	vmov s9  }
0x527: {  	s10 =	sxor.u32 $0x80000000, s10;
	v2 =	vsel vm13, s18, v2;
	v0 =	vsel vm15, v0, v20;
	vm13 =	vcmask $0x310  }
0x528: {  	s19 =	sxor.u32 $0x80000000, s11;
	v4 =	vnsel vm5, $0x0, v59;
	vm15 =	vcmask $0x3B38;
	v2 =	vsel vm14, s10, v2  }
0x529: {  	s20 =	sxor.u32 $0x80000000, s14;
	s22 =	spop (v2sf);
	v3 =	vsel vm13, v58, v10;
	vm14 =	vcmask $0x710;
	v2 =	vsel vm10, s19, v2  }
0x52a: {  	s8 =	sxor.u32 $0x80000000, s8;
	s24 =	sxor.u32 $0x80000000, s22;
	v0 =	vsel vm4, v0, v13;
	s23 =	spop (v2sf);
	v3 =	vsel vm14, v3, v26;
	v2 =	vsel vm11, s20, v2  }
0x52b: {  	s7 =	sxor.u32 $0x80000000, s26;
	v60 =	vsel vm2, s24, v4;
	s9 =	sxor.u32 $0x80000000, s23;
	[tilespmem:$0x2820] =	vst v0;
	v1 =	vsel vm1, v3, v1;
	v2 =	vsel vm12, s8, v2;
	s25 =	spop (v2sf)  }
0x52c: {  	v62 =	vsel vm3, s9, v60;
	[tilespmem:$0x2830] =	vst v1;
	v61 =	vsel vm15, s7, v2;
	s26 =	sxor.u32 $0x80000000, s25  }
0x52d: {  	s28 =	sshll.u32 s6, $0x5;
	[tilespmem:$0x2840] =	vst v61;
	v63 =	vsel vm6, s26, v62  }
0x52e: {  	s29 =	sadd.s32 s28, s5;
	s30 =	simm.s32 $0x2820;
	s7 =	simm.s32 $0x2;
	[tilespmem:$0x2850] =	vst v63  }
0x52f: {  	[spmem:s29] =	stream.linear.scatter [tilespmem:s30], [sflag:$0x2], $0x20, $0x38;
	[tilespmem:$0x30C0] =	vst v63  }
0x530: {  	_ =	swait.ge [sflag:s7], $0x20  }
0x531: {  	[sflag:s7] =	ssyncset.done $0x0  }
0x532: {  	s31 =	simm.s32 $0x2840;
	s8 =	sadd.s32 s28, s4;
	[sflag:s7] =	ssyncadd.s32 $0xFFFFFFE0  }
0x533: {  	[spmem:s8] =	stream.linear.scatter [tilespmem:s31], [sflag:$0x2], $0x20, $0x38;
	[tilespmem:$0x30C0] =	vst v63  }
0x534: {  	_ =	swait.ge [sflag:s7], $0x20  }
0x535: {  	[sflag:s7] =	ssyncset.done $0x0  }
0x536: {  	[sflag:s7] =	ssyncadd.s32 $0xFFFFFFE0  }
0x537: {  	p0 =	sne.s32 s6, $0x0;
	[bflag:$0x0] =	sbarrier.arrive $0xFFFF  }
0x538: {  	_ =	sfence.sel @p0 $0x180000  }
0x539: {  	[bflag:$0x0] =	sbarrier.arrive @p0 $0xFFFF  }
0x53a: {  	_ =	strace @p0 $0x90000047  }
0x53b: {  	[bflag:$0x2] =	sbarrier.arrive @p0 $0xFFFF  }
0x53c: {  	_ =	shalt @p0  }
.LBB2_41:
0x53d: {  	s6 =	simm.s32 $0x28A0  }
0x53e: {  	[tilespmem:s6], [sflag:$0x2] =	stream.linear.gather [spmem:s5], $0x200, $0x38;
	[tilespmem:$0x30C0] =	vst v63  }
0x53f: {  	_ =	swait.ge [sflag:s7], $0x200  }
0x540: {  	[sflag:s7] =	ssyncset.done $0x0  }
0x541: {  	s25 =	simm.s32 $0x2AA0;
	[sflag:s7] =	ssyncadd.s32 $0xFFFFFE00  }
0x542: {  	[tilespmem:s25], [sflag:$0x2] =	stream.linear.gather [spmem:s4], $0x200, $0x38;
	[tilespmem:$0x30C0] =	vst v63  }
0x543: {  	_ =	swait.ge [sflag:s7], $0x200  }
0x544: {  	[sflag:s7] =	ssyncset.done $0x0  }
0x545: {  	[sflag:s7] =	ssyncadd.s32 $0xFFFFFE00  }
0x546: {  	v0 =	vld [tilespmem:$0x28A0]  }
0x547: {  	v1 =	vld [tilespmem:$0x2AA0];
	_ =	sdelay $0x2  }
0x548: {  	v2 =	vld [tilespmem:$0x28C0]  }
0x549: {  	v3 =	vld [tilespmem:$0x2AC0]  }
0x54a: {  	vm0 =	veq.f32 v0, $-2.000000000e+00;
	vm1 =	vlt.s32 v1, $0x0  }
0x54b: {  	vm2 =	vgt.f32 v0, $-2.000000000e+00;
	vm0 =	vmand vm0, vm1  }
0x54c: {  	v4 =	vld [tilespmem:$0x28E0];
	vm0 =	vmor vm2, vm0  }
0x54d: {  	v5 =	vld [tilespmem:$0x2AE0];
	v0 =	vnsel vm0, $0xC0000000, v0;
	v1 =	vnsel vm0, $0x0, v1  }
0x54e: {  	vm15 =	veq.f32 v2, v0;
	vm4 =	vlt.s32 v3, v1  }
0x54f: {  	vm5 =	vgt.f32 v2, v0;
	vm0 =	vmand vm15, vm4  }
0x550: {  	v6 =	vld [tilespmem:$0x2900];
	vm0 =	vmor vm5, vm0  }
0x551: {  	v56 =	vld [tilespmem:$0x2B00];
	v0 =	vsel vm0, v2, v0;
	v1 =	vsel vm0, v3, v1  }
0x552: {  	vm6 =	veq.f32 v4, v0;
	vm7 =	vlt.s32 v5, v1  }
0x553: {  	vm8 =	vgt.f32 v4, v0;
	vm0 =	vmand vm6, vm7  }
0x554: {  	v57 =	vld [tilespmem:$0x2920];
	vm0 =	vmor vm8, vm0  }
0x555: {  	v58 =	vld [tilespmem:$0x2B20];
	v0 =	vsel vm0, v4, v0;
	v1 =	vsel vm0, v5, v1  }
0x556: {  	vm9 =	veq.f32 v6, v0;
	vm10 =	vlt.s32 v56, v1  }
0x557: {  	v59 =	vld [tilespmem:$0x2940];
	vm11 =	vgt.f32 v6, v0;
	vm0 =	vmand vm9, vm10  }
0x558: {  	v7 =	vld [tilespmem:$0x2B40];
	vm0 =	vmor vm11, vm0  }
0x559: {  	v61 =	vld [tilespmem:$0x2AB0];
	v0 =	vsel vm0, v6, v0;
	v1 =	vsel vm0, v56, v1  }
0x55a: {  	v60 =	vld [tilespmem:$0x28B0];
	vm12 =	veq.f32 v57, v0;
	vm13 =	vlt.s32 v58, v1  }
0x55b: {  	vm14 =	vgt.f32 v57, v0;
	vm0 =	vmand vm12, vm13  }
0x55c: {  	v8 =	vld [tilespmem:$0x2960];
	vm0 =	vmor vm14, vm0  }
0x55d: {  	v62 =	vld [tilespmem:$0x28D0];
	v0 =	vsel vm0, v57, v0;
	v1 =	vsel vm0, v58, v1  }
0x55e: {  	v63 =	vld [tilespmem:$0x2AD0];
	vm3 =	vlt.s32 v61, $0x0;
	vm6 =	veq.f32 v59, v0;
	vm7 =	vlt.s32 v7, v1  }
0x55f: {  	v9 =	vld [tilespmem:$0x2B60];
	vm8 =	veq.f32 v60, $-2.000000000e+00;
	vm15 =	vgt.f32 v59, v0;
	vm1 =	vmand vm6, vm7  }
0x560: {  	vm2 =	vmand vm8, vm3;
	vm9 =	vgt.f32 v60, $-2.000000000e+00;
	vm0 =	vmor vm15, vm1  }
0x561: {  	v16 =	vld [tilespmem:$0x28F0];
	vm1 =	vmor vm9, vm2;
	v0 =	vsel vm0, v59, v0  }
0x562: {  	v17 =	vld [tilespmem:$0x2AF0];
	v1 =	vsel vm0, v7, v1;
	v2 =	vnsel vm1, $0xC0000000, v60;
	v6 =	vnsel vm1, $0x0, v61  }
0x563: {  	v10 =	vld [tilespmem:$0x2980];
	vm10 =	veq.f32 v8, v0;
	vm11 =	veq.f32 v62, v2;
	vm12 =	vlt.s32 v63, v6  }
0x564: {  	v11 =	vld [tilespmem:$0x2B80];
	vm13 =	vlt.s32 v9, v1;
	vm14 =	vgt.f32 v62, v2;
	vm1 =	vmand vm11, vm12  }
0x565: {  	v12 =	vld [tilespmem:$0x2910];
	vm15 =	vgt.f32 v8, v0;
	vm0 =	vmand vm10, vm13;
	vm1 =	vmor vm14, vm1  }
0x566: {  	v19 =	vld [tilespmem:$0x2B10];
	vm0 =	vmor vm15, vm0;
	v2 =	vsel vm1, v62, v2;
	v18 =	vsel vm1, v63, v6  }
0x567: {  	v0 =	vsel vm0, v8, v0;
	vm5 =	veq.f32 v16, v2;
	vm6 =	vlt.s32 v17, v18  }
0x568: {  	v20 =	vld [tilespmem:$0x29A0];
	v1 =	vsel vm0, v9, v1;
	vm7 =	vgt.f32 v16, v2;
	vm1 =	vmand vm5, vm6  }
0x569: {  	v21 =	vld [tilespmem:$0x2930];
	vm8 =	vgt.f32 v10, v0;
	vm9 =	veq.f32 v10, v0;
	vm0 =	vmor vm7, vm1  }
0x56a: {  	v22 =	vld [tilespmem:$0x2B30];
	vm10 =	vlt.s32 v11, v1;
	v2 =	vsel vm0, v16, v2;
	v3 =	vsel vm0, v17, v18  }
0x56b: {  	v23 =	vld [tilespmem:$0x2BA0];
	vm11 =	vmand vm9, vm10;
	vm12 =	veq.f32 v12, v2;
	vm13 =	vlt.s32 v19, v3  }
0x56c: {  	vm0 =	vmor vm8, vm11;
	vm14 =	vgt.f32 v12, v2;
	vm1 =	vmand vm12, vm13  }
0x56d: {  	v24 =	vld [tilespmem:$0x2950];
	v0 =	vsel vm0, v10, v0;
	vm1 =	vmor vm14, vm1  }
0x56e: {  	v25 =	vld [tilespmem:$0x2B50];
	v1 =	vsel vm0, v11, v1;
	v2 =	vsel vm1, v12, v2;
	v3 =	vsel vm1, v19, v3  }
0x56f: {  	v26 =	vld [tilespmem:$0x29C0];
	vm15 =	veq.f32 v20, v0;
	vm6 =	veq.f32 v21, v2;
	vm7 =	vlt.s32 v22, v3  }
0x570: {  	v27 =	vld [tilespmem:$0x2BC0];
	vm8 =	vlt.s32 v23, v1;
	vm9 =	vgt.f32 v21, v2;
	vm1 =	vmand vm6, vm7  }
0x571: {  	v28 =	vld [tilespmem:$0x2970];
	vm10 =	vgt.f32 v20, v0;
	vm0 =	vmand vm15, vm8;
	vm1 =	vmor vm9, vm1  }
0x572: {  	v29 =	vld [tilespmem:$0x2B70];
	vm0 =	vmor vm10, vm0;
	v2 =	vsel vm1, v21, v2;
	v3 =	vsel vm1, v22, v3  }
0x573: {  	v0 =	vsel vm0, v20, v0;
	vm11 =	veq.f32 v24, v2;
	vm12 =	vlt.s32 v25, v3  }
0x574: {  	v30 =	vld [tilespmem:$0x29E0];
	v1 =	vsel vm0, v23, v1;
	vm13 =	vgt.f32 v24, v2;
	vm1 =	vmand vm11, vm12  }
0x575: {  	v31 =	vld [tilespmem:$0x2990];
	vm14 =	vgt.f32 v26, v0;
	vm15 =	veq.f32 v26, v0;
	vm0 =	vmor vm13, vm1  }
0x576: {  	v32 =	vld [tilespmem:$0x2B90];
	vm5 =	vlt.s32 v27, v1;
	v2 =	vsel vm0, v24, v2;
	v3 =	vsel vm0, v25, v3  }
0x577: {  	v33 =	vld [tilespmem:$0x2BE0];
	vm6 =	vmand vm15, vm5;
	vm7 =	veq.f32 v28, v2;
	vm8 =	vlt.s32 v29, v3  }
0x578: {  	vm0 =	vmor vm14, vm6;
	vm9 =	vgt.f32 v28, v2;
	vm1 =	vmand vm7, vm8  }
0x579: {  	v34 =	vld [tilespmem:$0x29B0];
	v0 =	vsel vm0, v26, v0;
	vm1 =	vmor vm9, vm1  }
0x57a: {  	v35 =	vld [tilespmem:$0x2BB0];
	v1 =	vsel vm0, v27, v1;
	v2 =	vsel vm1, v28, v2;
	v3 =	vsel vm1, v29, v3  }
0x57b: {  	v36 =	vld [tilespmem:$0x2A00];
	vm10 =	veq.f32 v30, v0;
	vm11 =	veq.f32 v31, v2;
	vm12 =	vlt.s32 v32, v3  }
0x57c: {  	v37 =	vld [tilespmem:$0x2C00];
	vm13 =	vlt.s32 v33, v1;
	vm14 =	vgt.f32 v31, v2;
	vm1 =	vmand vm11, vm12  }
0x57d: {  	v38 =	vld [tilespmem:$0x29D0];
	vm15 =	vgt.f32 v30, v0;
	vm0 =	vmand vm10, vm13;
	vm1 =	vmor vm14, vm1  }
0x57e: {  	v39 =	vld [tilespmem:$0x2BD0];
	vm0 =	vmor vm15, vm0;
	v2 =	vsel vm1, v31, v2;
	v3 =	vsel vm1, v32, v3  }
0x57f: {  	v0 =	vsel vm0, v30, v0;
	vm5 =	veq.f32 v34, v2;
	vm6 =	vlt.s32 v35, v3  }
0x580: {  	v40 =	vld [tilespmem:$0x2A20];
	v1 =	vsel vm0, v33, v1;
	vm7 =	vgt.f32 v34, v2;
	vm1 =	vmand vm5, vm6  }
0x581: {  	v41 =	vld [tilespmem:$0x29F0];
	vm8 =	vgt.f32 v36, v0;
	vm9 =	veq.f32 v36, v0;
	vm0 =	vmor vm7, vm1  }
0x582: {  	v42 =	vld [tilespmem:$0x2BF0];
	vm10 =	vlt.s32 v37, v1;
	v2 =	vsel vm0, v34, v2;
	v3 =	vsel vm0, v35, v3  }
0x583: {  	v43 =	vld [tilespmem:$0x2C20];
	vm11 =	vmand vm9, vm10;
	vm12 =	veq.f32 v38, v2;
	vm13 =	vlt.s32 v39, v3  }
0x584: {  	vm0 =	vmor vm8, vm11;
	vm14 =	vgt.f32 v38, v2;
	vm1 =	vmand vm12, vm13  }
0x585: {  	v44 =	vld [tilespmem:$0x2A10];
	v0 =	vsel vm0, v36, v0;
	vm1 =	vmor vm14, vm1  }
0x586: {  	v45 =	vld [tilespmem:$0x2C10];
	v1 =	vsel vm0, v37, v1;
	v2 =	vsel vm1, v38, v2;
	v3 =	vsel vm1, v39, v3  }
0x587: {  	v46 =	vld [tilespmem:$0x2A40];
	vm15 =	veq.f32 v40, v0;
	vm6 =	veq.f32 v41, v2;
	vm7 =	vlt.s32 v42, v3  }
0x588: {  	v47 =	vld [tilespmem:$0x2C40];
	vm8 =	vlt.s32 v43, v1;
	vm9 =	vgt.f32 v41, v2;
	vm1 =	vmand vm6, vm7  }
0x589: {  	v48 =	vld [tilespmem:$0x2A30];
	vm10 =	vgt.f32 v40, v0;
	vm0 =	vmand vm15, vm8;
	vm1 =	vmor vm9, vm1  }
0x58a: {  	v49 =	vld [tilespmem:$0x2C30];
	vm0 =	vmor vm10, vm0;
	v2 =	vsel vm1, v41, v2;
	v3 =	vsel vm1, v42, v3  }
0x58b: {  	v0 =	vsel vm0, v40, v0;
	vm11 =	veq.f32 v44, v2;
	vm12 =	vlt.s32 v45, v3  }
0x58c: {  	v50 =	vld [tilespmem:$0x2A60];
	v1 =	vsel vm0, v43, v1;
	vm13 =	vgt.f32 v44, v2;
	vm1 =	vmand vm11, vm12  }
0x58d: {  	v51 =	vld [tilespmem:$0x2A50];
	vm14 =	vgt.f32 v46, v0;
	vm15 =	veq.f32 v46, v0;
	vm0 =	vmor vm13, vm1  }
0x58e: {  	v52 =	vld [tilespmem:$0x2C50];
	vm5 =	vlt.s32 v47, v1;
	v2 =	vsel vm0, v44, v2;
	v3 =	vsel vm0, v45, v3  }
0x58f: {  	v53 =	vld [tilespmem:$0x2C60];
	vm6 =	vmand vm15, vm5;
	vm7 =	veq.f32 v48, v2;
	vm8 =	vlt.s32 v49, v3  }
0x590: {  	vm0 =	vmor vm14, vm6;
	vm9 =	vgt.f32 v48, v2;
	vm1 =	vmand vm7, vm8  }
0x591: {  	v54 =	vld [tilespmem:$0x2A70];
	v0 =	vsel vm0, v46, v0;
	vm1 =	vmor vm9, vm1  }
0x592: {  	v55 =	vld [tilespmem:$0x2C70];
	v1 =	vsel vm0, v47, v1;
	v2 =	vsel vm1, v48, v2;
	v3 =	vsel vm1, v49, v3  }
0x593: {  	v56 =	vld [tilespmem:$0x2A80];
	vm10 =	veq.f32 v50, v0;
	vm11 =	veq.f32 v51, v2;
	vm12 =	vlt.s32 v52, v3  }
0x594: {  	v57 =	vld [tilespmem:$0x2C80];
	vm13 =	vlt.s32 v53, v1;
	vm14 =	vgt.f32 v51, v2;
	vm1 =	vmand vm11, vm12  }
0x595: {  	v58 =	vld [tilespmem:$0x2A90];
	vm15 =	vgt.f32 v50, v0;
	vm0 =	vmand vm10, vm13;
	vm1 =	vmor vm14, vm1  }
0x596: {  	v59 =	vld [tilespmem:$0x2C90];
	vm0 =	vmor vm15, vm0;
	v2 =	vsel vm1, v51, v2;
	v3 =	vsel vm1, v52, v3  }
0x597: {  	v0 =	vsel vm0, v50, v0;
	vm6 =	veq.f32 v54, v2;
	vm7 =	vlt.s32 v55, v3  }
0x598: {  	v1 =	vsel vm0, v53, v1;
	vm8 =	vgt.f32 v54, v2;
	vm1 =	vmand vm6, vm7  }
0x599: {  	vm9 =	vgt.f32 v56, v0;
	vm10 =	veq.f32 v56, v0;
	vm0 =	vmor vm8, vm1  }
0x59a: {  	vm11 =	vlt.s32 v57, v1;
	v60 =	vsel vm0, v54, v2;
	v61 =	vsel vm0, v55, v3  }
0x59b: {  	vm0 =	vmand vm10, vm11;
	vm12 =	veq.f32 v58, v60;
	vm13 =	vlt.s32 v59, v61  }
0x59c: {  	vm0 =	vmor vm9, vm0;
	vm14 =	vgt.f32 v58, v60;
	vm1 =	vmand vm12, vm13  }
0x59d: {  	v62 =	vsel vm0, v57, v1;
	vm15 =	vmor vm14, vm1  }
0x59e: {  	s26 =	simm.s32 $0x20;
	[tilespmem:$0x2CA0] =	vst v62;
	v63 =	vsel vm15, v59, v61  }
0x59f: {  	s28 =	simm.s32 $0x2CA0;
	s29 =	simm.s32 $0x2CC0;
	s30 =	simm.s32 $0x1;
	[tilespmem:$0x2CB0] =	vst v63  }
0x5a0: {  	[tilespmem:s29], [sflag:$0x1] =	stream.indirect.gather [hbm4b:s3+s26], $0x20, s28, s26, $0xb8;
	[tilespmem:$0x30C0] =	vst v63  }
0x5a1: {  	_ =	swait.ge [sflag:s30], $0x400  }
0x5a2: {  	[sflag:s30] =	ssyncset.done $0x0  }
0x5a3: {  	s31 =	simm.s32 $0x0;
	[sflag:s30] =	ssyncadd.s32 $0xFFFFFC00  }
0x5a4: {  	[hbm4b:s2+s31] =	stream.linear.scatter [tilespmem:s29], [sflag:$0x2], $0x400, $0x38;
	[tilespmem:$0x30C0] =	vst v63  }
0x5a5: {  	_ =	swait.ge [sflag:s7], $0x400  }
0x5a6: {  	[sflag:s7] =	ssyncset.done $0x0  }
0x5a7: {  	[sflag:s7] =	ssyncadd.s32 $0xFFFFFC00  }
0x5a8: {  	[hbm4b:s1+s31] =	stream.linear.scatter [tilespmem:s28], [sflag:$0x2], $0x20, $0x38;
	[tilespmem:$0x30C0] =	vst v63  }
0x5a9: {  	_ =	swait.ge [sflag:s7], $0x20  }
0x5aa: {  	[sflag:s7] =	ssyncset.done $0x0  }
0x5ab: {  	[sflag:s7] =	ssyncadd.s32 $0xFFFFFFE0  }
0x5ac: {  	_ =	sfence.sel $0x180000  }
0x5ad: {  	[bflag:$0x0] =	sbarrier.arrive $0xFFFF  }
0x5ae: {  	_ =	strace $0x90000047  }
0x5af: {  	s0 =	sadd.s32 $0x100000, s0;
	[bflag:$0x2] =	sbarrier.arrive $0xFFFF  }
0x5b0: {  	[sflag:s0] =	ssyncadd.tile.s32 $0x1;
	_ =	shalt  }
.Lfunc_end2:
_tile_overlayer_lowered:
.L_overlay_start_2:
0x5b1: {  	(tag) =	ssettag $0x2  }
0x5b2: {  	s0 =	rddreg [dreg:$0x0];
	s2 =	stileid.u32  }
0x5b3: {  	s1 =	rddreg [dreg:$0x1];
	p0 =	sne.s32 s2, $0x0  }
0x5b4: {  	s3 =	rddreg [dreg:$0x2];
	[bflag:$0x3] =	sbarrier.arrive $0xFFFF;
	s2 =	simm.s32 @!p0 $0x1C02  }
0x5b5: {  	[timem:s3], [sflag:s2] =	dma.local @!p0 [hbm:s0], s1  }
0x5b6: {  	s0 =	simm.s32 @!p0 $0x2  }
0x5b7: {  	_ =	swait.ge @!p0 [sflag:s0], s1  }
0x5b8: {  	s1 =	ssub.s32 @!p0 $0x0, s1;
	[sflag:s0] =	ssyncset.done @!p0 $0x0  }
0x5b9: {  	[sflag:s0] =	ssyncadd.s32 @!p0 s1  }
0x5ba: {  	[bflag:$0x3] =	sbarrier.arrive $0xFFFF  }
0x5bb: {  	_ =	shalt  }

</sc_bundles>
